<compile_context>
chip_gen: v7x
topology: tpu7x:2x2x1
jax: 0.10.2.dev20260603
libtpu: 0.0.44.dev20260713+nightly
codegen_flags: <defaults>
</compile_context>

<pallas_src>
import functools

import jax
import jax.numpy as jnp
import numpy as np
from jax import lax
from jax.experimental import pallas as pl
from jax.experimental.pallas import tpu as pltpu
from jax.experimental.pallas import tpu_sc as plsc

_N = 10000
_E = 320000
_D = 128
_EPS = 1e-5

_NC = 2
_NS = 16
_NW = _NC * _NS
_C = 128
_NCHUNK = _E // _C
_OWN = 632
_OWN_LAST = _N - (_NS - 1) * _OWN

_mesh = plsc.VectorSubcoreMesh(core_axis_name="c", subcore_axis_name="s")


def _zero_fill(zrow_v, n_lane_groups):
    zero16 = jnp.zeros((16,), jnp.float32)
    rows = zrow_v.shape[0]

    def body(i, carry):
        for k in range(n_lane_groups):
            zrow_v[i, pl.ds(k * 16, 16)] = zero16
        return carry

    lax.fori_loop(0, rows, body, 0)


def _copy_owned(s, src_at, dst_at):

    @pl.when(s < _NS - 1)
    def _():
        pltpu.sync_copy(src_at(s * _OWN, _OWN), dst_at(s * _OWN, _OWN))

    @pl.when(s == _NS - 1)
    def _():
        pltpu.sync_copy(src_at(s * _OWN, _OWN_LAST),
                        dst_at(s * _OWN, _OWN_LAST))


def _zero_owned(s, zbuf, sh):
    base = s * _OWN
    for k in range(4):
        pltpu.sync_copy(zbuf, sh.at[pl.ds(base + k * 128, 128)])

    @pl.when(s < _NS - 1)
    def _():
        pltpu.sync_copy(zbuf.at[pl.ds(0, _OWN - 512)],
                        sh.at[pl.ds(base + 512, _OWN - 512)])

    @pl.when(s == _NS - 1)
    def _():
        pltpu.sync_copy(zbuf.at[pl.ds(0, _OWN_LAST - 512)],
                        sh.at[pl.ds(base + 512, _OWN_LAST - 512)])


def _sc_agg_body(h_hbm, src_hbm, dst_hbm, out_hbm, src_v0, dst_v0, rows_v0,
                 src_v1, dst_v1, rows_v1, agg_sh, sem0, sem1):
    c = lax.axis_index("c")
    s = lax.axis_index("s")
    wid = s * _NC + c

    _zero_fill(rows_v0, _D // 16)
    _zero_owned(s, rows_v0, agg_sh)
    plsc.subcore_barrier()

    n_i = (_NCHUNK - wid + _NW - 1) // _NW
    bufs = ((src_v0, dst_v0, rows_v0, sem0), (src_v1, dst_v1, rows_v1, sem1))

    def load_and_gather(i, buf):
        src_v, dst_v, rows_v, sem = buf
        base = (wid + i * _NW) * _C
        pltpu.sync_copy(src_hbm.at[pl.ds(base, _C)], src_v)
        pltpu.sync_copy(dst_hbm.at[pl.ds(base, _C)], dst_v)
        pltpu.async_copy(h_hbm.at[src_v], rows_v, sem)

    @pl.when(n_i > 0)
    def _():
        load_and_gather(0, bufs[0])

    def body(i, carry):
        for p in (0, 1):

            @pl.when(lax.bitwise_and(i, 1) == p)
            def _():
                cur, nxt = bufs[p], bufs[1 - p]

                @pl.when(i + 1 < n_i)
                def _():
                    load_and_gather(i + 1, nxt)

                src_v, dst_v, rows_v, sem = cur
                pltpu.make_async_copy(h_hbm.at[src_v], rows_v, sem).wait()
                pltpu.sync_copy(rows_v, agg_sh.at[dst_v], add=True)

        return carry

    lax.fori_loop(0, n_i, body, 0)
    plsc.subcore_barrier()

    _copy_owned(s, lambda b, n: agg_sh.at[pl.ds(b, n)],
                lambda b, n: out_hbm.at[pl.ds(c * _N + b, n)])


_sc_agg = pl.kernel(
    _sc_agg_body,
    out_type=jax.ShapeDtypeStruct((_NC * _N, _D), jnp.float32),
    mesh=_mesh,
    scratch_types=[
        pltpu.VMEM((_C,), jnp.int32),
        pltpu.VMEM((_C,), jnp.int32),
        pltpu.VMEM((_C, _D), jnp.float32),
        pltpu.VMEM((_C,), jnp.int32),
        pltpu.VMEM((_C,), jnp.int32),
        pltpu.VMEM((_C, _D), jnp.float32),
        pltpu.VMEM_SHARED((_N, _D), jnp.float32),
        pltpu.SemaphoreType.DMA,
        pltpu.SemaphoreType.DMA,
    ],
)

_CW = 128


def _sc_count_body(dst_hbm, out_hbm, dst_v0, dst_v1, ones_v, cnt_sh,
                   sem0, sem1):
    c = lax.axis_index("c")
    s = lax.axis_index("s")
    wid = s * _NC + c

    _zero_fill(ones_v, _CW // 16)
    _zero_owned(s, ones_v, cnt_sh)

    one16 = jnp.ones((16,), jnp.float32)

    def ones_body(i, carry):
        for k in range(_CW // 16):
            ones_v[i, pl.ds(k * 16, 16)] = one16
        return carry

    lax.fori_loop(0, _C, ones_body, 0)
    plsc.subcore_barrier()

    n_i = (_NCHUNK - wid + _NW - 1) // _NW
    bufs = ((dst_v0, sem0), (dst_v1, sem1))

    @pl.when(n_i > 0)
    def _():
        pltpu.async_copy(dst_hbm.at[pl.ds(wid * _C, _C)], dst_v0, sem0)

    def body(i, carry):
        for p in (0, 1):

            @pl.when(lax.bitwise_and(i, 1) == p)
            def _():
                cur, nxt = bufs[p], bufs[1 - p]

                @pl.when(i + 1 < n_i)
                def _():
                    base = (wid + (i + 1) * _NW) * _C
                    pltpu.async_copy(dst_hbm.at[pl.ds(base, _C)], nxt[0],
                                     nxt[1])

                dst_v, sem = cur
                base = (wid + i * _NW) * _C
                pltpu.make_async_copy(dst_hbm.at[pl.ds(base, _C)], dst_v,
                                      sem).wait()
                pltpu.sync_copy(ones_v, cnt_sh.at[dst_v], add=True)

        return carry

    lax.fori_loop(0, n_i, body, 0)
    plsc.subcore_barrier()

    _copy_owned(s, lambda b, n: cnt_sh.at[pl.ds(b, n)],
                lambda b, n: out_hbm.at[pl.ds(c * _N + b, n)])


_sc_count = pl.kernel(
    _sc_count_body,
    out_type=jax.ShapeDtypeStruct((_NC * _N, _CW), jnp.float32),
    mesh=_mesh,
    scratch_types=[
        pltpu.VMEM((_C,), jnp.int32),
        pltpu.VMEM((_C,), jnp.int32),
        pltpu.VMEM((_C, _CW), jnp.float32),
        pltpu.VMEM_SHARED((_N, _CW), jnp.float32),
        pltpu.SemaphoreType.DMA,
        pltpu.SemaphoreType.DMA,
    ],
)

_R = 2000


def _tc_layer_body(bn_relu, p_ref, cnt_ref, h_ref, wl_ref, wr_ref, b_ref,
                   g_ref, be_ref, out_ref):
    cnt = cnt_ref[0] + cnt_ref[1]
    rcp = 1.0 / jnp.maximum(cnt, 1.0)
    agg = (p_ref[0] + p_ref[1]) * rcp
    v = jnp.dot(agg, wl_ref[...], preferred_element_type=jnp.float32)
    v = v + jnp.dot(h_ref[...], wr_ref[...], preferred_element_type=jnp.float32)
    v = v + b_ref[...]
    if bn_relu:
        inv = np.float32(1.0) / np.sqrt(np.float32(1.0) + np.float32(_EPS))
        v = v * (g_ref[...] * inv) + be_ref[...]
        v = jnp.maximum(v, 0.0)
    out_ref[...] = v


def _tc_layer(p, cnt_p, h, wl, b, wr, g, be, bn_relu):
    grid = (_N // _R,)
    return pl.pallas_call(
        functools.partial(_tc_layer_body, bn_relu),
        grid=grid,
        in_specs=[
            pl.BlockSpec((_NC, _R, _D), lambda i: (0, i, 0)),
            pl.BlockSpec((_NC, _R, _CW), lambda i: (0, i, 0)),
            pl.BlockSpec((_R, _D), lambda i: (i, 0)),
            pl.BlockSpec((_D, _D), lambda i: (0, 0)),
            pl.BlockSpec((_D, _D), lambda i: (0, 0)),
            pl.BlockSpec((1, _D), lambda i: (0, 0)),
            pl.BlockSpec((1, _D), lambda i: (0, 0)),
            pl.BlockSpec((1, _D), lambda i: (0, 0)),
        ],
        out_specs=pl.BlockSpec((_R, _D), lambda i: (i, 0)),
        out_shape=jax.ShapeDtypeStruct((_N, _D), jnp.float32),
    )(p, cnt_p, h, wl, wr, b.reshape(1, _D), g.reshape(1, _D),
      be.reshape(1, _D))


def kernel(x, edge_index, W1l, b1, W1r, g1, be1, W2l, b2, W2r, g2, be2,
           W3l, b3, W3r):
    src = edge_index[0].astype(jnp.int32)
    dst = edge_index[1].astype(jnp.int32)

    cnt_p = _sc_count(dst).reshape(_NC, _N, _CW)

    p1 = _sc_agg(x, src, dst).reshape(_NC, _N, _D)
    h1 = _tc_layer(p1, cnt_p, x, W1l, b1, W1r, g1, be1, True)

    p2 = _sc_agg(h1, src, dst).reshape(_NC, _N, _D)
    h2 = _tc_layer(p2, cnt_p, h1, W2l, b2, W2r, g2, be2, True)

    p3 = _sc_agg(h2, src, dst).reshape(_NC, _N, _D)
    h3 = _tc_layer(p3, cnt_p, h2, W3l, b3, W3r, g1, be1, False)
    return h3

# --- scband reference (transcript-rebuilt; emitter-appended) ---
"""Pipeline reference for scband-graph-sage-34419867910942 (READ-ONLY COPY).

The authoritative reference and input builder live on the scoring server;
editing this copy changes nothing except your own understanding.
"""

import jax, jax.numpy as jnp
import numpy as np

N_NODES = 10000
N_EDGES = 320000
D = 128
EPS = 1e-5


def _sage_conv(x, src, dst, Wl, bl, Wr):
    # PyG-style SAGEConv with mean aggregation:
    # out = lin_l(mean_{j in N(i)} x_j) + lin_r(x_i)
    msgs = x[src]  # gather [E, d]
    agg = jax.ops.segment_sum(msgs, dst, num_segments=N_NODES)
    cnt = jax.ops.segment_sum(jnp.ones((msgs.shape[0], 1), dtype=x.dtype), dst, num_segments=N_NODES)
    agg = agg / jnp.clip(cnt, 1.0, None)
    return agg @ Wl + bl + x @ Wr


def _bn_eval(x, gamma, beta):
    # BatchNorm1d in eval mode with running_mean=0, running_var=1
    rm = jnp.zeros((x.shape[1],), dtype=x.dtype)
    rv = jnp.ones((x.shape[1],), dtype=x.dtype)
    return (x - rm) / jnp.sqrt(rv + EPS) * gamma + beta


def setup_inputs(seed: int = 0) -> dict:
    key = jax.random.key(seed)
    ks = jax.random.split(key, 16)
    s = 1.0 / np.sqrt(D)
    inp = {
        "x": jax.random.normal(ks[0], (N_NODES, D), dtype=jnp.float32),
        "edge_index": jax.random.randint(ks[1], (2, N_EDGES), 0, N_NODES, dtype=jnp.int64),
        "W1l": jax.random.normal(ks[2], (D, D), dtype=jnp.float32) * s,
        "b1": jnp.zeros((D,), dtype=jnp.float32),
        "W1r": jax.random.normal(ks[3], (D, D), dtype=jnp.float32) * s,
        "g1": jnp.ones((D,), dtype=jnp.float32),
        "be1": jnp.zeros((D,), dtype=jnp.float32),
        "W2l": jax.random.normal(ks[4], (D, D), dtype=jnp.float32) * s,
        "b2": jnp.zeros((D,), dtype=jnp.float32),
        "W2r": jax.random.normal(ks[5], (D, D), dtype=jnp.float32) * s,
        "g2": jnp.ones((D,), dtype=jnp.float32),
        "be2": jnp.zeros((D,), dtype=jnp.float32),
        "W3l": jax.random.normal(ks[6], (D, D), dtype=jnp.float32) * s,
        "b3": jnp.zeros((D,), dtype=jnp.float32),
        "W3r": jax.random.normal(ks[7], (D, D), dtype=jnp.float32) * s,
    }
    return inp


def reference(x, edge_index, W1l, b1, W1r, g1, be1, W2l, b2, W2r, g2, be2, W3l, b3, W3r):
    src, dst = edge_index[0], edge_index[1]
    # layer 1: conv -> bn -> relu -> dropout(eval: identity)
    h = _sage_conv(x, src, dst, W1l, b1, W1r)
    h = _bn_eval(h, g1, be1)
    h = jax.nn.relu(h)
    # layer 2
    h = _sage_conv(h, src, dst, W2l, b2, W2r)
    h = _bn_eval(h, g2, be2)
    h = jax.nn.relu(h)
    # output layer
    h = _sage_conv(h, src, dst, W3l, b3, W3r)
    return h

if __name__ == "__main__":
    import jax
    _d = setup_inputs()
    print(jax.jit(kernel)(*tuple(_d.values())))

</pallas_src>

<mosaic_0001>
#map = affine_map<(d0, d1) -> (0)>
#map1 = affine_map<(d0, d1) -> (0, 0)>
module attributes {stable_mosaic.version = 14 : i64} {
  func.func @_sc_count_body(%arg0: i32, %arg1: i32, %arg2: memref<320000xi32, #tpu.memory_space<hbm>>, %arg3: memref<20000x128xf32, #tpu.memory_space<hbm>>, %arg4: memref<128xi32, #tpu.memory_space<vmem>>, %arg5: memref<128xi32, #tpu.memory_space<vmem>>, %arg6: memref<128x128xf32, #tpu.memory_space<vmem>>, %arg7: memref<10000x128xf32, #tpu.memory_space<vmem_shared>>, %arg8: memref<!tpu.dma_semaphore, #tpu.memory_space<semaphore_mem>>, %arg9: memref<!tpu.dma_semaphore, #tpu.memory_space<semaphore_mem>>) attributes {dimension_semantics = [#tpu.dimension_semantics<core_parallel>, #tpu.dimension_semantics<subcore_parallel>], iteration_bounds = array<i64: 2, 16>, scalar_prefetch = 0 : i64, scratch_operands = 6 : i64, tpu.core_type = #tpu.core_type<sc_vector_subcore>, window_params = [{transform_indices = #map}, {transform_indices = #map1}]} {
    %mul3A = arith.constant 2 : i32
    %mul3A_0 = arith.muli %arg1, %mul3A : i32
    %add3A = arith.addi %mul3A_0, %arg0 : i32
    %broadcast_in_dim3A = arith.constant 0.000000e+00 : f32
    %broadcast_in_dim3A_1 = vector.broadcast %broadcast_in_dim3A : f32 to vector<16xf32>
    %scan3A = arith.constant 0 : i32
    %scan3A_2 = arith.constant 0 : i32
    %scan3A_3 = arith.constant 128 : i32
    %scan3A_4 = arith.addi %scan3A_2, %scan3A_3 : i32
    %scan3A_5 = arith.constant 1 : i32
    scf.for %scan3A_77 = %scan3A_2 to %scan3A_4 step %scan3A_5  : i32 {
      %swap3A = arith.index_cast %scan3A_77 : i32 to index
      %swap3A_78 = arith.constant 0 : index
      %swap3A_79 = tpu.vector_load %arg6[%swap3A, %swap3A_78] {strides = array<i32>} : memref<128x128xf32, #tpu.memory_space<vmem>>, vector<1x16xf32>,
      %swap3A_80 = vector.shape_cast %swap3A_79 : vector<1x16xf32> to vector<16xf32>
      %swap3A_81 = vector.shape_cast %broadcast_in_dim3A_1 : vector<16xf32> to vector<1x16xf32>
      tpu.vector_store %arg6[%swap3A, %swap3A_78], %swap3A_81 {strides = array<i32>} : memref<128x128xf32, #tpu.memory_space<vmem>>, vector<1x16xf32>,
      %swap3A_82 = arith.index_cast %scan3A_77 : i32 to index
      %swap3A_83 = arith.constant 16 : index
      %swap3A_84 = tpu.vector_load %arg6[%swap3A_82, %swap3A_83] {strides = array<i32>} : memref<128x128xf32, #tpu.memory_space<vmem>>, vector<1x16xf32>,
      %swap3A_85 = vector.shape_cast %swap3A_84 : vector<1x16xf32> to vector<16xf32>
      %swap3A_86 = vector.shape_cast %broadcast_in_dim3A_1 : vector<16xf32> to vector<1x16xf32>
      tpu.vector_store %arg6[%swap3A_82, %swap3A_83], %swap3A_86 {strides = array<i32>} : memref<128x128xf32, #tpu.memory_space<vmem>>, vector<1x16xf32>,
      %swap3A_87 = arith.index_cast %scan3A_77 : i32 to index
      %swap3A_88 = arith.constant 32 : index
      %swap3A_89 = tpu.vector_load %arg6[%swap3A_87, %swap3A_88] {strides = array<i32>} : memref<128x128xf32, #tpu.memory_space<vmem>>, vector<1x16xf32>,
      %swap3A_90 = vector.shape_cast %swap3A_89 : vector<1x16xf32> to vector<16xf32>
      %swap3A_91 = vector.shape_cast %broadcast_in_dim3A_1 : vector<16xf32> to vector<1x16xf32>
      tpu.vector_store %arg6[%swap3A_87, %swap3A_88], %swap3A_91 {strides = array<i32>} : memref<128x128xf32, #tpu.memory_space<vmem>>, vector<1x16xf32>,
      %swap3A_92 = arith.index_cast %scan3A_77 : i32 to index
      %swap3A_93 = arith.constant 48 : index
      %swap3A_94 = tpu.vector_load %arg6[%swap3A_92, %swap3A_93] {strides = array<i32>} : memref<128x128xf32, #tpu.memory_space<vmem>>, vector<1x16xf32>,
      %swap3A_95 = vector.shape_cast %swap3A_94 : vector<1x16xf32> to vector<16xf32>
      %swap3A_96 = vector.shape_cast %broadcast_in_dim3A_1 : vector<16xf32> to vector<1x16xf32>
      tpu.vector_store %arg6[%swap3A_92, %swap3A_93], %swap3A_96 {strides = array<i32>} : memref<128x128xf32, #tpu.memory_space<vmem>>, vector<1x16xf32>,
      %swap3A_97 = arith.index_cast %scan3A_77 : i32 to index
      %swap3A_98 = arith.constant 64 : index
      %swap3A_99 = tpu.vector_load %arg6[%swap3A_97, %swap3A_98] {strides = array<i32>} : memref<128x128xf32, #tpu.memory_space<vmem>>, vector<1x16xf32>,
      %swap3A_100 = vector.shape_cast %swap3A_99 : vector<1x16xf32> to vector<16xf32>
      %swap3A_101 = vector.shape_cast %broadcast_in_dim3A_1 : vector<16xf32> to vector<1x16xf32>
      tpu.vector_store %arg6[%swap3A_97, %swap3A_98], %swap3A_101 {strides = array<i32>} : memref<128x128xf32, #tpu.memory_space<vmem>>, vector<1x16xf32>,
      %swap3A_102 = arith.index_cast %scan3A_77 : i32 to index
      %swap3A_103 = arith.constant 80 : index
      %swap3A_104 = tpu.vector_load %arg6[%swap3A_102, %swap3A_103] {strides = array<i32>} : memref<128x128xf32, #tpu.memory_space<vmem>>, vector<1x16xf32>,
      %swap3A_105 = vector.shape_cast %swap3A_104 : vector<1x16xf32> to vector<16xf32>
      %swap3A_106 = vector.shape_cast %broadcast_in_dim3A_1 : vector<16xf32> to vector<1x16xf32>
      tpu.vector_store %arg6[%swap3A_102, %swap3A_103], %swap3A_106 {strides = array<i32>} : memref<128x128xf32, #tpu.memory_space<vmem>>, vector<1x16xf32>,
      %swap3A_107 = arith.index_cast %scan3A_77 : i32 to index
      %swap3A_108 = arith.constant 96 : index
      %swap3A_109 = tpu.vector_load %arg6[%swap3A_107, %swap3A_108] {strides = array<i32>} : memref<128x128xf32, #tpu.memory_space<vmem>>, vector<1x16xf32>,
      %swap3A_110 = vector.shape_cast %swap3A_109 : vector<1x16xf32> to vector<16xf32>
      %swap3A_111 = vector.shape_cast %broadcast_in_dim3A_1 : vector<16xf32> to vector<1x16xf32>
      tpu.vector_store %arg6[%swap3A_107, %swap3A_108], %swap3A_111 {strides = array<i32>} : memref<128x128xf32, #tpu.memory_space<vmem>>, vector<1x16xf32>,
      %swap3A_112 = arith.index_cast %scan3A_77 : i32 to index
      %swap3A_113 = arith.constant 112 : index
      %swap3A_114 = tpu.vector_load %arg6[%swap3A_112, %swap3A_113] {strides = array<i32>} : memref<128x128xf32, #tpu.memory_space<vmem>>, vector<1x16xf32>,
      %swap3A_115 = vector.shape_cast %swap3A_114 : vector<1x16xf32> to vector<16xf32>
      %swap3A_116 = vector.shape_cast %broadcast_in_dim3A_1 : vector<16xf32> to vector<1x16xf32>
      tpu.vector_store %arg6[%swap3A_112, %swap3A_113], %swap3A_116 {strides = array<i32>} : memref<128x128xf32, #tpu.memory_space<vmem>>, vector<1x16xf32>,
    }
    %scan3A_6 = arith.constant 128 : i32
    %mul3A_7 = arith.constant 632 : i32
    %mul3A_8 = arith.muli %arg1, %mul3A_7 : i32
    %add3A_9 = arith.constant 0 : i32
    %add3A_10 = arith.addi %mul3A_8, %add3A_9 : i32
    "tpu.region"() ({
      %run_scoped3A = tpu.sem_alloc : memref<!tpu.dma_semaphore, #tpu.memory_space<semaphore_mem>>
      %dma_start3A = arith.constant 0 : i32
      %dma_start3A_77 = tpu.memref_slice %arg7[%add3A_10, %dma_start3A] : memref<10000x128xf32, #tpu.memory_space<vmem_shared>> -> memref<128x128xf32, #tpu.memory_space<vmem_shared>>
      %dma_start3A_78 = arith.constant 0 : i32
      %dma_start3A_79 = tpu.memref_slice %arg7[%add3A_10, %dma_start3A_78] : memref<10000x128xf32, #tpu.memory_space<vmem_shared>> -> memref<128x128xf32, #tpu.memory_space<vmem_shared>>
      tpu.enqueue_dma source(%arg6 : memref<128x128xf32, #tpu.memory_space<vmem>>) target(%dma_start3A_79 : memref<128x128xf32, #tpu.memory_space<vmem_shared>>) target_semaphore(%run_scoped3A : memref<!tpu.dma_semaphore, #tpu.memory_space<semaphore_mem>>)
      %dma_wait3A = arith.constant 0 : i32
      %dma_wait3A_80 = tpu.memref_slice %arg7[%add3A_10, %dma_wait3A] : memref<10000x128xf32, #tpu.memory_space<vmem_shared>> -> memref<128x128xf32, #tpu.memory_space<vmem_shared>>
      %dma_wait3A_81 = arith.constant 0 : i32
      %dma_wait3A_82 = tpu.memref_slice %arg7[%add3A_10, %dma_wait3A_81] : memref<10000x128xf32, #tpu.memory_space<vmem_shared>> -> memref<128x128xf32, #tpu.memory_space<vmem_shared>>
      tpu.wait_dma2 semaphore(%run_scoped3A : memref<!tpu.dma_semaphore, #tpu.memory_space<semaphore_mem>>) src(%arg6 : memref<128x128xf32, #tpu.memory_space<vmem>>) dst(%dma_wait3A_82 : memref<128x128xf32, #tpu.memory_space<vmem_shared>>)
      tpu.yield
    }) : () -> ()
    %add3A_11 = arith.constant 128 : i32
    %add3A_12 = arith.addi %mul3A_8, %add3A_11 : i32
    "tpu.region"() ({
      %run_scoped3A = tpu.sem_alloc : memref<!tpu.dma_semaphore, #tpu.memory_space<semaphore_mem>>
      %dma_start3A = arith.constant 0 : i32
      %dma_start3A_77 = tpu.memref_slice %arg7[%add3A_12, %dma_start3A] : memref<10000x128xf32, #tpu.memory_space<vmem_shared>> -> memref<128x128xf32, #tpu.memory_space<vmem_shared>>
      %dma_start3A_78 = arith.constant 0 : i32
      %dma_start3A_79 = tpu.memref_slice %arg7[%add3A_12, %dma_start3A_78] : memref<10000x128xf32, #tpu.memory_space<vmem_shared>> -> memref<128x128xf32, #tpu.memory_space<vmem_shared>>
      tpu.enqueue_dma source(%arg6 : memref<128x128xf32, #tpu.memory_space<vmem>>) target(%dma_start3A_79 : memref<128x128xf32, #tpu.memory_space<vmem_shared>>) target_semaphore(%run_scoped3A : memref<!tpu.dma_semaphore, #tpu.memory_space<semaphore_mem>>)
      %dma_wait3A = arith.constant 0 : i32
      %dma_wait3A_80 = tpu.memref_slice %arg7[%add3A_12, %dma_wait3A] : memref<10000x128xf32, #tpu.memory_space<vmem_shared>> -> memref<128x128xf32, #tpu.memory_space<vmem_shared>>
      %dma_wait3A_81 = arith.constant 0 : i32
      %dma_wait3A_82 = tpu.memref_slice %arg7[%add3A_12, %dma_wait3A_81] : memref<10000x128xf32, #tpu.memory_space<vmem_shared>> -> memref<128x128xf32, #tpu.memory_space<vmem_shared>>
      tpu.wait_dma2 semaphore(%run_scoped3A : memref<!tpu.dma_semaphore, #tpu.memory_space<semaphore_mem>>) src(%arg6 : memref<128x128xf32, #tpu.memory_space<vmem>>) dst(%dma_wait3A_82 : memref<128x128xf32, #tpu.memory_space<vmem_shared>>)
      tpu.yield
    }) : () -> ()
    %add3A_13 = arith.constant 256 : i32
    %add3A_14 = arith.addi %mul3A_8, %add3A_13 : i32
    "tpu.region"() ({
      %run_scoped3A = tpu.sem_alloc : memref<!tpu.dma_semaphore, #tpu.memory_space<semaphore_mem>>
      %dma_start3A = arith.constant 0 : i32
      %dma_start3A_77 = tpu.memref_slice %arg7[%add3A_14, %dma_start3A] : memref<10000x128xf32, #tpu.memory_space<vmem_shared>> -> memref<128x128xf32, #tpu.memory_space<vmem_shared>>
      %dma_start3A_78 = arith.constant 0 : i32
      %dma_start3A_79 = tpu.memref_slice %arg7[%add3A_14, %dma_start3A_78] : memref<10000x128xf32, #tpu.memory_space<vmem_shared>> -> memref<128x128xf32, #tpu.memory_space<vmem_shared>>
      tpu.enqueue_dma source(%arg6 : memref<128x128xf32, #tpu.memory_space<vmem>>) target(%dma_start3A_79 : memref<128x128xf32, #tpu.memory_space<vmem_shared>>) target_semaphore(%run_scoped3A : memref<!tpu.dma_semaphore, #tpu.memory_space<semaphore_mem>>)
      %dma_wait3A = arith.constant 0 : i32
      %dma_wait3A_80 = tpu.memref_slice %arg7[%add3A_14, %dma_wait3A] : memref<10000x128xf32, #tpu.memory_space<vmem_shared>> -> memref<128x128xf32, #tpu.memory_space<vmem_shared>>
      %dma_wait3A_81 = arith.constant 0 : i32
      %dma_wait3A_82 = tpu.memref_slice %arg7[%add3A_14, %dma_wait3A_81] : memref<10000x128xf32, #tpu.memory_space<vmem_shared>> -> memref<128x128xf32, #tpu.memory_space<vmem_shared>>
      tpu.wait_dma2 semaphore(%run_scoped3A : memref<!tpu.dma_semaphore, #tpu.memory_space<semaphore_mem>>) src(%arg6 : memref<128x128xf32, #tpu.memory_space<vmem>>) dst(%dma_wait3A_82 : memref<128x128xf32, #tpu.memory_space<vmem_shared>>)
      tpu.yield
    }) : () -> ()
    %add3A_15 = arith.constant 384 : i32
    %add3A_16 = arith.addi %mul3A_8, %add3A_15 : i32
    "tpu.region"() ({
      %run_scoped3A = tpu.sem_alloc : memref<!tpu.dma_semaphore, #tpu.memory_space<semaphore_mem>>
      %dma_start3A = arith.constant 0 : i32
      %dma_start3A_77 = tpu.memref_slice %arg7[%add3A_16, %dma_start3A] : memref<10000x128xf32, #tpu.memory_space<vmem_shared>> -> memref<128x128xf32, #tpu.memory_space<vmem_shared>>
      %dma_start3A_78 = arith.constant 0 : i32
      %dma_start3A_79 = tpu.memref_slice %arg7[%add3A_16, %dma_start3A_78] : memref<10000x128xf32, #tpu.memory_space<vmem_shared>> -> memref<128x128xf32, #tpu.memory_space<vmem_shared>>
      tpu.enqueue_dma source(%arg6 : memref<128x128xf32, #tpu.memory_space<vmem>>) target(%dma_start3A_79 : memref<128x128xf32, #tpu.memory_space<vmem_shared>>) target_semaphore(%run_scoped3A : memref<!tpu.dma_semaphore, #tpu.memory_space<semaphore_mem>>)
      %dma_wait3A = arith.constant 0 : i32
      %dma_wait3A_80 = tpu.memref_slice %arg7[%add3A_16, %dma_wait3A] : memref<10000x128xf32, #tpu.memory_space<vmem_shared>> -> memref<128x128xf32, #tpu.memory_space<vmem_shared>>
      %dma_wait3A_81 = arith.constant 0 : i32
      %dma_wait3A_82 = tpu.memref_slice %arg7[%add3A_16, %dma_wait3A_81] : memref<10000x128xf32, #tpu.memory_space<vmem_shared>> -> memref<128x128xf32, #tpu.memory_space<vmem_shared>>
      tpu.wait_dma2 semaphore(%run_scoped3A : memref<!tpu.dma_semaphore, #tpu.memory_space<semaphore_mem>>) src(%arg6 : memref<128x128xf32, #tpu.memory_space<vmem>>) dst(%dma_wait3A_82 : memref<128x128xf32, #tpu.memory_space<vmem_shared>>)
      tpu.yield
    }) : () -> ()
    %lt3A = arith.constant 15 : i32
    %lt3A_17 = arith.cmpi slt, %arg1, %lt3A : i32
    %convert_element_type3A = arith.extui %lt3A_17 : i1 to i32
    %cond3A = arith.constant 0 : i32
    %cond3A_18 = arith.cmpi ne, %convert_element_type3A, %cond3A : i32
    scf.if %cond3A_18 {
      %add3A_77 = arith.constant 512 : i32
      %add3A_78 = arith.addi %mul3A_8, %add3A_77 : i32
      "tpu.region"() ({
        %run_scoped3A = tpu.sem_alloc : memref<!tpu.dma_semaphore, #tpu.memory_space<semaphore_mem>>
        %dma_start3A = arith.constant 0 : i32
        %dma_start3A_79 = arith.constant 0 : i32
        %dma_start3A_80 = tpu.memref_slice %arg6[%dma_start3A, %dma_start3A_79] : memref<128x128xf32, #tpu.memory_space<vmem>> -> memref<120x128xf32, #tpu.memory_space<vmem>>
        %dma_start3A_81 = arith.constant 0 : i32
        %dma_start3A_82 = tpu.memref_slice %arg7[%add3A_78, %dma_start3A_81] : memref<10000x128xf32, #tpu.memory_space<vmem_shared>> -> memref<120x128xf32, #tpu.memory_space<vmem_shared>>
        %dma_start3A_83 = arith.constant 0 : i32
        %dma_start3A_84 = tpu.memref_slice %arg7[%add3A_78, %dma_start3A_83] : memref<10000x128xf32, #tpu.memory_space<vmem_shared>> -> memref<120x128xf32, #tpu.memory_space<vmem_shared>>
        %dma_start3A_85 = arith.constant 0 : i32
        %dma_start3A_86 = arith.constant 0 : i32
        %dma_start3A_87 = tpu.memref_slice %arg6[%dma_start3A_85, %dma_start3A_86] : memref<128x128xf32, #tpu.memory_space<vmem>> -> memref<120x128xf32, #tpu.memory_space<vmem>>
        tpu.enqueue_dma source(%dma_start3A_87 : memref<120x128xf32, #tpu.memory_space<vmem>>) target(%dma_start3A_84 : memref<120x128xf32, #tpu.memory_space<vmem_shared>>) target_semaphore(%run_scoped3A : memref<!tpu.dma_semaphore, #tpu.memory_space<semaphore_mem>>)
        %dma_wait3A = arith.constant 0 : i32
        %dma_wait3A_88 = arith.constant 0 : i32
        %dma_wait3A_89 = tpu.memref_slice %arg6[%dma_wait3A, %dma_wait3A_88] : memref<128x128xf32, #tpu.memory_space<vmem>> -> memref<120x128xf32, #tpu.memory_space<vmem>>
        %dma_wait3A_90 = arith.constant 0 : i32
        %dma_wait3A_91 = tpu.memref_slice %arg7[%add3A_78, %dma_wait3A_90] : memref<10000x128xf32, #tpu.memory_space<vmem_shared>> -> memref<120x128xf32, #tpu.memory_space<vmem_shared>>
        %dma_wait3A_92 = arith.constant 0 : i32
        %dma_wait3A_93 = tpu.memref_slice %arg7[%add3A_78, %dma_wait3A_92] : memref<10000x128xf32, #tpu.memory_space<vmem_shared>> -> memref<120x128xf32, #tpu.memory_space<vmem_shared>>
        %dma_wait3A_94 = arith.constant 0 : i32
        %dma_wait3A_95 = arith.constant 0 : i32
        %dma_wait3A_96 = tpu.memref_slice %arg6[%dma_wait3A_94, %dma_wait3A_95] : memref<128x128xf32, #tpu.memory_space<vmem>> -> memref<120x128xf32, #tpu.memory_space<vmem>>
        tpu.wait_dma2 semaphore(%run_scoped3A : memref<!tpu.dma_semaphore, #tpu.memory_space<semaphore_mem>>) src(%dma_wait3A_96 : memref<120x128xf32, #tpu.memory_space<vmem>>) dst(%dma_wait3A_93 : memref<120x128xf32, #tpu.memory_space<vmem_shared>>)
        tpu.yield
      }) : () -> ()
    } else {
    }
    %eq3A = arith.constant 15 : i32
    %eq3A_19 = arith.cmpi eq, %arg1, %eq3A : i32
    %convert_element_type3A_20 = arith.extui %eq3A_19 : i1 to i32
    %cond3A_21 = arith.constant 0 : i32
    %cond3A_22 = arith.cmpi ne, %convert_element_type3A_20, %cond3A_21 : i32
    scf.if %cond3A_22 {
      %add3A_77 = arith.constant 512 : i32
      %add3A_78 = arith.addi %mul3A_8, %add3A_77 : i32
      "tpu.region"() ({
        %run_scoped3A = tpu.sem_alloc : memref<!tpu.dma_semaphore, #tpu.memory_space<semaphore_mem>>
        %dma_start3A = arith.constant 0 : i32
        %dma_start3A_79 = arith.constant 0 : i32
        %dma_start3A_80 = tpu.memref_slice %arg6[%dma_start3A, %dma_start3A_79] : memref<128x128xf32, #tpu.memory_space<vmem>> -> memref<8x128xf32, #tpu.memory_space<vmem>>
        %dma_start3A_81 = arith.constant 0 : i32
        %dma_start3A_82 = tpu.memref_slice %arg7[%add3A_78, %dma_start3A_81] : memref<10000x128xf32, #tpu.memory_space<vmem_shared>> -> memref<8x128xf32, #tpu.memory_space<vmem_shared>>
        %dma_start3A_83 = arith.constant 0 : i32
        %dma_start3A_84 = tpu.memref_slice %arg7[%add3A_78, %dma_start3A_83] : memref<10000x128xf32, #tpu.memory_space<vmem_shared>> -> memref<8x128xf32, #tpu.memory_space<vmem_shared>>
        %dma_start3A_85 = arith.constant 0 : i32
        %dma_start3A_86 = arith.constant 0 : i32
        %dma_start3A_87 = tpu.memref_slice %arg6[%dma_start3A_85, %dma_start3A_86] : memref<128x128xf32, #tpu.memory_space<vmem>> -> memref<8x128xf32, #tpu.memory_space<vmem>>
        tpu.enqueue_dma source(%dma_start3A_87 : memref<8x128xf32, #tpu.memory_space<vmem>>) target(%dma_start3A_84 : memref<8x128xf32, #tpu.memory_space<vmem_shared>>) target_semaphore(%run_scoped3A : memref<!tpu.dma_semaphore, #tpu.memory_space<semaphore_mem>>)
        %dma_wait3A = arith.constant 0 : i32
        %dma_wait3A_88 = arith.constant 0 : i32
        %dma_wait3A_89 = tpu.memref_slice %arg6[%dma_wait3A, %dma_wait3A_88] : memref<128x128xf32, #tpu.memory_space<vmem>> -> memref<8x128xf32, #tpu.memory_space<vmem>>
        %dma_wait3A_90 = arith.constant 0 : i32
        %dma_wait3A_91 = tpu.memref_slice %arg7[%add3A_78, %dma_wait3A_90] : memref<10000x128xf32, #tpu.memory_space<vmem_shared>> -> memref<8x128xf32, #tpu.memory_space<vmem_shared>>
        %dma_wait3A_92 = arith.constant 0 : i32
        %dma_wait3A_93 = tpu.memref_slice %arg7[%add3A_78, %dma_wait3A_92] : memref<10000x128xf32, #tpu.memory_space<vmem_shared>> -> memref<8x128xf32, #tpu.memory_space<vmem_shared>>
        %dma_wait3A_94 = arith.constant 0 : i32
        %dma_wait3A_95 = arith.constant 0 : i32
        %dma_wait3A_96 = tpu.memref_slice %arg6[%dma_wait3A_94, %dma_wait3A_95] : memref<128x128xf32, #tpu.memory_space<vmem>> -> memref<8x128xf32, #tpu.memory_space<vmem>>
        tpu.wait_dma2 semaphore(%run_scoped3A : memref<!tpu.dma_semaphore, #tpu.memory_space<semaphore_mem>>) src(%dma_wait3A_96 : memref<8x128xf32, #tpu.memory_space<vmem>>) dst(%dma_wait3A_93 : memref<8x128xf32, #tpu.memory_space<vmem_shared>>)
        tpu.yield
      }) : () -> ()
    } else {
    }
    %broadcast_in_dim3A_23 = arith.constant 1.000000e+00 : f32
    %broadcast_in_dim3A_24 = vector.broadcast %broadcast_in_dim3A_23 : f32 to vector<16xf32>
    %scan3A_25 = arith.constant 0 : i32
    %scan3A_26 = arith.constant 0 : i32
    %scan3A_27 = arith.constant 128 : i32
    %scan3A_28 = arith.addi %scan3A_26, %scan3A_27 : i32
    %scan3A_29 = arith.constant 1 : i32
    scf.for %scan3A_77 = %scan3A_26 to %scan3A_28 step %scan3A_29  : i32 {
      %swap3A = arith.index_cast %scan3A_77 : i32 to index
      %swap3A_78 = arith.constant 0 : index
      %swap3A_79 = tpu.vector_load %arg6[%swap3A, %swap3A_78] {strides = array<i32>} : memref<128x128xf32, #tpu.memory_space<vmem>>, vector<1x16xf32>,
      %swap3A_80 = vector.shape_cast %swap3A_79 : vector<1x16xf32> to vector<16xf32>
      %swap3A_81 = vector.shape_cast %broadcast_in_dim3A_24 : vector<16xf32> to vector<1x16xf32>
      tpu.vector_store %arg6[%swap3A, %swap3A_78], %swap3A_81 {strides = array<i32>} : memref<128x128xf32, #tpu.memory_space<vmem>>, vector<1x16xf32>,
      %swap3A_82 = arith.index_cast %scan3A_77 : i32 to index
      %swap3A_83 = arith.constant 16 : index
      %swap3A_84 = tpu.vector_load %arg6[%swap3A_82, %swap3A_83] {strides = array<i32>} : memref<128x128xf32, #tpu.memory_space<vmem>>, vector<1x16xf32>,
      %swap3A_85 = vector.shape_cast %swap3A_84 : vector<1x16xf32> to vector<16xf32>
      %swap3A_86 = vector.shape_cast %broadcast_in_dim3A_24 : vector<16xf32> to vector<1x16xf32>
      tpu.vector_store %arg6[%swap3A_82, %swap3A_83], %swap3A_86 {strides = array<i32>} : memref<128x128xf32, #tpu.memory_space<vmem>>, vector<1x16xf32>,
      %swap3A_87 = arith.index_cast %scan3A_77 : i32 to index
      %swap3A_88 = arith.constant 32 : index
      %swap3A_89 = tpu.vector_load %arg6[%swap3A_87, %swap3A_88] {strides = array<i32>} : memref<128x128xf32, #tpu.memory_space<vmem>>, vector<1x16xf32>,
      %swap3A_90 = vector.shape_cast %swap3A_89 : vector<1x16xf32> to vector<16xf32>
      %swap3A_91 = vector.shape_cast %broadcast_in_dim3A_24 : vector<16xf32> to vector<1x16xf32>
      tpu.vector_store %arg6[%swap3A_87, %swap3A_88], %swap3A_91 {strides = array<i32>} : memref<128x128xf32, #tpu.memory_space<vmem>>, vector<1x16xf32>,
      %swap3A_92 = arith.index_cast %scan3A_77 : i32 to index
      %swap3A_93 = arith.constant 48 : index
      %swap3A_94 = tpu.vector_load %arg6[%swap3A_92, %swap3A_93] {strides = array<i32>} : memref<128x128xf32, #tpu.memory_space<vmem>>, vector<1x16xf32>,
      %swap3A_95 = vector.shape_cast %swap3A_94 : vector<1x16xf32> to vector<16xf32>
      %swap3A_96 = vector.shape_cast %broadcast_in_dim3A_24 : vector<16xf32> to vector<1x16xf32>
      tpu.vector_store %arg6[%swap3A_92, %swap3A_93], %swap3A_96 {strides = array<i32>} : memref<128x128xf32, #tpu.memory_space<vmem>>, vector<1x16xf32>,
      %swap3A_97 = arith.index_cast %scan3A_77 : i32 to index
      %swap3A_98 = arith.constant 64 : index
      %swap3A_99 = tpu.vector_load %arg6[%swap3A_97, %swap3A_98] {strides = array<i32>} : memref<128x128xf32, #tpu.memory_space<vmem>>, vector<1x16xf32>,
      %swap3A_100 = vector.shape_cast %swap3A_99 : vector<1x16xf32> to vector<16xf32>
      %swap3A_101 = vector.shape_cast %broadcast_in_dim3A_24 : vector<16xf32> to vector<1x16xf32>
      tpu.vector_store %arg6[%swap3A_97, %swap3A_98], %swap3A_101 {strides = array<i32>} : memref<128x128xf32, #tpu.memory_space<vmem>>, vector<1x16xf32>,
      %swap3A_102 = arith.index_cast %scan3A_77 : i32 to index
      %swap3A_103 = arith.constant 80 : index
      %swap3A_104 = tpu.vector_load %arg6[%swap3A_102, %swap3A_103] {strides = array<i32>} : memref<128x128xf32, #tpu.memory_space<vmem>>, vector<1x16xf32>,
      %swap3A_105 = vector.shape_cast %swap3A_104 : vector<1x16xf32> to vector<16xf32>
      %swap3A_106 = vector.shape_cast %broadcast_in_dim3A_24 : vector<16xf32> to vector<1x16xf32>
      tpu.vector_store %arg6[%swap3A_102, %swap3A_103], %swap3A_106 {strides = array<i32>} : memref<128x128xf32, #tpu.memory_space<vmem>>, vector<1x16xf32>,
      %swap3A_107 = arith.index_cast %scan3A_77 : i32 to index
      %swap3A_108 = arith.constant 96 : index
      %swap3A_109 = tpu.vector_load %arg6[%swap3A_107, %swap3A_108] {strides = array<i32>} : memref<128x128xf32, #tpu.memory_space<vmem>>, vector<1x16xf32>,
      %swap3A_110 = vector.shape_cast %swap3A_109 : vector<1x16xf32> to vector<16xf32>
      %swap3A_111 = vector.shape_cast %broadcast_in_dim3A_24 : vector<16xf32> to vector<1x16xf32>
      tpu.vector_store %arg6[%swap3A_107, %swap3A_108], %swap3A_111 {strides = array<i32>} : memref<128x128xf32, #tpu.memory_space<vmem>>, vector<1x16xf32>,
      %swap3A_112 = arith.index_cast %scan3A_77 : i32 to index
      %swap3A_113 = arith.constant 112 : index
      %swap3A_114 = tpu.vector_load %arg6[%swap3A_112, %swap3A_113] {strides = array<i32>} : memref<128x128xf32, #tpu.memory_space<vmem>>, vector<1x16xf32>,
      %swap3A_115 = vector.shape_cast %swap3A_114 : vector<1x16xf32> to vector<16xf32>
      %swap3A_116 = vector.shape_cast %broadcast_in_dim3A_24 : vector<16xf32> to vector<1x16xf32>
      tpu.vector_store %arg6[%swap3A_112, %swap3A_113], %swap3A_116 {strides = array<i32>} : memref<128x128xf32, #tpu.memory_space<vmem>>, vector<1x16xf32>,
    }
    %scan3A_30 = arith.constant 128 : i32
    %barrier3A = arith.constant 0 : index
    tpu.barrier barrier_id(%barrier3A)
    %sub3A = arith.constant 2500 : i32
    %sub3A_31 = arith.subi %sub3A, %add3A : i32
    %add3A_32 = arith.constant 32 : i32
    %add3A_33 = arith.addi %sub3A_31, %add3A_32 : i32
    %sub3A_34 = arith.constant 1 : i32
    %sub3A_35 = arith.subi %add3A_33, %sub3A_34 : i32
    %jit3A = arith.constant 32 : i32
    %div3A = arith.divsi %sub3A_35, %jit3A : i32
    %sign3A = arith.constant 0 : i32
    %sign3A_36 = arith.cmpi sgt, %sub3A_35, %sign3A : i32
    %sign3A_37 = arith.extui %sign3A_36 : i1 to i32
    %sign3A_38 = arith.constant 0 : i32
    %sign3A_39 = arith.cmpi slt, %sub3A_35, %sign3A_38 : i32
    %sign3A_40 = arith.extui %sign3A_39 : i1 to i32
    %sign3A_41 = arith.subi %sign3A_37, %sign3A_40 : i32
    %sign3A_42 = arith.constant 0 : i32
    %sign3A_43 = arith.cmpi sgt, %jit3A, %sign3A_42 : i32
    %sign3A_44 = arith.extui %sign3A_43 : i1 to i32
    %sign3A_45 = arith.constant 0 : i32
    %sign3A_46 = arith.cmpi slt, %jit3A, %sign3A_45 : i32
    %sign3A_47 = arith.extui %sign3A_46 : i1 to i32
    %sign3A_48 = arith.subi %sign3A_44, %sign3A_47 : i32
    %ne3A = arith.cmpi ne, %sign3A_41, %sign3A_48 : i32
    %rem3A = arith.remsi %sub3A_35, %jit3A : i32
    %ne3A_49 = arith.constant 0 : i32
    %ne3A_50 = arith.cmpi ne, %rem3A, %ne3A_49 : i32
    %and3A = arith.andi %ne3A, %ne3A_50 : i1
    %sub3A_51 = arith.constant 1 : i32
    %sub3A_52 = arith.subi %div3A, %sub3A_51 : i32
    %select_n3A = arith.select %and3A, %sub3A_52, %div3A : i32
    %gt3A = arith.constant 0 : i32
    %gt3A_53 = arith.cmpi sgt, %select_n3A, %gt3A : i32
    %convert_element_type3A_54 = arith.extui %gt3A_53 : i1 to i32
    %cond3A_55 = arith.constant 0 : i32
    %cond3A_56 = arith.cmpi ne, %convert_element_type3A_54, %cond3A_55 : i32
    scf.if %cond3A_56 {
      %mul3A_77 = arith.constant 128 : i32
      %mul3A_78 = arith.muli %add3A, %mul3A_77 : i32
      %dma_start3A = tpu.memref_slice %arg2[%mul3A_78] : memref<320000xi32, #tpu.memory_space<hbm>> -> memref<128xi32, #tpu.memory_space<hbm>>
      %dma_start3A_79 = tpu.memref_slice %arg2[%mul3A_78] : memref<320000xi32, #tpu.memory_space<hbm>> -> memref<128xi32, #tpu.memory_space<hbm>>
      tpu.enqueue_dma source(%dma_start3A_79 : memref<128xi32, #tpu.memory_space<hbm>>) target(%arg4 : memref<128xi32, #tpu.memory_space<vmem>>) target_semaphore(%arg8 : memref<!tpu.dma_semaphore, #tpu.memory_space<semaphore_mem>>)
    } else {
    }
    %while3A = arith.constant 0 : i32
    %while3A_57 = arith.constant 0 : i32
    %while3A_58 = arith.subi %select_n3A, %while3A_57 : i32
    %while3A_59 = arith.addi %while3A_57, %while3A_58 : i32
    %while3A_60 = arith.constant 1 : i32
    %while3A_61 = arith.divsi %while3A_58, %while3A_60 : i32
    %while3A_62 = arith.muli %while3A_61, %while3A_60 : i32
    %while3A_63 = arith.addi %while3A_57, %while3A_62 : i32
    %while3A_64 = arith.constant 1 : i32
    scf.for %while3A_77 = %while3A_57 to %while3A_63 step %while3A_64  : i32 {
      %and3A_78 = arith.constant 1 : i32
      %and3A_79 = arith.andi %while3A_77, %and3A_78 : i32
      %eq3A_80 = arith.constant 0 : i32
      %eq3A_81 = arith.cmpi eq, %and3A_79, %eq3A_80 : i32
      %convert_element_type3A_82 = arith.extui %eq3A_81 : i1 to i32
      %cond3A_83 = arith.constant 0 : i32
      %cond3A_84 = arith.cmpi ne, %convert_element_type3A_82, %cond3A_83 : i32
      scf.if %cond3A_84 {
        %add3A_92 = arith.constant 1 : i32
        %add3A_93 = arith.addi %while3A_77, %add3A_92 : i32
        %lt3A_94 = arith.cmpi slt, %add3A_93, %select_n3A : i32
        %convert_element_type3A_95 = arith.extui %lt3A_94 : i1 to i32
        %cond3A_96 = arith.constant 0 : i32
        %cond3A_97 = arith.cmpi ne, %convert_element_type3A_95, %cond3A_96 : i32
        scf.if %cond3A_97 {
          %add3A_104 = arith.constant 1 : i32
          %add3A_105 = arith.addi %while3A_77, %add3A_104 : i32
          %mul3A_106 = arith.constant 32 : i32
          %mul3A_107 = arith.muli %add3A_105, %mul3A_106 : i32
          %add3A_108 = arith.addi %add3A, %mul3A_107 : i32
          %mul3A_109 = arith.constant 128 : i32
          %mul3A_110 = arith.muli %add3A_108, %mul3A_109 : i32
          %dma_start3A = tpu.memref_slice %arg2[%mul3A_110] : memref<320000xi32, #tpu.memory_space<hbm>> -> memref<128xi32, #tpu.memory_space<hbm>>
          %dma_start3A_111 = tpu.memref_slice %arg2[%mul3A_110] : memref<320000xi32, #tpu.memory_space<hbm>> -> memref<128xi32, #tpu.memory_space<hbm>>
          tpu.enqueue_dma source(%dma_start3A_111 : memref<128xi32, #tpu.memory_space<hbm>>) target(%arg5 : memref<128xi32, #tpu.memory_space<vmem>>) target_semaphore(%arg9 : memref<!tpu.dma_semaphore, #tpu.memory_space<semaphore_mem>>)
        } else {
        }
        %mul3A_98 = arith.constant 32 : i32
        %mul3A_99 = arith.muli %while3A_77, %mul3A_98 : i32
        %add3A_100 = arith.addi %add3A, %mul3A_99 : i32
        %mul3A_101 = arith.constant 128 : i32
        %mul3A_102 = arith.muli %add3A_100, %mul3A_101 : i32
        %dma_wait3A = tpu.memref_slice %arg2[%mul3A_102] : memref<320000xi32, #tpu.memory_space<hbm>> -> memref<128xi32, #tpu.memory_space<hbm>>
        %dma_wait3A_103 = tpu.memref_slice %arg2[%mul3A_102] : memref<320000xi32, #tpu.memory_space<hbm>> -> memref<128xi32, #tpu.memory_space<hbm>>
        tpu.wait_dma2 semaphore(%arg8 : memref<!tpu.dma_semaphore, #tpu.memory_space<semaphore_mem>>) src(%dma_wait3A_103 : memref<128xi32, #tpu.memory_space<hbm>>) dst(%arg4 : memref<128xi32, #tpu.memory_space<vmem>>)
        "tpu.region"() ({
          %run_scoped3A = tpu.sem_alloc : memref<!tpu.dma_semaphore, #tpu.memory_space<semaphore_mem>>
          %dma_start3A = arith.constant 0 : i32
          %dma_start3A_104 = arith.constant 0 : i32
          %dma_start3A_105 = tpu.memref_slice %arg7[%dma_start3A, %dma_start3A_104] : memref<10000x128xf32, #tpu.memory_space<vmem_shared>> -> memref<10000x128xf32, #tpu.memory_space<vmem_shared>>
          tpu.enqueue_indirect_dma source(%arg6 : memref<128x128xf32, #tpu.memory_space<vmem>>) target(%dma_start3A_105 : memref<10000x128xf32, #tpu.memory_space<vmem_shared>>) offsets(%arg4 : memref<128xi32, #tpu.memory_space<vmem>>) semaphore(%run_scoped3A : memref<!tpu.dma_semaphore, #tpu.memory_space<semaphore_mem>>) {add = true}
          %dma_wait3A_106 = arith.constant 0 : i32
          %dma_wait3A_107 = arith.constant 0 : i32
          %dma_wait3A_108 = tpu.memref_slice %arg7[%dma_wait3A_106, %dma_wait3A_107] : memref<10000x128xf32, #tpu.memory_space<vmem_shared>> -> memref<10000x128xf32, #tpu.memory_space<vmem_shared>>
          tpu.wait_indirect_dma semaphore(%run_scoped3A : memref<!tpu.dma_semaphore, #tpu.memory_space<semaphore_mem>>) src(%arg6 : memref<128x128xf32, #tpu.memory_space<vmem>>) dst(%dma_wait3A_108 : memref<10000x128xf32, #tpu.memory_space<vmem_shared>>)
          tpu.yield
        }) : () -> ()
      } else {
      }
      %and3A_85 = arith.constant 1 : i32
      %and3A_86 = arith.andi %while3A_77, %and3A_85 : i32
      %eq3A_87 = arith.constant 1 : i32
      %eq3A_88 = arith.cmpi eq, %and3A_86, %eq3A_87 : i32
      %convert_element_type3A_89 = arith.extui %eq3A_88 : i1 to i32
      %cond3A_90 = arith.constant 0 : i32
      %cond3A_91 = arith.cmpi ne, %convert_element_type3A_89, %cond3A_90 : i32
      scf.if %cond3A_91 {
        %add3A_92 = arith.constant 1 : i32
        %add3A_93 = arith.addi %while3A_77, %add3A_92 : i32
        %lt3A_94 = arith.cmpi slt, %add3A_93, %select_n3A : i32
        %convert_element_type3A_95 = arith.extui %lt3A_94 : i1 to i32
        %cond3A_96 = arith.constant 0 : i32
        %cond3A_97 = arith.cmpi ne, %convert_element_type3A_95, %cond3A_96 : i32
        scf.if %cond3A_97 {
          %add3A_104 = arith.constant 1 : i32
          %add3A_105 = arith.addi %while3A_77, %add3A_104 : i32
          %mul3A_106 = arith.constant 32 : i32
          %mul3A_107 = arith.muli %add3A_105, %mul3A_106 : i32
          %add3A_108 = arith.addi %add3A, %mul3A_107 : i32
          %mul3A_109 = arith.constant 128 : i32
          %mul3A_110 = arith.muli %add3A_108, %mul3A_109 : i32
          %dma_start3A = tpu.memref_slice %arg2[%mul3A_110] : memref<320000xi32, #tpu.memory_space<hbm>> -> memref<128xi32, #tpu.memory_space<hbm>>
          %dma_start3A_111 = tpu.memref_slice %arg2[%mul3A_110] : memref<320000xi32, #tpu.memory_space<hbm>> -> memref<128xi32, #tpu.memory_space<hbm>>
          tpu.enqueue_dma source(%dma_start3A_111 : memref<128xi32, #tpu.memory_space<hbm>>) target(%arg4 : memref<128xi32, #tpu.memory_space<vmem>>) target_semaphore(%arg8 : memref<!tpu.dma_semaphore, #tpu.memory_space<semaphore_mem>>)
        } else {
        }
        %mul3A_98 = arith.constant 32 : i32
        %mul3A_99 = arith.muli %while3A_77, %mul3A_98 : i32
        %add3A_100 = arith.addi %add3A, %mul3A_99 : i32
        %mul3A_101 = arith.constant 128 : i32
        %mul3A_102 = arith.muli %add3A_100, %mul3A_101 : i32
        %dma_wait3A = tpu.memref_slice %arg2[%mul3A_102] : memref<320000xi32, #tpu.memory_space<hbm>> -> memref<128xi32, #tpu.memory_space<hbm>>
        %dma_wait3A_103 = tpu.memref_slice %arg2[%mul3A_102] : memref<320000xi32, #tpu.memory_space<hbm>> -> memref<128xi32, #tpu.memory_space<hbm>>
        tpu.wait_dma2 semaphore(%arg9 : memref<!tpu.dma_semaphore, #tpu.memory_space<semaphore_mem>>) src(%dma_wait3A_103 : memref<128xi32, #tpu.memory_space<hbm>>) dst(%arg5 : memref<128xi32, #tpu.memory_space<vmem>>)
        "tpu.region"() ({
          %run_scoped3A = tpu.sem_alloc : memref<!tpu.dma_semaphore, #tpu.memory_space<semaphore_mem>>
          %dma_start3A = arith.constant 0 : i32
          %dma_start3A_104 = arith.constant 0 : i32
          %dma_start3A_105 = tpu.memref_slice %arg7[%dma_start3A, %dma_start3A_104] : memref<10000x128xf32, #tpu.memory_space<vmem_shared>> -> memref<10000x128xf32, #tpu.memory_space<vmem_shared>>
          tpu.enqueue_indirect_dma source(%arg6 : memref<128x128xf32, #tpu.memory_space<vmem>>) target(%dma_start3A_105 : memref<10000x128xf32, #tpu.memory_space<vmem_shared>>) offsets(%arg5 : memref<128xi32, #tpu.memory_space<vmem>>) semaphore(%run_scoped3A : memref<!tpu.dma_semaphore, #tpu.memory_space<semaphore_mem>>) {add = true}
          %dma_wait3A_106 = arith.constant 0 : i32
          %dma_wait3A_107 = arith.constant 0 : i32
          %dma_wait3A_108 = tpu.memref_slice %arg7[%dma_wait3A_106, %dma_wait3A_107] : memref<10000x128xf32, #tpu.memory_space<vmem_shared>> -> memref<10000x128xf32, #tpu.memory_space<vmem_shared>>
          tpu.wait_indirect_dma semaphore(%run_scoped3A : memref<!tpu.dma_semaphore, #tpu.memory_space<semaphore_mem>>) src(%arg6 : memref<128x128xf32, #tpu.memory_space<vmem>>) dst(%dma_wait3A_108 : memref<10000x128xf32, #tpu.memory_space<vmem_shared>>)
          tpu.yield
        }) : () -> ()
      } else {
      }
    }
    %while3A_65 = arith.constant 1 : i32
    scf.for %while3A_77 = %while3A_63 to %while3A_59 step %while3A_65  : i32 {
      %and3A_78 = arith.constant 1 : i32
      %and3A_79 = arith.andi %while3A_77, %and3A_78 : i32
      %eq3A_80 = arith.constant 0 : i32
      %eq3A_81 = arith.cmpi eq, %and3A_79, %eq3A_80 : i32
      %convert_element_type3A_82 = arith.extui %eq3A_81 : i1 to i32
      %cond3A_83 = arith.constant 0 : i32
      %cond3A_84 = arith.cmpi ne, %convert_element_type3A_82, %cond3A_83 : i32
      scf.if %cond3A_84 {
        %add3A_92 = arith.constant 1 : i32
        %add3A_93 = arith.addi %while3A_77, %add3A_92 : i32
        %lt3A_94 = arith.cmpi slt, %add3A_93, %select_n3A : i32
        %convert_element_type3A_95 = arith.extui %lt3A_94 : i1 to i32
        %cond3A_96 = arith.constant 0 : i32
        %cond3A_97 = arith.cmpi ne, %convert_element_type3A_95, %cond3A_96 : i32
        scf.if %cond3A_97 {
          %add3A_104 = arith.constant 1 : i32
          %add3A_105 = arith.addi %while3A_77, %add3A_104 : i32
          %mul3A_106 = arith.constant 32 : i32
          %mul3A_107 = arith.muli %add3A_105, %mul3A_106 : i32
          %add3A_108 = arith.addi %add3A, %mul3A_107 : i32
          %mul3A_109 = arith.constant 128 : i32
          %mul3A_110 = arith.muli %add3A_108, %mul3A_109 : i32
          %dma_start3A = tpu.memref_slice %arg2[%mul3A_110] : memref<320000xi32, #tpu.memory_space<hbm>> -> memref<128xi32, #tpu.memory_space<hbm>>
          %dma_start3A_111 = tpu.memref_slice %arg2[%mul3A_110] : memref<320000xi32, #tpu.memory_space<hbm>> -> memref<128xi32, #tpu.memory_space<hbm>>
          tpu.enqueue_dma source(%dma_start3A_111 : memref<128xi32, #tpu.memory_space<hbm>>) target(%arg5 : memref<128xi32, #tpu.memory_space<vmem>>) target_semaphore(%arg9 : memref<!tpu.dma_semaphore, #tpu.memory_space<semaphore_mem>>)
        } else {
        }
        %mul3A_98 = arith.constant 32 : i32
        %mul3A_99 = arith.muli %while3A_77, %mul3A_98 : i32
        %add3A_100 = arith.addi %add3A, %mul3A_99 : i32
        %mul3A_101 = arith.constant 128 : i32
        %mul3A_102 = arith.muli %add3A_100, %mul3A_101 : i32
        %dma_wait3A = tpu.memref_slice %arg2[%mul3A_102] : memref<320000xi32, #tpu.memory_space<hbm>> -> memref<128xi32, #tpu.memory_space<hbm>>
        %dma_wait3A_103 = tpu.memref_slice %arg2[%mul3A_102] : memref<320000xi32, #tpu.memory_space<hbm>> -> memref<128xi32, #tpu.memory_space<hbm>>
        tpu.wait_dma2 semaphore(%arg8 : memref<!tpu.dma_semaphore, #tpu.memory_space<semaphore_mem>>) src(%dma_wait3A_103 : memref<128xi32, #tpu.memory_space<hbm>>) dst(%arg4 : memref<128xi32, #tpu.memory_space<vmem>>)
        "tpu.region"() ({
          %run_scoped3A = tpu.sem_alloc : memref<!tpu.dma_semaphore, #tpu.memory_space<semaphore_mem>>
          %dma_start3A = arith.constant 0 : i32
          %dma_start3A_104 = arith.constant 0 : i32
          %dma_start3A_105 = tpu.memref_slice %arg7[%dma_start3A, %dma_start3A_104] : memref<10000x128xf32, #tpu.memory_space<vmem_shared>> -> memref<10000x128xf32, #tpu.memory_space<vmem_shared>>
          tpu.enqueue_indirect_dma source(%arg6 : memref<128x128xf32, #tpu.memory_space<vmem>>) target(%dma_start3A_105 : memref<10000x128xf32, #tpu.memory_space<vmem_shared>>) offsets(%arg4 : memref<128xi32, #tpu.memory_space<vmem>>) semaphore(%run_scoped3A : memref<!tpu.dma_semaphore, #tpu.memory_space<semaphore_mem>>) {add = true}
          %dma_wait3A_106 = arith.constant 0 : i32
          %dma_wait3A_107 = arith.constant 0 : i32
          %dma_wait3A_108 = tpu.memref_slice %arg7[%dma_wait3A_106, %dma_wait3A_107] : memref<10000x128xf32, #tpu.memory_space<vmem_shared>> -> memref<10000x128xf32, #tpu.memory_space<vmem_shared>>
          tpu.wait_indirect_dma semaphore(%run_scoped3A : memref<!tpu.dma_semaphore, #tpu.memory_space<semaphore_mem>>) src(%arg6 : memref<128x128xf32, #tpu.memory_space<vmem>>) dst(%dma_wait3A_108 : memref<10000x128xf32, #tpu.memory_space<vmem_shared>>)
          tpu.yield
        }) : () -> ()
      } else {
      }
      %and3A_85 = arith.constant 1 : i32
      %and3A_86 = arith.andi %while3A_77, %and3A_85 : i32
      %eq3A_87 = arith.constant 1 : i32
      %eq3A_88 = arith.cmpi eq, %and3A_86, %eq3A_87 : i32
      %convert_element_type3A_89 = arith.extui %eq3A_88 : i1 to i32
      %cond3A_90 = arith.constant 0 : i32
      %cond3A_91 = arith.cmpi ne, %convert_element_type3A_89, %cond3A_90 : i32
      scf.if %cond3A_91 {
        %add3A_92 = arith.constant 1 : i32
        %add3A_93 = arith.addi %while3A_77, %add3A_92 : i32
        %lt3A_94 = arith.cmpi slt, %add3A_93, %select_n3A : i32
        %convert_element_type3A_95 = arith.extui %lt3A_94 : i1 to i32
        %cond3A_96 = arith.constant 0 : i32
        %cond3A_97 = arith.cmpi ne, %convert_element_type3A_95, %cond3A_96 : i32
        scf.if %cond3A_97 {
          %add3A_104 = arith.constant 1 : i32
          %add3A_105 = arith.addi %while3A_77, %add3A_104 : i32
          %mul3A_106 = arith.constant 32 : i32
          %mul3A_107 = arith.muli %add3A_105, %mul3A_106 : i32
          %add3A_108 = arith.addi %add3A, %mul3A_107 : i32
          %mul3A_109 = arith.constant 128 : i32
          %mul3A_110 = arith.muli %add3A_108, %mul3A_109 : i32
          %dma_start3A = tpu.memref_slice %arg2[%mul3A_110] : memref<320000xi32, #tpu.memory_space<hbm>> -> memref<128xi32, #tpu.memory_space<hbm>>
          %dma_start3A_111 = tpu.memref_slice %arg2[%mul3A_110] : memref<320000xi32, #tpu.memory_space<hbm>> -> memref<128xi32, #tpu.memory_space<hbm>>
          tpu.enqueue_dma source(%dma_start3A_111 : memref<128xi32, #tpu.memory_space<hbm>>) target(%arg4 : memref<128xi32, #tpu.memory_space<vmem>>) target_semaphore(%arg8 : memref<!tpu.dma_semaphore, #tpu.memory_space<semaphore_mem>>)
        } else {
        }
        %mul3A_98 = arith.constant 32 : i32
        %mul3A_99 = arith.muli %while3A_77, %mul3A_98 : i32
        %add3A_100 = arith.addi %add3A, %mul3A_99 : i32
        %mul3A_101 = arith.constant 128 : i32
        %mul3A_102 = arith.muli %add3A_100, %mul3A_101 : i32
        %dma_wait3A = tpu.memref_slice %arg2[%mul3A_102] : memref<320000xi32, #tpu.memory_space<hbm>> -> memref<128xi32, #tpu.memory_space<hbm>>
        %dma_wait3A_103 = tpu.memref_slice %arg2[%mul3A_102] : memref<320000xi32, #tpu.memory_space<hbm>> -> memref<128xi32, #tpu.memory_space<hbm>>
        tpu.wait_dma2 semaphore(%arg9 : memref<!tpu.dma_semaphore, #tpu.memory_space<semaphore_mem>>) src(%dma_wait3A_103 : memref<128xi32, #tpu.memory_space<hbm>>) dst(%arg5 : memref<128xi32, #tpu.memory_space<vmem>>)
        "tpu.region"() ({
          %run_scoped3A = tpu.sem_alloc : memref<!tpu.dma_semaphore, #tpu.memory_space<semaphore_mem>>
          %dma_start3A = arith.constant 0 : i32
          %dma_start3A_104 = arith.constant 0 : i32
          %dma_start3A_105 = tpu.memref_slice %arg7[%dma_start3A, %dma_start3A_104] : memref<10000x128xf32, #tpu.memory_space<vmem_shared>> -> memref<10000x128xf32, #tpu.memory_space<vmem_shared>>
          tpu.enqueue_indirect_dma source(%arg6 : memref<128x128xf32, #tpu.memory_space<vmem>>) target(%dma_start3A_105 : memref<10000x128xf32, #tpu.memory_space<vmem_shared>>) offsets(%arg5 : memref<128xi32, #tpu.memory_space<vmem>>) semaphore(%run_scoped3A : memref<!tpu.dma_semaphore, #tpu.memory_space<semaphore_mem>>) {add = true}
          %dma_wait3A_106 = arith.constant 0 : i32
          %dma_wait3A_107 = arith.constant 0 : i32
          %dma_wait3A_108 = tpu.memref_slice %arg7[%dma_wait3A_106, %dma_wait3A_107] : memref<10000x128xf32, #tpu.memory_space<vmem_shared>> -> memref<10000x128xf32, #tpu.memory_space<vmem_shared>>
          tpu.wait_indirect_dma semaphore(%run_scoped3A : memref<!tpu.dma_semaphore, #tpu.memory_space<semaphore_mem>>) src(%arg6 : memref<128x128xf32, #tpu.memory_space<vmem>>) dst(%dma_wait3A_108 : memref<10000x128xf32, #tpu.memory_space<vmem_shared>>)
          tpu.yield
        }) : () -> ()
      } else {
      }
    }
    %barrier3A_66 = arith.constant 0 : index
    tpu.barrier barrier_id(%barrier3A_66)
    %lt3A_67 = arith.constant 15 : i32
    %lt3A_68 = arith.cmpi slt, %arg1, %lt3A_67 : i32
    %convert_element_type3A_69 = arith.extui %lt3A_68 : i1 to i32
    %cond3A_70 = arith.constant 0 : i32
    %cond3A_71 = arith.cmpi ne, %convert_element_type3A_69, %cond3A_70 : i32
    scf.if %cond3A_71 {
      %mul3A_77 = arith.constant 632 : i32
      %mul3A_78 = arith.muli %arg1, %mul3A_77 : i32
      %mul3A_79 = arith.constant 632 : i32
      %mul3A_80 = arith.muli %arg1, %mul3A_79 : i32
      %mul3A_81 = arith.constant 10000 : i32
      %mul3A_82 = arith.muli %arg0, %mul3A_81 : i32
      %add3A_83 = arith.addi %mul3A_82, %mul3A_80 : i32
      "tpu.region"() ({
        %run_scoped3A = tpu.sem_alloc : memref<!tpu.dma_semaphore, #tpu.memory_space<semaphore_mem>>
        %dma_start3A = arith.constant 0 : i32
        %dma_start3A_84 = tpu.memref_slice %arg3[%add3A_83, %dma_start3A] : memref<20000x128xf32, #tpu.memory_space<hbm>> -> memref<632x128xf32, #tpu.memory_space<hbm>>
        %dma_start3A_85 = arith.constant 0 : i32
        %dma_start3A_86 = tpu.memref_slice %arg7[%mul3A_78, %dma_start3A_85] : memref<10000x128xf32, #tpu.memory_space<vmem_shared>> -> memref<632x128xf32, #tpu.memory_space<vmem_shared>>
        tpu.enqueue_dma source(%dma_start3A_86 : memref<632x128xf32, #tpu.memory_space<vmem_shared>>) target(%dma_start3A_84 : memref<632x128xf32, #tpu.memory_space<hbm>>) target_semaphore(%run_scoped3A : memref<!tpu.dma_semaphore, #tpu.memory_space<semaphore_mem>>)
        %dma_wait3A = arith.constant 0 : i32
        %dma_wait3A_87 = tpu.memref_slice %arg3[%add3A_83, %dma_wait3A] : memref<20000x128xf32, #tpu.memory_space<hbm>> -> memref<632x128xf32, #tpu.memory_space<hbm>>
        %dma_wait3A_88 = arith.constant 0 : i32
        %dma_wait3A_89 = tpu.memref_slice %arg7[%mul3A_78, %dma_wait3A_88] : memref<10000x128xf32, #tpu.memory_space<vmem_shared>> -> memref<632x128xf32, #tpu.memory_space<vmem_shared>>
        tpu.wait_dma2 semaphore(%run_scoped3A : memref<!tpu.dma_semaphore, #tpu.memory_space<semaphore_mem>>) src(%dma_wait3A_89 : memref<632x128xf32, #tpu.memory_space<vmem_shared>>) dst(%dma_wait3A_87 : memref<632x128xf32, #tpu.memory_space<hbm>>)
        tpu.yield
      }) : () -> ()
    } else {
    }
    %eq3A_72 = arith.constant 15 : i32
    %eq3A_73 = arith.cmpi eq, %arg1, %eq3A_72 : i32
    %convert_element_type3A_74 = arith.extui %eq3A_73 : i1 to i32
    %cond3A_75 = arith.constant 0 : i32
    %cond3A_76 = arith.cmpi ne, %convert_element_type3A_74, %cond3A_75 : i32
    scf.if %cond3A_76 {
      %mul3A_77 = arith.constant 632 : i32
      %mul3A_78 = arith.muli %arg1, %mul3A_77 : i32
      %mul3A_79 = arith.constant 632 : i32
      %mul3A_80 = arith.muli %arg1, %mul3A_79 : i32
      %mul3A_81 = arith.constant 10000 : i32
      %mul3A_82 = arith.muli %arg0, %mul3A_81 : i32
      %add3A_83 = arith.addi %mul3A_82, %mul3A_80 : i32
      "tpu.region"() ({
        %run_scoped3A = tpu.sem_alloc : memref<!tpu.dma_semaphore, #tpu.memory_space<semaphore_mem>>
        %dma_start3A = arith.constant 0 : i32
        %dma_start3A_84 = tpu.memref_slice %arg3[%add3A_83, %dma_start3A] : memref<20000x128xf32, #tpu.memory_space<hbm>> -> memref<520x128xf32, #tpu.memory_space<hbm>>
        %dma_start3A_85 = arith.constant 0 : i32
        %dma_start3A_86 = tpu.memref_slice %arg7[%mul3A_78, %dma_start3A_85] : memref<10000x128xf32, #tpu.memory_space<vmem_shared>> -> memref<520x128xf32, #tpu.memory_space<vmem_shared>>
        tpu.enqueue_dma source(%dma_start3A_86 : memref<520x128xf32, #tpu.memory_space<vmem_shared>>) target(%dma_start3A_84 : memref<520x128xf32, #tpu.memory_space<hbm>>) target_semaphore(%run_scoped3A : memref<!tpu.dma_semaphore, #tpu.memory_space<semaphore_mem>>)
        %dma_wait3A = arith.constant 0 : i32
        %dma_wait3A_87 = tpu.memref_slice %arg3[%add3A_83, %dma_wait3A] : memref<20000x128xf32, #tpu.memory_space<hbm>> -> memref<520x128xf32, #tpu.memory_space<hbm>>
        %dma_wait3A_88 = arith.constant 0 : i32
        %dma_wait3A_89 = tpu.memref_slice %arg7[%mul3A_78, %dma_wait3A_88] : memref<10000x128xf32, #tpu.memory_space<vmem_shared>> -> memref<520x128xf32, #tpu.memory_space<vmem_shared>>
        tpu.wait_dma2 semaphore(%run_scoped3A : memref<!tpu.dma_semaphore, #tpu.memory_space<semaphore_mem>>) src(%dma_wait3A_89 : memref<520x128xf32, #tpu.memory_space<vmem_shared>>) dst(%dma_wait3A_87 : memref<520x128xf32, #tpu.memory_space<hbm>>)
        tpu.yield
      }) : () -> ()
    } else {
    }
    return
  }
}

#map = affine_map<(d0, d1) -> (0, 0)>
#map1 = affine_map<(d0, d1) -> (0)>
module attributes {stable_mosaic.version = 14 : i64} {
  func.func @_sc_agg_body(%arg0: i32, %arg1: i32, %arg2: memref<10000x128xf32, #tpu.memory_space<hbm>>, %arg3: memref<320000xi32, #tpu.memory_space<hbm>>, %arg4: memref<320000xi32, #tpu.memory_space<hbm>>, %arg5: memref<20000x128xf32, #tpu.memory_space<hbm>>, %arg6: memref<128xi32, #tpu.memory_space<vmem>>, %arg7: memref<128xi32, #tpu.memory_space<vmem>>, %arg8: memref<128x128xf32, #tpu.memory_space<vmem>>, %arg9: memref<128xi32, #tpu.memory_space<vmem>>, %arg10: memref<128xi32, #tpu.memory_space<vmem>>, %arg11: memref<128x128xf32, #tpu.memory_space<vmem>>, %arg12: memref<10000x128xf32, #tpu.memory_space<vmem_shared>>, %arg13: memref<!tpu.dma_semaphore, #tpu.memory_space<semaphore_mem>>, %arg14: memref<!tpu.dma_semaphore, #tpu.memory_space<semaphore_mem>>) attributes {dimension_semantics = [#tpu.dimension_semantics<core_parallel>, #tpu.dimension_semantics<subcore_parallel>], iteration_bounds = array<i64: 2, 16>, scalar_prefetch = 0 : i64, scratch_operands = 9 : i64, tpu.core_type = #tpu.core_type<sc_vector_subcore>, window_params = [{transform_indices = #map}, {transform_indices = #map1}, {transform_indices = #map1}, {transform_indices = #map}]} {
    %mul3A = arith.constant 2 : i32
    %mul3A_0 = arith.muli %arg1, %mul3A : i32
    %add3A = arith.addi %mul3A_0, %arg0 : i32
    %broadcast_in_dim3A = arith.constant 0.000000e+00 : f32
    %broadcast_in_dim3A_1 = vector.broadcast %broadcast_in_dim3A : f32 to vector<16xf32>
    %scan3A = arith.constant 0 : i32
    %scan3A_2 = arith.constant 0 : i32
    %scan3A_3 = arith.constant 128 : i32
    %scan3A_4 = arith.addi %scan3A_2, %scan3A_3 : i32
    %scan3A_5 = arith.constant 1 : i32
    scf.for %scan3A_69 = %scan3A_2 to %scan3A_4 step %scan3A_5  : i32 {
      %swap3A = arith.index_cast %scan3A_69 : i32 to index
      %swap3A_70 = arith.constant 0 : index
      %swap3A_71 = tpu.vector_load %arg8[%swap3A, %swap3A_70] {strides = array<i32>} : memref<128x128xf32, #tpu.memory_space<vmem>>, vector<1x16xf32>,
      %swap3A_72 = vector.shape_cast %swap3A_71 : vector<1x16xf32> to vector<16xf32>
      %swap3A_73 = vector.shape_cast %broadcast_in_dim3A_1 : vector<16xf32> to vector<1x16xf32>
      tpu.vector_store %arg8[%swap3A, %swap3A_70], %swap3A_73 {strides = array<i32>} : memref<128x128xf32, #tpu.memory_space<vmem>>, vector<1x16xf32>,
      %swap3A_74 = arith.index_cast %scan3A_69 : i32 to index
      %swap3A_75 = arith.constant 16 : index
      %swap3A_76 = tpu.vector_load %arg8[%swap3A_74, %swap3A_75] {strides = array<i32>} : memref<128x128xf32, #tpu.memory_space<vmem>>, vector<1x16xf32>,
      %swap3A_77 = vector.shape_cast %swap3A_76 : vector<1x16xf32> to vector<16xf32>
      %swap3A_78 = vector.shape_cast %broadcast_in_dim3A_1 : vector<16xf32> to vector<1x16xf32>
      tpu.vector_store %arg8[%swap3A_74, %swap3A_75], %swap3A_78 {strides = array<i32>} : memref<128x128xf32, #tpu.memory_space<vmem>>, vector<1x16xf32>,
      %swap3A_79 = arith.index_cast %scan3A_69 : i32 to index
      %swap3A_80 = arith.constant 32 : index
      %swap3A_81 = tpu.vector_load %arg8[%swap3A_79, %swap3A_80] {strides = array<i32>} : memref<128x128xf32, #tpu.memory_space<vmem>>, vector<1x16xf32>,
      %swap3A_82 = vector.shape_cast %swap3A_81 : vector<1x16xf32> to vector<16xf32>
      %swap3A_83 = vector.shape_cast %broadcast_in_dim3A_1 : vector<16xf32> to vector<1x16xf32>
      tpu.vector_store %arg8[%swap3A_79, %swap3A_80], %swap3A_83 {strides = array<i32>} : memref<128x128xf32, #tpu.memory_space<vmem>>, vector<1x16xf32>,
      %swap3A_84 = arith.index_cast %scan3A_69 : i32 to index
      %swap3A_85 = arith.constant 48 : index
      %swap3A_86 = tpu.vector_load %arg8[%swap3A_84, %swap3A_85] {strides = array<i32>} : memref<128x128xf32, #tpu.memory_space<vmem>>, vector<1x16xf32>,
      %swap3A_87 = vector.shape_cast %swap3A_86 : vector<1x16xf32> to vector<16xf32>
      %swap3A_88 = vector.shape_cast %broadcast_in_dim3A_1 : vector<16xf32> to vector<1x16xf32>
      tpu.vector_store %arg8[%swap3A_84, %swap3A_85], %swap3A_88 {strides = array<i32>} : memref<128x128xf32, #tpu.memory_space<vmem>>, vector<1x16xf32>,
      %swap3A_89 = arith.index_cast %scan3A_69 : i32 to index
      %swap3A_90 = arith.constant 64 : index
      %swap3A_91 = tpu.vector_load %arg8[%swap3A_89, %swap3A_90] {strides = array<i32>} : memref<128x128xf32, #tpu.memory_space<vmem>>, vector<1x16xf32>,
      %swap3A_92 = vector.shape_cast %swap3A_91 : vector<1x16xf32> to vector<16xf32>
      %swap3A_93 = vector.shape_cast %broadcast_in_dim3A_1 : vector<16xf32> to vector<1x16xf32>
      tpu.vector_store %arg8[%swap3A_89, %swap3A_90], %swap3A_93 {strides = array<i32>} : memref<128x128xf32, #tpu.memory_space<vmem>>, vector<1x16xf32>,
      %swap3A_94 = arith.index_cast %scan3A_69 : i32 to index
      %swap3A_95 = arith.constant 80 : index
      %swap3A_96 = tpu.vector_load %arg8[%swap3A_94, %swap3A_95] {strides = array<i32>} : memref<128x128xf32, #tpu.memory_space<vmem>>, vector<1x16xf32>,
      %swap3A_97 = vector.shape_cast %swap3A_96 : vector<1x16xf32> to vector<16xf32>
      %swap3A_98 = vector.shape_cast %broadcast_in_dim3A_1 : vector<16xf32> to vector<1x16xf32>
      tpu.vector_store %arg8[%swap3A_94, %swap3A_95], %swap3A_98 {strides = array<i32>} : memref<128x128xf32, #tpu.memory_space<vmem>>, vector<1x16xf32>,
      %swap3A_99 = arith.index_cast %scan3A_69 : i32 to index
      %swap3A_100 = arith.constant 96 : index
      %swap3A_101 = tpu.vector_load %arg8[%swap3A_99, %swap3A_100] {strides = array<i32>} : memref<128x128xf32, #tpu.memory_space<vmem>>, vector<1x16xf32>,
      %swap3A_102 = vector.shape_cast %swap3A_101 : vector<1x16xf32> to vector<16xf32>
      %swap3A_103 = vector.shape_cast %broadcast_in_dim3A_1 : vector<16xf32> to vector<1x16xf32>
      tpu.vector_store %arg8[%swap3A_99, %swap3A_100], %swap3A_103 {strides = array<i32>} : memref<128x128xf32, #tpu.memory_space<vmem>>, vector<1x16xf32>,
      %swap3A_104 = arith.index_cast %scan3A_69 : i32 to index
      %swap3A_105 = arith.constant 112 : index
      %swap3A_106 = tpu.vector_load %arg8[%swap3A_104, %swap3A_105] {strides = array<i32>} : memref<128x128xf32, #tpu.memory_space<vmem>>, vector<1x16xf32>,
      %swap3A_107 = vector.shape_cast %swap3A_106 : vector<1x16xf32> to vector<16xf32>
      %swap3A_108 = vector.shape_cast %broadcast_in_dim3A_1 : vector<16xf32> to vector<1x16xf32>
      tpu.vector_store %arg8[%swap3A_104, %swap3A_105], %swap3A_108 {strides = array<i32>} : memref<128x128xf32, #tpu.memory_space<vmem>>, vector<1x16xf32>,
    }
    %scan3A_6 = arith.constant 128 : i32
    %mul3A_7 = arith.constant 632 : i32
    %mul3A_8 = arith.muli %arg1, %mul3A_7 : i32
    %add3A_9 = arith.constant 0 : i32
    %add3A_10 = arith.addi %mul3A_8, %add3A_9 : i32
    "tpu.region"() ({
      %run_scoped3A = tpu.sem_alloc : memref<!tpu.dma_semaphore, #tpu.memory_space<semaphore_mem>>
      %dma_start3A = arith.constant 0 : i32
      %dma_start3A_69 = tpu.memref_slice %arg12[%add3A_10, %dma_start3A] : memref<10000x128xf32, #tpu.memory_space<vmem_shared>> -> memref<128x128xf32, #tpu.memory_space<vmem_shared>>
      %dma_start3A_70 = arith.constant 0 : i32
      %dma_start3A_71 = tpu.memref_slice %arg12[%add3A_10, %dma_start3A_70] : memref<10000x128xf32, #tpu.memory_space<vmem_shared>> -> memref<128x128xf32, #tpu.memory_space<vmem_shared>>
      tpu.enqueue_dma source(%arg8 : memref<128x128xf32, #tpu.memory_space<vmem>>) target(%dma_start3A_71 : memref<128x128xf32, #tpu.memory_space<vmem_shared>>) target_semaphore(%run_scoped3A : memref<!tpu.dma_semaphore, #tpu.memory_space<semaphore_mem>>)
      %dma_wait3A = arith.constant 0 : i32
      %dma_wait3A_72 = tpu.memref_slice %arg12[%add3A_10, %dma_wait3A] : memref<10000x128xf32, #tpu.memory_space<vmem_shared>> -> memref<128x128xf32, #tpu.memory_space<vmem_shared>>
      %dma_wait3A_73 = arith.constant 0 : i32
      %dma_wait3A_74 = tpu.memref_slice %arg12[%add3A_10, %dma_wait3A_73] : memref<10000x128xf32, #tpu.memory_space<vmem_shared>> -> memref<128x128xf32, #tpu.memory_space<vmem_shared>>
      tpu.wait_dma2 semaphore(%run_scoped3A : memref<!tpu.dma_semaphore, #tpu.memory_space<semaphore_mem>>) src(%arg8 : memref<128x128xf32, #tpu.memory_space<vmem>>) dst(%dma_wait3A_74 : memref<128x128xf32, #tpu.memory_space<vmem_shared>>)
      tpu.yield
    }) : () -> ()
    %add3A_11 = arith.constant 128 : i32
    %add3A_12 = arith.addi %mul3A_8, %add3A_11 : i32
    "tpu.region"() ({
      %run_scoped3A = tpu.sem_alloc : memref<!tpu.dma_semaphore, #tpu.memory_space<semaphore_mem>>
      %dma_start3A = arith.constant 0 : i32
      %dma_start3A_69 = tpu.memref_slice %arg12[%add3A_12, %dma_start3A] : memref<10000x128xf32, #tpu.memory_space<vmem_shared>> -> memref<128x128xf32, #tpu.memory_space<vmem_shared>>
      %dma_start3A_70 = arith.constant 0 : i32
      %dma_start3A_71 = tpu.memref_slice %arg12[%add3A_12, %dma_start3A_70] : memref<10000x128xf32, #tpu.memory_space<vmem_shared>> -> memref<128x128xf32, #tpu.memory_space<vmem_shared>>
      tpu.enqueue_dma source(%arg8 : memref<128x128xf32, #tpu.memory_space<vmem>>) target(%dma_start3A_71 : memref<128x128xf32, #tpu.memory_space<vmem_shared>>) target_semaphore(%run_scoped3A : memref<!tpu.dma_semaphore, #tpu.memory_space<semaphore_mem>>)
      %dma_wait3A = arith.constant 0 : i32
      %dma_wait3A_72 = tpu.memref_slice %arg12[%add3A_12, %dma_wait3A] : memref<10000x128xf32, #tpu.memory_space<vmem_shared>> -> memref<128x128xf32, #tpu.memory_space<vmem_shared>>
      %dma_wait3A_73 = arith.constant 0 : i32
      %dma_wait3A_74 = tpu.memref_slice %arg12[%add3A_12, %dma_wait3A_73] : memref<10000x128xf32, #tpu.memory_space<vmem_shared>> -> memref<128x128xf32, #tpu.memory_space<vmem_shared>>
      tpu.wait_dma2 semaphore(%run_scoped3A : memref<!tpu.dma_semaphore, #tpu.memory_space<semaphore_mem>>) src(%arg8 : memref<128x128xf32, #tpu.memory_space<vmem>>) dst(%dma_wait3A_74 : memref<128x128xf32, #tpu.memory_space<vmem_shared>>)
      tpu.yield
    }) : () -> ()
    %add3A_13 = arith.constant 256 : i32
    %add3A_14 = arith.addi %mul3A_8, %add3A_13 : i32
    "tpu.region"() ({
      %run_scoped3A = tpu.sem_alloc : memref<!tpu.dma_semaphore, #tpu.memory_space<semaphore_mem>>
      %dma_start3A = arith.constant 0 : i32
      %dma_start3A_69 = tpu.memref_slice %arg12[%add3A_14, %dma_start3A] : memref<10000x128xf32, #tpu.memory_space<vmem_shared>> -> memref<128x128xf32, #tpu.memory_space<vmem_shared>>
      %dma_start3A_70 = arith.constant 0 : i32
      %dma_start3A_71 = tpu.memref_slice %arg12[%add3A_14, %dma_start3A_70] : memref<10000x128xf32, #tpu.memory_space<vmem_shared>> -> memref<128x128xf32, #tpu.memory_space<vmem_shared>>
      tpu.enqueue_dma source(%arg8 : memref<128x128xf32, #tpu.memory_space<vmem>>) target(%dma_start3A_71 : memref<128x128xf32, #tpu.memory_space<vmem_shared>>) target_semaphore(%run_scoped3A : memref<!tpu.dma_semaphore, #tpu.memory_space<semaphore_mem>>)
      %dma_wait3A = arith.constant 0 : i32
      %dma_wait3A_72 = tpu.memref_slice %arg12[%add3A_14, %dma_wait3A] : memref<10000x128xf32, #tpu.memory_space<vmem_shared>> -> memref<128x128xf32, #tpu.memory_space<vmem_shared>>
      %dma_wait3A_73 = arith.constant 0 : i32
      %dma_wait3A_74 = tpu.memref_slice %arg12[%add3A_14, %dma_wait3A_73] : memref<10000x128xf32, #tpu.memory_space<vmem_shared>> -> memref<128x128xf32, #tpu.memory_space<vmem_shared>>
      tpu.wait_dma2 semaphore(%run_scoped3A : memref<!tpu.dma_semaphore, #tpu.memory_space<semaphore_mem>>) src(%arg8 : memref<128x128xf32, #tpu.memory_space<vmem>>) dst(%dma_wait3A_74 : memref<128x128xf32, #tpu.memory_space<vmem_shared>>)
      tpu.yield
    }) : () -> ()
    %add3A_15 = arith.constant 384 : i32
    %add3A_16 = arith.addi %mul3A_8, %add3A_15 : i32
    "tpu.region"() ({
      %run_scoped3A = tpu.sem_alloc : memref<!tpu.dma_semaphore, #tpu.memory_space<semaphore_mem>>
      %dma_start3A = arith.constant 0 : i32
      %dma_start3A_69 = tpu.memref_slice %arg12[%add3A_16, %dma_start3A] : memref<10000x128xf32, #tpu.memory_space<vmem_shared>> -> memref<128x128xf32, #tpu.memory_space<vmem_shared>>
      %dma_start3A_70 = arith.constant 0 : i32
      %dma_start3A_71 = tpu.memref_slice %arg12[%add3A_16, %dma_start3A_70] : memref<10000x128xf32, #tpu.memory_space<vmem_shared>> -> memref<128x128xf32, #tpu.memory_space<vmem_shared>>
      tpu.enqueue_dma source(%arg8 : memref<128x128xf32, #tpu.memory_space<vmem>>) target(%dma_start3A_71 : memref<128x128xf32, #tpu.memory_space<vmem_shared>>) target_semaphore(%run_scoped3A : memref<!tpu.dma_semaphore, #tpu.memory_space<semaphore_mem>>)
      %dma_wait3A = arith.constant 0 : i32
      %dma_wait3A_72 = tpu.memref_slice %arg12[%add3A_16, %dma_wait3A] : memref<10000x128xf32, #tpu.memory_space<vmem_shared>> -> memref<128x128xf32, #tpu.memory_space<vmem_shared>>
      %dma_wait3A_73 = arith.constant 0 : i32
      %dma_wait3A_74 = tpu.memref_slice %arg12[%add3A_16, %dma_wait3A_73] : memref<10000x128xf32, #tpu.memory_space<vmem_shared>> -> memref<128x128xf32, #tpu.memory_space<vmem_shared>>
      tpu.wait_dma2 semaphore(%run_scoped3A : memref<!tpu.dma_semaphore, #tpu.memory_space<semaphore_mem>>) src(%arg8 : memref<128x128xf32, #tpu.memory_space<vmem>>) dst(%dma_wait3A_74 : memref<128x128xf32, #tpu.memory_space<vmem_shared>>)
      tpu.yield
    }) : () -> ()
    %lt3A = arith.constant 15 : i32
    %lt3A_17 = arith.cmpi slt, %arg1, %lt3A : i32
    %convert_element_type3A = arith.extui %lt3A_17 : i1 to i32
    %cond3A = arith.constant 0 : i32
    %cond3A_18 = arith.cmpi ne, %convert_element_type3A, %cond3A : i32
    scf.if %cond3A_18 {
      %add3A_69 = arith.constant 512 : i32
      %add3A_70 = arith.addi %mul3A_8, %add3A_69 : i32
      "tpu.region"() ({
        %run_scoped3A = tpu.sem_alloc : memref<!tpu.dma_semaphore, #tpu.memory_space<semaphore_mem>>
        %dma_start3A = arith.constant 0 : i32
        %dma_start3A_71 = arith.constant 0 : i32
        %dma_start3A_72 = tpu.memref_slice %arg8[%dma_start3A, %dma_start3A_71] : memref<128x128xf32, #tpu.memory_space<vmem>> -> memref<120x128xf32, #tpu.memory_space<vmem>>
        %dma_start3A_73 = arith.constant 0 : i32
        %dma_start3A_74 = tpu.memref_slice %arg12[%add3A_70, %dma_start3A_73] : memref<10000x128xf32, #tpu.memory_space<vmem_shared>> -> memref<120x128xf32, #tpu.memory_space<vmem_shared>>
        %dma_start3A_75 = arith.constant 0 : i32
        %dma_start3A_76 = tpu.memref_slice %arg12[%add3A_70, %dma_start3A_75] : memref<10000x128xf32, #tpu.memory_space<vmem_shared>> -> memref<120x128xf32, #tpu.memory_space<vmem_shared>>
        %dma_start3A_77 = arith.constant 0 : i32
        %dma_start3A_78 = arith.constant 0 : i32
        %dma_start3A_79 = tpu.memref_slice %arg8[%dma_start3A_77, %dma_start3A_78] : memref<128x128xf32, #tpu.memory_space<vmem>> -> memref<120x128xf32, #tpu.memory_space<vmem>>
        tpu.enqueue_dma source(%dma_start3A_79 : memref<120x128xf32, #tpu.memory_space<vmem>>) target(%dma_start3A_76 : memref<120x128xf32, #tpu.memory_space<vmem_shared>>) target_semaphore(%run_scoped3A : memref<!tpu.dma_semaphore, #tpu.memory_space<semaphore_mem>>)
        %dma_wait3A = arith.constant 0 : i32
        %dma_wait3A_80 = arith.constant 0 : i32
        %dma_wait3A_81 = tpu.memref_slice %arg8[%dma_wait3A, %dma_wait3A_80] : memref<128x128xf32, #tpu.memory_space<vmem>> -> memref<120x128xf32, #tpu.memory_space<vmem>>
        %dma_wait3A_82 = arith.constant 0 : i32
        %dma_wait3A_83 = tpu.memref_slice %arg12[%add3A_70, %dma_wait3A_82] : memref<10000x128xf32, #tpu.memory_space<vmem_shared>> -> memref<120x128xf32, #tpu.memory_space<vmem_shared>>
        %dma_wait3A_84 = arith.constant 0 : i32
        %dma_wait3A_85 = tpu.memref_slice %arg12[%add3A_70, %dma_wait3A_84] : memref<10000x128xf32, #tpu.memory_space<vmem_shared>> -> memref<120x128xf32, #tpu.memory_space<vmem_shared>>
        %dma_wait3A_86 = arith.constant 0 : i32
        %dma_wait3A_87 = arith.constant 0 : i32
        %dma_wait3A_88 = tpu.memref_slice %arg8[%dma_wait3A_86, %dma_wait3A_87] : memref<128x128xf32, #tpu.memory_space<vmem>> -> memref<120x128xf32, #tpu.memory_space<vmem>>
        tpu.wait_dma2 semaphore(%run_scoped3A : memref<!tpu.dma_semaphore, #tpu.memory_space<semaphore_mem>>) src(%dma_wait3A_88 : memref<120x128xf32, #tpu.memory_space<vmem>>) dst(%dma_wait3A_85 : memref<120x128xf32, #tpu.memory_space<vmem_shared>>)
        tpu.yield
      }) : () -> ()
    } else {
    }
    %eq3A = arith.constant 15 : i32
    %eq3A_19 = arith.cmpi eq, %arg1, %eq3A : i32
    %convert_element_type3A_20 = arith.extui %eq3A_19 : i1 to i32
    %cond3A_21 = arith.constant 0 : i32
    %cond3A_22 = arith.cmpi ne, %convert_element_type3A_20, %cond3A_21 : i32
    scf.if %cond3A_22 {
      %add3A_69 = arith.constant 512 : i32
      %add3A_70 = arith.addi %mul3A_8, %add3A_69 : i32
      "tpu.region"() ({
        %run_scoped3A = tpu.sem_alloc : memref<!tpu.dma_semaphore, #tpu.memory_space<semaphore_mem>>
        %dma_start3A = arith.constant 0 : i32
        %dma_start3A_71 = arith.constant 0 : i32
        %dma_start3A_72 = tpu.memref_slice %arg8[%dma_start3A, %dma_start3A_71] : memref<128x128xf32, #tpu.memory_space<vmem>> -> memref<8x128xf32, #tpu.memory_space<vmem>>
        %dma_start3A_73 = arith.constant 0 : i32
        %dma_start3A_74 = tpu.memref_slice %arg12[%add3A_70, %dma_start3A_73] : memref<10000x128xf32, #tpu.memory_space<vmem_shared>> -> memref<8x128xf32, #tpu.memory_space<vmem_shared>>
        %dma_start3A_75 = arith.constant 0 : i32
        %dma_start3A_76 = tpu.memref_slice %arg12[%add3A_70, %dma_start3A_75] : memref<10000x128xf32, #tpu.memory_space<vmem_shared>> -> memref<8x128xf32, #tpu.memory_space<vmem_shared>>
        %dma_start3A_77 = arith.constant 0 : i32
        %dma_start3A_78 = arith.constant 0 : i32
        %dma_start3A_79 = tpu.memref_slice %arg8[%dma_start3A_77, %dma_start3A_78] : memref<128x128xf32, #tpu.memory_space<vmem>> -> memref<8x128xf32, #tpu.memory_space<vmem>>
        tpu.enqueue_dma source(%dma_start3A_79 : memref<8x128xf32, #tpu.memory_space<vmem>>) target(%dma_start3A_76 : memref<8x128xf32, #tpu.memory_space<vmem_shared>>) target_semaphore(%run_scoped3A : memref<!tpu.dma_semaphore, #tpu.memory_space<semaphore_mem>>)
        %dma_wait3A = arith.constant 0 : i32
        %dma_wait3A_80 = arith.constant 0 : i32
        %dma_wait3A_81 = tpu.memref_slice %arg8[%dma_wait3A, %dma_wait3A_80] : memref<128x128xf32, #tpu.memory_space<vmem>> -> memref<8x128xf32, #tpu.memory_space<vmem>>
        %dma_wait3A_82 = arith.constant 0 : i32
        %dma_wait3A_83 = tpu.memref_slice %arg12[%add3A_70, %dma_wait3A_82] : memref<10000x128xf32, #tpu.memory_space<vmem_shared>> -> memref<8x128xf32, #tpu.memory_space<vmem_shared>>
        %dma_wait3A_84 = arith.constant 0 : i32
        %dma_wait3A_85 = tpu.memref_slice %arg12[%add3A_70, %dma_wait3A_84] : memref<10000x128xf32, #tpu.memory_space<vmem_shared>> -> memref<8x128xf32, #tpu.memory_space<vmem_shared>>
        %dma_wait3A_86 = arith.constant 0 : i32
        %dma_wait3A_87 = arith.constant 0 : i32
        %dma_wait3A_88 = tpu.memref_slice %arg8[%dma_wait3A_86, %dma_wait3A_87] : memref<128x128xf32, #tpu.memory_space<vmem>> -> memref<8x128xf32, #tpu.memory_space<vmem>>
        tpu.wait_dma2 semaphore(%run_scoped3A : memref<!tpu.dma_semaphore, #tpu.memory_space<semaphore_mem>>) src(%dma_wait3A_88 : memref<8x128xf32, #tpu.memory_space<vmem>>) dst(%dma_wait3A_85 : memref<8x128xf32, #tpu.memory_space<vmem_shared>>)
        tpu.yield
      }) : () -> ()
    } else {
    }
    %barrier3A = arith.constant 0 : index
    tpu.barrier barrier_id(%barrier3A)
    %sub3A = arith.constant 2500 : i32
    %sub3A_23 = arith.subi %sub3A, %add3A : i32
    %add3A_24 = arith.constant 32 : i32
    %add3A_25 = arith.addi %sub3A_23, %add3A_24 : i32
    %sub3A_26 = arith.constant 1 : i32
    %sub3A_27 = arith.subi %add3A_25, %sub3A_26 : i32
    %jit3A = arith.constant 32 : i32
    %div3A = arith.divsi %sub3A_27, %jit3A : i32
    %sign3A = arith.constant 0 : i32
    %sign3A_28 = arith.cmpi sgt, %sub3A_27, %sign3A : i32
    %sign3A_29 = arith.extui %sign3A_28 : i1 to i32
    %sign3A_30 = arith.constant 0 : i32
    %sign3A_31 = arith.cmpi slt, %sub3A_27, %sign3A_30 : i32
    %sign3A_32 = arith.extui %sign3A_31 : i1 to i32
    %sign3A_33 = arith.subi %sign3A_29, %sign3A_32 : i32
    %sign3A_34 = arith.constant 0 : i32
    %sign3A_35 = arith.cmpi sgt, %jit3A, %sign3A_34 : i32
    %sign3A_36 = arith.extui %sign3A_35 : i1 to i32
    %sign3A_37 = arith.constant 0 : i32
    %sign3A_38 = arith.cmpi slt, %jit3A, %sign3A_37 : i32
    %sign3A_39 = arith.extui %sign3A_38 : i1 to i32
    %sign3A_40 = arith.subi %sign3A_36, %sign3A_39 : i32
    %ne3A = arith.cmpi ne, %sign3A_33, %sign3A_40 : i32
    %rem3A = arith.remsi %sub3A_27, %jit3A : i32
    %ne3A_41 = arith.constant 0 : i32
    %ne3A_42 = arith.cmpi ne, %rem3A, %ne3A_41 : i32
    %and3A = arith.andi %ne3A, %ne3A_42 : i1
    %sub3A_43 = arith.constant 1 : i32
    %sub3A_44 = arith.subi %div3A, %sub3A_43 : i32
    %select_n3A = arith.select %and3A, %sub3A_44, %div3A : i32
    %gt3A = arith.constant 0 : i32
    %gt3A_45 = arith.cmpi sgt, %select_n3A, %gt3A : i32
    %convert_element_type3A_46 = arith.extui %gt3A_45 : i1 to i32
    %cond3A_47 = arith.constant 0 : i32
    %cond3A_48 = arith.cmpi ne, %convert_element_type3A_46, %cond3A_47 : i32
    scf.if %cond3A_48 {
      %add3A_69 = arith.constant 0 : i32
      %add3A_70 = arith.addi %add3A, %add3A_69 : i32
      %mul3A_71 = arith.constant 128 : i32
      %mul3A_72 = arith.muli %add3A_70, %mul3A_71 : i32
      "tpu.region"() ({
        %run_scoped3A = tpu.sem_alloc : memref<!tpu.dma_semaphore, #tpu.memory_space<semaphore_mem>>
        %dma_start3A_75 = tpu.memref_slice %arg3[%mul3A_72] : memref<320000xi32, #tpu.memory_space<hbm>> -> memref<128xi32, #tpu.memory_space<hbm>>
        %dma_start3A_76 = tpu.memref_slice %arg3[%mul3A_72] : memref<320000xi32, #tpu.memory_space<hbm>> -> memref<128xi32, #tpu.memory_space<hbm>>
        tpu.enqueue_dma source(%dma_start3A_76 : memref<128xi32, #tpu.memory_space<hbm>>) target(%arg6 : memref<128xi32, #tpu.memory_space<vmem>>) target_semaphore(%run_scoped3A : memref<!tpu.dma_semaphore, #tpu.memory_space<semaphore_mem>>)
        %dma_wait3A = tpu.memref_slice %arg3[%mul3A_72] : memref<320000xi32, #tpu.memory_space<hbm>> -> memref<128xi32, #tpu.memory_space<hbm>>
        %dma_wait3A_77 = tpu.memref_slice %arg3[%mul3A_72] : memref<320000xi32, #tpu.memory_space<hbm>> -> memref<128xi32, #tpu.memory_space<hbm>>
        tpu.wait_dma2 semaphore(%run_scoped3A : memref<!tpu.dma_semaphore, #tpu.memory_space<semaphore_mem>>) src(%dma_wait3A_77 : memref<128xi32, #tpu.memory_space<hbm>>) dst(%arg6 : memref<128xi32, #tpu.memory_space<vmem>>)
        tpu.yield
      }) : () -> ()
      "tpu.region"() ({
        %run_scoped3A = tpu.sem_alloc : memref<!tpu.dma_semaphore, #tpu.memory_space<semaphore_mem>>
        %dma_start3A_75 = tpu.memref_slice %arg4[%mul3A_72] : memref<320000xi32, #tpu.memory_space<hbm>> -> memref<128xi32, #tpu.memory_space<hbm>>
        %dma_start3A_76 = tpu.memref_slice %arg4[%mul3A_72] : memref<320000xi32, #tpu.memory_space<hbm>> -> memref<128xi32, #tpu.memory_space<hbm>>
        tpu.enqueue_dma source(%dma_start3A_76 : memref<128xi32, #tpu.memory_space<hbm>>) target(%arg7 : memref<128xi32, #tpu.memory_space<vmem>>) target_semaphore(%run_scoped3A : memref<!tpu.dma_semaphore, #tpu.memory_space<semaphore_mem>>)
        %dma_wait3A = tpu.memref_slice %arg4[%mul3A_72] : memref<320000xi32, #tpu.memory_space<hbm>> -> memref<128xi32, #tpu.memory_space<hbm>>
        %dma_wait3A_77 = tpu.memref_slice %arg4[%mul3A_72] : memref<320000xi32, #tpu.memory_space<hbm>> -> memref<128xi32, #tpu.memory_space<hbm>>
        tpu.wait_dma2 semaphore(%run_scoped3A : memref<!tpu.dma_semaphore, #tpu.memory_space<semaphore_mem>>) src(%dma_wait3A_77 : memref<128xi32, #tpu.memory_space<hbm>>) dst(%arg7 : memref<128xi32, #tpu.memory_space<vmem>>)
        tpu.yield
      }) : () -> ()
      %dma_start3A = arith.constant 0 : i32
      %dma_start3A_73 = arith.constant 0 : i32
      %dma_start3A_74 = tpu.memref_slice %arg2[%dma_start3A, %dma_start3A_73] : memref<10000x128xf32, #tpu.memory_space<hbm>> -> memref<10000x128xf32, #tpu.memory_space<hbm>>
      tpu.enqueue_indirect_dma source(%dma_start3A_74 : memref<10000x128xf32, #tpu.memory_space<hbm>>) target(%arg8 : memref<128x128xf32, #tpu.memory_space<vmem>>) offsets(%arg6 : memref<128xi32, #tpu.memory_space<vmem>>) semaphore(%arg13 : memref<!tpu.dma_semaphore, #tpu.memory_space<semaphore_mem>>)
    } else {
    }
    %while3A = arith.constant 0 : i32
    %while3A_49 = arith.constant 0 : i32
    %while3A_50 = arith.subi %select_n3A, %while3A_49 : i32
    %while3A_51 = arith.addi %while3A_49, %while3A_50 : i32
    %while3A_52 = arith.constant 1 : i32
    %while3A_53 = arith.divsi %while3A_50, %while3A_52 : i32
    %while3A_54 = arith.muli %while3A_53, %while3A_52 : i32
    %while3A_55 = arith.addi %while3A_49, %while3A_54 : i32
    %while3A_56 = arith.constant 1 : i32
    scf.for %while3A_69 = %while3A_49 to %while3A_55 step %while3A_56  : i32 {
      %and3A_70 = arith.constant 1 : i32
      %and3A_71 = arith.andi %while3A_69, %and3A_70 : i32
      %eq3A_72 = arith.constant 0 : i32
      %eq3A_73 = arith.cmpi eq, %and3A_71, %eq3A_72 : i32
      %convert_element_type3A_74 = arith.extui %eq3A_73 : i1 to i32
      %cond3A_75 = arith.constant 0 : i32
      %cond3A_76 = arith.cmpi ne, %convert_element_type3A_74, %cond3A_75 : i32
      scf.if %cond3A_76 {
        %add3A_84 = arith.constant 1 : i32
        %add3A_85 = arith.addi %while3A_69, %add3A_84 : i32
        %lt3A_86 = arith.cmpi slt, %add3A_85, %select_n3A : i32
        %convert_element_type3A_87 = arith.extui %lt3A_86 : i1 to i32
        %cond3A_88 = arith.constant 0 : i32
        %cond3A_89 = arith.cmpi ne, %convert_element_type3A_87, %cond3A_88 : i32
        scf.if %cond3A_89 {
          %add3A_92 = arith.constant 1 : i32
          %add3A_93 = arith.addi %while3A_69, %add3A_92 : i32
          %mul3A_94 = arith.constant 32 : i32
          %mul3A_95 = arith.muli %add3A_93, %mul3A_94 : i32
          %add3A_96 = arith.addi %add3A, %mul3A_95 : i32
          %mul3A_97 = arith.constant 128 : i32
          %mul3A_98 = arith.muli %add3A_96, %mul3A_97 : i32
          "tpu.region"() ({
            %run_scoped3A = tpu.sem_alloc : memref<!tpu.dma_semaphore, #tpu.memory_space<semaphore_mem>>
            %dma_start3A_101 = tpu.memref_slice %arg3[%mul3A_98] : memref<320000xi32, #tpu.memory_space<hbm>> -> memref<128xi32, #tpu.memory_space<hbm>>
            %dma_start3A_102 = tpu.memref_slice %arg3[%mul3A_98] : memref<320000xi32, #tpu.memory_space<hbm>> -> memref<128xi32, #tpu.memory_space<hbm>>
            tpu.enqueue_dma source(%dma_start3A_102 : memref<128xi32, #tpu.memory_space<hbm>>) target(%arg9 : memref<128xi32, #tpu.memory_space<vmem>>) target_semaphore(%run_scoped3A : memref<!tpu.dma_semaphore, #tpu.memory_space<semaphore_mem>>)
            %dma_wait3A_103 = tpu.memref_slice %arg3[%mul3A_98] : memref<320000xi32, #tpu.memory_space<hbm>> -> memref<128xi32, #tpu.memory_space<hbm>>
            %dma_wait3A_104 = tpu.memref_slice %arg3[%mul3A_98] : memref<320000xi32, #tpu.memory_space<hbm>> -> memref<128xi32, #tpu.memory_space<hbm>>
            tpu.wait_dma2 semaphore(%run_scoped3A : memref<!tpu.dma_semaphore, #tpu.memory_space<semaphore_mem>>) src(%dma_wait3A_104 : memref<128xi32, #tpu.memory_space<hbm>>) dst(%arg9 : memref<128xi32, #tpu.memory_space<vmem>>)
            tpu.yield
          }) : () -> ()
          "tpu.region"() ({
            %run_scoped3A = tpu.sem_alloc : memref<!tpu.dma_semaphore, #tpu.memory_space<semaphore_mem>>
            %dma_start3A_101 = tpu.memref_slice %arg4[%mul3A_98] : memref<320000xi32, #tpu.memory_space<hbm>> -> memref<128xi32, #tpu.memory_space<hbm>>
            %dma_start3A_102 = tpu.memref_slice %arg4[%mul3A_98] : memref<320000xi32, #tpu.memory_space<hbm>> -> memref<128xi32, #tpu.memory_space<hbm>>
            tpu.enqueue_dma source(%dma_start3A_102 : memref<128xi32, #tpu.memory_space<hbm>>) target(%arg10 : memref<128xi32, #tpu.memory_space<vmem>>) target_semaphore(%run_scoped3A : memref<!tpu.dma_semaphore, #tpu.memory_space<semaphore_mem>>)
            %dma_wait3A_103 = tpu.memref_slice %arg4[%mul3A_98] : memref<320000xi32, #tpu.memory_space<hbm>> -> memref<128xi32, #tpu.memory_space<hbm>>
            %dma_wait3A_104 = tpu.memref_slice %arg4[%mul3A_98] : memref<320000xi32, #tpu.memory_space<hbm>> -> memref<128xi32, #tpu.memory_space<hbm>>
            tpu.wait_dma2 semaphore(%run_scoped3A : memref<!tpu.dma_semaphore, #tpu.memory_space<semaphore_mem>>) src(%dma_wait3A_104 : memref<128xi32, #tpu.memory_space<hbm>>) dst(%arg10 : memref<128xi32, #tpu.memory_space<vmem>>)
            tpu.yield
          }) : () -> ()
          %dma_start3A = arith.constant 0 : i32
          %dma_start3A_99 = arith.constant 0 : i32
          %dma_start3A_100 = tpu.memref_slice %arg2[%dma_start3A, %dma_start3A_99] : memref<10000x128xf32, #tpu.memory_space<hbm>> -> memref<10000x128xf32, #tpu.memory_space<hbm>>
          tpu.enqueue_indirect_dma source(%dma_start3A_100 : memref<10000x128xf32, #tpu.memory_space<hbm>>) target(%arg11 : memref<128x128xf32, #tpu.memory_space<vmem>>) offsets(%arg9 : memref<128xi32, #tpu.memory_space<vmem>>) semaphore(%arg14 : memref<!tpu.dma_semaphore, #tpu.memory_space<semaphore_mem>>)
        } else {
        }
        %dma_wait3A = arith.constant 0 : i32
        %dma_wait3A_90 = arith.constant 0 : i32
        %dma_wait3A_91 = tpu.memref_slice %arg2[%dma_wait3A, %dma_wait3A_90] : memref<10000x128xf32, #tpu.memory_space<hbm>> -> memref<10000x128xf32, #tpu.memory_space<hbm>>
        tpu.wait_indirect_dma semaphore(%arg13 : memref<!tpu.dma_semaphore, #tpu.memory_space<semaphore_mem>>) src(%dma_wait3A_91 : memref<10000x128xf32, #tpu.memory_space<hbm>>) dst(%arg8 : memref<128x128xf32, #tpu.memory_space<vmem>>)
        "tpu.region"() ({
          %run_scoped3A = tpu.sem_alloc : memref<!tpu.dma_semaphore, #tpu.memory_space<semaphore_mem>>
          %dma_start3A = arith.constant 0 : i32
          %dma_start3A_92 = arith.constant 0 : i32
          %dma_start3A_93 = tpu.memref_slice %arg12[%dma_start3A, %dma_start3A_92] : memref<10000x128xf32, #tpu.memory_space<vmem_shared>> -> memref<10000x128xf32, #tpu.memory_space<vmem_shared>>
          tpu.enqueue_indirect_dma source(%arg8 : memref<128x128xf32, #tpu.memory_space<vmem>>) target(%dma_start3A_93 : memref<10000x128xf32, #tpu.memory_space<vmem_shared>>) offsets(%arg7 : memref<128xi32, #tpu.memory_space<vmem>>) semaphore(%run_scoped3A : memref<!tpu.dma_semaphore, #tpu.memory_space<semaphore_mem>>) {add = true}
          %dma_wait3A_94 = arith.constant 0 : i32
          %dma_wait3A_95 = arith.constant 0 : i32
          %dma_wait3A_96 = tpu.memref_slice %arg12[%dma_wait3A_94, %dma_wait3A_95] : memref<10000x128xf32, #tpu.memory_space<vmem_shared>> -> memref<10000x128xf32, #tpu.memory_space<vmem_shared>>
          tpu.wait_indirect_dma semaphore(%run_scoped3A : memref<!tpu.dma_semaphore, #tpu.memory_space<semaphore_mem>>) src(%arg8 : memref<128x128xf32, #tpu.memory_space<vmem>>) dst(%dma_wait3A_96 : memref<10000x128xf32, #tpu.memory_space<vmem_shared>>)
          tpu.yield
        }) : () -> ()
      } else {
      }
      %and3A_77 = arith.constant 1 : i32
      %and3A_78 = arith.andi %while3A_69, %and3A_77 : i32
      %eq3A_79 = arith.constant 1 : i32
      %eq3A_80 = arith.cmpi eq, %and3A_78, %eq3A_79 : i32
      %convert_element_type3A_81 = arith.extui %eq3A_80 : i1 to i32
      %cond3A_82 = arith.constant 0 : i32
      %cond3A_83 = arith.cmpi ne, %convert_element_type3A_81, %cond3A_82 : i32
      scf.if %cond3A_83 {
        %add3A_84 = arith.constant 1 : i32
        %add3A_85 = arith.addi %while3A_69, %add3A_84 : i32
        %lt3A_86 = arith.cmpi slt, %add3A_85, %select_n3A : i32
        %convert_element_type3A_87 = arith.extui %lt3A_86 : i1 to i32
        %cond3A_88 = arith.constant 0 : i32
        %cond3A_89 = arith.cmpi ne, %convert_element_type3A_87, %cond3A_88 : i32
        scf.if %cond3A_89 {
          %add3A_92 = arith.constant 1 : i32
          %add3A_93 = arith.addi %while3A_69, %add3A_92 : i32
          %mul3A_94 = arith.constant 32 : i32
          %mul3A_95 = arith.muli %add3A_93, %mul3A_94 : i32
          %add3A_96 = arith.addi %add3A, %mul3A_95 : i32
          %mul3A_97 = arith.constant 128 : i32
          %mul3A_98 = arith.muli %add3A_96, %mul3A_97 : i32
          "tpu.region"() ({
            %run_scoped3A = tpu.sem_alloc : memref<!tpu.dma_semaphore, #tpu.memory_space<semaphore_mem>>
            %dma_start3A_101 = tpu.memref_slice %arg3[%mul3A_98] : memref<320000xi32, #tpu.memory_space<hbm>> -> memref<128xi32, #tpu.memory_space<hbm>>
            %dma_start3A_102 = tpu.memref_slice %arg3[%mul3A_98] : memref<320000xi32, #tpu.memory_space<hbm>> -> memref<128xi32, #tpu.memory_space<hbm>>
            tpu.enqueue_dma source(%dma_start3A_102 : memref<128xi32, #tpu.memory_space<hbm>>) target(%arg6 : memref<128xi32, #tpu.memory_space<vmem>>) target_semaphore(%run_scoped3A : memref<!tpu.dma_semaphore, #tpu.memory_space<semaphore_mem>>)
            %dma_wait3A_103 = tpu.memref_slice %arg3[%mul3A_98] : memref<320000xi32, #tpu.memory_space<hbm>> -> memref<128xi32, #tpu.memory_space<hbm>>
            %dma_wait3A_104 = tpu.memref_slice %arg3[%mul3A_98] : memref<320000xi32, #tpu.memory_space<hbm>> -> memref<128xi32, #tpu.memory_space<hbm>>
            tpu.wait_dma2 semaphore(%run_scoped3A : memref<!tpu.dma_semaphore, #tpu.memory_space<semaphore_mem>>) src(%dma_wait3A_104 : memref<128xi32, #tpu.memory_space<hbm>>) dst(%arg6 : memref<128xi32, #tpu.memory_space<vmem>>)
            tpu.yield
          }) : () -> ()
          "tpu.region"() ({
            %run_scoped3A = tpu.sem_alloc : memref<!tpu.dma_semaphore, #tpu.memory_space<semaphore_mem>>
            %dma_start3A_101 = tpu.memref_slice %arg4[%mul3A_98] : memref<320000xi32, #tpu.memory_space<hbm>> -> memref<128xi32, #tpu.memory_space<hbm>>
            %dma_start3A_102 = tpu.memref_slice %arg4[%mul3A_98] : memref<320000xi32, #tpu.memory_space<hbm>> -> memref<128xi32, #tpu.memory_space<hbm>>
            tpu.enqueue_dma source(%dma_start3A_102 : memref<128xi32, #tpu.memory_space<hbm>>) target(%arg7 : memref<128xi32, #tpu.memory_space<vmem>>) target_semaphore(%run_scoped3A : memref<!tpu.dma_semaphore, #tpu.memory_space<semaphore_mem>>)
            %dma_wait3A_103 = tpu.memref_slice %arg4[%mul3A_98] : memref<320000xi32, #tpu.memory_space<hbm>> -> memref<128xi32, #tpu.memory_space<hbm>>
            %dma_wait3A_104 = tpu.memref_slice %arg4[%mul3A_98] : memref<320000xi32, #tpu.memory_space<hbm>> -> memref<128xi32, #tpu.memory_space<hbm>>
            tpu.wait_dma2 semaphore(%run_scoped3A : memref<!tpu.dma_semaphore, #tpu.memory_space<semaphore_mem>>) src(%dma_wait3A_104 : memref<128xi32, #tpu.memory_space<hbm>>) dst(%arg7 : memref<128xi32, #tpu.memory_space<vmem>>)
            tpu.yield
          }) : () -> ()
          %dma_start3A = arith.constant 0 : i32
          %dma_start3A_99 = arith.constant 0 : i32
          %dma_start3A_100 = tpu.memref_slice %arg2[%dma_start3A, %dma_start3A_99] : memref<10000x128xf32, #tpu.memory_space<hbm>> -> memref<10000x128xf32, #tpu.memory_space<hbm>>
          tpu.enqueue_indirect_dma source(%dma_start3A_100 : memref<10000x128xf32, #tpu.memory_space<hbm>>) target(%arg8 : memref<128x128xf32, #tpu.memory_space<vmem>>) offsets(%arg6 : memref<128xi32, #tpu.memory_space<vmem>>) semaphore(%arg13 : memref<!tpu.dma_semaphore, #tpu.memory_space<semaphore_mem>>)
        } else {
        }
        %dma_wait3A = arith.constant 0 : i32
        %dma_wait3A_90 = arith.constant 0 : i32
        %dma_wait3A_91 = tpu.memref_slice %arg2[%dma_wait3A, %dma_wait3A_90] : memref<10000x128xf32, #tpu.memory_space<hbm>> -> memref<10000x128xf32, #tpu.memory_space<hbm>>
        tpu.wait_indirect_dma semaphore(%arg14 : memref<!tpu.dma_semaphore, #tpu.memory_space<semaphore_mem>>) src(%dma_wait3A_91 : memref<10000x128xf32, #tpu.memory_space<hbm>>) dst(%arg11 : memref<128x128xf32, #tpu.memory_space<vmem>>)
        "tpu.region"() ({
          %run_scoped3A = tpu.sem_alloc : memref<!tpu.dma_semaphore, #tpu.memory_space<semaphore_mem>>
          %dma_start3A = arith.constant 0 : i32
          %dma_start3A_92 = arith.constant 0 : i32
          %dma_start3A_93 = tpu.memref_slice %arg12[%dma_start3A, %dma_start3A_92] : memref<10000x128xf32, #tpu.memory_space<vmem_shared>> -> memref<10000x128xf32, #tpu.memory_space<vmem_shared>>
          tpu.enqueue_indirect_dma source(%arg11 : memref<128x128xf32, #tpu.memory_space<vmem>>) target(%dma_start3A_93 : memref<10000x128xf32, #tpu.memory_space<vmem_shared>>) offsets(%arg10 : memref<128xi32, #tpu.memory_space<vmem>>) semaphore(%run_scoped3A : memref<!tpu.dma_semaphore, #tpu.memory_space<semaphore_mem>>) {add = true}
          %dma_wait3A_94 = arith.constant 0 : i32
          %dma_wait3A_95 = arith.constant 0 : i32
          %dma_wait3A_96 = tpu.memref_slice %arg12[%dma_wait3A_94, %dma_wait3A_95] : memref<10000x128xf32, #tpu.memory_space<vmem_shared>> -> memref<10000x128xf32, #tpu.memory_space<vmem_shared>>
          tpu.wait_indirect_dma semaphore(%run_scoped3A : memref<!tpu.dma_semaphore, #tpu.memory_space<semaphore_mem>>) src(%arg11 : memref<128x128xf32, #tpu.memory_space<vmem>>) dst(%dma_wait3A_96 : memref<10000x128xf32, #tpu.memory_space<vmem_shared>>)
          tpu.yield
        }) : () -> ()
      } else {
      }
    }
    %while3A_57 = arith.constant 1 : i32
    scf.for %while3A_69 = %while3A_55 to %while3A_51 step %while3A_57  : i32 {
      %and3A_70 = arith.constant 1 : i32
      %and3A_71 = arith.andi %while3A_69, %and3A_70 : i32
      %eq3A_72 = arith.constant 0 : i32
      %eq3A_73 = arith.cmpi eq, %and3A_71, %eq3A_72 : i32
      %convert_element_type3A_74 = arith.extui %eq3A_73 : i1 to i32
      %cond3A_75 = arith.constant 0 : i32
      %cond3A_76 = arith.cmpi ne, %convert_element_type3A_74, %cond3A_75 : i32
      scf.if %cond3A_76 {
        %add3A_84 = arith.constant 1 : i32
        %add3A_85 = arith.addi %while3A_69, %add3A_84 : i32
        %lt3A_86 = arith.cmpi slt, %add3A_85, %select_n3A : i32
        %convert_element_type3A_87 = arith.extui %lt3A_86 : i1 to i32
        %cond3A_88 = arith.constant 0 : i32
        %cond3A_89 = arith.cmpi ne, %convert_element_type3A_87, %cond3A_88 : i32
        scf.if %cond3A_89 {
          %add3A_92 = arith.constant 1 : i32
          %add3A_93 = arith.addi %while3A_69, %add3A_92 : i32
          %mul3A_94 = arith.constant 32 : i32
          %mul3A_95 = arith.muli %add3A_93, %mul3A_94 : i32
          %add3A_96 = arith.addi %add3A, %mul3A_95 : i32
          %mul3A_97 = arith.constant 128 : i32
          %mul3A_98 = arith.muli %add3A_96, %mul3A_97 : i32
          "tpu.region"() ({
            %run_scoped3A = tpu.sem_alloc : memref<!tpu.dma_semaphore, #tpu.memory_space<semaphore_mem>>
            %dma_start3A_101 = tpu.memref_slice %arg3[%mul3A_98] : memref<320000xi32, #tpu.memory_space<hbm>> -> memref<128xi32, #tpu.memory_space<hbm>>
            %dma_start3A_102 = tpu.memref_slice %arg3[%mul3A_98] : memref<320000xi32, #tpu.memory_space<hbm>> -> memref<128xi32, #tpu.memory_space<hbm>>
            tpu.enqueue_dma source(%dma_start3A_102 : memref<128xi32, #tpu.memory_space<hbm>>) target(%arg9 : memref<128xi32, #tpu.memory_space<vmem>>) target_semaphore(%run_scoped3A : memref<!tpu.dma_semaphore, #tpu.memory_space<semaphore_mem>>)
            %dma_wait3A_103 = tpu.memref_slice %arg3[%mul3A_98] : memref<320000xi32, #tpu.memory_space<hbm>> -> memref<128xi32, #tpu.memory_space<hbm>>
            %dma_wait3A_104 = tpu.memref_slice %arg3[%mul3A_98] : memref<320000xi32, #tpu.memory_space<hbm>> -> memref<128xi32, #tpu.memory_space<hbm>>
            tpu.wait_dma2 semaphore(%run_scoped3A : memref<!tpu.dma_semaphore, #tpu.memory_space<semaphore_mem>>) src(%dma_wait3A_104 : memref<128xi32, #tpu.memory_space<hbm>>) dst(%arg9 : memref<128xi32, #tpu.memory_space<vmem>>)
            tpu.yield
          }) : () -> ()
          "tpu.region"() ({
            %run_scoped3A = tpu.sem_alloc : memref<!tpu.dma_semaphore, #tpu.memory_space<semaphore_mem>>
            %dma_start3A_101 = tpu.memref_slice %arg4[%mul3A_98] : memref<320000xi32, #tpu.memory_space<hbm>> -> memref<128xi32, #tpu.memory_space<hbm>>
            %dma_start3A_102 = tpu.memref_slice %arg4[%mul3A_98] : memref<320000xi32, #tpu.memory_space<hbm>> -> memref<128xi32, #tpu.memory_space<hbm>>
            tpu.enqueue_dma source(%dma_start3A_102 : memref<128xi32, #tpu.memory_space<hbm>>) target(%arg10 : memref<128xi32, #tpu.memory_space<vmem>>) target_semaphore(%run_scoped3A : memref<!tpu.dma_semaphore, #tpu.memory_space<semaphore_mem>>)
            %dma_wait3A_103 = tpu.memref_slice %arg4[%mul3A_98] : memref<320000xi32, #tpu.memory_space<hbm>> -> memref<128xi32, #tpu.memory_space<hbm>>
            %dma_wait3A_104 = tpu.memref_slice %arg4[%mul3A_98] : memref<320000xi32, #tpu.memory_space<hbm>> -> memref<128xi32, #tpu.memory_space<hbm>>
            tpu.wait_dma2 semaphore(%run_scoped3A : memref<!tpu.dma_semaphore, #tpu.memory_space<semaphore_mem>>) src(%dma_wait3A_104 : memref<128xi32, #tpu.memory_space<hbm>>) dst(%arg10 : memref<128xi32, #tpu.memory_space<vmem>>)
            tpu.yield
          }) : () -> ()
          %dma_start3A = arith.constant 0 : i32
          %dma_start3A_99 = arith.constant 0 : i32
          %dma_start3A_100 = tpu.memref_slice %arg2[%dma_start3A, %dma_start3A_99] : memref<10000x128xf32, #tpu.memory_space<hbm>> -> memref<10000x128xf32, #tpu.memory_space<hbm>>
          tpu.enqueue_indirect_dma source(%dma_start3A_100 : memref<10000x128xf32, #tpu.memory_space<hbm>>) target(%arg11 : memref<128x128xf32, #tpu.memory_space<vmem>>) offsets(%arg9 : memref<128xi32, #tpu.memory_space<vmem>>) semaphore(%arg14 : memref<!tpu.dma_semaphore, #tpu.memory_space<semaphore_mem>>)
        } else {
        }
        %dma_wait3A = arith.constant 0 : i32
        %dma_wait3A_90 = arith.constant 0 : i32
        %dma_wait3A_91 = tpu.memref_slice %arg2[%dma_wait3A, %dma_wait3A_90] : memref<10000x128xf32, #tpu.memory_space<hbm>> -> memref<10000x128xf32, #tpu.memory_space<hbm>>
        tpu.wait_indirect_dma semaphore(%arg13 : memref<!tpu.dma_semaphore, #tpu.memory_space<semaphore_mem>>) src(%dma_wait3A_91 : memref<10000x128xf32, #tpu.memory_space<hbm>>) dst(%arg8 : memref<128x128xf32, #tpu.memory_space<vmem>>)
        "tpu.region"() ({
          %run_scoped3A = tpu.sem_alloc : memref<!tpu.dma_semaphore, #tpu.memory_space<semaphore_mem>>
          %dma_start3A = arith.constant 0 : i32
          %dma_start3A_92 = arith.constant 0 : i32
          %dma_start3A_93 = tpu.memref_slice %arg12[%dma_start3A, %dma_start3A_92] : memref<10000x128xf32, #tpu.memory_space<vmem_shared>> -> memref<10000x128xf32, #tpu.memory_space<vmem_shared>>
          tpu.enqueue_indirect_dma source(%arg8 : memref<128x128xf32, #tpu.memory_space<vmem>>) target(%dma_start3A_93 : memref<10000x128xf32, #tpu.memory_space<vmem_shared>>) offsets(%arg7 : memref<128xi32, #tpu.memory_space<vmem>>) semaphore(%run_scoped3A : memref<!tpu.dma_semaphore, #tpu.memory_space<semaphore_mem>>) {add = true}
          %dma_wait3A_94 = arith.constant 0 : i32
          %dma_wait3A_95 = arith.constant 0 : i32
          %dma_wait3A_96 = tpu.memref_slice %arg12[%dma_wait3A_94, %dma_wait3A_95] : memref<10000x128xf32, #tpu.memory_space<vmem_shared>> -> memref<10000x128xf32, #tpu.memory_space<vmem_shared>>
          tpu.wait_indirect_dma semaphore(%run_scoped3A : memref<!tpu.dma_semaphore, #tpu.memory_space<semaphore_mem>>) src(%arg8 : memref<128x128xf32, #tpu.memory_space<vmem>>) dst(%dma_wait3A_96 : memref<10000x128xf32, #tpu.memory_space<vmem_shared>>)
          tpu.yield
        }) : () -> ()
      } else {
      }
      %and3A_77 = arith.constant 1 : i32
      %and3A_78 = arith.andi %while3A_69, %and3A_77 : i32
      %eq3A_79 = arith.constant 1 : i32
      %eq3A_80 = arith.cmpi eq, %and3A_78, %eq3A_79 : i32
      %convert_element_type3A_81 = arith.extui %eq3A_80 : i1 to i32
      %cond3A_82 = arith.constant 0 : i32
      %cond3A_83 = arith.cmpi ne, %convert_element_type3A_81, %cond3A_82 : i32
      scf.if %cond3A_83 {
        %add3A_84 = arith.constant 1 : i32
        %add3A_85 = arith.addi %while3A_69, %add3A_84 : i32
        %lt3A_86 = arith.cmpi slt, %add3A_85, %select_n3A : i32
        %convert_element_type3A_87 = arith.extui %lt3A_86 : i1 to i32
        %cond3A_88 = arith.constant 0 : i32
        %cond3A_89 = arith.cmpi ne, %convert_element_type3A_87, %cond3A_88 : i32
        scf.if %cond3A_89 {
          %add3A_92 = arith.constant 1 : i32
          %add3A_93 = arith.addi %while3A_69, %add3A_92 : i32
          %mul3A_94 = arith.constant 32 : i32
          %mul3A_95 = arith.muli %add3A_93, %mul3A_94 : i32
          %add3A_96 = arith.addi %add3A, %mul3A_95 : i32
          %mul3A_97 = arith.constant 128 : i32
          %mul3A_98 = arith.muli %add3A_96, %mul3A_97 : i32
          "tpu.region"() ({
            %run_scoped3A = tpu.sem_alloc : memref<!tpu.dma_semaphore, #tpu.memory_space<semaphore_mem>>
            %dma_start3A_101 = tpu.memref_slice %arg3[%mul3A_98] : memref<320000xi32, #tpu.memory_space<hbm>> -> memref<128xi32, #tpu.memory_space<hbm>>
            %dma_start3A_102 = tpu.memref_slice %arg3[%mul3A_98] : memref<320000xi32, #tpu.memory_space<hbm>> -> memref<128xi32, #tpu.memory_space<hbm>>
            tpu.enqueue_dma source(%dma_start3A_102 : memref<128xi32, #tpu.memory_space<hbm>>) target(%arg6 : memref<128xi32, #tpu.memory_space<vmem>>) target_semaphore(%run_scoped3A : memref<!tpu.dma_semaphore, #tpu.memory_space<semaphore_mem>>)
            %dma_wait3A_103 = tpu.memref_slice %arg3[%mul3A_98] : memref<320000xi32, #tpu.memory_space<hbm>> -> memref<128xi32, #tpu.memory_space<hbm>>
            %dma_wait3A_104 = tpu.memref_slice %arg3[%mul3A_98] : memref<320000xi32, #tpu.memory_space<hbm>> -> memref<128xi32, #tpu.memory_space<hbm>>
            tpu.wait_dma2 semaphore(%run_scoped3A : memref<!tpu.dma_semaphore, #tpu.memory_space<semaphore_mem>>) src(%dma_wait3A_104 : memref<128xi32, #tpu.memory_space<hbm>>) dst(%arg6 : memref<128xi32, #tpu.memory_space<vmem>>)
            tpu.yield
          }) : () -> ()
          "tpu.region"() ({
            %run_scoped3A = tpu.sem_alloc : memref<!tpu.dma_semaphore, #tpu.memory_space<semaphore_mem>>
            %dma_start3A_101 = tpu.memref_slice %arg4[%mul3A_98] : memref<320000xi32, #tpu.memory_space<hbm>> -> memref<128xi32, #tpu.memory_space<hbm>>
            %dma_start3A_102 = tpu.memref_slice %arg4[%mul3A_98] : memref<320000xi32, #tpu.memory_space<hbm>> -> memref<128xi32, #tpu.memory_space<hbm>>
            tpu.enqueue_dma source(%dma_start3A_102 : memref<128xi32, #tpu.memory_space<hbm>>) target(%arg7 : memref<128xi32, #tpu.memory_space<vmem>>) target_semaphore(%run_scoped3A : memref<!tpu.dma_semaphore, #tpu.memory_space<semaphore_mem>>)
            %dma_wait3A_103 = tpu.memref_slice %arg4[%mul3A_98] : memref<320000xi32, #tpu.memory_space<hbm>> -> memref<128xi32, #tpu.memory_space<hbm>>
            %dma_wait3A_104 = tpu.memref_slice %arg4[%mul3A_98] : memref<320000xi32, #tpu.memory_space<hbm>> -> memref<128xi32, #tpu.memory_space<hbm>>
            tpu.wait_dma2 semaphore(%run_scoped3A : memref<!tpu.dma_semaphore, #tpu.memory_space<semaphore_mem>>) src(%dma_wait3A_104 : memref<128xi32, #tpu.memory_space<hbm>>) dst(%arg7 : memref<128xi32, #tpu.memory_space<vmem>>)
            tpu.yield
          }) : () -> ()
          %dma_start3A = arith.constant 0 : i32
          %dma_start3A_99 = arith.constant 0 : i32
          %dma_start3A_100 = tpu.memref_slice %arg2[%dma_start3A, %dma_start3A_99] : memref<10000x128xf32, #tpu.memory_space<hbm>> -> memref<10000x128xf32, #tpu.memory_space<hbm>>
          tpu.enqueue_indirect_dma source(%dma_start3A_100 : memref<10000x128xf32, #tpu.memory_space<hbm>>) target(%arg8 : memref<128x128xf32, #tpu.memory_space<vmem>>) offsets(%arg6 : memref<128xi32, #tpu.memory_space<vmem>>) semaphore(%arg13 : memref<!tpu.dma_semaphore, #tpu.memory_space<semaphore_mem>>)
        } else {
        }
        %dma_wait3A = arith.constant 0 : i32
        %dma_wait3A_90 = arith.constant 0 : i32
        %dma_wait3A_91 = tpu.memref_slice %arg2[%dma_wait3A, %dma_wait3A_90] : memref<10000x128xf32, #tpu.memory_space<hbm>> -> memref<10000x128xf32, #tpu.memory_space<hbm>>
        tpu.wait_indirect_dma semaphore(%arg14 : memref<!tpu.dma_semaphore, #tpu.memory_space<semaphore_mem>>) src(%dma_wait3A_91 : memref<10000x128xf32, #tpu.memory_space<hbm>>) dst(%arg11 : memref<128x128xf32, #tpu.memory_space<vmem>>)
        "tpu.region"() ({
          %run_scoped3A = tpu.sem_alloc : memref<!tpu.dma_semaphore, #tpu.memory_space<semaphore_mem>>
          %dma_start3A = arith.constant 0 : i32
          %dma_start3A_92 = arith.constant 0 : i32
          %dma_start3A_93 = tpu.memref_slice %arg12[%dma_start3A, %dma_start3A_92] : memref<10000x128xf32, #tpu.memory_space<vmem_shared>> -> memref<10000x128xf32, #tpu.memory_space<vmem_shared>>
          tpu.enqueue_indirect_dma source(%arg11 : memref<128x128xf32, #tpu.memory_space<vmem>>) target(%dma_start3A_93 : memref<10000x128xf32, #tpu.memory_space<vmem_shared>>) offsets(%arg10 : memref<128xi32, #tpu.memory_space<vmem>>) semaphore(%run_scoped3A : memref<!tpu.dma_semaphore, #tpu.memory_space<semaphore_mem>>) {add = true}
          %dma_wait3A_94 = arith.constant 0 : i32
          %dma_wait3A_95 = arith.constant 0 : i32
          %dma_wait3A_96 = tpu.memref_slice %arg12[%dma_wait3A_94, %dma_wait3A_95] : memref<10000x128xf32, #tpu.memory_space<vmem_shared>> -> memref<10000x128xf32, #tpu.memory_space<vmem_shared>>
          tpu.wait_indirect_dma semaphore(%run_scoped3A : memref<!tpu.dma_semaphore, #tpu.memory_space<semaphore_mem>>) src(%arg11 : memref<128x128xf32, #tpu.memory_space<vmem>>) dst(%dma_wait3A_96 : memref<10000x128xf32, #tpu.memory_space<vmem_shared>>)
          tpu.yield
        }) : () -> ()
      } else {
      }
    }
    %barrier3A_58 = arith.constant 0 : index
    tpu.barrier barrier_id(%barrier3A_58)
    %lt3A_59 = arith.constant 15 : i32
    %lt3A_60 = arith.cmpi slt, %arg1, %lt3A_59 : i32
    %convert_element_type3A_61 = arith.extui %lt3A_60 : i1 to i32
    %cond3A_62 = arith.constant 0 : i32
    %cond3A_63 = arith.cmpi ne, %convert_element_type3A_61, %cond3A_62 : i32
    scf.if %cond3A_63 {
      %mul3A_69 = arith.constant 632 : i32
      %mul3A_70 = arith.muli %arg1, %mul3A_69 : i32
      %mul3A_71 = arith.constant 632 : i32
      %mul3A_72 = arith.muli %arg1, %mul3A_71 : i32
      %mul3A_73 = arith.constant 10000 : i32
      %mul3A_74 = arith.muli %arg0, %mul3A_73 : i32
      %add3A_75 = arith.addi %mul3A_74, %mul3A_72 : i32
      "tpu.region"() ({
        %run_scoped3A = tpu.sem_alloc : memref<!tpu.dma_semaphore, #tpu.memory_space<semaphore_mem>>
        %dma_start3A = arith.constant 0 : i32
        %dma_start3A_76 = tpu.memref_slice %arg5[%add3A_75, %dma_start3A] : memref<20000x128xf32, #tpu.memory_space<hbm>> -> memref<632x128xf32, #tpu.memory_space<hbm>>
        %dma_start3A_77 = arith.constant 0 : i32
        %dma_start3A_78 = tpu.memref_slice %arg12[%mul3A_70, %dma_start3A_77] : memref<10000x128xf32, #tpu.memory_space<vmem_shared>> -> memref<632x128xf32, #tpu.memory_space<vmem_shared>>
        tpu.enqueue_dma source(%dma_start3A_78 : memref<632x128xf32, #tpu.memory_space<vmem_shared>>) target(%dma_start3A_76 : memref<632x128xf32, #tpu.memory_space<hbm>>) target_semaphore(%run_scoped3A : memref<!tpu.dma_semaphore, #tpu.memory_space<semaphore_mem>>)
        %dma_wait3A = arith.constant 0 : i32
        %dma_wait3A_79 = tpu.memref_slice %arg5[%add3A_75, %dma_wait3A] : memref<20000x128xf32, #tpu.memory_space<hbm>> -> memref<632x128xf32, #tpu.memory_space<hbm>>
        %dma_wait3A_80 = arith.constant 0 : i32
        %dma_wait3A_81 = tpu.memref_slice %arg12[%mul3A_70, %dma_wait3A_80] : memref<10000x128xf32, #tpu.memory_space<vmem_shared>> -> memref<632x128xf32, #tpu.memory_space<vmem_shared>>
        tpu.wait_dma2 semaphore(%run_scoped3A : memref<!tpu.dma_semaphore, #tpu.memory_space<semaphore_mem>>) src(%dma_wait3A_81 : memref<632x128xf32, #tpu.memory_space<vmem_shared>>) dst(%dma_wait3A_79 : memref<632x128xf32, #tpu.memory_space<hbm>>)
        tpu.yield
      }) : () -> ()
    } else {
    }
    %eq3A_64 = arith.constant 15 : i32
    %eq3A_65 = arith.cmpi eq, %arg1, %eq3A_64 : i32
    %convert_element_type3A_66 = arith.extui %eq3A_65 : i1 to i32
    %cond3A_67 = arith.constant 0 : i32
    %cond3A_68 = arith.cmpi ne, %convert_element_type3A_66, %cond3A_67 : i32
    scf.if %cond3A_68 {
      %mul3A_69 = arith.constant 632 : i32
      %mul3A_70 = arith.muli %arg1, %mul3A_69 : i32
      %mul3A_71 = arith.constant 632 : i32
      %mul3A_72 = arith.muli %arg1, %mul3A_71 : i32
      %mul3A_73 = arith.constant 10000 : i32
      %mul3A_74 = arith.muli %arg0, %mul3A_73 : i32
      %add3A_75 = arith.addi %mul3A_74, %mul3A_72 : i32
      "tpu.region"() ({
        %run_scoped3A = tpu.sem_alloc : memref<!tpu.dma_semaphore, #tpu.memory_space<semaphore_mem>>
        %dma_start3A = arith.constant 0 : i32
        %dma_start3A_76 = tpu.memref_slice %arg5[%add3A_75, %dma_start3A] : memref<20000x128xf32, #tpu.memory_space<hbm>> -> memref<520x128xf32, #tpu.memory_space<hbm>>
        %dma_start3A_77 = arith.constant 0 : i32
        %dma_start3A_78 = tpu.memref_slice %arg12[%mul3A_70, %dma_start3A_77] : memref<10000x128xf32, #tpu.memory_space<vmem_shared>> -> memref<520x128xf32, #tpu.memory_space<vmem_shared>>
        tpu.enqueue_dma source(%dma_start3A_78 : memref<520x128xf32, #tpu.memory_space<vmem_shared>>) target(%dma_start3A_76 : memref<520x128xf32, #tpu.memory_space<hbm>>) target_semaphore(%run_scoped3A : memref<!tpu.dma_semaphore, #tpu.memory_space<semaphore_mem>>)
        %dma_wait3A = arith.constant 0 : i32
        %dma_wait3A_79 = tpu.memref_slice %arg5[%add3A_75, %dma_wait3A] : memref<20000x128xf32, #tpu.memory_space<hbm>> -> memref<520x128xf32, #tpu.memory_space<hbm>>
        %dma_wait3A_80 = arith.constant 0 : i32
        %dma_wait3A_81 = tpu.memref_slice %arg12[%mul3A_70, %dma_wait3A_80] : memref<10000x128xf32, #tpu.memory_space<vmem_shared>> -> memref<520x128xf32, #tpu.memory_space<vmem_shared>>
        tpu.wait_dma2 semaphore(%run_scoped3A : memref<!tpu.dma_semaphore, #tpu.memory_space<semaphore_mem>>) src(%dma_wait3A_81 : memref<520x128xf32, #tpu.memory_space<vmem_shared>>) dst(%dma_wait3A_79 : memref<520x128xf32, #tpu.memory_space<hbm>>)
        tpu.yield
      }) : () -> ()
    } else {
    }
    return
  }
}

#map = affine_map<(d0, d1) -> (0, 0)>
#map1 = affine_map<(d0, d1) -> (0)>
module attributes {stable_mosaic.version = 14 : i64} {
  func.func @_sc_agg_body(%arg0: i32, %arg1: i32, %arg2: memref<10000x128xf32, #tpu.memory_space<hbm>>, %arg3: memref<320000xi32, #tpu.memory_space<hbm>>, %arg4: memref<320000xi32, #tpu.memory_space<hbm>>, %arg5: memref<20000x128xf32, #tpu.memory_space<hbm>>, %arg6: memref<128xi32, #tpu.memory_space<vmem>>, %arg7: memref<128xi32, #tpu.memory_space<vmem>>, %arg8: memref<128x128xf32, #tpu.memory_space<vmem>>, %arg9: memref<128xi32, #tpu.memory_space<vmem>>, %arg10: memref<128xi32, #tpu.memory_space<vmem>>, %arg11: memref<128x128xf32, #tpu.memory_space<vmem>>, %arg12: memref<10000x128xf32, #tpu.memory_space<vmem_shared>>, %arg13: memref<!tpu.dma_semaphore, #tpu.memory_space<semaphore_mem>>, %arg14: memref<!tpu.dma_semaphore, #tpu.memory_space<semaphore_mem>>) attributes {dimension_semantics = [#tpu.dimension_semantics<core_parallel>, #tpu.dimension_semantics<subcore_parallel>], iteration_bounds = array<i64: 2, 16>, scalar_prefetch = 0 : i64, scratch_operands = 9 : i64, tpu.core_type = #tpu.core_type<sc_vector_subcore>, window_params = [{transform_indices = #map}, {transform_indices = #map1}, {transform_indices = #map1}, {transform_indices = #map}]} {
    %mul3A = arith.constant 2 : i32
    %mul3A_0 = arith.muli %arg1, %mul3A : i32
    %add3A = arith.addi %mul3A_0, %arg0 : i32
    %broadcast_in_dim3A = arith.constant 0.000000e+00 : f32
    %broadcast_in_dim3A_1 = vector.broadcast %broadcast_in_dim3A : f32 to vector<16xf32>
    %scan3A = arith.constant 0 : i32
    %scan3A_2 = arith.constant 0 : i32
    %scan3A_3 = arith.constant 128 : i32
    %scan3A_4 = arith.addi %scan3A_2, %scan3A_3 : i32
    %scan3A_5 = arith.constant 1 : i32
    scf.for %scan3A_69 = %scan3A_2 to %scan3A_4 step %scan3A_5  : i32 {
      %swap3A = arith.index_cast %scan3A_69 : i32 to index
      %swap3A_70 = arith.constant 0 : index
      %swap3A_71 = tpu.vector_load %arg8[%swap3A, %swap3A_70] {strides = array<i32>} : memref<128x128xf32, #tpu.memory_space<vmem>>, vector<1x16xf32>,
      %swap3A_72 = vector.shape_cast %swap3A_71 : vector<1x16xf32> to vector<16xf32>
      %swap3A_73 = vector.shape_cast %broadcast_in_dim3A_1 : vector<16xf32> to vector<1x16xf32>
      tpu.vector_store %arg8[%swap3A, %swap3A_70], %swap3A_73 {strides = array<i32>} : memref<128x128xf32, #tpu.memory_space<vmem>>, vector<1x16xf32>,
      %swap3A_74 = arith.index_cast %scan3A_69 : i32 to index
      %swap3A_75 = arith.constant 16 : index
      %swap3A_76 = tpu.vector_load %arg8[%swap3A_74, %swap3A_75] {strides = array<i32>} : memref<128x128xf32, #tpu.memory_space<vmem>>, vector<1x16xf32>,
      %swap3A_77 = vector.shape_cast %swap3A_76 : vector<1x16xf32> to vector<16xf32>
      %swap3A_78 = vector.shape_cast %broadcast_in_dim3A_1 : vector<16xf32> to vector<1x16xf32>
      tpu.vector_store %arg8[%swap3A_74, %swap3A_75], %swap3A_78 {strides = array<i32>} : memref<128x128xf32, #tpu.memory_space<vmem>>, vector<1x16xf32>,
      %swap3A_79 = arith.index_cast %scan3A_69 : i32 to index
      %swap3A_80 = arith.constant 32 : index
      %swap3A_81 = tpu.vector_load %arg8[%swap3A_79, %swap3A_80] {strides = array<i32>} : memref<128x128xf32, #tpu.memory_space<vmem>>, vector<1x16xf32>,
      %swap3A_82 = vector.shape_cast %swap3A_81 : vector<1x16xf32> to vector<16xf32>
      %swap3A_83 = vector.shape_cast %broadcast_in_dim3A_1 : vector<16xf32> to vector<1x16xf32>
      tpu.vector_store %arg8[%swap3A_79, %swap3A_80], %swap3A_83 {strides = array<i32>} : memref<128x128xf32, #tpu.memory_space<vmem>>, vector<1x16xf32>,
      %swap3A_84 = arith.index_cast %scan3A_69 : i32 to index
      %swap3A_85 = arith.constant 48 : index
      %swap3A_86 = tpu.vector_load %arg8[%swap3A_84, %swap3A_85] {strides = array<i32>} : memref<128x128xf32, #tpu.memory_space<vmem>>, vector<1x16xf32>,
      %swap3A_87 = vector.shape_cast %swap3A_86 : vector<1x16xf32> to vector<16xf32>
      %swap3A_88 = vector.shape_cast %broadcast_in_dim3A_1 : vector<16xf32> to vector<1x16xf32>
      tpu.vector_store %arg8[%swap3A_84, %swap3A_85], %swap3A_88 {strides = array<i32>} : memref<128x128xf32, #tpu.memory_space<vmem>>, vector<1x16xf32>,
      %swap3A_89 = arith.index_cast %scan3A_69 : i32 to index
      %swap3A_90 = arith.constant 64 : index
      %swap3A_91 = tpu.vector_load %arg8[%swap3A_89, %swap3A_90] {strides = array<i32>} : memref<128x128xf32, #tpu.memory_space<vmem>>, vector<1x16xf32>,
      %swap3A_92 = vector.shape_cast %swap3A_91 : vector<1x16xf32> to vector<16xf32>
      %swap3A_93 = vector.shape_cast %broadcast_in_dim3A_1 : vector<16xf32> to vector<1x16xf32>
      tpu.vector_store %arg8[%swap3A_89, %swap3A_90], %swap3A_93 {strides = array<i32>} : memref<128x128xf32, #tpu.memory_space<vmem>>, vector<1x16xf32>,
      %swap3A_94 = arith.index_cast %scan3A_69 : i32 to index
      %swap3A_95 = arith.constant 80 : index
      %swap3A_96 = tpu.vector_load %arg8[%swap3A_94, %swap3A_95] {strides = array<i32>} : memref<128x128xf32, #tpu.memory_space<vmem>>, vector<1x16xf32>,
      %swap3A_97 = vector.shape_cast %swap3A_96 : vector<1x16xf32> to vector<16xf32>
      %swap3A_98 = vector.shape_cast %broadcast_in_dim3A_1 : vector<16xf32> to vector<1x16xf32>
      tpu.vector_store %arg8[%swap3A_94, %swap3A_95], %swap3A_98 {strides = array<i32>} : memref<128x128xf32, #tpu.memory_space<vmem>>, vector<1x16xf32>,
      %swap3A_99 = arith.index_cast %scan3A_69 : i32 to index
      %swap3A_100 = arith.constant 96 : index
      %swap3A_101 = tpu.vector_load %arg8[%swap3A_99, %swap3A_100] {strides = array<i32>} : memref<128x128xf32, #tpu.memory_space<vmem>>, vector<1x16xf32>,
      %swap3A_102 = vector.shape_cast %swap3A_101 : vector<1x16xf32> to vector<16xf32>
      %swap3A_103 = vector.shape_cast %broadcast_in_dim3A_1 : vector<16xf32> to vector<1x16xf32>
      tpu.vector_store %arg8[%swap3A_99, %swap3A_100], %swap3A_103 {strides = array<i32>} : memref<128x128xf32, #tpu.memory_space<vmem>>, vector<1x16xf32>,
      %swap3A_104 = arith.index_cast %scan3A_69 : i32 to index
      %swap3A_105 = arith.constant 112 : index
      %swap3A_106 = tpu.vector_load %arg8[%swap3A_104, %swap3A_105] {strides = array<i32>} : memref<128x128xf32, #tpu.memory_space<vmem>>, vector<1x16xf32>,
      %swap3A_107 = vector.shape_cast %swap3A_106 : vector<1x16xf32> to vector<16xf32>
      %swap3A_108 = vector.shape_cast %broadcast_in_dim3A_1 : vector<16xf32> to vector<1x16xf32>
      tpu.vector_store %arg8[%swap3A_104, %swap3A_105], %swap3A_108 {strides = array<i32>} : memref<128x128xf32, #tpu.memory_space<vmem>>, vector<1x16xf32>,
    }
    %scan3A_6 = arith.constant 128 : i32
    %mul3A_7 = arith.constant 632 : i32
    %mul3A_8 = arith.muli %arg1, %mul3A_7 : i32
    %add3A_9 = arith.constant 0 : i32
    %add3A_10 = arith.addi %mul3A_8, %add3A_9 : i32
    "tpu.region"() ({
      %run_scoped3A = tpu.sem_alloc : memref<!tpu.dma_semaphore, #tpu.memory_space<semaphore_mem>>
      %dma_start3A = arith.constant 0 : i32
      %dma_start3A_69 = tpu.memref_slice %arg12[%add3A_10, %dma_start3A] : memref<10000x128xf32, #tpu.memory_space<vmem_shared>> -> memref<128x128xf32, #tpu.memory_space<vmem_shared>>
      %dma_start3A_70 = arith.constant 0 : i32
      %dma_start3A_71 = tpu.memref_slice %arg12[%add3A_10, %dma_start3A_70] : memref<10000x128xf32, #tpu.memory_space<vmem_shared>> -> memref<128x128xf32, #tpu.memory_space<vmem_shared>>
      tpu.enqueue_dma source(%arg8 : memref<128x128xf32, #tpu.memory_space<vmem>>) target(%dma_start3A_71 : memref<128x128xf32, #tpu.memory_space<vmem_shared>>) target_semaphore(%run_scoped3A : memref<!tpu.dma_semaphore, #tpu.memory_space<semaphore_mem>>)
      %dma_wait3A = arith.constant 0 : i32
      %dma_wait3A_72 = tpu.memref_slice %arg12[%add3A_10, %dma_wait3A] : memref<10000x128xf32, #tpu.memory_space<vmem_shared>> -> memref<128x128xf32, #tpu.memory_space<vmem_shared>>
      %dma_wait3A_73 = arith.constant 0 : i32
      %dma_wait3A_74 = tpu.memref_slice %arg12[%add3A_10, %dma_wait3A_73] : memref<10000x128xf32, #tpu.memory_space<vmem_shared>> -> memref<128x128xf32, #tpu.memory_space<vmem_shared>>
      tpu.wait_dma2 semaphore(%run_scoped3A : memref<!tpu.dma_semaphore, #tpu.memory_space<semaphore_mem>>) src(%arg8 : memref<128x128xf32, #tpu.memory_space<vmem>>) dst(%dma_wait3A_74 : memref<128x128xf32, #tpu.memory_space<vmem_shared>>)
      tpu.yield
    }) : () -> ()
    %add3A_11 = arith.constant 128 : i32
    %add3A_12 = arith.addi %mul3A_8, %add3A_11 : i32
    "tpu.region"() ({
      %run_scoped3A = tpu.sem_alloc : memref<!tpu.dma_semaphore, #tpu.memory_space<semaphore_mem>>
      %dma_start3A = arith.constant 0 : i32
      %dma_start3A_69 = tpu.memref_slice %arg12[%add3A_12, %dma_start3A] : memref<10000x128xf32, #tpu.memory_space<vmem_shared>> -> memref<128x128xf32, #tpu.memory_space<vmem_shared>>
      %dma_start3A_70 = arith.constant 0 : i32
      %dma_start3A_71 = tpu.memref_slice %arg12[%add3A_12, %dma_start3A_70] : memref<10000x128xf32, #tpu.memory_space<vmem_shared>> -> memref<128x128xf32, #tpu.memory_space<vmem_shared>>
      tpu.enqueue_dma source(%arg8 : memref<128x128xf32, #tpu.memory_space<vmem>>) target(%dma_start3A_71 : memref<128x128xf32, #tpu.memory_space<vmem_shared>>) target_semaphore(%run_scoped3A : memref<!tpu.dma_semaphore, #tpu.memory_space<semaphore_mem>>)
      %dma_wait3A = arith.constant 0 : i32
      %dma_wait3A_72 = tpu.memref_slice %arg12[%add3A_12, %dma_wait3A] : memref<10000x128xf32, #tpu.memory_space<vmem_shared>> -> memref<128x128xf32, #tpu.memory_space<vmem_shared>>
      %dma_wait3A_73 = arith.constant 0 : i32
      %dma_wait3A_74 = tpu.memref_slice %arg12[%add3A_12, %dma_wait3A_73] : memref<10000x128xf32, #tpu.memory_space<vmem_shared>> -> memref<128x128xf32, #tpu.memory_space<vmem_shared>>
      tpu.wait_dma2 semaphore(%run_scoped3A : memref<!tpu.dma_semaphore, #tpu.memory_space<semaphore_mem>>) src(%arg8 : memref<128x128xf32, #tpu.memory_space<vmem>>) dst(%dma_wait3A_74 : memref<128x128xf32, #tpu.memory_space<vmem_shared>>)
      tpu.yield
    }) : () -> ()
    %add3A_13 = arith.constant 256 : i32
    %add3A_14 = arith.addi %mul3A_8, %add3A_13 : i32
    "tpu.region"() ({
      %run_scoped3A = tpu.sem_alloc : memref<!tpu.dma_semaphore, #tpu.memory_space<semaphore_mem>>
      %dma_start3A = arith.constant 0 : i32
      %dma_start3A_69 = tpu.memref_slice %arg12[%add3A_14, %dma_start3A] : memref<10000x128xf32, #tpu.memory_space<vmem_shared>> -> memref<128x128xf32, #tpu.memory_space<vmem_shared>>
      %dma_start3A_70 = arith.constant 0 : i32
      %dma_start3A_71 = tpu.memref_slice %arg12[%add3A_14, %dma_start3A_70] : memref<10000x128xf32, #tpu.memory_space<vmem_shared>> -> memref<128x128xf32, #tpu.memory_space<vmem_shared>>
      tpu.enqueue_dma source(%arg8 : memref<128x128xf32, #tpu.memory_space<vmem>>) target(%dma_start3A_71 : memref<128x128xf32, #tpu.memory_space<vmem_shared>>) target_semaphore(%run_scoped3A : memref<!tpu.dma_semaphore, #tpu.memory_space<semaphore_mem>>)
      %dma_wait3A = arith.constant 0 : i32
      %dma_wait3A_72 = tpu.memref_slice %arg12[%add3A_14, %dma_wait3A] : memref<10000x128xf32, #tpu.memory_space<vmem_shared>> -> memref<128x128xf32, #tpu.memory_space<vmem_shared>>
      %dma_wait3A_73 = arith.constant 0 : i32
      %dma_wait3A_74 = tpu.memref_slice %arg12[%add3A_14, %dma_wait3A_73] : memref<10000x128xf32, #tpu.memory_space<vmem_shared>> -> memref<128x128xf32, #tpu.memory_space<vmem_shared>>
      tpu.wait_dma2 semaphore(%run_scoped3A : memref<!tpu.dma_semaphore, #tpu.memory_space<semaphore_mem>>) src(%arg8 : memref<128x128xf32, #tpu.memory_space<vmem>>) dst(%dma_wait3A_74 : memref<128x128xf32, #tpu.memory_space<vmem_shared>>)
      tpu.yield
    }) : () -> ()
    %add3A_15 = arith.constant 384 : i32
    %add3A_16 = arith.addi %mul3A_8, %add3A_15 : i32
    "tpu.region"() ({
      %run_scoped3A = tpu.sem_alloc : memref<!tpu.dma_semaphore, #tpu.memory_space<semaphore_mem>>
      %dma_start3A = arith.constant 0 : i32
      %dma_start3A_69 = tpu.memref_slice %arg12[%add3A_16, %dma_start3A] : memref<10000x128xf32, #tpu.memory_space<vmem_shared>> -> memref<128x128xf32, #tpu.memory_space<vmem_shared>>
      %dma_start3A_70 = arith.constant 0 : i32
      %dma_start3A_71 = tpu.memref_slice %arg12[%add3A_16, %dma_start3A_70] : memref<10000x128xf32, #tpu.memory_space<vmem_shared>> -> memref<128x128xf32, #tpu.memory_space<vmem_shared>>
      tpu.enqueue_dma source(%arg8 : memref<128x128xf32, #tpu.memory_space<vmem>>) target(%dma_start3A_71 : memref<128x128xf32, #tpu.memory_space<vmem_shared>>) target_semaphore(%run_scoped3A : memref<!tpu.dma_semaphore, #tpu.memory_space<semaphore_mem>>)
      %dma_wait3A = arith.constant 0 : i32
      %dma_wait3A_72 = tpu.memref_slice %arg12[%add3A_16, %dma_wait3A] : memref<10000x128xf32, #tpu.memory_space<vmem_shared>> -> memref<128x128xf32, #tpu.memory_space<vmem_shared>>
      %dma_wait3A_73 = arith.constant 0 : i32
      %dma_wait3A_74 = tpu.memref_slice %arg12[%add3A_16, %dma_wait3A_73] : memref<10000x128xf32, #tpu.memory_space<vmem_shared>> -> memref<128x128xf32, #tpu.memory_space<vmem_shared>>
      tpu.wait_dma2 semaphore(%run_scoped3A : memref<!tpu.dma_semaphore, #tpu.memory_space<semaphore_mem>>) src(%arg8 : memref<128x128xf32, #tpu.memory_space<vmem>>) dst(%dma_wait3A_74 : memref<128x128xf32, #tpu.memory_space<vmem_shared>>)
      tpu.yield
    }) : () -> ()
    %lt3A = arith.constant 15 : i32
    %lt3A_17 = arith.cmpi slt, %arg1, %lt3A : i32
    %convert_element_type3A = arith.extui %lt3A_17 : i1 to i32
    %cond3A = arith.constant 0 : i32
    %cond3A_18 = arith.cmpi ne, %convert_element_type3A, %cond3A : i32
    scf.if %cond3A_18 {
      %add3A_69 = arith.constant 512 : i32
      %add3A_70 = arith.addi %mul3A_8, %add3A_69 : i32
      "tpu.region"() ({
        %run_scoped3A = tpu.sem_alloc : memref<!tpu.dma_semaphore, #tpu.memory_space<semaphore_mem>>
        %dma_start3A = arith.constant 0 : i32
        %dma_start3A_71 = arith.constant 0 : i32
        %dma_start3A_72 = tpu.memref_slice %arg8[%dma_start3A, %dma_start3A_71] : memref<128x128xf32, #tpu.memory_space<vmem>> -> memref<120x128xf32, #tpu.memory_space<vmem>>
        %dma_start3A_73 = arith.constant 0 : i32
        %dma_start3A_74 = tpu.memref_slice %arg12[%add3A_70, %dma_start3A_73] : memref<10000x128xf32, #tpu.memory_space<vmem_shared>> -> memref<120x128xf32, #tpu.memory_space<vmem_shared>>
        %dma_start3A_75 = arith.constant 0 : i32
        %dma_start3A_76 = tpu.memref_slice %arg12[%add3A_70, %dma_start3A_75] : memref<10000x128xf32, #tpu.memory_space<vmem_shared>> -> memref<120x128xf32, #tpu.memory_space<vmem_shared>>
        %dma_start3A_77 = arith.constant 0 : i32
        %dma_start3A_78 = arith.constant 0 : i32
        %dma_start3A_79 = tpu.memref_slice %arg8[%dma_start3A_77, %dma_start3A_78] : memref<128x128xf32, #tpu.memory_space<vmem>> -> memref<120x128xf32, #tpu.memory_space<vmem>>
        tpu.enqueue_dma source(%dma_start3A_79 : memref<120x128xf32, #tpu.memory_space<vmem>>) target(%dma_start3A_76 : memref<120x128xf32, #tpu.memory_space<vmem_shared>>) target_semaphore(%run_scoped3A : memref<!tpu.dma_semaphore, #tpu.memory_space<semaphore_mem>>)
        %dma_wait3A = arith.constant 0 : i32
        %dma_wait3A_80 = arith.constant 0 : i32
        %dma_wait3A_81 = tpu.memref_slice %arg8[%dma_wait3A, %dma_wait3A_80] : memref<128x128xf32, #tpu.memory_space<vmem>> -> memref<120x128xf32, #tpu.memory_space<vmem>>
        %dma_wait3A_82 = arith.constant 0 : i32
        %dma_wait3A_83 = tpu.memref_slice %arg12[%add3A_70, %dma_wait3A_82] : memref<10000x128xf32, #tpu.memory_space<vmem_shared>> -> memref<120x128xf32, #tpu.memory_space<vmem_shared>>
        %dma_wait3A_84 = arith.constant 0 : i32
        %dma_wait3A_85 = tpu.memref_slice %arg12[%add3A_70, %dma_wait3A_84] : memref<10000x128xf32, #tpu.memory_space<vmem_shared>> -> memref<120x128xf32, #tpu.memory_space<vmem_shared>>
        %dma_wait3A_86 = arith.constant 0 : i32
        %dma_wait3A_87 = arith.constant 0 : i32
        %dma_wait3A_88 = tpu.memref_slice %arg8[%dma_wait3A_86, %dma_wait3A_87] : memref<128x128xf32, #tpu.memory_space<vmem>> -> memref<120x128xf32, #tpu.memory_space<vmem>>
        tpu.wait_dma2 semaphore(%run_scoped3A : memref<!tpu.dma_semaphore, #tpu.memory_space<semaphore_mem>>) src(%dma_wait3A_88 : memref<120x128xf32, #tpu.memory_space<vmem>>) dst(%dma_wait3A_85 : memref<120x128xf32, #tpu.memory_space<vmem_shared>>)
        tpu.yield
      }) : () -> ()
    } else {
    }
    %eq3A = arith.constant 15 : i32
    %eq3A_19 = arith.cmpi eq, %arg1, %eq3A : i32
    %convert_element_type3A_20 = arith.extui %eq3A_19 : i1 to i32
    %cond3A_21 = arith.constant 0 : i32
    %cond3A_22 = arith.cmpi ne, %convert_element_type3A_20, %cond3A_21 : i32
    scf.if %cond3A_22 {
      %add3A_69 = arith.constant 512 : i32
      %add3A_70 = arith.addi %mul3A_8, %add3A_69 : i32
      "tpu.region"() ({
        %run_scoped3A = tpu.sem_alloc : memref<!tpu.dma_semaphore, #tpu.memory_space<semaphore_mem>>
        %dma_start3A = arith.constant 0 : i32
        %dma_start3A_71 = arith.constant 0 : i32
        %dma_start3A_72 = tpu.memref_slice %arg8[%dma_start3A, %dma_start3A_71] : memref<128x128xf32, #tpu.memory_space<vmem>> -> memref<8x128xf32, #tpu.memory_space<vmem>>
        %dma_start3A_73 = arith.constant 0 : i32
        %dma_start3A_74 = tpu.memref_slice %arg12[%add3A_70, %dma_start3A_73] : memref<10000x128xf32, #tpu.memory_space<vmem_shared>> -> memref<8x128xf32, #tpu.memory_space<vmem_shared>>
        %dma_start3A_75 = arith.constant 0 : i32
        %dma_start3A_76 = tpu.memref_slice %arg12[%add3A_70, %dma_start3A_75] : memref<10000x128xf32, #tpu.memory_space<vmem_shared>> -> memref<8x128xf32, #tpu.memory_space<vmem_shared>>
        %dma_start3A_77 = arith.constant 0 : i32
        %dma_start3A_78 = arith.constant 0 : i32
        %dma_start3A_79 = tpu.memref_slice %arg8[%dma_start3A_77, %dma_start3A_78] : memref<128x128xf32, #tpu.memory_space<vmem>> -> memref<8x128xf32, #tpu.memory_space<vmem>>
        tpu.enqueue_dma source(%dma_start3A_79 : memref<8x128xf32, #tpu.memory_space<vmem>>) target(%dma_start3A_76 : memref<8x128xf32, #tpu.memory_space<vmem_shared>>) target_semaphore(%run_scoped3A : memref<!tpu.dma_semaphore, #tpu.memory_space<semaphore_mem>>)
        %dma_wait3A = arith.constant 0 : i32
        %dma_wait3A_80 = arith.constant 0 : i32
        %dma_wait3A_81 = tpu.memref_slice %arg8[%dma_wait3A, %dma_wait3A_80] : memref<128x128xf32, #tpu.memory_space<vmem>> -> memref<8x128xf32, #tpu.memory_space<vmem>>
        %dma_wait3A_82 = arith.constant 0 : i32
        %dma_wait3A_83 = tpu.memref_slice %arg12[%add3A_70, %dma_wait3A_82] : memref<10000x128xf32, #tpu.memory_space<vmem_shared>> -> memref<8x128xf32, #tpu.memory_space<vmem_shared>>
        %dma_wait3A_84 = arith.constant 0 : i32
        %dma_wait3A_85 = tpu.memref_slice %arg12[%add3A_70, %dma_wait3A_84] : memref<10000x128xf32, #tpu.memory_space<vmem_shared>> -> memref<8x128xf32, #tpu.memory_space<vmem_shared>>
        %dma_wait3A_86 = arith.constant 0 : i32
        %dma_wait3A_87 = arith.constant 0 : i32
        %dma_wait3A_88 = tpu.memref_slice %arg8[%dma_wait3A_86, %dma_wait3A_87] : memref<128x128xf32, #tpu.memory_space<vmem>> -> memref<8x128xf32, #tpu.memory_space<vmem>>
        tpu.wait_dma2 semaphore(%run_scoped3A : memref<!tpu.dma_semaphore, #tpu.memory_space<semaphore_mem>>) src(%dma_wait3A_88 : memref<8x128xf32, #tpu.memory_space<vmem>>) dst(%dma_wait3A_85 : memref<8x128xf32, #tpu.memory_space<vmem_shared>>)
        tpu.yield
      }) : () -> ()
    } else {
    }
    %barrier3A = arith.constant 0 : index
    tpu.barrier barrier_id(%barrier3A)
    %sub3A = arith.constant 2500 : i32
    %sub3A_23 = arith.subi %sub3A, %add3A : i32
    %add3A_24 = arith.constant 32 : i32
    %add3A_25 = arith.addi %sub3A_23, %add3A_24 : i32
    %sub3A_26 = arith.constant 1 : i32
    %sub3A_27 = arith.subi %add3A_25, %sub3A_26 : i32
    %jit3A = arith.constant 32 : i32
    %div3A = arith.divsi %sub3A_27, %jit3A : i32
    %sign3A = arith.constant 0 : i32
    %sign3A_28 = arith.cmpi sgt, %sub3A_27, %sign3A : i32
    %sign3A_29 = arith.extui %sign3A_28 : i1 to i32
    %sign3A_30 = arith.constant 0 : i32
    %sign3A_31 = arith.cmpi slt, %sub3A_27, %sign3A_30 : i32
    %sign3A_32 = arith.extui %sign3A_31 : i1 to i32
    %sign3A_33 = arith.subi %sign3A_29, %sign3A_32 : i32
    %sign3A_34 = arith.constant 0 : i32
    %sign3A_35 = arith.cmpi sgt, %jit3A, %sign3A_34 : i32
    %sign3A_36 = arith.extui %sign3A_35 : i1 to i32
    %sign3A_37 = arith.constant 0 : i32
    %sign3A_38 = arith.cmpi slt, %jit3A, %sign3A_37 : i32
    %sign3A_39 = arith.extui %sign3A_38 : i1 to i32
    %sign3A_40 = arith.subi %sign3A_36, %sign3A_39 : i32
    %ne3A = arith.cmpi ne, %sign3A_33, %sign3A_40 : i32
    %rem3A = arith.remsi %sub3A_27, %jit3A : i32
    %ne3A_41 = arith.constant 0 : i32
    %ne3A_42 = arith.cmpi ne, %rem3A, %ne3A_41 : i32
    %and3A = arith.andi %ne3A, %ne3A_42 : i1
    %sub3A_43 = arith.constant 1 : i32
    %sub3A_44 = arith.subi %div3A, %sub3A_43 : i32
    %select_n3A = arith.select %and3A, %sub3A_44, %div3A : i32
    %gt3A = arith.constant 0 : i32
    %gt3A_45 = arith.cmpi sgt, %select_n3A, %gt3A : i32
    %convert_element_type3A_46 = arith.extui %gt3A_45 : i1 to i32
    %cond3A_47 = arith.constant 0 : i32
    %cond3A_48 = arith.cmpi ne, %convert_element_type3A_46, %cond3A_47 : i32
    scf.if %cond3A_48 {
      %add3A_69 = arith.constant 0 : i32
      %add3A_70 = arith.addi %add3A, %add3A_69 : i32
      %mul3A_71 = arith.constant 128 : i32
      %mul3A_72 = arith.muli %add3A_70, %mul3A_71 : i32
      "tpu.region"() ({
        %run_scoped3A = tpu.sem_alloc : memref<!tpu.dma_semaphore, #tpu.memory_space<semaphore_mem>>
        %dma_start3A_75 = tpu.memref_slice %arg3[%mul3A_72] : memref<320000xi32, #tpu.memory_space<hbm>> -> memref<128xi32, #tpu.memory_space<hbm>>
        %dma_start3A_76 = tpu.memref_slice %arg3[%mul3A_72] : memref<320000xi32, #tpu.memory_space<hbm>> -> memref<128xi32, #tpu.memory_space<hbm>>
        tpu.enqueue_dma source(%dma_start3A_76 : memref<128xi32, #tpu.memory_space<hbm>>) target(%arg6 : memref<128xi32, #tpu.memory_space<vmem>>) target_semaphore(%run_scoped3A : memref<!tpu.dma_semaphore, #tpu.memory_space<semaphore_mem>>)
        %dma_wait3A = tpu.memref_slice %arg3[%mul3A_72] : memref<320000xi32, #tpu.memory_space<hbm>> -> memref<128xi32, #tpu.memory_space<hbm>>
        %dma_wait3A_77 = tpu.memref_slice %arg3[%mul3A_72] : memref<320000xi32, #tpu.memory_space<hbm>> -> memref<128xi32, #tpu.memory_space<hbm>>
        tpu.wait_dma2 semaphore(%run_scoped3A : memref<!tpu.dma_semaphore, #tpu.memory_space<semaphore_mem>>) src(%dma_wait3A_77 : memref<128xi32, #tpu.memory_space<hbm>>) dst(%arg6 : memref<128xi32, #tpu.memory_space<vmem>>)
        tpu.yield
      }) : () -> ()
      "tpu.region"() ({
        %run_scoped3A = tpu.sem_alloc : memref<!tpu.dma_semaphore, #tpu.memory_space<semaphore_mem>>
        %dma_start3A_75 = tpu.memref_slice %arg4[%mul3A_72] : memref<320000xi32, #tpu.memory_space<hbm>> -> memref<128xi32, #tpu.memory_space<hbm>>
        %dma_start3A_76 = tpu.memref_slice %arg4[%mul3A_72] : memref<320000xi32, #tpu.memory_space<hbm>> -> memref<128xi32, #tpu.memory_space<hbm>>
        tpu.enqueue_dma source(%dma_start3A_76 : memref<128xi32, #tpu.memory_space<hbm>>) target(%arg7 : memref<128xi32, #tpu.memory_space<vmem>>) target_semaphore(%run_scoped3A : memref<!tpu.dma_semaphore, #tpu.memory_space<semaphore_mem>>)
        %dma_wait3A = tpu.memref_slice %arg4[%mul3A_72] : memref<320000xi32, #tpu.memory_space<hbm>> -> memref<128xi32, #tpu.memory_space<hbm>>
        %dma_wait3A_77 = tpu.memref_slice %arg4[%mul3A_72] : memref<320000xi32, #tpu.memory_space<hbm>> -> memref<128xi32, #tpu.memory_space<hbm>>
        tpu.wait_dma2 semaphore(%run_scoped3A : memref<!tpu.dma_semaphore, #tpu.memory_space<semaphore_mem>>) src(%dma_wait3A_77 : memref<128xi32, #tpu.memory_space<hbm>>) dst(%arg7 : memref<128xi32, #tpu.memory_space<vmem>>)
        tpu.yield
      }) : () -> ()
      %dma_start3A = arith.constant 0 : i32
      %dma_start3A_73 = arith.constant 0 : i32
      %dma_start3A_74 = tpu.memref_slice %arg2[%dma_start3A, %dma_start3A_73] : memref<10000x128xf32, #tpu.memory_space<hbm>> -> memref<10000x128xf32, #tpu.memory_space<hbm>>
      tpu.enqueue_indirect_dma source(%dma_start3A_74 : memref<10000x128xf32, #tpu.memory_space<hbm>>) target(%arg8 : memref<128x128xf32, #tpu.memory_space<vmem>>) offsets(%arg6 : memref<128xi32, #tpu.memory_space<vmem>>) semaphore(%arg13 : memref<!tpu.dma_semaphore, #tpu.memory_space<semaphore_mem>>)
    } else {
    }
    %while3A = arith.constant 0 : i32
    %while3A_49 = arith.constant 0 : i32
    %while3A_50 = arith.subi %select_n3A, %while3A_49 : i32
    %while3A_51 = arith.addi %while3A_49, %while3A_50 : i32
    %while3A_52 = arith.constant 1 : i32
    %while3A_53 = arith.divsi %while3A_50, %while3A_52 : i32
    %while3A_54 = arith.muli %while3A_53, %while3A_52 : i32
    %while3A_55 = arith.addi %while3A_49, %while3A_54 : i32
    %while3A_56 = arith.constant 1 : i32
    scf.for %while3A_69 = %while3A_49 to %while3A_55 step %while3A_56  : i32 {
      %and3A_70 = arith.constant 1 : i32
      %and3A_71 = arith.andi %while3A_69, %and3A_70 : i32
      %eq3A_72 = arith.constant 0 : i32
      %eq3A_73 = arith.cmpi eq, %and3A_71, %eq3A_72 : i32
      %convert_element_type3A_74 = arith.extui %eq3A_73 : i1 to i32
      %cond3A_75 = arith.constant 0 : i32
      %cond3A_76 = arith.cmpi ne, %convert_element_type3A_74, %cond3A_75 : i32
      scf.if %cond3A_76 {
        %add3A_84 = arith.constant 1 : i32
        %add3A_85 = arith.addi %while3A_69, %add3A_84 : i32
        %lt3A_86 = arith.cmpi slt, %add3A_85, %select_n3A : i32
        %convert_element_type3A_87 = arith.extui %lt3A_86 : i1 to i32
        %cond3A_88 = arith.constant 0 : i32
        %cond3A_89 = arith.cmpi ne, %convert_element_type3A_87, %cond3A_88 : i32
        scf.if %cond3A_89 {
          %add3A_92 = arith.constant 1 : i32
          %add3A_93 = arith.addi %while3A_69, %add3A_92 : i32
          %mul3A_94 = arith.constant 32 : i32
          %mul3A_95 = arith.muli %add3A_93, %mul3A_94 : i32
          %add3A_96 = arith.addi %add3A, %mul3A_95 : i32
          %mul3A_97 = arith.constant 128 : i32
          %mul3A_98 = arith.muli %add3A_96, %mul3A_97 : i32
          "tpu.region"() ({
            %run_scoped3A = tpu.sem_alloc : memref<!tpu.dma_semaphore, #tpu.memory_space<semaphore_mem>>
            %dma_start3A_101 = tpu.memref_slice %arg3[%mul3A_98] : memref<320000xi32, #tpu.memory_space<hbm>> -> memref<128xi32, #tpu.memory_space<hbm>>
            %dma_start3A_102 = tpu.memref_slice %arg3[%mul3A_98] : memref<320000xi32, #tpu.memory_space<hbm>> -> memref<128xi32, #tpu.memory_space<hbm>>
            tpu.enqueue_dma source(%dma_start3A_102 : memref<128xi32, #tpu.memory_space<hbm>>) target(%arg9 : memref<128xi32, #tpu.memory_space<vmem>>) target_semaphore(%run_scoped3A : memref<!tpu.dma_semaphore, #tpu.memory_space<semaphore_mem>>)
            %dma_wait3A_103 = tpu.memref_slice %arg3[%mul3A_98] : memref<320000xi32, #tpu.memory_space<hbm>> -> memref<128xi32, #tpu.memory_space<hbm>>
            %dma_wait3A_104 = tpu.memref_slice %arg3[%mul3A_98] : memref<320000xi32, #tpu.memory_space<hbm>> -> memref<128xi32, #tpu.memory_space<hbm>>
            tpu.wait_dma2 semaphore(%run_scoped3A : memref<!tpu.dma_semaphore, #tpu.memory_space<semaphore_mem>>) src(%dma_wait3A_104 : memref<128xi32, #tpu.memory_space<hbm>>) dst(%arg9 : memref<128xi32, #tpu.memory_space<vmem>>)
            tpu.yield
          }) : () -> ()
          "tpu.region"() ({
            %run_scoped3A = tpu.sem_alloc : memref<!tpu.dma_semaphore, #tpu.memory_space<semaphore_mem>>
            %dma_start3A_101 = tpu.memref_slice %arg4[%mul3A_98] : memref<320000xi32, #tpu.memory_space<hbm>> -> memref<128xi32, #tpu.memory_space<hbm>>
            %dma_start3A_102 = tpu.memref_slice %arg4[%mul3A_98] : memref<320000xi32, #tpu.memory_space<hbm>> -> memref<128xi32, #tpu.memory_space<hbm>>
            tpu.enqueue_dma source(%dma_start3A_102 : memref<128xi32, #tpu.memory_space<hbm>>) target(%arg10 : memref<128xi32, #tpu.memory_space<vmem>>) target_semaphore(%run_scoped3A : memref<!tpu.dma_semaphore, #tpu.memory_space<semaphore_mem>>)
            %dma_wait3A_103 = tpu.memref_slice %arg4[%mul3A_98] : memref<320000xi32, #tpu.memory_space<hbm>> -> memref<128xi32, #tpu.memory_space<hbm>>
            %dma_wait3A_104 = tpu.memref_slice %arg4[%mul3A_98] : memref<320000xi32, #tpu.memory_space<hbm>> -> memref<128xi32, #tpu.memory_space<hbm>>
            tpu.wait_dma2 semaphore(%run_scoped3A : memref<!tpu.dma_semaphore, #tpu.memory_space<semaphore_mem>>) src(%dma_wait3A_104 : memref<128xi32, #tpu.memory_space<hbm>>) dst(%arg10 : memref<128xi32, #tpu.memory_space<vmem>>)
            tpu.yield
          }) : () -> ()
          %dma_start3A = arith.constant 0 : i32
          %dma_start3A_99 = arith.constant 0 : i32
          %dma_start3A_100 = tpu.memref_slice %arg2[%dma_start3A, %dma_start3A_99] : memref<10000x128xf32, #tpu.memory_space<hbm>> -> memref<10000x128xf32, #tpu.memory_space<hbm>>
          tpu.enqueue_indirect_dma source(%dma_start3A_100 : memref<10000x128xf32, #tpu.memory_space<hbm>>) target(%arg11 : memref<128x128xf32, #tpu.memory_space<vmem>>) offsets(%arg9 : memref<128xi32, #tpu.memory_space<vmem>>) semaphore(%arg14 : memref<!tpu.dma_semaphore, #tpu.memory_space<semaphore_mem>>)
        } else {
        }
        %dma_wait3A = arith.constant 0 : i32
        %dma_wait3A_90 = arith.constant 0 : i32
        %dma_wait3A_91 = tpu.memref_slice %arg2[%dma_wait3A, %dma_wait3A_90] : memref<10000x128xf32, #tpu.memory_space<hbm>> -> memref<10000x128xf32, #tpu.memory_space<hbm>>
        tpu.wait_indirect_dma semaphore(%arg13 : memref<!tpu.dma_semaphore, #tpu.memory_space<semaphore_mem>>) src(%dma_wait3A_91 : memref<10000x128xf32, #tpu.memory_space<hbm>>) dst(%arg8 : memref<128x128xf32, #tpu.memory_space<vmem>>)
        "tpu.region"() ({
          %run_scoped3A = tpu.sem_alloc : memref<!tpu.dma_semaphore, #tpu.memory_space<semaphore_mem>>
          %dma_start3A = arith.constant 0 : i32
          %dma_start3A_92 = arith.constant 0 : i32
          %dma_start3A_93 = tpu.memref_slice %arg12[%dma_start3A, %dma_start3A_92] : memref<10000x128xf32, #tpu.memory_space<vmem_shared>> -> memref<10000x128xf32, #tpu.memory_space<vmem_shared>>
          tpu.enqueue_indirect_dma source(%arg8 : memref<128x128xf32, #tpu.memory_space<vmem>>) target(%dma_start3A_93 : memref<10000x128xf32, #tpu.memory_space<vmem_shared>>) offsets(%arg7 : memref<128xi32, #tpu.memory_space<vmem>>) semaphore(%run_scoped3A : memref<!tpu.dma_semaphore, #tpu.memory_space<semaphore_mem>>) {add = true}
          %dma_wait3A_94 = arith.constant 0 : i32
          %dma_wait3A_95 = arith.constant 0 : i32
          %dma_wait3A_96 = tpu.memref_slice %arg12[%dma_wait3A_94, %dma_wait3A_95] : memref<10000x128xf32, #tpu.memory_space<vmem_shared>> -> memref<10000x128xf32, #tpu.memory_space<vmem_shared>>
          tpu.wait_indirect_dma semaphore(%run_scoped3A : memref<!tpu.dma_semaphore, #tpu.memory_space<semaphore_mem>>) src(%arg8 : memref<128x128xf32, #tpu.memory_space<vmem>>) dst(%dma_wait3A_96 : memref<10000x128xf32, #tpu.memory_space<vmem_shared>>)
          tpu.yield
        }) : () -> ()
      } else {
      }
      %and3A_77 = arith.constant 1 : i32
      %and3A_78 = arith.andi %while3A_69, %and3A_77 : i32
      %eq3A_79 = arith.constant 1 : i32
      %eq3A_80 = arith.cmpi eq, %and3A_78, %eq3A_79 : i32
      %convert_element_type3A_81 = arith.extui %eq3A_80 : i1 to i32
      %cond3A_82 = arith.constant 0 : i32
      %cond3A_83 = arith.cmpi ne, %convert_element_type3A_81, %cond3A_82 : i32
      scf.if %cond3A_83 {
        %add3A_84 = arith.constant 1 : i32
        %add3A_85 = arith.addi %while3A_69, %add3A_84 : i32
        %lt3A_86 = arith.cmpi slt, %add3A_85, %select_n3A : i32
        %convert_element_type3A_87 = arith.extui %lt3A_86 : i1 to i32
        %cond3A_88 = arith.constant 0 : i32
        %cond3A_89 = arith.cmpi ne, %convert_element_type3A_87, %cond3A_88 : i32
        scf.if %cond3A_89 {
          %add3A_92 = arith.constant 1 : i32
          %add3A_93 = arith.addi %while3A_69, %add3A_92 : i32
          %mul3A_94 = arith.constant 32 : i32
          %mul3A_95 = arith.muli %add3A_93, %mul3A_94 : i32
          %add3A_96 = arith.addi %add3A, %mul3A_95 : i32
          %mul3A_97 = arith.constant 128 : i32
          %mul3A_98 = arith.muli %add3A_96, %mul3A_97 : i32
          "tpu.region"() ({
            %run_scoped3A = tpu.sem_alloc : memref<!tpu.dma_semaphore, #tpu.memory_space<semaphore_mem>>
            %dma_start3A_101 = tpu.memref_slice %arg3[%mul3A_98] : memref<320000xi32, #tpu.memory_space<hbm>> -> memref<128xi32, #tpu.memory_space<hbm>>
            %dma_start3A_102 = tpu.memref_slice %arg3[%mul3A_98] : memref<320000xi32, #tpu.memory_space<hbm>> -> memref<128xi32, #tpu.memory_space<hbm>>
            tpu.enqueue_dma source(%dma_start3A_102 : memref<128xi32, #tpu.memory_space<hbm>>) target(%arg6 : memref<128xi32, #tpu.memory_space<vmem>>) target_semaphore(%run_scoped3A : memref<!tpu.dma_semaphore, #tpu.memory_space<semaphore_mem>>)
            %dma_wait3A_103 = tpu.memref_slice %arg3[%mul3A_98] : memref<320000xi32, #tpu.memory_space<hbm>> -> memref<128xi32, #tpu.memory_space<hbm>>
            %dma_wait3A_104 = tpu.memref_slice %arg3[%mul3A_98] : memref<320000xi32, #tpu.memory_space<hbm>> -> memref<128xi32, #tpu.memory_space<hbm>>
            tpu.wait_dma2 semaphore(%run_scoped3A : memref<!tpu.dma_semaphore, #tpu.memory_space<semaphore_mem>>) src(%dma_wait3A_104 : memref<128xi32, #tpu.memory_space<hbm>>) dst(%arg6 : memref<128xi32, #tpu.memory_space<vmem>>)
            tpu.yield
          }) : () -> ()
          "tpu.region"() ({
            %run_scoped3A = tpu.sem_alloc : memref<!tpu.dma_semaphore, #tpu.memory_space<semaphore_mem>>
            %dma_start3A_101 = tpu.memref_slice %arg4[%mul3A_98] : memref<320000xi32, #tpu.memory_space<hbm>> -> memref<128xi32, #tpu.memory_space<hbm>>
            %dma_start3A_102 = tpu.memref_slice %arg4[%mul3A_98] : memref<320000xi32, #tpu.memory_space<hbm>> -> memref<128xi32, #tpu.memory_space<hbm>>
            tpu.enqueue_dma source(%dma_start3A_102 : memref<128xi32, #tpu.memory_space<hbm>>) target(%arg7 : memref<128xi32, #tpu.memory_space<vmem>>) target_semaphore(%run_scoped3A : memref<!tpu.dma_semaphore, #tpu.memory_space<semaphore_mem>>)
            %dma_wait3A_103 = tpu.memref_slice %arg4[%mul3A_98] : memref<320000xi32, #tpu.memory_space<hbm>> -> memref<128xi32, #tpu.memory_space<hbm>>
            %dma_wait3A_104 = tpu.memref_slice %arg4[%mul3A_98] : memref<320000xi32, #tpu.memory_space<hbm>> -> memref<128xi32, #tpu.memory_space<hbm>>
            tpu.wait_dma2 semaphore(%run_scoped3A : memref<!tpu.dma_semaphore, #tpu.memory_space<semaphore_mem>>) src(%dma_wait3A_104 : memref<128xi32, #tpu.memory_space<hbm>>) dst(%arg7 : memref<128xi32, #tpu.memory_space<vmem>>)
            tpu.yield
          }) : () -> ()
          %dma_start3A = arith.constant 0 : i32
          %dma_start3A_99 = arith.constant 0 : i32
          %dma_start3A_100 = tpu.memref_slice %arg2[%dma_start3A, %dma_start3A_99] : memref<10000x128xf32, #tpu.memory_space<hbm>> -> memref<10000x128xf32, #tpu.memory_space<hbm>>
          tpu.enqueue_indirect_dma source(%dma_start3A_100 : memref<10000x128xf32, #tpu.memory_space<hbm>>) target(%arg8 : memref<128x128xf32, #tpu.memory_space<vmem>>) offsets(%arg6 : memref<128xi32, #tpu.memory_space<vmem>>) semaphore(%arg13 : memref<!tpu.dma_semaphore, #tpu.memory_space<semaphore_mem>>)
        } else {
        }
        %dma_wait3A = arith.constant 0 : i32
        %dma_wait3A_90 = arith.constant 0 : i32
        %dma_wait3A_91 = tpu.memref_slice %arg2[%dma_wait3A, %dma_wait3A_90] : memref<10000x128xf32, #tpu.memory_space<hbm>> -> memref<10000x128xf32, #tpu.memory_space<hbm>>
        tpu.wait_indirect_dma semaphore(%arg14 : memref<!tpu.dma_semaphore, #tpu.memory_space<semaphore_mem>>) src(%dma_wait3A_91 : memref<10000x128xf32, #tpu.memory_space<hbm>>) dst(%arg11 : memref<128x128xf32, #tpu.memory_space<vmem>>)
        "tpu.region"() ({
          %run_scoped3A = tpu.sem_alloc : memref<!tpu.dma_semaphore, #tpu.memory_space<semaphore_mem>>
          %dma_start3A = arith.constant 0 : i32
          %dma_start3A_92 = arith.constant 0 : i32
          %dma_start3A_93 = tpu.memref_slice %arg12[%dma_start3A, %dma_start3A_92] : memref<10000x128xf32, #tpu.memory_space<vmem_shared>> -> memref<10000x128xf32, #tpu.memory_space<vmem_shared>>
          tpu.enqueue_indirect_dma source(%arg11 : memref<128x128xf32, #tpu.memory_space<vmem>>) target(%dma_start3A_93 : memref<10000x128xf32, #tpu.memory_space<vmem_shared>>) offsets(%arg10 : memref<128xi32, #tpu.memory_space<vmem>>) semaphore(%run_scoped3A : memref<!tpu.dma_semaphore, #tpu.memory_space<semaphore_mem>>) {add = true}
          %dma_wait3A_94 = arith.constant 0 : i32
          %dma_wait3A_95 = arith.constant 0 : i32
          %dma_wait3A_96 = tpu.memref_slice %arg12[%dma_wait3A_94, %dma_wait3A_95] : memref<10000x128xf32, #tpu.memory_space<vmem_shared>> -> memref<10000x128xf32, #tpu.memory_space<vmem_shared>>
          tpu.wait_indirect_dma semaphore(%run_scoped3A : memref<!tpu.dma_semaphore, #tpu.memory_space<semaphore_mem>>) src(%arg11 : memref<128x128xf32, #tpu.memory_space<vmem>>) dst(%dma_wait3A_96 : memref<10000x128xf32, #tpu.memory_space<vmem_shared>>)
          tpu.yield
        }) : () -> ()
      } else {
      }
    }
    %while3A_57 = arith.constant 1 : i32
    scf.for %while3A_69 = %while3A_55 to %while3A_51 step %while3A_57  : i32 {
      %and3A_70 = arith.constant 1 : i32
      %and3A_71 = arith.andi %while3A_69, %and3A_70 : i32
      %eq3A_72 = arith.constant 0 : i32
      %eq3A_73 = arith.cmpi eq, %and3A_71, %eq3A_72 : i32
      %convert_element_type3A_74 = arith.extui %eq3A_73 : i1 to i32
      %cond3A_75 = arith.constant 0 : i32
      %cond3A_76 = arith.cmpi ne, %convert_element_type3A_74, %cond3A_75 : i32
      scf.if %cond3A_76 {
        %add3A_84 = arith.constant 1 : i32
        %add3A_85 = arith.addi %while3A_69, %add3A_84 : i32
        %lt3A_86 = arith.cmpi slt, %add3A_85, %select_n3A : i32
        %convert_element_type3A_87 = arith.extui %lt3A_86 : i1 to i32
        %cond3A_88 = arith.constant 0 : i32
        %cond3A_89 = arith.cmpi ne, %convert_element_type3A_87, %cond3A_88 : i32
        scf.if %cond3A_89 {
          %add3A_92 = arith.constant 1 : i32
          %add3A_93 = arith.addi %while3A_69, %add3A_92 : i32
          %mul3A_94 = arith.constant 32 : i32
          %mul3A_95 = arith.muli %add3A_93, %mul3A_94 : i32
          %add3A_96 = arith.addi %add3A, %mul3A_95 : i32
          %mul3A_97 = arith.constant 128 : i32
          %mul3A_98 = arith.muli %add3A_96, %mul3A_97 : i32
          "tpu.region"() ({
            %run_scoped3A = tpu.sem_alloc : memref<!tpu.dma_semaphore, #tpu.memory_space<semaphore_mem>>
            %dma_start3A_101 = tpu.memref_slice %arg3[%mul3A_98] : memref<320000xi32, #tpu.memory_space<hbm>> -> memref<128xi32, #tpu.memory_space<hbm>>
            %dma_start3A_102 = tpu.memref_slice %arg3[%mul3A_98] : memref<320000xi32, #tpu.memory_space<hbm>> -> memref<128xi32, #tpu.memory_space<hbm>>
            tpu.enqueue_dma source(%dma_start3A_102 : memref<128xi32, #tpu.memory_space<hbm>>) target(%arg9 : memref<128xi32, #tpu.memory_space<vmem>>) target_semaphore(%run_scoped3A : memref<!tpu.dma_semaphore, #tpu.memory_space<semaphore_mem>>)
            %dma_wait3A_103 = tpu.memref_slice %arg3[%mul3A_98] : memref<320000xi32, #tpu.memory_space<hbm>> -> memref<128xi32, #tpu.memory_space<hbm>>
            %dma_wait3A_104 = tpu.memref_slice %arg3[%mul3A_98] : memref<320000xi32, #tpu.memory_space<hbm>> -> memref<128xi32, #tpu.memory_space<hbm>>
            tpu.wait_dma2 semaphore(%run_scoped3A : memref<!tpu.dma_semaphore, #tpu.memory_space<semaphore_mem>>) src(%dma_wait3A_104 : memref<128xi32, #tpu.memory_space<hbm>>) dst(%arg9 : memref<128xi32, #tpu.memory_space<vmem>>)
            tpu.yield
          }) : () -> ()
          "tpu.region"() ({
            %run_scoped3A = tpu.sem_alloc : memref<!tpu.dma_semaphore, #tpu.memory_space<semaphore_mem>>
            %dma_start3A_101 = tpu.memref_slice %arg4[%mul3A_98] : memref<320000xi32, #tpu.memory_space<hbm>> -> memref<128xi32, #tpu.memory_space<hbm>>
            %dma_start3A_102 = tpu.memref_slice %arg4[%mul3A_98] : memref<320000xi32, #tpu.memory_space<hbm>> -> memref<128xi32, #tpu.memory_space<hbm>>
            tpu.enqueue_dma source(%dma_start3A_102 : memref<128xi32, #tpu.memory_space<hbm>>) target(%arg10 : memref<128xi32, #tpu.memory_space<vmem>>) target_semaphore(%run_scoped3A : memref<!tpu.dma_semaphore, #tpu.memory_space<semaphore_mem>>)
            %dma_wait3A_103 = tpu.memref_slice %arg4[%mul3A_98] : memref<320000xi32, #tpu.memory_space<hbm>> -> memref<128xi32, #tpu.memory_space<hbm>>
            %dma_wait3A_104 = tpu.memref_slice %arg4[%mul3A_98] : memref<320000xi32, #tpu.memory_space<hbm>> -> memref<128xi32, #tpu.memory_space<hbm>>
            tpu.wait_dma2 semaphore(%run_scoped3A : memref<!tpu.dma_semaphore, #tpu.memory_space<semaphore_mem>>) src(%dma_wait3A_104 : memref<128xi32, #tpu.memory_space<hbm>>) dst(%arg10 : memref<128xi32, #tpu.memory_space<vmem>>)
            tpu.yield
          }) : () -> ()
          %dma_start3A = arith.constant 0 : i32
          %dma_start3A_99 = arith.constant 0 : i32
          %dma_start3A_100 = tpu.memref_slice %arg2[%dma_start3A, %dma_start3A_99] : memref<10000x128xf32, #tpu.memory_space<hbm>> -> memref<10000x128xf32, #tpu.memory_space<hbm>>
          tpu.enqueue_indirect_dma source(%dma_start3A_100 : memref<10000x128xf32, #tpu.memory_space<hbm>>) target(%arg11 : memref<128x128xf32, #tpu.memory_space<vmem>>) offsets(%arg9 : memref<128xi32, #tpu.memory_space<vmem>>) semaphore(%arg14 : memref<!tpu.dma_semaphore, #tpu.memory_space<semaphore_mem>>)
        } else {
        }
        %dma_wait3A = arith.constant 0 : i32
        %dma_wait3A_90 = arith.constant 0 : i32
        %dma_wait3A_91 = tpu.memref_slice %arg2[%dma_wait3A, %dma_wait3A_90] : memref<10000x128xf32, #tpu.memory_space<hbm>> -> memref<10000x128xf32, #tpu.memory_space<hbm>>
        tpu.wait_indirect_dma semaphore(%arg13 : memref<!tpu.dma_semaphore, #tpu.memory_space<semaphore_mem>>) src(%dma_wait3A_91 : memref<10000x128xf32, #tpu.memory_space<hbm>>) dst(%arg8 : memref<128x128xf32, #tpu.memory_space<vmem>>)
        "tpu.region"() ({
          %run_scoped3A = tpu.sem_alloc : memref<!tpu.dma_semaphore, #tpu.memory_space<semaphore_mem>>
          %dma_start3A = arith.constant 0 : i32
          %dma_start3A_92 = arith.constant 0 : i32
          %dma_start3A_93 = tpu.memref_slice %arg12[%dma_start3A, %dma_start3A_92] : memref<10000x128xf32, #tpu.memory_space<vmem_shared>> -> memref<10000x128xf32, #tpu.memory_space<vmem_shared>>
          tpu.enqueue_indirect_dma source(%arg8 : memref<128x128xf32, #tpu.memory_space<vmem>>) target(%dma_start3A_93 : memref<10000x128xf32, #tpu.memory_space<vmem_shared>>) offsets(%arg7 : memref<128xi32, #tpu.memory_space<vmem>>) semaphore(%run_scoped3A : memref<!tpu.dma_semaphore, #tpu.memory_space<semaphore_mem>>) {add = true}
          %dma_wait3A_94 = arith.constant 0 : i32
          %dma_wait3A_95 = arith.constant 0 : i32
          %dma_wait3A_96 = tpu.memref_slice %arg12[%dma_wait3A_94, %dma_wait3A_95] : memref<10000x128xf32, #tpu.memory_space<vmem_shared>> -> memref<10000x128xf32, #tpu.memory_space<vmem_shared>>
          tpu.wait_indirect_dma semaphore(%run_scoped3A : memref<!tpu.dma_semaphore, #tpu.memory_space<semaphore_mem>>) src(%arg8 : memref<128x128xf32, #tpu.memory_space<vmem>>) dst(%dma_wait3A_96 : memref<10000x128xf32, #tpu.memory_space<vmem_shared>>)
          tpu.yield
        }) : () -> ()
      } else {
      }
      %and3A_77 = arith.constant 1 : i32
      %and3A_78 = arith.andi %while3A_69, %and3A_77 : i32
      %eq3A_79 = arith.constant 1 : i32
      %eq3A_80 = arith.cmpi eq, %and3A_78, %eq3A_79 : i32
      %convert_element_type3A_81 = arith.extui %eq3A_80 : i1 to i32
      %cond3A_82 = arith.constant 0 : i32
      %cond3A_83 = arith.cmpi ne, %convert_element_type3A_81, %cond3A_82 : i32
      scf.if %cond3A_83 {
        %add3A_84 = arith.constant 1 : i32
        %add3A_85 = arith.addi %while3A_69, %add3A_84 : i32
        %lt3A_86 = arith.cmpi slt, %add3A_85, %select_n3A : i32
        %convert_element_type3A_87 = arith.extui %lt3A_86 : i1 to i32
        %cond3A_88 = arith.constant 0 : i32
        %cond3A_89 = arith.cmpi ne, %convert_element_type3A_87, %cond3A_88 : i32
        scf.if %cond3A_89 {
          %add3A_92 = arith.constant 1 : i32
          %add3A_93 = arith.addi %while3A_69, %add3A_92 : i32
          %mul3A_94 = arith.constant 32 : i32
          %mul3A_95 = arith.muli %add3A_93, %mul3A_94 : i32
          %add3A_96 = arith.addi %add3A, %mul3A_95 : i32
          %mul3A_97 = arith.constant 128 : i32
          %mul3A_98 = arith.muli %add3A_96, %mul3A_97 : i32
          "tpu.region"() ({
            %run_scoped3A = tpu.sem_alloc : memref<!tpu.dma_semaphore, #tpu.memory_space<semaphore_mem>>
            %dma_start3A_101 = tpu.memref_slice %arg3[%mul3A_98] : memref<320000xi32, #tpu.memory_space<hbm>> -> memref<128xi32, #tpu.memory_space<hbm>>
            %dma_start3A_102 = tpu.memref_slice %arg3[%mul3A_98] : memref<320000xi32, #tpu.memory_space<hbm>> -> memref<128xi32, #tpu.memory_space<hbm>>
            tpu.enqueue_dma source(%dma_start3A_102 : memref<128xi32, #tpu.memory_space<hbm>>) target(%arg6 : memref<128xi32, #tpu.memory_space<vmem>>) target_semaphore(%run_scoped3A : memref<!tpu.dma_semaphore, #tpu.memory_space<semaphore_mem>>)
            %dma_wait3A_103 = tpu.memref_slice %arg3[%mul3A_98] : memref<320000xi32, #tpu.memory_space<hbm>> -> memref<128xi32, #tpu.memory_space<hbm>>
            %dma_wait3A_104 = tpu.memref_slice %arg3[%mul3A_98] : memref<320000xi32, #tpu.memory_space<hbm>> -> memref<128xi32, #tpu.memory_space<hbm>>
            tpu.wait_dma2 semaphore(%run_scoped3A : memref<!tpu.dma_semaphore, #tpu.memory_space<semaphore_mem>>) src(%dma_wait3A_104 : memref<128xi32, #tpu.memory_space<hbm>>) dst(%arg6 : memref<128xi32, #tpu.memory_space<vmem>>)
            tpu.yield
          }) : () -> ()
          "tpu.region"() ({
            %run_scoped3A = tpu.sem_alloc : memref<!tpu.dma_semaphore, #tpu.memory_space<semaphore_mem>>
            %dma_start3A_101 = tpu.memref_slice %arg4[%mul3A_98] : memref<320000xi32, #tpu.memory_space<hbm>> -> memref<128xi32, #tpu.memory_space<hbm>>
            %dma_start3A_102 = tpu.memref_slice %arg4[%mul3A_98] : memref<320000xi32, #tpu.memory_space<hbm>> -> memref<128xi32, #tpu.memory_space<hbm>>
            tpu.enqueue_dma source(%dma_start3A_102 : memref<128xi32, #tpu.memory_space<hbm>>) target(%arg7 : memref<128xi32, #tpu.memory_space<vmem>>) target_semaphore(%run_scoped3A : memref<!tpu.dma_semaphore, #tpu.memory_space<semaphore_mem>>)
            %dma_wait3A_103 = tpu.memref_slice %arg4[%mul3A_98] : memref<320000xi32, #tpu.memory_space<hbm>> -> memref<128xi32, #tpu.memory_space<hbm>>
            %dma_wait3A_104 = tpu.memref_slice %arg4[%mul3A_98] : memref<320000xi32, #tpu.memory_space<hbm>> -> memref<128xi32, #tpu.memory_space<hbm>>
            tpu.wait_dma2 semaphore(%run_scoped3A : memref<!tpu.dma_semaphore, #tpu.memory_space<semaphore_mem>>) src(%dma_wait3A_104 : memref<128xi32, #tpu.memory_space<hbm>>) dst(%arg7 : memref<128xi32, #tpu.memory_space<vmem>>)
            tpu.yield
          }) : () -> ()
          %dma_start3A = arith.constant 0 : i32
          %dma_start3A_99 = arith.constant 0 : i32
          %dma_start3A_100 = tpu.memref_slice %arg2[%dma_start3A, %dma_start3A_99] : memref<10000x128xf32, #tpu.memory_space<hbm>> -> memref<10000x128xf32, #tpu.memory_space<hbm>>
          tpu.enqueue_indirect_dma source(%dma_start3A_100 : memref<10000x128xf32, #tpu.memory_space<hbm>>) target(%arg8 : memref<128x128xf32, #tpu.memory_space<vmem>>) offsets(%arg6 : memref<128xi32, #tpu.memory_space<vmem>>) semaphore(%arg13 : memref<!tpu.dma_semaphore, #tpu.memory_space<semaphore_mem>>)
        } else {
        }
        %dma_wait3A = arith.constant 0 : i32
        %dma_wait3A_90 = arith.constant 0 : i32
        %dma_wait3A_91 = tpu.memref_slice %arg2[%dma_wait3A, %dma_wait3A_90] : memref<10000x128xf32, #tpu.memory_space<hbm>> -> memref<10000x128xf32, #tpu.memory_space<hbm>>
        tpu.wait_indirect_dma semaphore(%arg14 : memref<!tpu.dma_semaphore, #tpu.memory_space<semaphore_mem>>) src(%dma_wait3A_91 : memref<10000x128xf32, #tpu.memory_space<hbm>>) dst(%arg11 : memref<128x128xf32, #tpu.memory_space<vmem>>)
        "tpu.region"() ({
          %run_scoped3A = tpu.sem_alloc : memref<!tpu.dma_semaphore, #tpu.memory_space<semaphore_mem>>
          %dma_start3A = arith.constant 0 : i32
          %dma_start3A_92 = arith.constant 0 : i32
          %dma_start3A_93 = tpu.memref_slice %arg12[%dma_start3A, %dma_start3A_92] : memref<10000x128xf32, #tpu.memory_space<vmem_shared>> -> memref<10000x128xf32, #tpu.memory_space<vmem_shared>>
          tpu.enqueue_indirect_dma source(%arg11 : memref<128x128xf32, #tpu.memory_space<vmem>>) target(%dma_start3A_93 : memref<10000x128xf32, #tpu.memory_space<vmem_shared>>) offsets(%arg10 : memref<128xi32, #tpu.memory_space<vmem>>) semaphore(%run_scoped3A : memref<!tpu.dma_semaphore, #tpu.memory_space<semaphore_mem>>) {add = true}
          %dma_wait3A_94 = arith.constant 0 : i32
          %dma_wait3A_95 = arith.constant 0 : i32
          %dma_wait3A_96 = tpu.memref_slice %arg12[%dma_wait3A_94, %dma_wait3A_95] : memref<10000x128xf32, #tpu.memory_space<vmem_shared>> -> memref<10000x128xf32, #tpu.memory_space<vmem_shared>>
          tpu.wait_indirect_dma semaphore(%run_scoped3A : memref<!tpu.dma_semaphore, #tpu.memory_space<semaphore_mem>>) src(%arg11 : memref<128x128xf32, #tpu.memory_space<vmem>>) dst(%dma_wait3A_96 : memref<10000x128xf32, #tpu.memory_space<vmem_shared>>)
          tpu.yield
        }) : () -> ()
      } else {
      }
    }
    %barrier3A_58 = arith.constant 0 : index
    tpu.barrier barrier_id(%barrier3A_58)
    %lt3A_59 = arith.constant 15 : i32
    %lt3A_60 = arith.cmpi slt, %arg1, %lt3A_59 : i32
    %convert_element_type3A_61 = arith.extui %lt3A_60 : i1 to i32
    %cond3A_62 = arith.constant 0 : i32
    %cond3A_63 = arith.cmpi ne, %convert_element_type3A_61, %cond3A_62 : i32
    scf.if %cond3A_63 {
      %mul3A_69 = arith.constant 632 : i32
      %mul3A_70 = arith.muli %arg1, %mul3A_69 : i32
      %mul3A_71 = arith.constant 632 : i32
      %mul3A_72 = arith.muli %arg1, %mul3A_71 : i32
      %mul3A_73 = arith.constant 10000 : i32
      %mul3A_74 = arith.muli %arg0, %mul3A_73 : i32
      %add3A_75 = arith.addi %mul3A_74, %mul3A_72 : i32
      "tpu.region"() ({
        %run_scoped3A = tpu.sem_alloc : memref<!tpu.dma_semaphore, #tpu.memory_space<semaphore_mem>>
        %dma_start3A = arith.constant 0 : i32
        %dma_start3A_76 = tpu.memref_slice %arg5[%add3A_75, %dma_start3A] : memref<20000x128xf32, #tpu.memory_space<hbm>> -> memref<632x128xf32, #tpu.memory_space<hbm>>
        %dma_start3A_77 = arith.constant 0 : i32
        %dma_start3A_78 = tpu.memref_slice %arg12[%mul3A_70, %dma_start3A_77] : memref<10000x128xf32, #tpu.memory_space<vmem_shared>> -> memref<632x128xf32, #tpu.memory_space<vmem_shared>>
        tpu.enqueue_dma source(%dma_start3A_78 : memref<632x128xf32, #tpu.memory_space<vmem_shared>>) target(%dma_start3A_76 : memref<632x128xf32, #tpu.memory_space<hbm>>) target_semaphore(%run_scoped3A : memref<!tpu.dma_semaphore, #tpu.memory_space<semaphore_mem>>)
        %dma_wait3A = arith.constant 0 : i32
        %dma_wait3A_79 = tpu.memref_slice %arg5[%add3A_75, %dma_wait3A] : memref<20000x128xf32, #tpu.memory_space<hbm>> -> memref<632x128xf32, #tpu.memory_space<hbm>>
        %dma_wait3A_80 = arith.constant 0 : i32
        %dma_wait3A_81 = tpu.memref_slice %arg12[%mul3A_70, %dma_wait3A_80] : memref<10000x128xf32, #tpu.memory_space<vmem_shared>> -> memref<632x128xf32, #tpu.memory_space<vmem_shared>>
        tpu.wait_dma2 semaphore(%run_scoped3A : memref<!tpu.dma_semaphore, #tpu.memory_space<semaphore_mem>>) src(%dma_wait3A_81 : memref<632x128xf32, #tpu.memory_space<vmem_shared>>) dst(%dma_wait3A_79 : memref<632x128xf32, #tpu.memory_space<hbm>>)
        tpu.yield
      }) : () -> ()
    } else {
    }
    %eq3A_64 = arith.constant 15 : i32
    %eq3A_65 = arith.cmpi eq, %arg1, %eq3A_64 : i32
    %convert_element_type3A_66 = arith.extui %eq3A_65 : i1 to i32
    %cond3A_67 = arith.constant 0 : i32
    %cond3A_68 = arith.cmpi ne, %convert_element_type3A_66, %cond3A_67 : i32
    scf.if %cond3A_68 {
      %mul3A_69 = arith.constant 632 : i32
      %mul3A_70 = arith.muli %arg1, %mul3A_69 : i32
      %mul3A_71 = arith.constant 632 : i32
      %mul3A_72 = arith.muli %arg1, %mul3A_71 : i32
      %mul3A_73 = arith.constant 10000 : i32
      %mul3A_74 = arith.muli %arg0, %mul3A_73 : i32
      %add3A_75 = arith.addi %mul3A_74, %mul3A_72 : i32
      "tpu.region"() ({
        %run_scoped3A = tpu.sem_alloc : memref<!tpu.dma_semaphore, #tpu.memory_space<semaphore_mem>>
        %dma_start3A = arith.constant 0 : i32
        %dma_start3A_76 = tpu.memref_slice %arg5[%add3A_75, %dma_start3A] : memref<20000x128xf32, #tpu.memory_space<hbm>> -> memref<520x128xf32, #tpu.memory_space<hbm>>
        %dma_start3A_77 = arith.constant 0 : i32
        %dma_start3A_78 = tpu.memref_slice %arg12[%mul3A_70, %dma_start3A_77] : memref<10000x128xf32, #tpu.memory_space<vmem_shared>> -> memref<520x128xf32, #tpu.memory_space<vmem_shared>>
        tpu.enqueue_dma source(%dma_start3A_78 : memref<520x128xf32, #tpu.memory_space<vmem_shared>>) target(%dma_start3A_76 : memref<520x128xf32, #tpu.memory_space<hbm>>) target_semaphore(%run_scoped3A : memref<!tpu.dma_semaphore, #tpu.memory_space<semaphore_mem>>)
        %dma_wait3A = arith.constant 0 : i32
        %dma_wait3A_79 = tpu.memref_slice %arg5[%add3A_75, %dma_wait3A] : memref<20000x128xf32, #tpu.memory_space<hbm>> -> memref<520x128xf32, #tpu.memory_space<hbm>>
        %dma_wait3A_80 = arith.constant 0 : i32
        %dma_wait3A_81 = tpu.memref_slice %arg12[%mul3A_70, %dma_wait3A_80] : memref<10000x128xf32, #tpu.memory_space<vmem_shared>> -> memref<520x128xf32, #tpu.memory_space<vmem_shared>>
        tpu.wait_dma2 semaphore(%run_scoped3A : memref<!tpu.dma_semaphore, #tpu.memory_space<semaphore_mem>>) src(%dma_wait3A_81 : memref<520x128xf32, #tpu.memory_space<vmem_shared>>) dst(%dma_wait3A_79 : memref<520x128xf32, #tpu.memory_space<hbm>>)
        tpu.yield
      }) : () -> ()
    } else {
    }
    return
  }
}

#map = affine_map<(d0, d1) -> (0, 0)>
#map1 = affine_map<(d0, d1) -> (0)>
module attributes {stable_mosaic.version = 14 : i64} {
  func.func @_sc_agg_body(%arg0: i32, %arg1: i32, %arg2: memref<10000x128xf32, #tpu.memory_space<hbm>>, %arg3: memref<320000xi32, #tpu.memory_space<hbm>>, %arg4: memref<320000xi32, #tpu.memory_space<hbm>>, %arg5: memref<20000x128xf32, #tpu.memory_space<hbm>>, %arg6: memref<128xi32, #tpu.memory_space<vmem>>, %arg7: memref<128xi32, #tpu.memory_space<vmem>>, %arg8: memref<128x128xf32, #tpu.memory_space<vmem>>, %arg9: memref<128xi32, #tpu.memory_space<vmem>>, %arg10: memref<128xi32, #tpu.memory_space<vmem>>, %arg11: memref<128x128xf32, #tpu.memory_space<vmem>>, %arg12: memref<10000x128xf32, #tpu.memory_space<vmem_shared>>, %arg13: memref<!tpu.dma_semaphore, #tpu.memory_space<semaphore_mem>>, %arg14: memref<!tpu.dma_semaphore, #tpu.memory_space<semaphore_mem>>) attributes {dimension_semantics = [#tpu.dimension_semantics<core_parallel>, #tpu.dimension_semantics<subcore_parallel>], iteration_bounds = array<i64: 2, 16>, scalar_prefetch = 0 : i64, scratch_operands = 9 : i64, tpu.core_type = #tpu.core_type<sc_vector_subcore>, window_params = [{transform_indices = #map}, {transform_indices = #map1}, {transform_indices = #map1}, {transform_indices = #map}]} {
    %mul3A = arith.constant 2 : i32
    %mul3A_0 = arith.muli %arg1, %mul3A : i32
    %add3A = arith.addi %mul3A_0, %arg0 : i32
    %broadcast_in_dim3A = arith.constant 0.000000e+00 : f32
    %broadcast_in_dim3A_1 = vector.broadcast %broadcast_in_dim3A : f32 to vector<16xf32>
    %scan3A = arith.constant 0 : i32
    %scan3A_2 = arith.constant 0 : i32
    %scan3A_3 = arith.constant 128 : i32
    %scan3A_4 = arith.addi %scan3A_2, %scan3A_3 : i32
    %scan3A_5 = arith.constant 1 : i32
    scf.for %scan3A_69 = %scan3A_2 to %scan3A_4 step %scan3A_5  : i32 {
      %swap3A = arith.index_cast %scan3A_69 : i32 to index
      %swap3A_70 = arith.constant 0 : index
      %swap3A_71 = tpu.vector_load %arg8[%swap3A, %swap3A_70] {strides = array<i32>} : memref<128x128xf32, #tpu.memory_space<vmem>>, vector<1x16xf32>,
      %swap3A_72 = vector.shape_cast %swap3A_71 : vector<1x16xf32> to vector<16xf32>
      %swap3A_73 = vector.shape_cast %broadcast_in_dim3A_1 : vector<16xf32> to vector<1x16xf32>
      tpu.vector_store %arg8[%swap3A, %swap3A_70], %swap3A_73 {strides = array<i32>} : memref<128x128xf32, #tpu.memory_space<vmem>>, vector<1x16xf32>,
      %swap3A_74 = arith.index_cast %scan3A_69 : i32 to index
      %swap3A_75 = arith.constant 16 : index
      %swap3A_76 = tpu.vector_load %arg8[%swap3A_74, %swap3A_75] {strides = array<i32>} : memref<128x128xf32, #tpu.memory_space<vmem>>, vector<1x16xf32>,
      %swap3A_77 = vector.shape_cast %swap3A_76 : vector<1x16xf32> to vector<16xf32>
      %swap3A_78 = vector.shape_cast %broadcast_in_dim3A_1 : vector<16xf32> to vector<1x16xf32>
      tpu.vector_store %arg8[%swap3A_74, %swap3A_75], %swap3A_78 {strides = array<i32>} : memref<128x128xf32, #tpu.memory_space<vmem>>, vector<1x16xf32>,
      %swap3A_79 = arith.index_cast %scan3A_69 : i32 to index
      %swap3A_80 = arith.constant 32 : index
      %swap3A_81 = tpu.vector_load %arg8[%swap3A_79, %swap3A_80] {strides = array<i32>} : memref<128x128xf32, #tpu.memory_space<vmem>>, vector<1x16xf32>,
      %swap3A_82 = vector.shape_cast %swap3A_81 : vector<1x16xf32> to vector<16xf32>
      %swap3A_83 = vector.shape_cast %broadcast_in_dim3A_1 : vector<16xf32> to vector<1x16xf32>
      tpu.vector_store %arg8[%swap3A_79, %swap3A_80], %swap3A_83 {strides = array<i32>} : memref<128x128xf32, #tpu.memory_space<vmem>>, vector<1x16xf32>,
      %swap3A_84 = arith.index_cast %scan3A_69 : i32 to index
      %swap3A_85 = arith.constant 48 : index
      %swap3A_86 = tpu.vector_load %arg8[%swap3A_84, %swap3A_85] {strides = array<i32>} : memref<128x128xf32, #tpu.memory_space<vmem>>, vector<1x16xf32>,
      %swap3A_87 = vector.shape_cast %swap3A_86 : vector<1x16xf32> to vector<16xf32>
      %swap3A_88 = vector.shape_cast %broadcast_in_dim3A_1 : vector<16xf32> to vector<1x16xf32>
      tpu.vector_store %arg8[%swap3A_84, %swap3A_85], %swap3A_88 {strides = array<i32>} : memref<128x128xf32, #tpu.memory_space<vmem>>, vector<1x16xf32>,
      %swap3A_89 = arith.index_cast %scan3A_69 : i32 to index
      %swap3A_90 = arith.constant 64 : index
      %swap3A_91 = tpu.vector_load %arg8[%swap3A_89, %swap3A_90] {strides = array<i32>} : memref<128x128xf32, #tpu.memory_space<vmem>>, vector<1x16xf32>,
      %swap3A_92 = vector.shape_cast %swap3A_91 : vector<1x16xf32> to vector<16xf32>
      %swap3A_93 = vector.shape_cast %broadcast_in_dim3A_1 : vector<16xf32> to vector<1x16xf32>
      tpu.vector_store %arg8[%swap3A_89, %swap3A_90], %swap3A_93 {strides = array<i32>} : memref<128x128xf32, #tpu.memory_space<vmem>>, vector<1x16xf32>,
      %swap3A_94 = arith.index_cast %scan3A_69 : i32 to index
      %swap3A_95 = arith.constant 80 : index
      %swap3A_96 = tpu.vector_load %arg8[%swap3A_94, %swap3A_95] {strides = array<i32>} : memref<128x128xf32, #tpu.memory_space<vmem>>, vector<1x16xf32>,
      %swap3A_97 = vector.shape_cast %swap3A_96 : vector<1x16xf32> to vector<16xf32>
      %swap3A_98 = vector.shape_cast %broadcast_in_dim3A_1 : vector<16xf32> to vector<1x16xf32>
      tpu.vector_store %arg8[%swap3A_94, %swap3A_95], %swap3A_98 {strides = array<i32>} : memref<128x128xf32, #tpu.memory_space<vmem>>, vector<1x16xf32>,
      %swap3A_99 = arith.index_cast %scan3A_69 : i32 to index
      %swap3A_100 = arith.constant 96 : index
      %swap3A_101 = tpu.vector_load %arg8[%swap3A_99, %swap3A_100] {strides = array<i32>} : memref<128x128xf32, #tpu.memory_space<vmem>>, vector<1x16xf32>,
      %swap3A_102 = vector.shape_cast %swap3A_101 : vector<1x16xf32> to vector<16xf32>
      %swap3A_103 = vector.shape_cast %broadcast_in_dim3A_1 : vector<16xf32> to vector<1x16xf32>
      tpu.vector_store %arg8[%swap3A_99, %swap3A_100], %swap3A_103 {strides = array<i32>} : memref<128x128xf32, #tpu.memory_space<vmem>>, vector<1x16xf32>,
      %swap3A_104 = arith.index_cast %scan3A_69 : i32 to index
      %swap3A_105 = arith.constant 112 : index
      %swap3A_106 = tpu.vector_load %arg8[%swap3A_104, %swap3A_105] {strides = array<i32>} : memref<128x128xf32, #tpu.memory_space<vmem>>, vector<1x16xf32>,
      %swap3A_107 = vector.shape_cast %swap3A_106 : vector<1x16xf32> to vector<16xf32>
      %swap3A_108 = vector.shape_cast %broadcast_in_dim3A_1 : vector<16xf32> to vector<1x16xf32>
      tpu.vector_store %arg8[%swap3A_104, %swap3A_105], %swap3A_108 {strides = array<i32>} : memref<128x128xf32, #tpu.memory_space<vmem>>, vector<1x16xf32>,
    }
    %scan3A_6 = arith.constant 128 : i32
    %mul3A_7 = arith.constant 632 : i32
    %mul3A_8 = arith.muli %arg1, %mul3A_7 : i32
    %add3A_9 = arith.constant 0 : i32
    %add3A_10 = arith.addi %mul3A_8, %add3A_9 : i32
    "tpu.region"() ({
      %run_scoped3A = tpu.sem_alloc : memref<!tpu.dma_semaphore, #tpu.memory_space<semaphore_mem>>
      %dma_start3A = arith.constant 0 : i32
      %dma_start3A_69 = tpu.memref_slice %arg12[%add3A_10, %dma_start3A] : memref<10000x128xf32, #tpu.memory_space<vmem_shared>> -> memref<128x128xf32, #tpu.memory_space<vmem_shared>>
      %dma_start3A_70 = arith.constant 0 : i32
      %dma_start3A_71 = tpu.memref_slice %arg12[%add3A_10, %dma_start3A_70] : memref<10000x128xf32, #tpu.memory_space<vmem_shared>> -> memref<128x128xf32, #tpu.memory_space<vmem_shared>>
      tpu.enqueue_dma source(%arg8 : memref<128x128xf32, #tpu.memory_space<vmem>>) target(%dma_start3A_71 : memref<128x128xf32, #tpu.memory_space<vmem_shared>>) target_semaphore(%run_scoped3A : memref<!tpu.dma_semaphore, #tpu.memory_space<semaphore_mem>>)
      %dma_wait3A = arith.constant 0 : i32
      %dma_wait3A_72 = tpu.memref_slice %arg12[%add3A_10, %dma_wait3A] : memref<10000x128xf32, #tpu.memory_space<vmem_shared>> -> memref<128x128xf32, #tpu.memory_space<vmem_shared>>
      %dma_wait3A_73 = arith.constant 0 : i32
      %dma_wait3A_74 = tpu.memref_slice %arg12[%add3A_10, %dma_wait3A_73] : memref<10000x128xf32, #tpu.memory_space<vmem_shared>> -> memref<128x128xf32, #tpu.memory_space<vmem_shared>>
      tpu.wait_dma2 semaphore(%run_scoped3A : memref<!tpu.dma_semaphore, #tpu.memory_space<semaphore_mem>>) src(%arg8 : memref<128x128xf32, #tpu.memory_space<vmem>>) dst(%dma_wait3A_74 : memref<128x128xf32, #tpu.memory_space<vmem_shared>>)
      tpu.yield
    }) : () -> ()
    %add3A_11 = arith.constant 128 : i32
    %add3A_12 = arith.addi %mul3A_8, %add3A_11 : i32
    "tpu.region"() ({
      %run_scoped3A = tpu.sem_alloc : memref<!tpu.dma_semaphore, #tpu.memory_space<semaphore_mem>>
      %dma_start3A = arith.constant 0 : i32
      %dma_start3A_69 = tpu.memref_slice %arg12[%add3A_12, %dma_start3A] : memref<10000x128xf32, #tpu.memory_space<vmem_shared>> -> memref<128x128xf32, #tpu.memory_space<vmem_shared>>
      %dma_start3A_70 = arith.constant 0 : i32
      %dma_start3A_71 = tpu.memref_slice %arg12[%add3A_12, %dma_start3A_70] : memref<10000x128xf32, #tpu.memory_space<vmem_shared>> -> memref<128x128xf32, #tpu.memory_space<vmem_shared>>
      tpu.enqueue_dma source(%arg8 : memref<128x128xf32, #tpu.memory_space<vmem>>) target(%dma_start3A_71 : memref<128x128xf32, #tpu.memory_space<vmem_shared>>) target_semaphore(%run_scoped3A : memref<!tpu.dma_semaphore, #tpu.memory_space<semaphore_mem>>)
      %dma_wait3A = arith.constant 0 : i32
      %dma_wait3A_72 = tpu.memref_slice %arg12[%add3A_12, %dma_wait3A] : memref<10000x128xf32, #tpu.memory_space<vmem_shared>> -> memref<128x128xf32, #tpu.memory_space<vmem_shared>>
      %dma_wait3A_73 = arith.constant 0 : i32
      %dma_wait3A_74 = tpu.memref_slice %arg12[%add3A_12, %dma_wait3A_73] : memref<10000x128xf32, #tpu.memory_space<vmem_shared>> -> memref<128x128xf32, #tpu.memory_space<vmem_shared>>
      tpu.wait_dma2 semaphore(%run_scoped3A : memref<!tpu.dma_semaphore, #tpu.memory_space<semaphore_mem>>) src(%arg8 : memref<128x128xf32, #tpu.memory_space<vmem>>) dst(%dma_wait3A_74 : memref<128x128xf32, #tpu.memory_space<vmem_shared>>)
      tpu.yield
    }) : () -> ()
    %add3A_13 = arith.constant 256 : i32
    %add3A_14 = arith.addi %mul3A_8, %add3A_13 : i32
    "tpu.region"() ({
      %run_scoped3A = tpu.sem_alloc : memref<!tpu.dma_semaphore, #tpu.memory_space<semaphore_mem>>
      %dma_start3A = arith.constant 0 : i32
      %dma_start3A_69 = tpu.memref_slice %arg12[%add3A_14, %dma_start3A] : memref<10000x128xf32, #tpu.memory_space<vmem_shared>> -> memref<128x128xf32, #tpu.memory_space<vmem_shared>>
      %dma_start3A_70 = arith.constant 0 : i32
      %dma_start3A_71 = tpu.memref_slice %arg12[%add3A_14, %dma_start3A_70] : memref<10000x128xf32, #tpu.memory_space<vmem_shared>> -> memref<128x128xf32, #tpu.memory_space<vmem_shared>>
      tpu.enqueue_dma source(%arg8 : memref<128x128xf32, #tpu.memory_space<vmem>>) target(%dma_start3A_71 : memref<128x128xf32, #tpu.memory_space<vmem_shared>>) target_semaphore(%run_scoped3A : memref<!tpu.dma_semaphore, #tpu.memory_space<semaphore_mem>>)
      %dma_wait3A = arith.constant 0 : i32
      %dma_wait3A_72 = tpu.memref_slice %arg12[%add3A_14, %dma_wait3A] : memref<10000x128xf32, #tpu.memory_space<vmem_shared>> -> memref<128x128xf32, #tpu.memory_space<vmem_shared>>
      %dma_wait3A_73 = arith.constant 0 : i32
      %dma_wait3A_74 = tpu.memref_slice %arg12[%add3A_14, %dma_wait3A_73] : memref<10000x128xf32, #tpu.memory_space<vmem_shared>> -> memref<128x128xf32, #tpu.memory_space<vmem_shared>>
      tpu.wait_dma2 semaphore(%run_scoped3A : memref<!tpu.dma_semaphore, #tpu.memory_space<semaphore_mem>>) src(%arg8 : memref<128x128xf32, #tpu.memory_space<vmem>>) dst(%dma_wait3A_74 : memref<128x128xf32, #tpu.memory_space<vmem_shared>>)
      tpu.yield
    }) : () -> ()
    %add3A_15 = arith.constant 384 : i32
    %add3A_16 = arith.addi %mul3A_8, %add3A_15 : i32
    "tpu.region"() ({
      %run_scoped3A = tpu.sem_alloc : memref<!tpu.dma_semaphore, #tpu.memory_space<semaphore_mem>>
      %dma_start3A = arith.constant 0 : i32
      %dma_start3A_69 = tpu.memref_slice %arg12[%add3A_16, %dma_start3A] : memref<10000x128xf32, #tpu.memory_space<vmem_shared>> -> memref<128x128xf32, #tpu.memory_space<vmem_shared>>
      %dma_start3A_70 = arith.constant 0 : i32
      %dma_start3A_71 = tpu.memref_slice %arg12[%add3A_16, %dma_start3A_70] : memref<10000x128xf32, #tpu.memory_space<vmem_shared>> -> memref<128x128xf32, #tpu.memory_space<vmem_shared>>
      tpu.enqueue_dma source(%arg8 : memref<128x128xf32, #tpu.memory_space<vmem>>) target(%dma_start3A_71 : memref<128x128xf32, #tpu.memory_space<vmem_shared>>) target_semaphore(%run_scoped3A : memref<!tpu.dma_semaphore, #tpu.memory_space<semaphore_mem>>)
      %dma_wait3A = arith.constant 0 : i32
      %dma_wait3A_72 = tpu.memref_slice %arg12[%add3A_16, %dma_wait3A] : memref<10000x128xf32, #tpu.memory_space<vmem_shared>> -> memref<128x128xf32, #tpu.memory_space<vmem_shared>>
      %dma_wait3A_73 = arith.constant 0 : i32
      %dma_wait3A_74 = tpu.memref_slice %arg12[%add3A_16, %dma_wait3A_73] : memref<10000x128xf32, #tpu.memory_space<vmem_shared>> -> memref<128x128xf32, #tpu.memory_space<vmem_shared>>
      tpu.wait_dma2 semaphore(%run_scoped3A : memref<!tpu.dma_semaphore, #tpu.memory_space<semaphore_mem>>) src(%arg8 : memref<128x128xf32, #tpu.memory_space<vmem>>) dst(%dma_wait3A_74 : memref<128x128xf32, #tpu.memory_space<vmem_shared>>)
      tpu.yield
    }) : () -> ()
    %lt3A = arith.constant 15 : i32
    %lt3A_17 = arith.cmpi slt, %arg1, %lt3A : i32
    %convert_element_type3A = arith.extui %lt3A_17 : i1 to i32
    %cond3A = arith.constant 0 : i32
    %cond3A_18 = arith.cmpi ne, %convert_element_type3A, %cond3A : i32
    scf.if %cond3A_18 {
      %add3A_69 = arith.constant 512 : i32
      %add3A_70 = arith.addi %mul3A_8, %add3A_69 : i32
      "tpu.region"() ({
        %run_scoped3A = tpu.sem_alloc : memref<!tpu.dma_semaphore, #tpu.memory_space<semaphore_mem>>
        %dma_start3A = arith.constant 0 : i32
        %dma_start3A_71 = arith.constant 0 : i32
        %dma_start3A_72 = tpu.memref_slice %arg8[%dma_start3A, %dma_start3A_71] : memref<128x128xf32, #tpu.memory_space<vmem>> -> memref<120x128xf32, #tpu.memory_space<vmem>>
        %dma_start3A_73 = arith.constant 0 : i32
        %dma_start3A_74 = tpu.memref_slice %arg12[%add3A_70, %dma_start3A_73] : memref<10000x128xf32, #tpu.memory_space<vmem_shared>> -> memref<120x128xf32, #tpu.memory_space<vmem_shared>>
        %dma_start3A_75 = arith.constant 0 : i32
        %dma_start3A_76 = tpu.memref_slice %arg12[%add3A_70, %dma_start3A_75] : memref<10000x128xf32, #tpu.memory_space<vmem_shared>> -> memref<120x128xf32, #tpu.memory_space<vmem_shared>>
        %dma_start3A_77 = arith.constant 0 : i32
        %dma_start3A_78 = arith.constant 0 : i32
        %dma_start3A_79 = tpu.memref_slice %arg8[%dma_start3A_77, %dma_start3A_78] : memref<128x128xf32, #tpu.memory_space<vmem>> -> memref<120x128xf32, #tpu.memory_space<vmem>>
        tpu.enqueue_dma source(%dma_start3A_79 : memref<120x128xf32, #tpu.memory_space<vmem>>) target(%dma_start3A_76 : memref<120x128xf32, #tpu.memory_space<vmem_shared>>) target_semaphore(%run_scoped3A : memref<!tpu.dma_semaphore, #tpu.memory_space<semaphore_mem>>)
        %dma_wait3A = arith.constant 0 : i32
        %dma_wait3A_80 = arith.constant 0 : i32
        %dma_wait3A_81 = tpu.memref_slice %arg8[%dma_wait3A, %dma_wait3A_80] : memref<128x128xf32, #tpu.memory_space<vmem>> -> memref<120x128xf32, #tpu.memory_space<vmem>>
        %dma_wait3A_82 = arith.constant 0 : i32
        %dma_wait3A_83 = tpu.memref_slice %arg12[%add3A_70, %dma_wait3A_82] : memref<10000x128xf32, #tpu.memory_space<vmem_shared>> -> memref<120x128xf32, #tpu.memory_space<vmem_shared>>
        %dma_wait3A_84 = arith.constant 0 : i32
        %dma_wait3A_85 = tpu.memref_slice %arg12[%add3A_70, %dma_wait3A_84] : memref<10000x128xf32, #tpu.memory_space<vmem_shared>> -> memref<120x128xf32, #tpu.memory_space<vmem_shared>>
        %dma_wait3A_86 = arith.constant 0 : i32
        %dma_wait3A_87 = arith.constant 0 : i32
        %dma_wait3A_88 = tpu.memref_slice %arg8[%dma_wait3A_86, %dma_wait3A_87] : memref<128x128xf32, #tpu.memory_space<vmem>> -> memref<120x128xf32, #tpu.memory_space<vmem>>
        tpu.wait_dma2 semaphore(%run_scoped3A : memref<!tpu.dma_semaphore, #tpu.memory_space<semaphore_mem>>) src(%dma_wait3A_88 : memref<120x128xf32, #tpu.memory_space<vmem>>) dst(%dma_wait3A_85 : memref<120x128xf32, #tpu.memory_space<vmem_shared>>)
        tpu.yield
      }) : () -> ()
    } else {
    }
    %eq3A = arith.constant 15 : i32
    %eq3A_19 = arith.cmpi eq, %arg1, %eq3A : i32
    %convert_element_type3A_20 = arith.extui %eq3A_19 : i1 to i32
    %cond3A_21 = arith.constant 0 : i32
    %cond3A_22 = arith.cmpi ne, %convert_element_type3A_20, %cond3A_21 : i32
    scf.if %cond3A_22 {
      %add3A_69 = arith.constant 512 : i32
      %add3A_70 = arith.addi %mul3A_8, %add3A_69 : i32
      "tpu.region"() ({
        %run_scoped3A = tpu.sem_alloc : memref<!tpu.dma_semaphore, #tpu.memory_space<semaphore_mem>>
        %dma_start3A = arith.constant 0 : i32
        %dma_start3A_71 = arith.constant 0 : i32
        %dma_start3A_72 = tpu.memref_slice %arg8[%dma_start3A, %dma_start3A_71] : memref<128x128xf32, #tpu.memory_space<vmem>> -> memref<8x128xf32, #tpu.memory_space<vmem>>
        %dma_start3A_73 = arith.constant 0 : i32
        %dma_start3A_74 = tpu.memref_slice %arg12[%add3A_70, %dma_start3A_73] : memref<10000x128xf32, #tpu.memory_space<vmem_shared>> -> memref<8x128xf32, #tpu.memory_space<vmem_shared>>
        %dma_start3A_75 = arith.constant 0 : i32
        %dma_start3A_76 = tpu.memref_slice %arg12[%add3A_70, %dma_start3A_75] : memref<10000x128xf32, #tpu.memory_space<vmem_shared>> -> memref<8x128xf32, #tpu.memory_space<vmem_shared>>
        %dma_start3A_77 = arith.constant 0 : i32
        %dma_start3A_78 = arith.constant 0 : i32
        %dma_start3A_79 = tpu.memref_slice %arg8[%dma_start3A_77, %dma_start3A_78] : memref<128x128xf32, #tpu.memory_space<vmem>> -> memref<8x128xf32, #tpu.memory_space<vmem>>
        tpu.enqueue_dma source(%dma_start3A_79 : memref<8x128xf32, #tpu.memory_space<vmem>>) target(%dma_start3A_76 : memref<8x128xf32, #tpu.memory_space<vmem_shared>>) target_semaphore(%run_scoped3A : memref<!tpu.dma_semaphore, #tpu.memory_space<semaphore_mem>>)
        %dma_wait3A = arith.constant 0 : i32
        %dma_wait3A_80 = arith.constant 0 : i32
        %dma_wait3A_81 = tpu.memref_slice %arg8[%dma_wait3A, %dma_wait3A_80] : memref<128x128xf32, #tpu.memory_space<vmem>> -> memref<8x128xf32, #tpu.memory_space<vmem>>
        %dma_wait3A_82 = arith.constant 0 : i32
        %dma_wait3A_83 = tpu.memref_slice %arg12[%add3A_70, %dma_wait3A_82] : memref<10000x128xf32, #tpu.memory_space<vmem_shared>> -> memref<8x128xf32, #tpu.memory_space<vmem_shared>>
        %dma_wait3A_84 = arith.constant 0 : i32
        %dma_wait3A_85 = tpu.memref_slice %arg12[%add3A_70, %dma_wait3A_84] : memref<10000x128xf32, #tpu.memory_space<vmem_shared>> -> memref<8x128xf32, #tpu.memory_space<vmem_shared>>
        %dma_wait3A_86 = arith.constant 0 : i32
        %dma_wait3A_87 = arith.constant 0 : i32
        %dma_wait3A_88 = tpu.memref_slice %arg8[%dma_wait3A_86, %dma_wait3A_87] : memref<128x128xf32, #tpu.memory_space<vmem>> -> memref<8x128xf32, #tpu.memory_space<vmem>>
        tpu.wait_dma2 semaphore(%run_scoped3A : memref<!tpu.dma_semaphore, #tpu.memory_space<semaphore_mem>>) src(%dma_wait3A_88 : memref<8x128xf32, #tpu.memory_space<vmem>>) dst(%dma_wait3A_85 : memref<8x128xf32, #tpu.memory_space<vmem_shared>>)
        tpu.yield
      }) : () -> ()
    } else {
    }
    %barrier3A = arith.constant 0 : index
    tpu.barrier barrier_id(%barrier3A)
    %sub3A = arith.constant 2500 : i32
    %sub3A_23 = arith.subi %sub3A, %add3A : i32
    %add3A_24 = arith.constant 32 : i32
    %add3A_25 = arith.addi %sub3A_23, %add3A_24 : i32
    %sub3A_26 = arith.constant 1 : i32
    %sub3A_27 = arith.subi %add3A_25, %sub3A_26 : i32
    %jit3A = arith.constant 32 : i32
    %div3A = arith.divsi %sub3A_27, %jit3A : i32
    %sign3A = arith.constant 0 : i32
    %sign3A_28 = arith.cmpi sgt, %sub3A_27, %sign3A : i32
    %sign3A_29 = arith.extui %sign3A_28 : i1 to i32
    %sign3A_30 = arith.constant 0 : i32
    %sign3A_31 = arith.cmpi slt, %sub3A_27, %sign3A_30 : i32
    %sign3A_32 = arith.extui %sign3A_31 : i1 to i32
    %sign3A_33 = arith.subi %sign3A_29, %sign3A_32 : i32
    %sign3A_34 = arith.constant 0 : i32
    %sign3A_35 = arith.cmpi sgt, %jit3A, %sign3A_34 : i32
    %sign3A_36 = arith.extui %sign3A_35 : i1 to i32
    %sign3A_37 = arith.constant 0 : i32
    %sign3A_38 = arith.cmpi slt, %jit3A, %sign3A_37 : i32
    %sign3A_39 = arith.extui %sign3A_38 : i1 to i32
    %sign3A_40 = arith.subi %sign3A_36, %sign3A_39 : i32
    %ne3A = arith.cmpi ne, %sign3A_33, %sign3A_40 : i32
    %rem3A = arith.remsi %sub3A_27, %jit3A : i32
    %ne3A_41 = arith.constant 0 : i32
    %ne3A_42 = arith.cmpi ne, %rem3A, %ne3A_41 : i32
    %and3A = arith.andi %ne3A, %ne3A_42 : i1
    %sub3A_43 = arith.constant 1 : i32
    %sub3A_44 = arith.subi %div3A, %sub3A_43 : i32
    %select_n3A = arith.select %and3A, %sub3A_44, %div3A : i32
    %gt3A = arith.constant 0 : i32
    %gt3A_45 = arith.cmpi sgt, %select_n3A, %gt3A : i32
    %convert_element_type3A_46 = arith.extui %gt3A_45 : i1 to i32
    %cond3A_47 = arith.constant 0 : i32
    %cond3A_48 = arith.cmpi ne, %convert_element_type3A_46, %cond3A_47 : i32
    scf.if %cond3A_48 {
      %add3A_69 = arith.constant 0 : i32
      %add3A_70 = arith.addi %add3A, %add3A_69 : i32
      %mul3A_71 = arith.constant 128 : i32
      %mul3A_72 = arith.muli %add3A_70, %mul3A_71 : i32
      "tpu.region"() ({
        %run_scoped3A = tpu.sem_alloc : memref<!tpu.dma_semaphore, #tpu.memory_space<semaphore_mem>>
        %dma_start3A_75 = tpu.memref_slice %arg3[%mul3A_72] : memref<320000xi32, #tpu.memory_space<hbm>> -> memref<128xi32, #tpu.memory_space<hbm>>
        %dma_start3A_76 = tpu.memref_slice %arg3[%mul3A_72] : memref<320000xi32, #tpu.memory_space<hbm>> -> memref<128xi32, #tpu.memory_space<hbm>>
        tpu.enqueue_dma source(%dma_start3A_76 : memref<128xi32, #tpu.memory_space<hbm>>) target(%arg6 : memref<128xi32, #tpu.memory_space<vmem>>) target_semaphore(%run_scoped3A : memref<!tpu.dma_semaphore, #tpu.memory_space<semaphore_mem>>)
        %dma_wait3A = tpu.memref_slice %arg3[%mul3A_72] : memref<320000xi32, #tpu.memory_space<hbm>> -> memref<128xi32, #tpu.memory_space<hbm>>
        %dma_wait3A_77 = tpu.memref_slice %arg3[%mul3A_72] : memref<320000xi32, #tpu.memory_space<hbm>> -> memref<128xi32, #tpu.memory_space<hbm>>
        tpu.wait_dma2 semaphore(%run_scoped3A : memref<!tpu.dma_semaphore, #tpu.memory_space<semaphore_mem>>) src(%dma_wait3A_77 : memref<128xi32, #tpu.memory_space<hbm>>) dst(%arg6 : memref<128xi32, #tpu.memory_space<vmem>>)
        tpu.yield
      }) : () -> ()
      "tpu.region"() ({
        %run_scoped3A = tpu.sem_alloc : memref<!tpu.dma_semaphore, #tpu.memory_space<semaphore_mem>>
        %dma_start3A_75 = tpu.memref_slice %arg4[%mul3A_72] : memref<320000xi32, #tpu.memory_space<hbm>> -> memref<128xi32, #tpu.memory_space<hbm>>
        %dma_start3A_76 = tpu.memref_slice %arg4[%mul3A_72] : memref<320000xi32, #tpu.memory_space<hbm>> -> memref<128xi32, #tpu.memory_space<hbm>>
        tpu.enqueue_dma source(%dma_start3A_76 : memref<128xi32, #tpu.memory_space<hbm>>) target(%arg7 : memref<128xi32, #tpu.memory_space<vmem>>) target_semaphore(%run_scoped3A : memref<!tpu.dma_semaphore, #tpu.memory_space<semaphore_mem>>)
        %dma_wait3A = tpu.memref_slice %arg4[%mul3A_72] : memref<320000xi32, #tpu.memory_space<hbm>> -> memref<128xi32, #tpu.memory_space<hbm>>
        %dma_wait3A_77 = tpu.memref_slice %arg4[%mul3A_72] : memref<320000xi32, #tpu.memory_space<hbm>> -> memref<128xi32, #tpu.memory_space<hbm>>
        tpu.wait_dma2 semaphore(%run_scoped3A : memref<!tpu.dma_semaphore, #tpu.memory_space<semaphore_mem>>) src(%dma_wait3A_77 : memref<128xi32, #tpu.memory_space<hbm>>) dst(%arg7 : memref<128xi32, #tpu.memory_space<vmem>>)
        tpu.yield
      }) : () -> ()
      %dma_start3A = arith.constant 0 : i32
      %dma_start3A_73 = arith.constant 0 : i32
      %dma_start3A_74 = tpu.memref_slice %arg2[%dma_start3A, %dma_start3A_73] : memref<10000x128xf32, #tpu.memory_space<hbm>> -> memref<10000x128xf32, #tpu.memory_space<hbm>>
      tpu.enqueue_indirect_dma source(%dma_start3A_74 : memref<10000x128xf32, #tpu.memory_space<hbm>>) target(%arg8 : memref<128x128xf32, #tpu.memory_space<vmem>>) offsets(%arg6 : memref<128xi32, #tpu.memory_space<vmem>>) semaphore(%arg13 : memref<!tpu.dma_semaphore, #tpu.memory_space<semaphore_mem>>)
    } else {
    }
    %while3A = arith.constant 0 : i32
    %while3A_49 = arith.constant 0 : i32
    %while3A_50 = arith.subi %select_n3A, %while3A_49 : i32
    %while3A_51 = arith.addi %while3A_49, %while3A_50 : i32
    %while3A_52 = arith.constant 1 : i32
    %while3A_53 = arith.divsi %while3A_50, %while3A_52 : i32
    %while3A_54 = arith.muli %while3A_53, %while3A_52 : i32
    %while3A_55 = arith.addi %while3A_49, %while3A_54 : i32
    %while3A_56 = arith.constant 1 : i32
    scf.for %while3A_69 = %while3A_49 to %while3A_55 step %while3A_56  : i32 {
      %and3A_70 = arith.constant 1 : i32
      %and3A_71 = arith.andi %while3A_69, %and3A_70 : i32
      %eq3A_72 = arith.constant 0 : i32
      %eq3A_73 = arith.cmpi eq, %and3A_71, %eq3A_72 : i32
      %convert_element_type3A_74 = arith.extui %eq3A_73 : i1 to i32
      %cond3A_75 = arith.constant 0 : i32
      %cond3A_76 = arith.cmpi ne, %convert_element_type3A_74, %cond3A_75 : i32
      scf.if %cond3A_76 {
        %add3A_84 = arith.constant 1 : i32
        %add3A_85 = arith.addi %while3A_69, %add3A_84 : i32
        %lt3A_86 = arith.cmpi slt, %add3A_85, %select_n3A : i32
        %convert_element_type3A_87 = arith.extui %lt3A_86 : i1 to i32
        %cond3A_88 = arith.constant 0 : i32
        %cond3A_89 = arith.cmpi ne, %convert_element_type3A_87, %cond3A_88 : i32
        scf.if %cond3A_89 {
          %add3A_92 = arith.constant 1 : i32
          %add3A_93 = arith.addi %while3A_69, %add3A_92 : i32
          %mul3A_94 = arith.constant 32 : i32
          %mul3A_95 = arith.muli %add3A_93, %mul3A_94 : i32
          %add3A_96 = arith.addi %add3A, %mul3A_95 : i32
          %mul3A_97 = arith.constant 128 : i32
          %mul3A_98 = arith.muli %add3A_96, %mul3A_97 : i32
          "tpu.region"() ({
            %run_scoped3A = tpu.sem_alloc : memref<!tpu.dma_semaphore, #tpu.memory_space<semaphore_mem>>
            %dma_start3A_101 = tpu.memref_slice %arg3[%mul3A_98] : memref<320000xi32, #tpu.memory_space<hbm>> -> memref<128xi32, #tpu.memory_space<hbm>>
            %dma_start3A_102 = tpu.memref_slice %arg3[%mul3A_98] : memref<320000xi32, #tpu.memory_space<hbm>> -> memref<128xi32, #tpu.memory_space<hbm>>
            tpu.enqueue_dma source(%dma_start3A_102 : memref<128xi32, #tpu.memory_space<hbm>>) target(%arg9 : memref<128xi32, #tpu.memory_space<vmem>>) target_semaphore(%run_scoped3A : memref<!tpu.dma_semaphore, #tpu.memory_space<semaphore_mem>>)
            %dma_wait3A_103 = tpu.memref_slice %arg3[%mul3A_98] : memref<320000xi32, #tpu.memory_space<hbm>> -> memref<128xi32, #tpu.memory_space<hbm>>
            %dma_wait3A_104 = tpu.memref_slice %arg3[%mul3A_98] : memref<320000xi32, #tpu.memory_space<hbm>> -> memref<128xi32, #tpu.memory_space<hbm>>
            tpu.wait_dma2 semaphore(%run_scoped3A : memref<!tpu.dma_semaphore, #tpu.memory_space<semaphore_mem>>) src(%dma_wait3A_104 : memref<128xi32, #tpu.memory_space<hbm>>) dst(%arg9 : memref<128xi32, #tpu.memory_space<vmem>>)
            tpu.yield
          }) : () -> ()
          "tpu.region"() ({
            %run_scoped3A = tpu.sem_alloc : memref<!tpu.dma_semaphore, #tpu.memory_space<semaphore_mem>>
            %dma_start3A_101 = tpu.memref_slice %arg4[%mul3A_98] : memref<320000xi32, #tpu.memory_space<hbm>> -> memref<128xi32, #tpu.memory_space<hbm>>
            %dma_start3A_102 = tpu.memref_slice %arg4[%mul3A_98] : memref<320000xi32, #tpu.memory_space<hbm>> -> memref<128xi32, #tpu.memory_space<hbm>>
            tpu.enqueue_dma source(%dma_start3A_102 : memref<128xi32, #tpu.memory_space<hbm>>) target(%arg10 : memref<128xi32, #tpu.memory_space<vmem>>) target_semaphore(%run_scoped3A : memref<!tpu.dma_semaphore, #tpu.memory_space<semaphore_mem>>)
            %dma_wait3A_103 = tpu.memref_slice %arg4[%mul3A_98] : memref<320000xi32, #tpu.memory_space<hbm>> -> memref<128xi32, #tpu.memory_space<hbm>>
            %dma_wait3A_104 = tpu.memref_slice %arg4[%mul3A_98] : memref<320000xi32, #tpu.memory_space<hbm>> -> memref<128xi32, #tpu.memory_space<hbm>>
            tpu.wait_dma2 semaphore(%run_scoped3A : memref<!tpu.dma_semaphore, #tpu.memory_space<semaphore_mem>>) src(%dma_wait3A_104 : memref<128xi32, #tpu.memory_space<hbm>>) dst(%arg10 : memref<128xi32, #tpu.memory_space<vmem>>)
            tpu.yield
          }) : () -> ()
          %dma_start3A = arith.constant 0 : i32
          %dma_start3A_99 = arith.constant 0 : i32
          %dma_start3A_100 = tpu.memref_slice %arg2[%dma_start3A, %dma_start3A_99] : memref<10000x128xf32, #tpu.memory_space<hbm>> -> memref<10000x128xf32, #tpu.memory_space<hbm>>
          tpu.enqueue_indirect_dma source(%dma_start3A_100 : memref<10000x128xf32, #tpu.memory_space<hbm>>) target(%arg11 : memref<128x128xf32, #tpu.memory_space<vmem>>) offsets(%arg9 : memref<128xi32, #tpu.memory_space<vmem>>) semaphore(%arg14 : memref<!tpu.dma_semaphore, #tpu.memory_space<semaphore_mem>>)
        } else {
        }
        %dma_wait3A = arith.constant 0 : i32
        %dma_wait3A_90 = arith.constant 0 : i32
        %dma_wait3A_91 = tpu.memref_slice %arg2[%dma_wait3A, %dma_wait3A_90] : memref<10000x128xf32, #tpu.memory_space<hbm>> -> memref<10000x128xf32, #tpu.memory_space<hbm>>
        tpu.wait_indirect_dma semaphore(%arg13 : memref<!tpu.dma_semaphore, #tpu.memory_space<semaphore_mem>>) src(%dma_wait3A_91 : memref<10000x128xf32, #tpu.memory_space<hbm>>) dst(%arg8 : memref<128x128xf32, #tpu.memory_space<vmem>>)
        "tpu.region"() ({
          %run_scoped3A = tpu.sem_alloc : memref<!tpu.dma_semaphore, #tpu.memory_space<semaphore_mem>>
          %dma_start3A = arith.constant 0 : i32
          %dma_start3A_92 = arith.constant 0 : i32
          %dma_start3A_93 = tpu.memref_slice %arg12[%dma_start3A, %dma_start3A_92] : memref<10000x128xf32, #tpu.memory_space<vmem_shared>> -> memref<10000x128xf32, #tpu.memory_space<vmem_shared>>
          tpu.enqueue_indirect_dma source(%arg8 : memref<128x128xf32, #tpu.memory_space<vmem>>) target(%dma_start3A_93 : memref<10000x128xf32, #tpu.memory_space<vmem_shared>>) offsets(%arg7 : memref<128xi32, #tpu.memory_space<vmem>>) semaphore(%run_scoped3A : memref<!tpu.dma_semaphore, #tpu.memory_space<semaphore_mem>>) {add = true}
          %dma_wait3A_94 = arith.constant 0 : i32
          %dma_wait3A_95 = arith.constant 0 : i32
          %dma_wait3A_96 = tpu.memref_slice %arg12[%dma_wait3A_94, %dma_wait3A_95] : memref<10000x128xf32, #tpu.memory_space<vmem_shared>> -> memref<10000x128xf32, #tpu.memory_space<vmem_shared>>
          tpu.wait_indirect_dma semaphore(%run_scoped3A : memref<!tpu.dma_semaphore, #tpu.memory_space<semaphore_mem>>) src(%arg8 : memref<128x128xf32, #tpu.memory_space<vmem>>) dst(%dma_wait3A_96 : memref<10000x128xf32, #tpu.memory_space<vmem_shared>>)
          tpu.yield
        }) : () -> ()
      } else {
      }
      %and3A_77 = arith.constant 1 : i32
      %and3A_78 = arith.andi %while3A_69, %and3A_77 : i32
      %eq3A_79 = arith.constant 1 : i32
      %eq3A_80 = arith.cmpi eq, %and3A_78, %eq3A_79 : i32
      %convert_element_type3A_81 = arith.extui %eq3A_80 : i1 to i32
      %cond3A_82 = arith.constant 0 : i32
      %cond3A_83 = arith.cmpi ne, %convert_element_type3A_81, %cond3A_82 : i32
      scf.if %cond3A_83 {
        %add3A_84 = arith.constant 1 : i32
        %add3A_85 = arith.addi %while3A_69, %add3A_84 : i32
        %lt3A_86 = arith.cmpi slt, %add3A_85, %select_n3A : i32
        %convert_element_type3A_87 = arith.extui %lt3A_86 : i1 to i32
        %cond3A_88 = arith.constant 0 : i32
        %cond3A_89 = arith.cmpi ne, %convert_element_type3A_87, %cond3A_88 : i32
        scf.if %cond3A_89 {
          %add3A_92 = arith.constant 1 : i32
          %add3A_93 = arith.addi %while3A_69, %add3A_92 : i32
          %mul3A_94 = arith.constant 32 : i32
          %mul3A_95 = arith.muli %add3A_93, %mul3A_94 : i32
          %add3A_96 = arith.addi %add3A, %mul3A_95 : i32
          %mul3A_97 = arith.constant 128 : i32
          %mul3A_98 = arith.muli %add3A_96, %mul3A_97 : i32
          "tpu.region"() ({
            %run_scoped3A = tpu.sem_alloc : memref<!tpu.dma_semaphore, #tpu.memory_space<semaphore_mem>>
            %dma_start3A_101 = tpu.memref_slice %arg3[%mul3A_98] : memref<320000xi32, #tpu.memory_space<hbm>> -> memref<128xi32, #tpu.memory_space<hbm>>
            %dma_start3A_102 = tpu.memref_slice %arg3[%mul3A_98] : memref<320000xi32, #tpu.memory_space<hbm>> -> memref<128xi32, #tpu.memory_space<hbm>>
            tpu.enqueue_dma source(%dma_start3A_102 : memref<128xi32, #tpu.memory_space<hbm>>) target(%arg6 : memref<128xi32, #tpu.memory_space<vmem>>) target_semaphore(%run_scoped3A : memref<!tpu.dma_semaphore, #tpu.memory_space<semaphore_mem>>)
            %dma_wait3A_103 = tpu.memref_slice %arg3[%mul3A_98] : memref<320000xi32, #tpu.memory_space<hbm>> -> memref<128xi32, #tpu.memory_space<hbm>>
            %dma_wait3A_104 = tpu.memref_slice %arg3[%mul3A_98] : memref<320000xi32, #tpu.memory_space<hbm>> -> memref<128xi32, #tpu.memory_space<hbm>>
            tpu.wait_dma2 semaphore(%run_scoped3A : memref<!tpu.dma_semaphore, #tpu.memory_space<semaphore_mem>>) src(%dma_wait3A_104 : memref<128xi32, #tpu.memory_space<hbm>>) dst(%arg6 : memref<128xi32, #tpu.memory_space<vmem>>)
            tpu.yield
          }) : () -> ()
          "tpu.region"() ({
            %run_scoped3A = tpu.sem_alloc : memref<!tpu.dma_semaphore, #tpu.memory_space<semaphore_mem>>
            %dma_start3A_101 = tpu.memref_slice %arg4[%mul3A_98] : memref<320000xi32, #tpu.memory_space<hbm>> -> memref<128xi32, #tpu.memory_space<hbm>>
            %dma_start3A_102 = tpu.memref_slice %arg4[%mul3A_98] : memref<320000xi32, #tpu.memory_space<hbm>> -> memref<128xi32, #tpu.memory_space<hbm>>
            tpu.enqueue_dma source(%dma_start3A_102 : memref<128xi32, #tpu.memory_space<hbm>>) target(%arg7 : memref<128xi32, #tpu.memory_space<vmem>>) target_semaphore(%run_scoped3A : memref<!tpu.dma_semaphore, #tpu.memory_space<semaphore_mem>>)
            %dma_wait3A_103 = tpu.memref_slice %arg4[%mul3A_98] : memref<320000xi32, #tpu.memory_space<hbm>> -> memref<128xi32, #tpu.memory_space<hbm>>
            %dma_wait3A_104 = tpu.memref_slice %arg4[%mul3A_98] : memref<320000xi32, #tpu.memory_space<hbm>> -> memref<128xi32, #tpu.memory_space<hbm>>
            tpu.wait_dma2 semaphore(%run_scoped3A : memref<!tpu.dma_semaphore, #tpu.memory_space<semaphore_mem>>) src(%dma_wait3A_104 : memref<128xi32, #tpu.memory_space<hbm>>) dst(%arg7 : memref<128xi32, #tpu.memory_space<vmem>>)
            tpu.yield
          }) : () -> ()
          %dma_start3A = arith.constant 0 : i32
          %dma_start3A_99 = arith.constant 0 : i32
          %dma_start3A_100 = tpu.memref_slice %arg2[%dma_start3A, %dma_start3A_99] : memref<10000x128xf32, #tpu.memory_space<hbm>> -> memref<10000x128xf32, #tpu.memory_space<hbm>>
          tpu.enqueue_indirect_dma source(%dma_start3A_100 : memref<10000x128xf32, #tpu.memory_space<hbm>>) target(%arg8 : memref<128x128xf32, #tpu.memory_space<vmem>>) offsets(%arg6 : memref<128xi32, #tpu.memory_space<vmem>>) semaphore(%arg13 : memref<!tpu.dma_semaphore, #tpu.memory_space<semaphore_mem>>)
        } else {
        }
        %dma_wait3A = arith.constant 0 : i32
        %dma_wait3A_90 = arith.constant 0 : i32
        %dma_wait3A_91 = tpu.memref_slice %arg2[%dma_wait3A, %dma_wait3A_90] : memref<10000x128xf32, #tpu.memory_space<hbm>> -> memref<10000x128xf32, #tpu.memory_space<hbm>>
        tpu.wait_indirect_dma semaphore(%arg14 : memref<!tpu.dma_semaphore, #tpu.memory_space<semaphore_mem>>) src(%dma_wait3A_91 : memref<10000x128xf32, #tpu.memory_space<hbm>>) dst(%arg11 : memref<128x128xf32, #tpu.memory_space<vmem>>)
        "tpu.region"() ({
          %run_scoped3A = tpu.sem_alloc : memref<!tpu.dma_semaphore, #tpu.memory_space<semaphore_mem>>
          %dma_start3A = arith.constant 0 : i32
          %dma_start3A_92 = arith.constant 0 : i32
          %dma_start3A_93 = tpu.memref_slice %arg12[%dma_start3A, %dma_start3A_92] : memref<10000x128xf32, #tpu.memory_space<vmem_shared>> -> memref<10000x128xf32, #tpu.memory_space<vmem_shared>>
          tpu.enqueue_indirect_dma source(%arg11 : memref<128x128xf32, #tpu.memory_space<vmem>>) target(%dma_start3A_93 : memref<10000x128xf32, #tpu.memory_space<vmem_shared>>) offsets(%arg10 : memref<128xi32, #tpu.memory_space<vmem>>) semaphore(%run_scoped3A : memref<!tpu.dma_semaphore, #tpu.memory_space<semaphore_mem>>) {add = true}
          %dma_wait3A_94 = arith.constant 0 : i32
          %dma_wait3A_95 = arith.constant 0 : i32
          %dma_wait3A_96 = tpu.memref_slice %arg12[%dma_wait3A_94, %dma_wait3A_95] : memref<10000x128xf32, #tpu.memory_space<vmem_shared>> -> memref<10000x128xf32, #tpu.memory_space<vmem_shared>>
          tpu.wait_indirect_dma semaphore(%run_scoped3A : memref<!tpu.dma_semaphore, #tpu.memory_space<semaphore_mem>>) src(%arg11 : memref<128x128xf32, #tpu.memory_space<vmem>>) dst(%dma_wait3A_96 : memref<10000x128xf32, #tpu.memory_space<vmem_shared>>)
          tpu.yield
        }) : () -> ()
      } else {
      }
    }
    %while3A_57 = arith.constant 1 : i32
    scf.for %while3A_69 = %while3A_55 to %while3A_51 step %while3A_57  : i32 {
      %and3A_70 = arith.constant 1 : i32
      %and3A_71 = arith.andi %while3A_69, %and3A_70 : i32
      %eq3A_72 = arith.constant 0 : i32
      %eq3A_73 = arith.cmpi eq, %and3A_71, %eq3A_72 : i32
      %convert_element_type3A_74 = arith.extui %eq3A_73 : i1 to i32
      %cond3A_75 = arith.constant 0 : i32
      %cond3A_76 = arith.cmpi ne, %convert_element_type3A_74, %cond3A_75 : i32
      scf.if %cond3A_76 {
        %add3A_84 = arith.constant 1 : i32
        %add3A_85 = arith.addi %while3A_69, %add3A_84 : i32
        %lt3A_86 = arith.cmpi slt, %add3A_85, %select_n3A : i32
        %convert_element_type3A_87 = arith.extui %lt3A_86 : i1 to i32
        %cond3A_88 = arith.constant 0 : i32
        %cond3A_89 = arith.cmpi ne, %convert_element_type3A_87, %cond3A_88 : i32
        scf.if %cond3A_89 {
          %add3A_92 = arith.constant 1 : i32
          %add3A_93 = arith.addi %while3A_69, %add3A_92 : i32
          %mul3A_94 = arith.constant 32 : i32
          %mul3A_95 = arith.muli %add3A_93, %mul3A_94 : i32
          %add3A_96 = arith.addi %add3A, %mul3A_95 : i32
          %mul3A_97 = arith.constant 128 : i32
          %mul3A_98 = arith.muli %add3A_96, %mul3A_97 : i32
          "tpu.region"() ({
            %run_scoped3A = tpu.sem_alloc : memref<!tpu.dma_semaphore, #tpu.memory_space<semaphore_mem>>
            %dma_start3A_101 = tpu.memref_slice %arg3[%mul3A_98] : memref<320000xi32, #tpu.memory_space<hbm>> -> memref<128xi32, #tpu.memory_space<hbm>>
            %dma_start3A_102 = tpu.memref_slice %arg3[%mul3A_98] : memref<320000xi32, #tpu.memory_space<hbm>> -> memref<128xi32, #tpu.memory_space<hbm>>
            tpu.enqueue_dma source(%dma_start3A_102 : memref<128xi32, #tpu.memory_space<hbm>>) target(%arg9 : memref<128xi32, #tpu.memory_space<vmem>>) target_semaphore(%run_scoped3A : memref<!tpu.dma_semaphore, #tpu.memory_space<semaphore_mem>>)
            %dma_wait3A_103 = tpu.memref_slice %arg3[%mul3A_98] : memref<320000xi32, #tpu.memory_space<hbm>> -> memref<128xi32, #tpu.memory_space<hbm>>
            %dma_wait3A_104 = tpu.memref_slice %arg3[%mul3A_98] : memref<320000xi32, #tpu.memory_space<hbm>> -> memref<128xi32, #tpu.memory_space<hbm>>
            tpu.wait_dma2 semaphore(%run_scoped3A : memref<!tpu.dma_semaphore, #tpu.memory_space<semaphore_mem>>) src(%dma_wait3A_104 : memref<128xi32, #tpu.memory_space<hbm>>) dst(%arg9 : memref<128xi32, #tpu.memory_space<vmem>>)
            tpu.yield
          }) : () -> ()
          "tpu.region"() ({
            %run_scoped3A = tpu.sem_alloc : memref<!tpu.dma_semaphore, #tpu.memory_space<semaphore_mem>>
            %dma_start3A_101 = tpu.memref_slice %arg4[%mul3A_98] : memref<320000xi32, #tpu.memory_space<hbm>> -> memref<128xi32, #tpu.memory_space<hbm>>
            %dma_start3A_102 = tpu.memref_slice %arg4[%mul3A_98] : memref<320000xi32, #tpu.memory_space<hbm>> -> memref<128xi32, #tpu.memory_space<hbm>>
            tpu.enqueue_dma source(%dma_start3A_102 : memref<128xi32, #tpu.memory_space<hbm>>) target(%arg10 : memref<128xi32, #tpu.memory_space<vmem>>) target_semaphore(%run_scoped3A : memref<!tpu.dma_semaphore, #tpu.memory_space<semaphore_mem>>)
            %dma_wait3A_103 = tpu.memref_slice %arg4[%mul3A_98] : memref<320000xi32, #tpu.memory_space<hbm>> -> memref<128xi32, #tpu.memory_space<hbm>>
            %dma_wait3A_104 = tpu.memref_slice %arg4[%mul3A_98] : memref<320000xi32, #tpu.memory_space<hbm>> -> memref<128xi32, #tpu.memory_space<hbm>>
            tpu.wait_dma2 semaphore(%run_scoped3A : memref<!tpu.dma_semaphore, #tpu.memory_space<semaphore_mem>>) src(%dma_wait3A_104 : memref<128xi32, #tpu.memory_space<hbm>>) dst(%arg10 : memref<128xi32, #tpu.memory_space<vmem>>)
            tpu.yield
          }) : () -> ()
          %dma_start3A = arith.constant 0 : i32
          %dma_start3A_99 = arith.constant 0 : i32
          %dma_start3A_100 = tpu.memref_slice %arg2[%dma_start3A, %dma_start3A_99] : memref<10000x128xf32, #tpu.memory_space<hbm>> -> memref<10000x128xf32, #tpu.memory_space<hbm>>
          tpu.enqueue_indirect_dma source(%dma_start3A_100 : memref<10000x128xf32, #tpu.memory_space<hbm>>) target(%arg11 : memref<128x128xf32, #tpu.memory_space<vmem>>) offsets(%arg9 : memref<128xi32, #tpu.memory_space<vmem>>) semaphore(%arg14 : memref<!tpu.dma_semaphore, #tpu.memory_space<semaphore_mem>>)
        } else {
        }
        %dma_wait3A = arith.constant 0 : i32
        %dma_wait3A_90 = arith.constant 0 : i32
        %dma_wait3A_91 = tpu.memref_slice %arg2[%dma_wait3A, %dma_wait3A_90] : memref<10000x128xf32, #tpu.memory_space<hbm>> -> memref<10000x128xf32, #tpu.memory_space<hbm>>
        tpu.wait_indirect_dma semaphore(%arg13 : memref<!tpu.dma_semaphore, #tpu.memory_space<semaphore_mem>>) src(%dma_wait3A_91 : memref<10000x128xf32, #tpu.memory_space<hbm>>) dst(%arg8 : memref<128x128xf32, #tpu.memory_space<vmem>>)
        "tpu.region"() ({
          %run_scoped3A = tpu.sem_alloc : memref<!tpu.dma_semaphore, #tpu.memory_space<semaphore_mem>>
          %dma_start3A = arith.constant 0 : i32
          %dma_start3A_92 = arith.constant 0 : i32
          %dma_start3A_93 = tpu.memref_slice %arg12[%dma_start3A, %dma_start3A_92] : memref<10000x128xf32, #tpu.memory_space<vmem_shared>> -> memref<10000x128xf32, #tpu.memory_space<vmem_shared>>
          tpu.enqueue_indirect_dma source(%arg8 : memref<128x128xf32, #tpu.memory_space<vmem>>) target(%dma_start3A_93 : memref<10000x128xf32, #tpu.memory_space<vmem_shared>>) offsets(%arg7 : memref<128xi32, #tpu.memory_space<vmem>>) semaphore(%run_scoped3A : memref<!tpu.dma_semaphore, #tpu.memory_space<semaphore_mem>>) {add = true}
          %dma_wait3A_94 = arith.constant 0 : i32
          %dma_wait3A_95 = arith.constant 0 : i32
          %dma_wait3A_96 = tpu.memref_slice %arg12[%dma_wait3A_94, %dma_wait3A_95] : memref<10000x128xf32, #tpu.memory_space<vmem_shared>> -> memref<10000x128xf32, #tpu.memory_space<vmem_shared>>
          tpu.wait_indirect_dma semaphore(%run_scoped3A : memref<!tpu.dma_semaphore, #tpu.memory_space<semaphore_mem>>) src(%arg8 : memref<128x128xf32, #tpu.memory_space<vmem>>) dst(%dma_wait3A_96 : memref<10000x128xf32, #tpu.memory_space<vmem_shared>>)
          tpu.yield
        }) : () -> ()
      } else {
      }
      %and3A_77 = arith.constant 1 : i32
      %and3A_78 = arith.andi %while3A_69, %and3A_77 : i32
      %eq3A_79 = arith.constant 1 : i32
      %eq3A_80 = arith.cmpi eq, %and3A_78, %eq3A_79 : i32
      %convert_element_type3A_81 = arith.extui %eq3A_80 : i1 to i32
      %cond3A_82 = arith.constant 0 : i32
      %cond3A_83 = arith.cmpi ne, %convert_element_type3A_81, %cond3A_82 : i32
      scf.if %cond3A_83 {
        %add3A_84 = arith.constant 1 : i32
        %add3A_85 = arith.addi %while3A_69, %add3A_84 : i32
        %lt3A_86 = arith.cmpi slt, %add3A_85, %select_n3A : i32
        %convert_element_type3A_87 = arith.extui %lt3A_86 : i1 to i32
        %cond3A_88 = arith.constant 0 : i32
        %cond3A_89 = arith.cmpi ne, %convert_element_type3A_87, %cond3A_88 : i32
        scf.if %cond3A_89 {
          %add3A_92 = arith.constant 1 : i32
          %add3A_93 = arith.addi %while3A_69, %add3A_92 : i32
          %mul3A_94 = arith.constant 32 : i32
          %mul3A_95 = arith.muli %add3A_93, %mul3A_94 : i32
          %add3A_96 = arith.addi %add3A, %mul3A_95 : i32
          %mul3A_97 = arith.constant 128 : i32
          %mul3A_98 = arith.muli %add3A_96, %mul3A_97 : i32
          "tpu.region"() ({
            %run_scoped3A = tpu.sem_alloc : memref<!tpu.dma_semaphore, #tpu.memory_space<semaphore_mem>>
            %dma_start3A_101 = tpu.memref_slice %arg3[%mul3A_98] : memref<320000xi32, #tpu.memory_space<hbm>> -> memref<128xi32, #tpu.memory_space<hbm>>
            %dma_start3A_102 = tpu.memref_slice %arg3[%mul3A_98] : memref<320000xi32, #tpu.memory_space<hbm>> -> memref<128xi32, #tpu.memory_space<hbm>>
            tpu.enqueue_dma source(%dma_start3A_102 : memref<128xi32, #tpu.memory_space<hbm>>) target(%arg6 : memref<128xi32, #tpu.memory_space<vmem>>) target_semaphore(%run_scoped3A : memref<!tpu.dma_semaphore, #tpu.memory_space<semaphore_mem>>)
            %dma_wait3A_103 = tpu.memref_slice %arg3[%mul3A_98] : memref<320000xi32, #tpu.memory_space<hbm>> -> memref<128xi32, #tpu.memory_space<hbm>>
            %dma_wait3A_104 = tpu.memref_slice %arg3[%mul3A_98] : memref<320000xi32, #tpu.memory_space<hbm>> -> memref<128xi32, #tpu.memory_space<hbm>>
            tpu.wait_dma2 semaphore(%run_scoped3A : memref<!tpu.dma_semaphore, #tpu.memory_space<semaphore_mem>>) src(%dma_wait3A_104 : memref<128xi32, #tpu.memory_space<hbm>>) dst(%arg6 : memref<128xi32, #tpu.memory_space<vmem>>)
            tpu.yield
          }) : () -> ()
          "tpu.region"() ({
            %run_scoped3A = tpu.sem_alloc : memref<!tpu.dma_semaphore, #tpu.memory_space<semaphore_mem>>
            %dma_start3A_101 = tpu.memref_slice %arg4[%mul3A_98] : memref<320000xi32, #tpu.memory_space<hbm>> -> memref<128xi32, #tpu.memory_space<hbm>>
            %dma_start3A_102 = tpu.memref_slice %arg4[%mul3A_98] : memref<320000xi32, #tpu.memory_space<hbm>> -> memref<128xi32, #tpu.memory_space<hbm>>
            tpu.enqueue_dma source(%dma_start3A_102 : memref<128xi32, #tpu.memory_space<hbm>>) target(%arg7 : memref<128xi32, #tpu.memory_space<vmem>>) target_semaphore(%run_scoped3A : memref<!tpu.dma_semaphore, #tpu.memory_space<semaphore_mem>>)
            %dma_wait3A_103 = tpu.memref_slice %arg4[%mul3A_98] : memref<320000xi32, #tpu.memory_space<hbm>> -> memref<128xi32, #tpu.memory_space<hbm>>
            %dma_wait3A_104 = tpu.memref_slice %arg4[%mul3A_98] : memref<320000xi32, #tpu.memory_space<hbm>> -> memref<128xi32, #tpu.memory_space<hbm>>
            tpu.wait_dma2 semaphore(%run_scoped3A : memref<!tpu.dma_semaphore, #tpu.memory_space<semaphore_mem>>) src(%dma_wait3A_104 : memref<128xi32, #tpu.memory_space<hbm>>) dst(%arg7 : memref<128xi32, #tpu.memory_space<vmem>>)
            tpu.yield
          }) : () -> ()
          %dma_start3A = arith.constant 0 : i32
          %dma_start3A_99 = arith.constant 0 : i32
          %dma_start3A_100 = tpu.memref_slice %arg2[%dma_start3A, %dma_start3A_99] : memref<10000x128xf32, #tpu.memory_space<hbm>> -> memref<10000x128xf32, #tpu.memory_space<hbm>>
          tpu.enqueue_indirect_dma source(%dma_start3A_100 : memref<10000x128xf32, #tpu.memory_space<hbm>>) target(%arg8 : memref<128x128xf32, #tpu.memory_space<vmem>>) offsets(%arg6 : memref<128xi32, #tpu.memory_space<vmem>>) semaphore(%arg13 : memref<!tpu.dma_semaphore, #tpu.memory_space<semaphore_mem>>)
        } else {
        }
        %dma_wait3A = arith.constant 0 : i32
        %dma_wait3A_90 = arith.constant 0 : i32
        %dma_wait3A_91 = tpu.memref_slice %arg2[%dma_wait3A, %dma_wait3A_90] : memref<10000x128xf32, #tpu.memory_space<hbm>> -> memref<10000x128xf32, #tpu.memory_space<hbm>>
        tpu.wait_indirect_dma semaphore(%arg14 : memref<!tpu.dma_semaphore, #tpu.memory_space<semaphore_mem>>) src(%dma_wait3A_91 : memref<10000x128xf32, #tpu.memory_space<hbm>>) dst(%arg11 : memref<128x128xf32, #tpu.memory_space<vmem>>)
        "tpu.region"() ({
          %run_scoped3A = tpu.sem_alloc : memref<!tpu.dma_semaphore, #tpu.memory_space<semaphore_mem>>
          %dma_start3A = arith.constant 0 : i32
          %dma_start3A_92 = arith.constant 0 : i32
          %dma_start3A_93 = tpu.memref_slice %arg12[%dma_start3A, %dma_start3A_92] : memref<10000x128xf32, #tpu.memory_space<vmem_shared>> -> memref<10000x128xf32, #tpu.memory_space<vmem_shared>>
          tpu.enqueue_indirect_dma source(%arg11 : memref<128x128xf32, #tpu.memory_space<vmem>>) target(%dma_start3A_93 : memref<10000x128xf32, #tpu.memory_space<vmem_shared>>) offsets(%arg10 : memref<128xi32, #tpu.memory_space<vmem>>) semaphore(%run_scoped3A : memref<!tpu.dma_semaphore, #tpu.memory_space<semaphore_mem>>) {add = true}
          %dma_wait3A_94 = arith.constant 0 : i32
          %dma_wait3A_95 = arith.constant 0 : i32
          %dma_wait3A_96 = tpu.memref_slice %arg12[%dma_wait3A_94, %dma_wait3A_95] : memref<10000x128xf32, #tpu.memory_space<vmem_shared>> -> memref<10000x128xf32, #tpu.memory_space<vmem_shared>>
          tpu.wait_indirect_dma semaphore(%run_scoped3A : memref<!tpu.dma_semaphore, #tpu.memory_space<semaphore_mem>>) src(%arg11 : memref<128x128xf32, #tpu.memory_space<vmem>>) dst(%dma_wait3A_96 : memref<10000x128xf32, #tpu.memory_space<vmem_shared>>)
          tpu.yield
        }) : () -> ()
      } else {
      }
    }
    %barrier3A_58 = arith.constant 0 : index
    tpu.barrier barrier_id(%barrier3A_58)
    %lt3A_59 = arith.constant 15 : i32
    %lt3A_60 = arith.cmpi slt, %arg1, %lt3A_59 : i32
    %convert_element_type3A_61 = arith.extui %lt3A_60 : i1 to i32
    %cond3A_62 = arith.constant 0 : i32
    %cond3A_63 = arith.cmpi ne, %convert_element_type3A_61, %cond3A_62 : i32
    scf.if %cond3A_63 {
      %mul3A_69 = arith.constant 632 : i32
      %mul3A_70 = arith.muli %arg1, %mul3A_69 : i32
      %mul3A_71 = arith.constant 632 : i32
      %mul3A_72 = arith.muli %arg1, %mul3A_71 : i32
      %mul3A_73 = arith.constant 10000 : i32
      %mul3A_74 = arith.muli %arg0, %mul3A_73 : i32
      %add3A_75 = arith.addi %mul3A_74, %mul3A_72 : i32
      "tpu.region"() ({
        %run_scoped3A = tpu.sem_alloc : memref<!tpu.dma_semaphore, #tpu.memory_space<semaphore_mem>>
        %dma_start3A = arith.constant 0 : i32
        %dma_start3A_76 = tpu.memref_slice %arg5[%add3A_75, %dma_start3A] : memref<20000x128xf32, #tpu.memory_space<hbm>> -> memref<632x128xf32, #tpu.memory_space<hbm>>
        %dma_start3A_77 = arith.constant 0 : i32
        %dma_start3A_78 = tpu.memref_slice %arg12[%mul3A_70, %dma_start3A_77] : memref<10000x128xf32, #tpu.memory_space<vmem_shared>> -> memref<632x128xf32, #tpu.memory_space<vmem_shared>>
        tpu.enqueue_dma source(%dma_start3A_78 : memref<632x128xf32, #tpu.memory_space<vmem_shared>>) target(%dma_start3A_76 : memref<632x128xf32, #tpu.memory_space<hbm>>) target_semaphore(%run_scoped3A : memref<!tpu.dma_semaphore, #tpu.memory_space<semaphore_mem>>)
        %dma_wait3A = arith.constant 0 : i32
        %dma_wait3A_79 = tpu.memref_slice %arg5[%add3A_75, %dma_wait3A] : memref<20000x128xf32, #tpu.memory_space<hbm>> -> memref<632x128xf32, #tpu.memory_space<hbm>>
        %dma_wait3A_80 = arith.constant 0 : i32
        %dma_wait3A_81 = tpu.memref_slice %arg12[%mul3A_70, %dma_wait3A_80] : memref<10000x128xf32, #tpu.memory_space<vmem_shared>> -> memref<632x128xf32, #tpu.memory_space<vmem_shared>>
        tpu.wait_dma2 semaphore(%run_scoped3A : memref<!tpu.dma_semaphore, #tpu.memory_space<semaphore_mem>>) src(%dma_wait3A_81 : memref<632x128xf32, #tpu.memory_space<vmem_shared>>) dst(%dma_wait3A_79 : memref<632x128xf32, #tpu.memory_space<hbm>>)
        tpu.yield
      }) : () -> ()
    } else {
    }
    %eq3A_64 = arith.constant 15 : i32
    %eq3A_65 = arith.cmpi eq, %arg1, %eq3A_64 : i32
    %convert_element_type3A_66 = arith.extui %eq3A_65 : i1 to i32
    %cond3A_67 = arith.constant 0 : i32
    %cond3A_68 = arith.cmpi ne, %convert_element_type3A_66, %cond3A_67 : i32
    scf.if %cond3A_68 {
      %mul3A_69 = arith.constant 632 : i32
      %mul3A_70 = arith.muli %arg1, %mul3A_69 : i32
      %mul3A_71 = arith.constant 632 : i32
      %mul3A_72 = arith.muli %arg1, %mul3A_71 : i32
      %mul3A_73 = arith.constant 10000 : i32
      %mul3A_74 = arith.muli %arg0, %mul3A_73 : i32
      %add3A_75 = arith.addi %mul3A_74, %mul3A_72 : i32
      "tpu.region"() ({
        %run_scoped3A = tpu.sem_alloc : memref<!tpu.dma_semaphore, #tpu.memory_space<semaphore_mem>>
        %dma_start3A = arith.constant 0 : i32
        %dma_start3A_76 = tpu.memref_slice %arg5[%add3A_75, %dma_start3A] : memref<20000x128xf32, #tpu.memory_space<hbm>> -> memref<520x128xf32, #tpu.memory_space<hbm>>
        %dma_start3A_77 = arith.constant 0 : i32
        %dma_start3A_78 = tpu.memref_slice %arg12[%mul3A_70, %dma_start3A_77] : memref<10000x128xf32, #tpu.memory_space<vmem_shared>> -> memref<520x128xf32, #tpu.memory_space<vmem_shared>>
        tpu.enqueue_dma source(%dma_start3A_78 : memref<520x128xf32, #tpu.memory_space<vmem_shared>>) target(%dma_start3A_76 : memref<520x128xf32, #tpu.memory_space<hbm>>) target_semaphore(%run_scoped3A : memref<!tpu.dma_semaphore, #tpu.memory_space<semaphore_mem>>)
        %dma_wait3A = arith.constant 0 : i32
        %dma_wait3A_79 = tpu.memref_slice %arg5[%add3A_75, %dma_wait3A] : memref<20000x128xf32, #tpu.memory_space<hbm>> -> memref<520x128xf32, #tpu.memory_space<hbm>>
        %dma_wait3A_80 = arith.constant 0 : i32
        %dma_wait3A_81 = tpu.memref_slice %arg12[%mul3A_70, %dma_wait3A_80] : memref<10000x128xf32, #tpu.memory_space<vmem_shared>> -> memref<520x128xf32, #tpu.memory_space<vmem_shared>>
        tpu.wait_dma2 semaphore(%run_scoped3A : memref<!tpu.dma_semaphore, #tpu.memory_space<semaphore_mem>>) src(%dma_wait3A_81 : memref<520x128xf32, #tpu.memory_space<vmem_shared>>) dst(%dma_wait3A_79 : memref<520x128xf32, #tpu.memory_space<hbm>>)
        tpu.yield
      }) : () -> ()
    } else {
    }
    return
  }
}

module attributes {stable_mosaic.version = 14 : i64} {
  func.func @_tc_layer_body(%arg0: i32, %arg1: memref<2x2000x128xf32, #tpu.memory_space<vmem>>, %arg2: memref<2x2000x128xf32, #tpu.memory_space<vmem>>, %arg3: memref<2000x128xf32, #tpu.memory_space<vmem>>, %arg4: memref<128x128xf32, #tpu.memory_space<vmem>>, %arg5: memref<128x128xf32, #tpu.memory_space<vmem>>, %arg6: memref<1x128xf32, #tpu.memory_space<vmem>>, %arg7: memref<1x128xf32, #tpu.memory_space<vmem>>, %arg8: memref<1x128xf32, #tpu.memory_space<vmem>>, %arg9: memref<2000x128xf32, #tpu.memory_space<vmem>>) attributes {dimension_semantics = [#tpu.dimension_semantics<arbitrary>], iteration_bounds = array<i64: 5>, scalar_prefetch = 0 : i64, scratch_operands = 0 : i64, tpu.core_type = #tpu.core_type<tc>, window_params = [{transform_indices = @transform_0, window_bounds = array<i64: 2, 2000, 128>}, {transform_indices = @transform_1, window_bounds = array<i64: 2, 2000, 128>}, {transform_indices = @transform_2, window_bounds = array<i64: 2000, 128>}, {pipeline_mode = #tpu.pipeline_mode<synchronous>, transform_indices = @transform_3, window_bounds = array<i64: 128, 128>}, {pipeline_mode = #tpu.pipeline_mode<synchronous>, transform_indices = @transform_4, window_bounds = array<i64: 128, 128>}, {pipeline_mode = #tpu.pipeline_mode<synchronous>, transform_indices = @transform_5, window_bounds = array<i64: 1, 128>}, {pipeline_mode = #tpu.pipeline_mode<synchronous>, transform_indices = @transform_6, window_bounds = array<i64: 1, 128>}, {pipeline_mode = #tpu.pipeline_mode<synchronous>, transform_indices = @transform_7, window_bounds = array<i64: 1, 128>}, {transform_indices = @transform_8, window_bounds = array<i64: 2000, 128>}]} {
    %get3A = arith.constant 0 : index
    %get3A_0 = arith.constant 0 : index
    %get3A_1 = arith.constant 0 : index
    %get3A_2 = vector.load %arg2[%get3A, %get3A_0, %get3A_1] : memref<2x2000x128xf32, #tpu.memory_space<vmem>>, vector<1x2000x128xf32>
    %get3A_3 = vector.shape_cast %get3A_2 : vector<1x2000x128xf32> to vector<2000x128xf32>
    %get3A_4 = arith.constant 1 : index
    %get3A_5 = arith.constant 0 : index
    %get3A_6 = arith.constant 0 : index
    %get3A_7 = vector.load %arg2[%get3A_4, %get3A_5, %get3A_6] : memref<2x2000x128xf32, #tpu.memory_space<vmem>>, vector<1x2000x128xf32>
    %get3A_8 = vector.shape_cast %get3A_7 : vector<1x2000x128xf32> to vector<2000x128xf32>
    %add3A = arith.addf %get3A_3, %get3A_8 : vector<2000x128xf32>
    %max3A = arith.constant 1.000000e+00 : f32
    %max3A_9 = vector.broadcast %max3A : f32 to vector<2000x128xf32>
    %max3A_10 = arith.maximumf %add3A, %max3A_9 : vector<2000x128xf32>
    %div3A = arith.constant 1.000000e+00 : f32
    %div3A_11 = vector.broadcast %div3A : f32 to vector<2000x128xf32>
    %div3A_12 = arith.divf %div3A_11, %max3A_10 : vector<2000x128xf32>
    %get3A_13 = arith.constant 0 : index
    %get3A_14 = arith.constant 0 : index
    %get3A_15 = arith.constant 0 : index
    %get3A_16 = vector.load %arg1[%get3A_13, %get3A_14, %get3A_15] : memref<2x2000x128xf32, #tpu.memory_space<vmem>>, vector<1x2000x128xf32>
    %get3A_17 = vector.shape_cast %get3A_16 : vector<1x2000x128xf32> to vector<2000x128xf32>
    %get3A_18 = arith.constant 1 : index
    %get3A_19 = arith.constant 0 : index
    %get3A_20 = arith.constant 0 : index
    %get3A_21 = vector.load %arg1[%get3A_18, %get3A_19, %get3A_20] : memref<2x2000x128xf32, #tpu.memory_space<vmem>>, vector<1x2000x128xf32>
    %get3A_22 = vector.shape_cast %get3A_21 : vector<1x2000x128xf32> to vector<2000x128xf32>
    %add3A_23 = arith.addf %get3A_17, %get3A_22 : vector<2000x128xf32>
    %mul3A = arith.mulf %add3A_23, %div3A_12 : vector<2000x128xf32>
    %get3A_24 = arith.constant 0 : index
    %get3A_25 = arith.constant 0 : index
    %get3A_26 = vector.load %arg4[%get3A_24, %get3A_25] : memref<128x128xf32, #tpu.memory_space<vmem>>, vector<128x128xf32>
    %dot_general3A = arith.constant dense<0.000000e+00> : vector<2000x128xf32>
    %dot_general3A_27 = tpu.matmul %mul3A, %get3A_26, %dot_general3A {dimension_numbers = #tpu.dot_dimension_numbers<[1], [0], [0], [1], [0, 0, 1, 1], [], []>, transpose_lhs_hint = false} : vector<2000x128xf32>, vector<128x128xf32>, vector<2000x128xf32> -> vector<2000x128xf32>
    %get3A_28 = arith.constant 0 : index
    %get3A_29 = arith.constant 0 : index
    %get3A_30 = vector.load %arg3[%get3A_28, %get3A_29] : memref<2000x128xf32, #tpu.memory_space<vmem>>, vector<2000x128xf32>
    %get3A_31 = arith.constant 0 : index
    %get3A_32 = arith.constant 0 : index
    %get3A_33 = vector.load %arg5[%get3A_31, %get3A_32] : memref<128x128xf32, #tpu.memory_space<vmem>>, vector<128x128xf32>
    %dot_general3A_34 = arith.constant dense<0.000000e+00> : vector<2000x128xf32>
    %dot_general3A_35 = tpu.matmul %get3A_30, %get3A_33, %dot_general3A_34 {dimension_numbers = #tpu.dot_dimension_numbers<[1], [0], [0], [1], [0, 0, 1, 1], [], []>, transpose_lhs_hint = false} : vector<2000x128xf32>, vector<128x128xf32>, vector<2000x128xf32> -> vector<2000x128xf32>
    %add3A_36 = arith.addf %dot_general3A_27, %dot_general3A_35 : vector<2000x128xf32>
    %get3A_37 = arith.constant 0 : index
    %get3A_38 = arith.constant 0 : index
    %get3A_39 = vector.load %arg6[%get3A_37, %get3A_38] : memref<1x128xf32, #tpu.memory_space<vmem>>, vector<1x128xf32>
    %add3A_40 = vector.broadcast %get3A_39 : vector<1x128xf32> to vector<2000x128xf32>
    %add3A_41 = arith.addf %add3A_36, %add3A_40 : vector<2000x128xf32>
    %swap3A = arith.constant 0 : index
    %swap3A_42 = arith.constant 0 : index
    %swap3A_43 = vector.load %arg9[%swap3A, %swap3A_42] : memref<2000x128xf32, #tpu.memory_space<vmem>>, vector<2000x128xf32>
    tpu.vector_store %arg9[%swap3A, %swap3A_42], %add3A_41 {strides = array<i32>} : memref<2000x128xf32, #tpu.memory_space<vmem>>, vector<2000x128xf32>,
    return
  }
  func.func @transform_0(%arg0: i32) -> (i32, i32, i32) {
    %c0_i32 = arith.constant 0 : i32
    %c0_i32_0 = arith.constant 0 : i32
    %c0_i32_1 = arith.constant 0 : i32
    return %c0_i32, %arg0, %c0_i32_0 : i32, i32, i32
  }
  func.func @transform_1(%arg0: i32) -> (i32, i32, i32) {
    %c0_i32 = arith.constant 0 : i32
    %c0_i32_0 = arith.constant 0 : i32
    %c0_i32_1 = arith.constant 0 : i32
    return %c0_i32, %arg0, %c0_i32_0 : i32, i32, i32
  }
  func.func @transform_2(%arg0: i32) -> (i32, i32) {
    %c0_i32 = arith.constant 0 : i32
    %c0_i32_0 = arith.constant 0 : i32
    return %arg0, %c0_i32 : i32, i32
  }
  func.func @transform_3(%arg0: i32) -> (i32, i32) {
    %c0_i32 = arith.constant 0 : i32
    %c0_i32_0 = arith.constant 0 : i32
    %c0_i32_1 = arith.constant 0 : i32
    return %c0_i32, %c0_i32_0 : i32, i32
  }
  func.func @transform_4(%arg0: i32) -> (i32, i32) {
    %c0_i32 = arith.constant 0 : i32
    %c0_i32_0 = arith.constant 0 : i32
    %c0_i32_1 = arith.constant 0 : i32
    return %c0_i32, %c0_i32_0 : i32, i32
  }
  func.func @transform_5(%arg0: i32) -> (i32, i32) {
    %c0_i32 = arith.constant 0 : i32
    %c0_i32_0 = arith.constant 0 : i32
    %c0_i32_1 = arith.constant 0 : i32
    return %c0_i32, %c0_i32_0 : i32, i32
  }
  func.func @transform_6(%arg0: i32) -> (i32, i32) {
    %c0_i32 = arith.constant 0 : i32
    %c0_i32_0 = arith.constant 0 : i32
    %c0_i32_1 = arith.constant 0 : i32
    return %c0_i32, %c0_i32_0 : i32, i32
  }
  func.func @transform_7(%arg0: i32) -> (i32, i32) {
    %c0_i32 = arith.constant 0 : i32
    %c0_i32_0 = arith.constant 0 : i32
    %c0_i32_1 = arith.constant 0 : i32
    return %c0_i32, %c0_i32_0 : i32, i32
  }
  func.func @transform_8(%arg0: i32) -> (i32, i32) {
    %c0_i32 = arith.constant 0 : i32
    %c0_i32_0 = arith.constant 0 : i32
    return %arg0, %c0_i32 : i32, i32
  }
}

module attributes {stable_mosaic.version = 14 : i64} {
  func.func @_tc_layer_body(%arg0: i32, %arg1: memref<2x2000x128xf32, #tpu.memory_space<vmem>>, %arg2: memref<2x2000x128xf32, #tpu.memory_space<vmem>>, %arg3: memref<2000x128xf32, #tpu.memory_space<vmem>>, %arg4: memref<128x128xf32, #tpu.memory_space<vmem>>, %arg5: memref<128x128xf32, #tpu.memory_space<vmem>>, %arg6: memref<1x128xf32, #tpu.memory_space<vmem>>, %arg7: memref<1x128xf32, #tpu.memory_space<vmem>>, %arg8: memref<1x128xf32, #tpu.memory_space<vmem>>, %arg9: memref<2000x128xf32, #tpu.memory_space<vmem>>) attributes {dimension_semantics = [#tpu.dimension_semantics<arbitrary>], iteration_bounds = array<i64: 5>, scalar_prefetch = 0 : i64, scratch_operands = 0 : i64, tpu.core_type = #tpu.core_type<tc>, window_params = [{transform_indices = @transform_0, window_bounds = array<i64: 2, 2000, 128>}, {transform_indices = @transform_1, window_bounds = array<i64: 2, 2000, 128>}, {transform_indices = @transform_2, window_bounds = array<i64: 2000, 128>}, {pipeline_mode = #tpu.pipeline_mode<synchronous>, transform_indices = @transform_3, window_bounds = array<i64: 128, 128>}, {pipeline_mode = #tpu.pipeline_mode<synchronous>, transform_indices = @transform_4, window_bounds = array<i64: 128, 128>}, {pipeline_mode = #tpu.pipeline_mode<synchronous>, transform_indices = @transform_5, window_bounds = array<i64: 1, 128>}, {pipeline_mode = #tpu.pipeline_mode<synchronous>, transform_indices = @transform_6, window_bounds = array<i64: 1, 128>}, {pipeline_mode = #tpu.pipeline_mode<synchronous>, transform_indices = @transform_7, window_bounds = array<i64: 1, 128>}, {transform_indices = @transform_8, window_bounds = array<i64: 2000, 128>}]} {
    %get3A = arith.constant 0 : index
    %get3A_0 = arith.constant 0 : index
    %get3A_1 = arith.constant 0 : index
    %get3A_2 = vector.load %arg2[%get3A, %get3A_0, %get3A_1] : memref<2x2000x128xf32, #tpu.memory_space<vmem>>, vector<1x2000x128xf32>
    %get3A_3 = vector.shape_cast %get3A_2 : vector<1x2000x128xf32> to vector<2000x128xf32>
    %get3A_4 = arith.constant 1 : index
    %get3A_5 = arith.constant 0 : index
    %get3A_6 = arith.constant 0 : index
    %get3A_7 = vector.load %arg2[%get3A_4, %get3A_5, %get3A_6] : memref<2x2000x128xf32, #tpu.memory_space<vmem>>, vector<1x2000x128xf32>
    %get3A_8 = vector.shape_cast %get3A_7 : vector<1x2000x128xf32> to vector<2000x128xf32>
    %add3A = arith.addf %get3A_3, %get3A_8 : vector<2000x128xf32>
    %max3A = arith.constant 1.000000e+00 : f32
    %max3A_9 = vector.broadcast %max3A : f32 to vector<2000x128xf32>
    %max3A_10 = arith.maximumf %add3A, %max3A_9 : vector<2000x128xf32>
    %div3A = arith.constant 1.000000e+00 : f32
    %div3A_11 = vector.broadcast %div3A : f32 to vector<2000x128xf32>
    %div3A_12 = arith.divf %div3A_11, %max3A_10 : vector<2000x128xf32>
    %get3A_13 = arith.constant 0 : index
    %get3A_14 = arith.constant 0 : index
    %get3A_15 = arith.constant 0 : index
    %get3A_16 = vector.load %arg1[%get3A_13, %get3A_14, %get3A_15] : memref<2x2000x128xf32, #tpu.memory_space<vmem>>, vector<1x2000x128xf32>
    %get3A_17 = vector.shape_cast %get3A_16 : vector<1x2000x128xf32> to vector<2000x128xf32>
    %get3A_18 = arith.constant 1 : index
    %get3A_19 = arith.constant 0 : index
    %get3A_20 = arith.constant 0 : index
    %get3A_21 = vector.load %arg1[%get3A_18, %get3A_19, %get3A_20] : memref<2x2000x128xf32, #tpu.memory_space<vmem>>, vector<1x2000x128xf32>
    %get3A_22 = vector.shape_cast %get3A_21 : vector<1x2000x128xf32> to vector<2000x128xf32>
    %add3A_23 = arith.addf %get3A_17, %get3A_22 : vector<2000x128xf32>
    %mul3A = arith.mulf %add3A_23, %div3A_12 : vector<2000x128xf32>
    %get3A_24 = arith.constant 0 : index
    %get3A_25 = arith.constant 0 : index
    %get3A_26 = vector.load %arg4[%get3A_24, %get3A_25] : memref<128x128xf32, #tpu.memory_space<vmem>>, vector<128x128xf32>
    %dot_general3A = arith.constant dense<0.000000e+00> : vector<2000x128xf32>
    %dot_general3A_27 = tpu.matmul %mul3A, %get3A_26, %dot_general3A {dimension_numbers = #tpu.dot_dimension_numbers<[1], [0], [0], [1], [0, 0, 1, 1], [], []>, transpose_lhs_hint = false} : vector<2000x128xf32>, vector<128x128xf32>, vector<2000x128xf32> -> vector<2000x128xf32>
    %get3A_28 = arith.constant 0 : index
    %get3A_29 = arith.constant 0 : index
    %get3A_30 = vector.load %arg3[%get3A_28, %get3A_29] : memref<2000x128xf32, #tpu.memory_space<vmem>>, vector<2000x128xf32>
    %get3A_31 = arith.constant 0 : index
    %get3A_32 = arith.constant 0 : index
    %get3A_33 = vector.load %arg5[%get3A_31, %get3A_32] : memref<128x128xf32, #tpu.memory_space<vmem>>, vector<128x128xf32>
    %dot_general3A_34 = arith.constant dense<0.000000e+00> : vector<2000x128xf32>
    %dot_general3A_35 = tpu.matmul %get3A_30, %get3A_33, %dot_general3A_34 {dimension_numbers = #tpu.dot_dimension_numbers<[1], [0], [0], [1], [0, 0, 1, 1], [], []>, transpose_lhs_hint = false} : vector<2000x128xf32>, vector<128x128xf32>, vector<2000x128xf32> -> vector<2000x128xf32>
    %add3A_36 = arith.addf %dot_general3A_27, %dot_general3A_35 : vector<2000x128xf32>
    %get3A_37 = arith.constant 0 : index
    %get3A_38 = arith.constant 0 : index
    %get3A_39 = vector.load %arg6[%get3A_37, %get3A_38] : memref<1x128xf32, #tpu.memory_space<vmem>>, vector<1x128xf32>
    %add3A_40 = vector.broadcast %get3A_39 : vector<1x128xf32> to vector<2000x128xf32>
    %add3A_41 = arith.addf %add3A_36, %add3A_40 : vector<2000x128xf32>
    %get3A_42 = arith.constant 0 : index
    %get3A_43 = arith.constant 0 : index
    %get3A_44 = vector.load %arg7[%get3A_42, %get3A_43] : memref<1x128xf32, #tpu.memory_space<vmem>>, vector<1x128xf32>
    %mul3A_45 = arith.constant 0.999994993 : f32
    %mul3A_46 = vector.broadcast %mul3A_45 : f32 to vector<1x128xf32>
    %mul3A_47 = arith.mulf %get3A_44, %mul3A_46 : vector<1x128xf32>
    %mul3A_48 = vector.broadcast %mul3A_47 : vector<1x128xf32> to vector<2000x128xf32>
    %mul3A_49 = arith.mulf %add3A_41, %mul3A_48 : vector<2000x128xf32>
    %get3A_50 = arith.constant 0 : index
    %get3A_51 = arith.constant 0 : index
    %get3A_52 = vector.load %arg8[%get3A_50, %get3A_51] : memref<1x128xf32, #tpu.memory_space<vmem>>, vector<1x128xf32>
    %add3A_53 = vector.broadcast %get3A_52 : vector<1x128xf32> to vector<2000x128xf32>
    %add3A_54 = arith.addf %mul3A_49, %add3A_53 : vector<2000x128xf32>
    %max3A_55 = arith.constant 0.000000e+00 : f32
    %max3A_56 = vector.broadcast %max3A_55 : f32 to vector<2000x128xf32>
    %max3A_57 = arith.maximumf %add3A_54, %max3A_56 : vector<2000x128xf32>
    %swap3A = arith.constant 0 : index
    %swap3A_58 = arith.constant 0 : index
    %swap3A_59 = vector.load %arg9[%swap3A, %swap3A_58] : memref<2000x128xf32, #tpu.memory_space<vmem>>, vector<2000x128xf32>
    tpu.vector_store %arg9[%swap3A, %swap3A_58], %max3A_57 {strides = array<i32>} : memref<2000x128xf32, #tpu.memory_space<vmem>>, vector<2000x128xf32>,
    return
  }
  func.func @transform_0(%arg0: i32) -> (i32, i32, i32) {
    %c0_i32 = arith.constant 0 : i32
    %c0_i32_0 = arith.constant 0 : i32
    %c0_i32_1 = arith.constant 0 : i32
    return %c0_i32, %arg0, %c0_i32_0 : i32, i32, i32
  }
  func.func @transform_1(%arg0: i32) -> (i32, i32, i32) {
    %c0_i32 = arith.constant 0 : i32
    %c0_i32_0 = arith.constant 0 : i32
    %c0_i32_1 = arith.constant 0 : i32
    return %c0_i32, %arg0, %c0_i32_0 : i32, i32, i32
  }
  func.func @transform_2(%arg0: i32) -> (i32, i32) {
    %c0_i32 = arith.constant 0 : i32
    %c0_i32_0 = arith.constant 0 : i32
    return %arg0, %c0_i32 : i32, i32
  }
  func.func @transform_3(%arg0: i32) -> (i32, i32) {
    %c0_i32 = arith.constant 0 : i32
    %c0_i32_0 = arith.constant 0 : i32
    %c0_i32_1 = arith.constant 0 : i32
    return %c0_i32, %c0_i32_0 : i32, i32
  }
  func.func @transform_4(%arg0: i32) -> (i32, i32) {
    %c0_i32 = arith.constant 0 : i32
    %c0_i32_0 = arith.constant 0 : i32
    %c0_i32_1 = arith.constant 0 : i32
    return %c0_i32, %c0_i32_0 : i32, i32
  }
  func.func @transform_5(%arg0: i32) -> (i32, i32) {
    %c0_i32 = arith.constant 0 : i32
    %c0_i32_0 = arith.constant 0 : i32
    %c0_i32_1 = arith.constant 0 : i32
    return %c0_i32, %c0_i32_0 : i32, i32
  }
  func.func @transform_6(%arg0: i32) -> (i32, i32) {
    %c0_i32 = arith.constant 0 : i32
    %c0_i32_0 = arith.constant 0 : i32
    %c0_i32_1 = arith.constant 0 : i32
    return %c0_i32, %c0_i32_0 : i32, i32
  }
  func.func @transform_7(%arg0: i32) -> (i32, i32) {
    %c0_i32 = arith.constant 0 : i32
    %c0_i32_0 = arith.constant 0 : i32
    %c0_i32_1 = arith.constant 0 : i32
    return %c0_i32, %c0_i32_0 : i32, i32
  }
  func.func @transform_8(%arg0: i32) -> (i32, i32) {
    %c0_i32 = arith.constant 0 : i32
    %c0_i32_0 = arith.constant 0 : i32
    return %arg0, %c0_i32 : i32, i32
  }
}

</mosaic_0001>

<sc_bundles>
// kernel: kernel.12.cloned.1.call-start
scs
__scs_entry_jumppad:
0x0: {  	(pc) =	sbr.rel $0x88, $3  }
0x1: {  	(tag) =	ssettag $0x0;
	lr =	simm.s32 $0x1  }
0x2: {  	[smem:$0x3F92] =	sst lr;
	_ =	strace $0xD0000000  }
0x3: {  	_ = 	snop  }
0x4: {  	_ = 	snop  }
0x5: {  	_ = 	snop  }
0x6: {  	_ = 	snop  }
0x7: {  	_ = 	snop  }
__scs_overlays_trampoline_lowered:
0x8: {  	[smem:$0x3FA1] =	sst s0  }
0x9: {  	[smem:$0x3FA2] =	sst s1  }
0xa: {  	[smem:$0x3FA3] =	sst s2  }
0xb: {  	[smem:$0x3FA4] =	sst s3  }
0xc: {  	[smem:$0x3FA5] =	sst s4  }
0xd: {  	[smem:$0x3FA6] =	sst s5  }
0xe: {  	[smem:$0x3FA7] =	sst s6  }
0xf: {  	[smem:$0x3FA8] =	sst s7  }
0x10: {  	[smem:$0x3FA9] =	sst s8  }
0x11: {  	[smem:$0x3FAA] =	sst s9;
	s0 =	simm.s32 @!p0 $0x0  }
0x12: {  	s1 =	sld [smem:$0x3F90];
	s0 =	simm.s32 @p0 $0x1  }
0x13: {  	[smem:$0x3FAB] =	sst s0;
	s0 =	simm.s32 @!p1 $0x0  }
0x14: {  	s2 =	sld [smem:$0x3F8F];
	s0 =	simm.s32 @p1 $0x1  }
0x15: {  	[smem:$0x3FAC] =	sst s0;
	s0 =	simm.s32 @!p2 $0x0  }
0x16: {  	s3 =	sld [smem:$0x3FDB];
	s0 =	simm.s32 @p2 $0x1  }
0x17: {  	s4 =	simm.s32 $0x1BF5;
	[smem:$0x3FAE] =	sst s0  }
0x18: {  	s0 =	sld [smem:$0x3F91];
	_ =	swait.ge [sflag:s4], $0x0  }
0x19: {  	s7 =	sld [smem:$0x3F92]  }
0x1a: {  	s8 =	sadd.s32 $0xFFFFE003, lr  }
0x1b: {  	s9 =	sadd.s32 $0xFFFFFEF7, lr;
	s5 =	simm.s32 $0xFFFFFFFF;
	p2 =	slt.u32 s8, $0xFFFFF086  }
0x1c: {  	p1 =	slt.u32 s9, $0xF7A;
	s5 =	simm.s32 @!p2 $0x0  }
0x1d: {  	s5 =	simm.s32 @p1 $0x1;
	p0 =	seq.s32 s7, s2  }
0x1e: {  	s7 =	smul.u32 @!p0 $0xF7A, s2;
	p2 =	seq.s32 @!p0 s5, $0x0  }
0x1f: {  	s9 =	smul.u32 $0xF7A, s1;
	s8 =	simm.s32 @!p0 $0x1BF5;
	p2 =	por !p2, p0  }
0x20: {  	[sflag:s8] =	ssyncset.s32 @!p0 $0xFFFFF086;
	s6 =	sadd.s32 @!p0 s3, s7;
	s7 =	simm.s32 @!p0 $0x108  }
0x21: {  	s3 =	sadd.s32 s3, s9;
	s6 =	sadd.s32 @!p0 $0x88, s6;
	s7 =	simm.s32 @p2 $0x1082  }
0x22: {  	[simem:s7], [sflag:s8] =	dma.local @!p0 [hbm:s6], $0xF7A  }
0x23: {  	s9 =	sor.u32 $0xD0000000, s2;
	s6 =	simm.s32 $0x108;
	_ =	swait.ge @!p0 [sflag:s8], $0x0  }
0x24: {  	s3 =	sadd.s32 $0x88, s3;
	s6 =	simm.s32 @!p1 $0x1082;
	[sflag:s4] =	ssyncset.s32 $0xFFFFF086  }
0x25: {  	[simem:s6], [sflag:s4] =	dma.local [hbm:s3], $0xF7A  }
0x26: {  	[smem:$0x3F92] =	sst s1;
	(tag) =	ssettag s2;
	_ =	strace s9  }
0x27: {  	s1 =	sld [smem:$0x3FA2]  }
0x28: {  	s2 =	sld [smem:$0x3FA3]  }
0x29: {  	s4 =	sld [smem:$0x3FA5]  }
0x2a: {  	p0 =	seq.s32 s5, $0x0;
	s5 =	sld [smem:$0x3FA6]  }
0x2b: {  	s6 =	sld [smem:$0x3FA7]  }
0x2c: {  	s7 =	sld [smem:$0x3FA8]  }
0x2d: {  	s3 =	simm.s32 $0x108;
	s8 =	sld [smem:$0x3FA9]  }
0x2e: {  	s3 =	simm.s32 @!p0 $0x1082;
	s9 =	sld [smem:$0x3FAA]  }
0x2f: {  	lr =	sadd.s32 s0, s3;
	s0 =	sld [smem:$0x3FA1]  }
0x30: {  	s3 =	sld [smem:$0x3FA4]  }
0x31: {  	[smem:$0x3FAD] =	sst s10  }
0x32: {  	s10 =	sld [smem:$0x3FAB];
	_ =	sdelay $0x3  }
0x33: {  	p0 =	seq.s32 s10, $0x1;
	s10 =	sld [smem:$0x3FAD];
	_ =	sdelay $0x3  }
0x34: {  	[smem:$0x3FAD] =	sst s10  }
0x35: {  	s10 =	sld [smem:$0x3FAC];
	_ =	sdelay $0x3  }
0x36: {  	p1 =	seq.s32 s10, $0x1;
	s10 =	sld [smem:$0x3FAD];
	_ =	sdelay $0x3  }
0x37: {  	[smem:$0x3FAD] =	sst s10  }
0x38: {  	s10 =	sld [smem:$0x3FAE]  }
0x39: {  	_ = 	snop;
	(pc) =	sbr.ind lr, $3  }
0x3a: {  	_ = 	snop  }
0x3b: {  	_ = 	snop  }
0x3c: {  	p2 =	seq.s32 s10, $0x1;
	s10 =	sld [smem:$0x3FAD]  }
0x3d: {  	_ =	shalt  }
0x3e: {  	_ =	shalt  }
0x3f: {  	_ =	shalt  }
0x40: {  	_ =	shalt  }
0x41: {  	_ =	shalt  }
0x42: {  	_ =	shalt  }
0x43: {  	_ =	shalt  }
0x44: {  	_ =	shalt  }
0x45: {  	_ =	shalt  }
0x46: {  	_ =	shalt  }
0x47: {  	_ =	shalt  }
0x48: {  	_ =	shalt  }
0x49: {  	_ =	shalt  }
0x4a: {  	_ =	shalt  }
0x4b: {  	_ =	shalt  }
0x4c: {  	_ =	shalt  }
0x4d: {  	_ =	shalt  }
0x4e: {  	_ =	shalt  }
0x4f: {  	_ =	shalt  }
0x50: {  	_ =	shalt  }
0x51: {  	_ =	shalt  }
0x52: {  	_ =	shalt  }
0x53: {  	_ =	shalt  }
0x54: {  	_ =	shalt  }
0x55: {  	_ =	shalt  }
0x56: {  	_ =	shalt  }
0x57: {  	_ =	shalt  }
0x58: {  	_ =	shalt  }
0x59: {  	_ =	shalt  }
0x5a: {  	_ =	shalt  }
0x5b: {  	_ =	shalt  }
0x5c: {  	_ =	shalt  }
0x5d: {  	_ =	shalt  }
0x5e: {  	_ =	shalt  }
0x5f: {  	_ =	shalt  }
0x60: {  	_ =	shalt  }
0x61: {  	_ =	shalt  }
0x62: {  	_ =	shalt  }
0x63: {  	_ =	shalt  }
0x64: {  	_ =	shalt  }
0x65: {  	_ =	shalt  }
0x66: {  	_ =	shalt  }
0x67: {  	_ =	shalt  }
0x68: {  	_ =	shalt  }
0x69: {  	_ =	shalt  }
0x6a: {  	_ =	shalt  }
0x6b: {  	_ =	shalt  }
0x6c: {  	_ =	shalt  }
0x6d: {  	_ =	shalt  }
0x6e: {  	_ =	shalt  }
0x6f: {  	_ =	shalt  }
0x70: {  	_ =	shalt  }
0x71: {  	_ =	shalt  }
0x72: {  	_ =	shalt  }
0x73: {  	_ =	shalt  }
0x74: {  	_ =	shalt  }
0x75: {  	_ =	shalt  }
0x76: {  	_ =	shalt  }
0x77: {  	_ =	shalt  }
0x78: {  	_ =	shalt  }
0x79: {  	_ =	shalt  }
0x7a: {  	_ =	shalt  }
0x7b: {  	_ =	shalt  }
0x7c: {  	_ =	shalt  }
0x7d: {  	_ =	shalt  }
0x7e: {  	_ =	shalt  }
0x7f: {  	_ =	shalt  }
0x80: {  	_ =	shalt  }
0x81: {  	_ =	shalt  }
0x82: {  	_ =	shalt  }
0x83: {  	_ =	shalt  }
0x84: {  	_ =	shalt  }
0x85: {  	_ =	shalt  }
0x86: {  	_ =	shalt  }
0x87: {  	_ =	shalt  }
.Lfunc_end0:
.L_simem_size_0:
called_computation.1_lowered:
.L_overlay_start_0:
0x88: {  	s2 =	sld [smem:$0x3FD9]  }
0x89: {  	s3 =	sld [smem:$0x3FFE];
	_ =	sdelay $0x1  }
0x8a: {  	s1 =	srdreg.scid  }
0x8b: {  	s0 =	sand.u32 $0x1, s1  }
0x8c: {  	s17 =	sshll.u32 s0, $0xA;
	s2 =	sadd.s32 s3, s2  }
0x8d: {  	s2 =	sadd.s32 s2, s17  }
0x8e: {  	[smem:$0x3FB9] =	sst s2  }
0x8f: {  	_ = 	snop  }
0x90: {  	s2 =	sld [smem:$0x3FC9];
	(tm) =	ssettm $0x1  }
0x91: {  	s18 =	sld [smem:$0x3FFB];
	_ =	sdelay $0x3  }
0x92: {  	_ =	strace s18  }
0x93: {  	s3 =	sld [smem:$0x3FFC];
	_ =	sdelay $0x3  }
0x94: {  	_ =	strace s3  }
0x95: {  	s3 =	sld [smem:$0x3FFD];
	_ =	sdelay $0x3  }
0x96: {  	_ =	strace s3  }
0x97: {  	_ =	strace $0x8FFFFFFF  }
0x98: {  	s19 =	sld [smem:$0x3FDB];
	_ =	sdelay $0x1  }
0x99: {  	s4 =	simm.s32 $_scs_section_size  }
0x9a: {  	s5 =	simm.s32 $_size__tile_overlayer_lowered;
	s6 =	simm.s32 $_tile_overlayer_lowered  }
0x9b: {  	s22 =	simm.s32 $0x1BFF;
	s21 =	sshll.u32 s6, $0x1;
	s3 =	sadd.s32 s4, s19  }
0x9c: {  	s7 =	simm.s32 $0x0;
	s20 =	sshll.u32 s5, $0x1;
	s5 =	sadd.s32 s21, s3  }
0x9d: {  	[timem:s7], [sflag:s22] =	dma.local [hbm:s5], s20  }
0x9e: {  	_ =	swait.ge [sflag:s22], s20  }
0x9f: {  	s4 =	ssub.s32 $0x0, s20;
	[sflag:s22] =	ssyncset.done $0x0  }
0xa0: {  	[sflag:s22] =	ssyncadd.s32 s4;
	_ =	sdelay $0x1  }
0xa1: {  	s23 =	simm.s32 $0x1B8B  }
0xa2: {  	_ =	swait.ge [sflag:s23], $0x1  }
0xa3: {  	[sflag:s23] =	ssyncset.done $0x0  }
0xa4: {  	s25 =	simm.s32 $0x1B8E;
	s24 =	sld [smem:$0x3FFE];
	[sflag:s23] =	ssyncadd.s32 $0xFFFFFFFF  }
0xa5: {  	s26 =	simm.s32 $execute0_lowered;
	[smem:$0x3FD2] =	sst s25  }
0xa6: {  	s5 =	sshll.u32 s26, $0x1;
	_ =	strace $0x80000046;
	[dreg:$0x1] =	wrdreg $0xFFFFFFFF  }
0xa7: {  	s28 =	simm.s32 $_size_execute0_lowered;
	s3 =	sadd.s32 s3, s5;
	[dreg:$0x0] =	wrdreg $0x0  }
0xa8: {  	s5 =	sshll.u32 s28, $0x1;
	[dreg:$0x2] =	wrdreg s3  }
0xa9: {  	[dreg:$0x3] =	wrdreg s5  }
0xaa: {  	[dreg:$0x4] =	wrdreg $0xC0  }
0xab: {  	_ =	task [dreg:s7], $0x5FFFF  }
0xac: {  	[dreg:$0x1] =	wrdreg $0xFFFFFFFF  }
0xad: {  	[dreg:$0x0] =	wrdreg $0x60  }
0xae: {  	[dreg:$0x2] =	wrdreg s2  }
0xaf: {  	[dreg:$0x3] =	wrdreg s24  }
0xb0: {  	[dreg:$0x4] =	wrdreg $0x82000  }
0xb1: {  	[dreg:$0x5] =	wrdreg $0xA  }
0xb2: {  	_ =	task.clear_ibuf [dreg:s7], $0x6FFFF;
	_ =	strace $0x90000046  }
0xb3: {  	s29 =	simm.s32 $0xA;
	_ =	strace $0x80000048  }
0xb4: {  	_ =	swait.ge [sflag:s29], $0x1  }
0xb5: {  	[sflag:s29] =	ssyncadd.s32 $0xFFFFFFFF  }
0xb6: {  	_ =	strace $0x90000048  }
0xb7: {  	_ =	sfence  }
0xb8: {  	s30 =	sld [smem:$0x0];
	_ =	sdelay $0x2  }
0xb9: {  	s31 =	sshll.u32 s1, $0xD;
	s1 =	sshrl.u32 s1, $0x2  }
0xba: {  	s3 =	sand.u32 $0x4000, s31;
	s1 =	sadd.s32 s1, s30  }
0xbb: {  	s0 =	sor.u32 s3, s0;
	s1 =	sshll.u32 s1, $0x11  }
0xbc: {  	s0 =	sor.u32 s1, s0  }
0xbd: {  	s0 =	sadd.s32 $0x8F2B, s0  }
0xbe: {  	[sflag:s0] =	ssyncadd.remote.s32 $0x1  }
0xbf: {  	_ =	sfence.sel $0xFFFF  }
0xc0: {  	[dreg:$0x0] =	wrdreg $0xFFFFFFFF;
	(pc) =	sbr.abs _section_cstart, $3  }
0xc1: {  	[dreg:$0x1] =	wrdreg $0xFFFFFFFF  }
0xc2: {  	_ =	task.clear_ibuf [dreg:s7], $0x2FFFF;
	_ =	strace $0x9FFFFFFF  }
0xc3: {  	(tm) =	ssettm $0x7FFFFFFF  }
tec
execute0_lowered:
.L_overlay_start_1:
0x0: {  	(tag) =	ssettag $0x1  }
0x1: {  	s1 =	rddreg [dreg:$0x0]  }
0x2: {  	s7 =	rddreg [dreg:$0x1]  }
0x3: {  	s2 =	rddreg [dreg:$0x2]  }
0x4: {  	s0 =	rddreg [dreg:$0x3];
	s4 =	simm.s32 $0x0;
	s6 =	srdreg.scid  }
0x5: {  	s3 =	stileid.u32;
	s22 =	simm.s32 $0x80;
	[smem:$0x7FF] =	sst s4  }
0x6: {  	s5 =	sadd.s32 $0xD600, s7;
	s12 =	sand.u32 $0x1, s6;
	s8 =	smul.u32 $0x4F000, s3  }
0x7: {  	s6 =	sadd.s32 $0x3800, s7;
	s18 =	sadd.s32 $0x17400, s7;
	s10 =	sshll.u32 s3, $0x1  }
0x8: {  	s17 =	smul.u32 $0x2780, s3;
	p0 =	seq.s32 s3, $0xF;
	_ =	strace $0x80000047  }
0x9: {  	s30 =	ssub.s32 $0x2, s12;
	s16 =	sor.u32 s12, s10;
	s20 =	smul.u32 $0x27100, s12  }
0xa: {  	s21 =	smul.u32 $0x138800, s12;
	s12 =	sadd.s32 $0x138400, s2;
	s9 =	sshrl.u32 s30, $0x1  }
0xb: {  	s8 =	sshrl.u32 s8, $0x2;
	s13 =	ssub.s32 $0x9E3, s16;
	s15 =	sshll.u32 s16, $0x4  }
0xc: {  	s16 =	sshll.u32 s16, $0x7;
	s19 =	ssub.s32 s30, s9;
	s7 =	sadd.s32 s8, s2  }
0xd: {  	s13 =	sshrl.u32 s13, $0x5;
	s14 =	sadd.s32 s5, s15;
	s15 =	sadd.s32 s6, s15  }
0xe: {  	s17 =	sadd.s32 s17, s20;
	s31 =	sshrl.u32 s21, $0x3;
	s20 =	simm.s32 $0x100  }
0xf: {  	s21 =	simm.s32 $0x3;
	s8 =	sadd.s32 $0x4000, s7;
	s9 =	sadd.s32 $0x8000, s7  }
0x10: {  	s10 =	sadd.s32 $0xC000, s7;
	s17 =	sadd.s32 s18, s17;
	s18 =	sadd.s32 s18, s31  }
0x11: {  	v0 =	vimm.f32 $0.0e+00;
	s11 =	sadd.s32 $0x10000, s7;
	s19 =	smax.u32 s19, $0x1;
	s18 =	sadd.s32 $0x25080, s18  }
.LBB2_1:
0x12: {  	s23 =	simm.s32 $0x0;
	s24 =	simm.s32 $0x200  }
.LBB2_2:
0x13: {  	p1 =	sne.s32 s24, $0xFE00;
	[tilespmem:s23+$0x170] =	vst v0  }
0x14: {  	[tilespmem:s23+$0x100] =	vst v0  }
0x15: {  	[tilespmem:s23+$0x110] =	vst v0  }
.Ltmp0:
0x16: {  	[tilespmem:s23+$0x120] =	vst v0;
	(pc) =	sbr.rel @p1 .LBB2_2-.Ltmp0, $4  }
0x17: {  	[tilespmem:s23+$0x130] =	vst v0  }
0x18: {  	[tilespmem:s23+$0x140] =	vst v0  }
0x19: {  	[tilespmem:s23+$0x150] =	vst v0  }
0x1a: {  	[tilespmem:s23+$0x160] =	vst v0;
	s23 =	sshra.s32 s24, $0x2;
	s24 =	sadd.s32 $0x200, s24  }
0x1b: {  	[tilespmem:s23+$0x170] =	vst v0  }
0x1c: {  	[tilespmem:s23+$0x100] =	vst v0  }
0x1d: {  	[tilespmem:s23+$0x110] =	vst v0  }
0x1e: {  	[tilespmem:s23+$0x120] =	vst v0  }
0x1f: {  	[tilespmem:s23+$0x130] =	vst v0  }
0x20: {  	[tilespmem:s23+$0x140] =	vst v0  }
0x21: {  	[tilespmem:s23+$0x150] =	vst v0  }
0x22: {  	[tilespmem:s23+$0x160] =	vst v0  }
0x23: {  	[spmem:s7] =	stream.linear.scatter [tilespmem:s20], [sflag:$0x3], $0x4000, $0x38;
	[tilespmem:$0x1BA80] =	vst v63  }
0x24: {  	_ =	swait.ge [sflag:s21], $0x4000  }
0x25: {  	[sflag:s21] =	ssyncset.done $0x0  }
0x26: {  	[sflag:s21] =	ssyncadd.s32 $0xFFFFC000  }
0x27: {  	[spmem:s8] =	stream.linear.scatter [tilespmem:s20], [sflag:$0x3], $0x4000, $0x38;
	[tilespmem:$0x1BA80] =	vst v63  }
0x28: {  	_ =	swait.ge [sflag:s21], $0x4000  }
0x29: {  	[sflag:s21] =	ssyncset.done $0x0  }
0x2a: {  	[sflag:s21] =	ssyncadd.s32 $0xFFFFC000  }
0x2b: {  	[spmem:s9] =	stream.linear.scatter [tilespmem:s20], [sflag:$0x3], $0x4000, $0x38;
	[tilespmem:$0x1BA80] =	vst v63  }
0x2c: {  	_ =	swait.ge [sflag:s21], $0x4000  }
0x2d: {  	[sflag:s21] =	ssyncset.done $0x0  }
0x2e: {  	[sflag:s21] =	ssyncadd.s32 $0xFFFFC000  }
0x2f: {  	[spmem:s10] =	stream.linear.scatter [tilespmem:s20], [sflag:$0x3], $0x4000, $0x38;
	[tilespmem:$0x1BA80] =	vst v63  }
0x30: {  	_ =	swait.ge [sflag:s21], $0x4000  }
0x31: {  	[sflag:s21] =	ssyncset.done $0x0  }
0x32: {  	s23 =	simm.s32 @p0 $0x100;
	[sflag:s21] =	ssyncadd.s32 $0xFFFFC000  }
0x33: {  	[spmem:s12] =	stream.linear.scatter @p0 [tilespmem:s23], [sflag:$0x3], $0x400, $0x38;
	[tilespmem:$0x1BA80] =	vst v63  }
0x34: {  	s23 =	simm.s32 @p0 $0x3  }
0x35: {  	_ =	swait.ge @p0 [sflag:s23], $0x400  }
0x36: {  	[sflag:s23] =	ssyncset.done @p0 $0x0  }
0x37: {  	[sflag:s23] =	ssyncadd.s32 @p0 $0xFFFFFC00;
	s23 =	simm.s32 @!p0 $0x100  }
0x38: {  	[spmem:s11] =	stream.linear.scatter @!p0 [tilespmem:s23], [sflag:$0x3], $0x3C00, $0x38;
	[tilespmem:$0x1BA80] =	vst v63  }
0x39: {  	s23 =	simm.s32 @!p0 $0x3  }
0x3a: {  	_ =	swait.ge @!p0 [sflag:s23], $0x3C00  }
0x3b: {  	[sflag:s23] =	ssyncset.done @!p0 $0x0  }
0x3c: {  	[sflag:s23] =	ssyncadd.s32 @!p0 $0xFFFFC400  }
0x3d: {  	s23 =	simm.s32 $0x0;
	[bflag:$0x0] =	sbarrier.arrive $0xFFFF  }
0x3e: {  	[tilespmem:s23], [sflag:$0x3] =	stream.linear.gather [hbm4b:s14+s23], $0x80, $0x38;
	[tilespmem:$0x1BA80] =	vst v63  }
0x3f: {  	_ =	swait.ge [sflag:s21], $0x80  }
0x40: {  	[sflag:s21] =	ssyncset.done $0x0  }
0x41: {  	[sflag:s21] =	ssyncadd.s32 $0xFFFFFF80  }
0x42: {  	[tilespmem:s22], [sflag:$0x3] =	stream.linear.gather [hbm4b:s15+s23], $0x80, $0x38;
	[tilespmem:$0x1BA80] =	vst v63  }
0x43: {  	_ =	swait.ge [sflag:s21], $0x80  }
0x44: {  	[sflag:s21] =	ssyncset.done $0x0  }
0x45: {  	[sflag:s21] =	ssyncadd.s32 $0xFFFFFF80  }
0x46: {  	[tilespmem:s20], [sflag:$0x1] =	stream.indirect.gather [hbm4b:s1+s22], $0x80, s23, s22, $0xb8;
	[tilespmem:$0x1BA80] =	vst v63  }
.LBB2_4:
0x47: {  	s24 =	sand.u32 $0x1, s23  }
0x48: {  	p1 =	seq.s32 s24, $0x1  }
0x49: {  	s24 =	sadd.s32 @p1 $0x1, s23  }
0x4a: {  	p2 =	sge.u32 @p1 s24, s13  }
0x4b: {  	p2 =	por p2, !p1  }
0x4c: {  	s25 =	sshll.u32 @!p2 s24, $0xC  }
0x4d: {  	s25 =	sor.u32 @!p2 s16, s25  }
0x4e: {  	s25 =	sshrl.u32 @!p2 s25, $0x3  }
0x4f: {  	s28 =	simm.s32 @!p2 $0x0;
	s26 =	sadd.s32 @!p2 s5, s25  }
0x50: {  	[tilespmem:s28], [sflag:$0x4] =	stream.linear.gather @!p2 [hbm4b:s26+s28], $0x80, $0x38;
	[tilespmem:$0x1BA80] =	vst v63  }
0x51: {  	s26 =	simm.s32 @!p2 $0x4  }
0x52: {  	_ =	swait.ge @!p2 [sflag:s26], $0x80  }
0x53: {  	[sflag:s26] =	ssyncset.done @!p2 $0x0  }
0x54: {  	s29 =	simm.s32 @!p2 $0x80;
	s25 =	sadd.s32 @!p2 s6, s25;
	[sflag:s26] =	ssyncadd.s32 @!p2 $0xFFFFFF80  }
0x55: {  	[tilespmem:s29], [sflag:$0x4] =	stream.linear.gather @!p2 [hbm4b:s25+s28], $0x80, $0x38;
	[tilespmem:$0x1BA80] =	vst v63  }
0x56: {  	_ =	swait.ge @!p2 [sflag:s26], $0x80  }
0x57: {  	[sflag:s26] =	ssyncset.done @!p2 $0x0  }
0x58: {  	s25 =	simm.s32 @!p2 $0x100;
	[sflag:s26] =	ssyncadd.s32 @!p2 $0xFFFFFF80  }
0x59: {  	[tilespmem:s25], [sflag:$0x1] =	stream.indirect.gather @!p2 [hbm4b:s1+s29], $0x80, s28, s29, $0xb8;
	[tilespmem:$0x1BA80] =	vst v63  }
0x5a: {  	s25 =	simm.s32 @p1 $0x2  }
0x5b: {  	s23 =	sor.u32 @!p1 $0x1, s23;
	_ =	swait.ge @p1 [sflag:s25], $0x4000  }
0x5c: {  	s26 =	simm.s32 @p1 $0x4180;
	s28 =	simm.s32 @p1 $0x4200;
	[sflag:s25] =	ssyncset.done @p1 $0x0  }
0x5d: {  	p2 =	sge.u32 @!p1 s23, s13;
	[sflag:s25] =	ssyncadd.s32 @p1 $0xFFFFC000;
	s25 =	simm.s32 @p1 $0x80  }
0x5e: {  	[spmem:s2] =	stream.indirect.scatter.add.f32 @p1 [tilespmem:s28], [sflag:$0x3], $0x80, s26, s25, $0xb8;
	[tilespmem:$0x1BA80] =	vst v63  }
0x5f: {  	p2 =	por p2, p1;
	s25 =	simm.s32 @p1 $0x3  }
0x60: {  	s26 =	sshll.u32 @!p2 s23, $0xC;
	_ =	swait.ge @p1 [sflag:s25], $0x4000  }
0x61: {  	s26 =	sor.u32 @!p2 s16, s26;
	[sflag:s25] =	ssyncset.done @p1 $0x0  }
0x62: {  	[sflag:s25] =	ssyncadd.s32 @p1 $0xFFFFC000;
	s25 =	sshrl.u32 @!p2 s26, $0x3  }
0x63: {  	s29 =	simm.s32 @!p2 $0x4100;
	s28 =	simm.s32 @!p2 $0x0;
	s26 =	sadd.s32 @!p2 s5, s25  }
0x64: {  	[tilespmem:s29], [sflag:$0x4] =	stream.linear.gather @!p2 [hbm4b:s26+s28], $0x80, $0x38;
	[tilespmem:$0x1BA80] =	vst v63  }
0x65: {  	s26 =	simm.s32 @!p2 $0x4  }
0x66: {  	_ =	swait.ge @!p2 [sflag:s26], $0x80  }
0x67: {  	[sflag:s26] =	ssyncset.done @!p2 $0x0  }
0x68: {  	s30 =	simm.s32 @!p2 $0x4180;
	s25 =	sadd.s32 @!p2 s6, s25;
	[sflag:s26] =	ssyncadd.s32 @!p2 $0xFFFFFF80  }
0x69: {  	[tilespmem:s30], [sflag:$0x4] =	stream.linear.gather @!p2 [hbm4b:s25+s28], $0x80, $0x38;
	[tilespmem:$0x1BA80] =	vst v63  }
0x6a: {  	_ =	swait.ge @!p2 [sflag:s26], $0x80  }
0x6b: {  	[sflag:s26] =	ssyncset.done @!p2 $0x0  }
0x6c: {  	s25 =	simm.s32 @!p2 $0x80;
	[sflag:s26] =	ssyncadd.s32 @!p2 $0xFFFFFF80;
	s26 =	simm.s32 @!p2 $0x4200  }
0x6d: {  	[tilespmem:s26], [sflag:$0x2] =	stream.indirect.gather @!p2 [hbm4b:s1+s25], $0x80, s29, s25, $0xb8;
	[tilespmem:$0x1BA80] =	vst v63  }
0x6e: {  	s25 =	simm.s32 @!p1 $0x1  }
0x6f: {  	_ =	swait.ge @!p1 [sflag:s25], $0x4000  }
0x70: {  	s23 =	smov.u32 @p1 s24;
	s26 =	simm.s32 @!p1 $0x100;
	[sflag:s25] =	ssyncset.done @!p1 $0x0  }
0x71: {  	p2 =	sne.s32 s23, s13;
	[sflag:s25] =	ssyncadd.s32 @!p1 $0xFFFFC000;
	s25 =	simm.s32 @!p1 $0x80  }
0x72: {  	[spmem:s2] =	stream.indirect.scatter.add.f32 @!p1 [tilespmem:s26], [sflag:$0x4], $0x80, s25, s25, $0xb8;
	[tilespmem:$0x1BA80] =	vst v63  }
.Ltmp1:
0x73: {  	_ = 	snop;
	(pc) =	sbr.rel @p2 .LBB2_4-.Ltmp1, $4  }
0x74: {  	s25 =	simm.s32 @!p1 $0x4  }
0x75: {  	_ =	swait.ge @!p1 [sflag:s25], $0x4000  }
0x76: {  	[sflag:s25] =	ssyncset.done @!p1 $0x0  }
0x77: {  	[sflag:s25] =	ssyncadd.s32 @!p1 $0xFFFFC000  }
0x78: {  	[bflag:$0x0] =	sbarrier.arrive $0xFFFF;
	s23 =	sshrl.u32 @p0 s7, $0x3;
	s24 =	simm.s32 @p0 $0x1FC3  }
0x79: {  	[hbm:s18], [sflag:s24] =	dma.local @p0 [spmem:s23], $0x2080  }
0x7a: {  	s23 =	simm.s32 @p0 $0x3  }
0x7b: {  	s4 =	sadd.s32 $0x1, s4;
	_ =	swait.ge @p0 [sflag:s23], $0x2080  }
0x7c: {  	s24 =	sshll.u32 @!p0 s3, $0x6;
	p1 =	sne.s32 s4, s19;
	[sflag:s23] =	ssyncset.done @p0 $0x0  }
0x7d: {  	[sflag:s23] =	ssyncadd.s32 @p0 $0xFFFFDF80;
	s23 =	sor.u32 @!p0 $0x1C03, s24;
	s24 =	sshrl.u32 @!p0 s7, $0x3  }
0x7e: {  	[hbm:s17], [sflag:s23] =	dma.local @!p0 [spmem:s24], $0x2780  }
.Ltmp2:
0x7f: {  	_ = 	snop;
	(pc) =	sbr.rel @p1 .LBB2_1-.Ltmp2, $4  }
0x80: {  	s23 =	simm.s32 @!p0 $0x3  }
0x81: {  	_ =	swait.ge @!p0 [sflag:s23], $0x2780  }
0x82: {  	[sflag:s23] =	ssyncset.done @!p0 $0x0  }
0x83: {  	[sflag:s23] =	ssyncadd.s32 @!p0 $0xFFFFD880  }
0x84: {  	_ =	sfence.sel $0x180000  }
0x85: {  	[bflag:$0x0] =	sbarrier.arrive $0xFFFF  }
0x86: {  	p0 =	sne.s32 s3, $0x0;
	_ =	strace $0x90000047  }
0x87: {  	s0 =	sadd.s32 @!p0 $0x100000, s0;
	[bflag:$0x2] =	sbarrier.arrive $0xFFFF  }
0x88: {  	[sflag:s0] =	ssyncadd.tile.s32 @!p0 $0x1;
	_ =	shalt  }
.Lfunc_end2:
_tile_overlayer_lowered:
.L_overlay_start_2:
0x89: {  	(tag) =	ssettag $0x2  }
0x8a: {  	s0 =	rddreg [dreg:$0x0];
	s2 =	stileid.u32  }
0x8b: {  	s1 =	rddreg [dreg:$0x1];
	p0 =	sne.s32 s2, $0x0  }
0x8c: {  	s3 =	rddreg [dreg:$0x2];
	[bflag:$0x3] =	sbarrier.arrive $0xFFFF;
	s2 =	simm.s32 @!p0 $0x1C03  }
0x8d: {  	[timem:s3], [sflag:s2] =	dma.local @!p0 [hbm:s0], s1  }
0x8e: {  	s0 =	simm.s32 @!p0 $0x3  }
0x8f: {  	_ =	swait.ge @!p0 [sflag:s0], s1  }
0x90: {  	s1 =	ssub.s32 @!p0 $0x0, s1;
	[sflag:s0] =	ssyncset.done @!p0 $0x0  }
0x91: {  	[sflag:s0] =	ssyncadd.s32 @!p0 s1  }
0x92: {  	[bflag:$0x3] =	sbarrier.arrive $0xFFFF  }
0x93: {  	_ =	shalt  }

// kernel: kernel.15.cloned.1.call-start
scs
__scs_entry_jumppad:
0x0: {  	(pc) =	sbr.rel $0x88, $3  }
0x1: {  	(tag) =	ssettag $0x0;
	lr =	simm.s32 $0x1  }
0x2: {  	[smem:$0x3F92] =	sst lr;
	_ =	strace $0xD0000000  }
0x3: {  	_ = 	snop  }
0x4: {  	_ = 	snop  }
0x5: {  	_ = 	snop  }
0x6: {  	_ = 	snop  }
0x7: {  	_ = 	snop  }
__scs_overlays_trampoline_lowered:
0x8: {  	[smem:$0x3FA1] =	sst s0  }
0x9: {  	[smem:$0x3FA2] =	sst s1  }
0xa: {  	[smem:$0x3FA3] =	sst s2  }
0xb: {  	[smem:$0x3FA4] =	sst s3  }
0xc: {  	[smem:$0x3FA5] =	sst s4  }
0xd: {  	[smem:$0x3FA6] =	sst s5  }
0xe: {  	[smem:$0x3FA7] =	sst s6  }
0xf: {  	[smem:$0x3FA8] =	sst s7  }
0x10: {  	[smem:$0x3FA9] =	sst s8  }
0x11: {  	[smem:$0x3FAA] =	sst s9;
	s0 =	simm.s32 @!p0 $0x0  }
0x12: {  	s1 =	sld [smem:$0x3F90];
	s0 =	simm.s32 @p0 $0x1  }
0x13: {  	[smem:$0x3FAB] =	sst s0;
	s0 =	simm.s32 @!p1 $0x0  }
0x14: {  	s2 =	sld [smem:$0x3F8F];
	s0 =	simm.s32 @p1 $0x1  }
0x15: {  	[smem:$0x3FAC] =	sst s0;
	s0 =	simm.s32 @!p2 $0x0  }
0x16: {  	s3 =	sld [smem:$0x3FDB];
	s0 =	simm.s32 @p2 $0x1  }
0x17: {  	s4 =	simm.s32 $0x1BF5;
	[smem:$0x3FAE] =	sst s0  }
0x18: {  	s0 =	sld [smem:$0x3F91];
	_ =	swait.ge [sflag:s4], $0x0  }
0x19: {  	s7 =	sld [smem:$0x3F92]  }
0x1a: {  	s8 =	sadd.s32 $0xFFFFE003, lr  }
0x1b: {  	s9 =	sadd.s32 $0xFFFFFEF7, lr;
	s5 =	simm.s32 $0xFFFFFFFF;
	p2 =	slt.u32 s8, $0xFFFFF086  }
0x1c: {  	p1 =	slt.u32 s9, $0xF7A;
	s5 =	simm.s32 @!p2 $0x0  }
0x1d: {  	s5 =	simm.s32 @p1 $0x1;
	p0 =	seq.s32 s7, s2  }
0x1e: {  	s7 =	smul.u32 @!p0 $0xF7A, s2;
	p2 =	seq.s32 @!p0 s5, $0x0  }
0x1f: {  	s9 =	smul.u32 $0xF7A, s1;
	s8 =	simm.s32 @!p0 $0x1BF5;
	p2 =	por !p2, p0  }
0x20: {  	[sflag:s8] =	ssyncset.s32 @!p0 $0xFFFFF086;
	s6 =	sadd.s32 @!p0 s3, s7;
	s7 =	simm.s32 @!p0 $0x108  }
0x21: {  	s3 =	sadd.s32 s3, s9;
	s6 =	sadd.s32 @!p0 $0x88, s6;
	s7 =	simm.s32 @p2 $0x1082  }
0x22: {  	[simem:s7], [sflag:s8] =	dma.local @!p0 [hbm:s6], $0xF7A  }
0x23: {  	s9 =	sor.u32 $0xD0000000, s2;
	s6 =	simm.s32 $0x108;
	_ =	swait.ge @!p0 [sflag:s8], $0x0  }
0x24: {  	s3 =	sadd.s32 $0x88, s3;
	s6 =	simm.s32 @!p1 $0x1082;
	[sflag:s4] =	ssyncset.s32 $0xFFFFF086  }
0x25: {  	[simem:s6], [sflag:s4] =	dma.local [hbm:s3], $0xF7A  }
0x26: {  	[smem:$0x3F92] =	sst s1;
	(tag) =	ssettag s2;
	_ =	strace s9  }
0x27: {  	s1 =	sld [smem:$0x3FA2]  }
0x28: {  	s2 =	sld [smem:$0x3FA3]  }
0x29: {  	s4 =	sld [smem:$0x3FA5]  }
0x2a: {  	p0 =	seq.s32 s5, $0x0;
	s5 =	sld [smem:$0x3FA6]  }
0x2b: {  	s6 =	sld [smem:$0x3FA7]  }
0x2c: {  	s7 =	sld [smem:$0x3FA8]  }
0x2d: {  	s3 =	simm.s32 $0x108;
	s8 =	sld [smem:$0x3FA9]  }
0x2e: {  	s3 =	simm.s32 @!p0 $0x1082;
	s9 =	sld [smem:$0x3FAA]  }
0x2f: {  	lr =	sadd.s32 s0, s3;
	s0 =	sld [smem:$0x3FA1]  }
0x30: {  	s3 =	sld [smem:$0x3FA4]  }
0x31: {  	[smem:$0x3FAD] =	sst s10  }
0x32: {  	s10 =	sld [smem:$0x3FAB];
	_ =	sdelay $0x3  }
0x33: {  	p0 =	seq.s32 s10, $0x1;
	s10 =	sld [smem:$0x3FAD];
	_ =	sdelay $0x3  }
0x34: {  	[smem:$0x3FAD] =	sst s10  }
0x35: {  	s10 =	sld [smem:$0x3FAC];
	_ =	sdelay $0x3  }
0x36: {  	p1 =	seq.s32 s10, $0x1;
	s10 =	sld [smem:$0x3FAD];
	_ =	sdelay $0x3  }
0x37: {  	[smem:$0x3FAD] =	sst s10  }
0x38: {  	s10 =	sld [smem:$0x3FAE]  }
0x39: {  	_ = 	snop;
	(pc) =	sbr.ind lr, $3  }
0x3a: {  	_ = 	snop  }
0x3b: {  	_ = 	snop  }
0x3c: {  	p2 =	seq.s32 s10, $0x1;
	s10 =	sld [smem:$0x3FAD]  }
0x3d: {  	_ =	shalt  }
0x3e: {  	_ =	shalt  }
0x3f: {  	_ =	shalt  }
0x40: {  	_ =	shalt  }
0x41: {  	_ =	shalt  }
0x42: {  	_ =	shalt  }
0x43: {  	_ =	shalt  }
0x44: {  	_ =	shalt  }
0x45: {  	_ =	shalt  }
0x46: {  	_ =	shalt  }
0x47: {  	_ =	shalt  }
0x48: {  	_ =	shalt  }
0x49: {  	_ =	shalt  }
0x4a: {  	_ =	shalt  }
0x4b: {  	_ =	shalt  }
0x4c: {  	_ =	shalt  }
0x4d: {  	_ =	shalt  }
0x4e: {  	_ =	shalt  }
0x4f: {  	_ =	shalt  }
0x50: {  	_ =	shalt  }
0x51: {  	_ =	shalt  }
0x52: {  	_ =	shalt  }
0x53: {  	_ =	shalt  }
0x54: {  	_ =	shalt  }
0x55: {  	_ =	shalt  }
0x56: {  	_ =	shalt  }
0x57: {  	_ =	shalt  }
0x58: {  	_ =	shalt  }
0x59: {  	_ =	shalt  }
0x5a: {  	_ =	shalt  }
0x5b: {  	_ =	shalt  }
0x5c: {  	_ =	shalt  }
0x5d: {  	_ =	shalt  }
0x5e: {  	_ =	shalt  }
0x5f: {  	_ =	shalt  }
0x60: {  	_ =	shalt  }
0x61: {  	_ =	shalt  }
0x62: {  	_ =	shalt  }
0x63: {  	_ =	shalt  }
0x64: {  	_ =	shalt  }
0x65: {  	_ =	shalt  }
0x66: {  	_ =	shalt  }
0x67: {  	_ =	shalt  }
0x68: {  	_ =	shalt  }
0x69: {  	_ =	shalt  }
0x6a: {  	_ =	shalt  }
0x6b: {  	_ =	shalt  }
0x6c: {  	_ =	shalt  }
0x6d: {  	_ =	shalt  }
0x6e: {  	_ =	shalt  }
0x6f: {  	_ =	shalt  }
0x70: {  	_ =	shalt  }
0x71: {  	_ =	shalt  }
0x72: {  	_ =	shalt  }
0x73: {  	_ =	shalt  }
0x74: {  	_ =	shalt  }
0x75: {  	_ =	shalt  }
0x76: {  	_ =	shalt  }
0x77: {  	_ =	shalt  }
0x78: {  	_ =	shalt  }
0x79: {  	_ =	shalt  }
0x7a: {  	_ =	shalt  }
0x7b: {  	_ =	shalt  }
0x7c: {  	_ =	shalt  }
0x7d: {  	_ =	shalt  }
0x7e: {  	_ =	shalt  }
0x7f: {  	_ =	shalt  }
0x80: {  	_ =	shalt  }
0x81: {  	_ =	shalt  }
0x82: {  	_ =	shalt  }
0x83: {  	_ =	shalt  }
0x84: {  	_ =	shalt  }
0x85: {  	_ =	shalt  }
0x86: {  	_ =	shalt  }
0x87: {  	_ =	shalt  }
.Lfunc_end0:
.L_simem_size_0:
called_computation.2_lowered:
.L_overlay_start_0:
0x88: {  	s2 =	sld [smem:$0x3FD9]  }
0x89: {  	s3 =	sld [smem:$0x3FFE];
	_ =	sdelay $0x1  }
0x8a: {  	s1 =	srdreg.scid  }
0x8b: {  	s0 =	sand.u32 $0x1, s1  }
0x8c: {  	s17 =	sshll.u32 s0, $0xA;
	s2 =	sadd.s32 s3, s2  }
0x8d: {  	s2 =	sadd.s32 s2, s17  }
0x8e: {  	[smem:$0x3FB9] =	sst s2  }
0x8f: {  	_ = 	snop  }
0x90: {  	s2 =	sld [smem:$0x3FD0];
	(tm) =	ssettm $0x1  }
0x91: {  	s18 =	sld [smem:$0x3FFB];
	_ =	sdelay $0x3  }
0x92: {  	_ =	strace s18  }
0x93: {  	s3 =	sld [smem:$0x3FFC];
	_ =	sdelay $0x3  }
0x94: {  	_ =	strace s3  }
0x95: {  	s3 =	sld [smem:$0x3FFD];
	_ =	sdelay $0x3  }
0x96: {  	_ =	strace s3  }
0x97: {  	_ =	strace $0x8FFFFFFF  }
0x98: {  	s19 =	sld [smem:$0x3FDB];
	_ =	sdelay $0x1  }
0x99: {  	s4 =	simm.s32 $_scs_section_size  }
0x9a: {  	s5 =	simm.s32 $_size__tile_overlayer_lowered;
	s6 =	simm.s32 $_tile_overlayer_lowered  }
0x9b: {  	s22 =	simm.s32 $0x1BFF;
	s21 =	sshll.u32 s6, $0x1;
	s3 =	sadd.s32 s4, s19  }
0x9c: {  	s7 =	simm.s32 $0x0;
	s20 =	sshll.u32 s5, $0x1;
	s5 =	sadd.s32 s21, s3  }
0x9d: {  	[timem:s7], [sflag:s22] =	dma.local [hbm:s5], s20  }
0x9e: {  	_ =	swait.ge [sflag:s22], s20  }
0x9f: {  	s4 =	ssub.s32 $0x0, s20;
	[sflag:s22] =	ssyncset.done $0x0  }
0xa0: {  	[sflag:s22] =	ssyncadd.s32 s4;
	_ =	sdelay $0x1  }
0xa1: {  	s23 =	simm.s32 $0x1B8B  }
0xa2: {  	_ =	swait.ge [sflag:s23], $0x1  }
0xa3: {  	[sflag:s23] =	ssyncset.done $0x0  }
0xa4: {  	s25 =	simm.s32 $0x1B8E;
	s24 =	sld [smem:$0x3FFE];
	[sflag:s23] =	ssyncadd.s32 $0xFFFFFFFF  }
0xa5: {  	s26 =	simm.s32 $execute0_lowered;
	[smem:$0x3FD2] =	sst s25  }
0xa6: {  	s5 =	sshll.u32 s26, $0x1;
	_ =	strace $0x8000004C;
	[dreg:$0x1] =	wrdreg $0xFFFFFFFF  }
0xa7: {  	s28 =	simm.s32 $_size_execute0_lowered;
	s3 =	sadd.s32 s3, s5;
	[dreg:$0x0] =	wrdreg $0x0  }
0xa8: {  	s5 =	sshll.u32 s28, $0x1;
	[dreg:$0x2] =	wrdreg s3  }
0xa9: {  	[dreg:$0x3] =	wrdreg s5  }
0xaa: {  	[dreg:$0x4] =	wrdreg $0xC0  }
0xab: {  	_ =	task [dreg:s7], $0x5FFFF  }
0xac: {  	[dreg:$0x1] =	wrdreg $0xFFFFFFFF  }
0xad: {  	[dreg:$0x0] =	wrdreg $0x60  }
0xae: {  	[dreg:$0x2] =	wrdreg s2  }
0xaf: {  	[dreg:$0x3] =	wrdreg s24  }
0xb0: {  	[dreg:$0x4] =	wrdreg $0x82000  }
0xb1: {  	[dreg:$0x5] =	wrdreg $0x9  }
0xb2: {  	_ =	task.clear_ibuf [dreg:s7], $0x6FFFF;
	_ =	strace $0x9000004C  }
0xb3: {  	s29 =	simm.s32 $0x9;
	_ =	strace $0x8000004E  }
0xb4: {  	_ =	swait.ge [sflag:s29], $0x1  }
0xb5: {  	[sflag:s29] =	ssyncadd.s32 $0xFFFFFFFF  }
0xb6: {  	_ =	strace $0x9000004E  }
0xb7: {  	_ =	sfence  }
0xb8: {  	s30 =	sld [smem:$0x0];
	_ =	sdelay $0x2  }
0xb9: {  	s31 =	sshll.u32 s1, $0xD;
	s1 =	sshrl.u32 s1, $0x2  }
0xba: {  	s3 =	sand.u32 $0x4000, s31;
	s1 =	sadd.s32 s1, s30  }
0xbb: {  	s0 =	sor.u32 s3, s0;
	s1 =	sshll.u32 s1, $0x11  }
0xbc: {  	s0 =	sor.u32 s1, s0  }
0xbd: {  	s0 =	sadd.s32 $0x8F2B, s0  }
0xbe: {  	[sflag:s0] =	ssyncadd.remote.s32 $0x1  }
0xbf: {  	_ =	sfence.sel $0xFFFF  }
0xc0: {  	[dreg:$0x0] =	wrdreg $0xFFFFFFFF;
	(pc) =	sbr.abs _section_cstart, $3  }
0xc1: {  	[dreg:$0x1] =	wrdreg $0xFFFFFFFF  }
0xc2: {  	_ =	task.clear_ibuf [dreg:s7], $0x2FFFF;
	_ =	strace $0x9FFFFFFF  }
0xc3: {  	(tm) =	ssettm $0x7FFFFFFF  }
tec
execute0_lowered:
.L_overlay_start_1:
0x0: {  	(tag) =	ssettag $0x1  }
0x1: {  	s1 =	rddreg [dreg:$0x0]  }
0x2: {  	s7 =	rddreg [dreg:$0x1]  }
0x3: {  	s2 =	rddreg [dreg:$0x2]  }
0x4: {  	s0 =	rddreg [dreg:$0x3];
	s4 =	simm.s32 $0x0;
	s6 =	srdreg.scid  }
0x5: {  	s3 =	stileid.u32;
	s22 =	simm.s32 $0x80;
	[smem:$0x7FF] =	sst s4  }
0x6: {  	s5 =	sadd.s32 $0xD600, s7;
	s12 =	sand.u32 $0x1, s6;
	s8 =	smul.u32 $0x4F000, s3  }
0x7: {  	s6 =	sadd.s32 $0x3800, s7;
	s18 =	sadd.s32 $0x17400, s7;
	s10 =	sshll.u32 s3, $0x1  }
0x8: {  	s17 =	smul.u32 $0x2780, s3;
	p0 =	seq.s32 s3, $0xF;
	_ =	strace $0x8000004D  }
0x9: {  	s30 =	ssub.s32 $0x2, s12;
	s16 =	sor.u32 s12, s10;
	s20 =	smul.u32 $0x27100, s12  }
0xa: {  	s21 =	smul.u32 $0x138800, s12;
	s12 =	sadd.s32 $0x138400, s2;
	s9 =	sshrl.u32 s30, $0x1  }
0xb: {  	s8 =	sshrl.u32 s8, $0x2;
	s13 =	ssub.s32 $0x9E3, s16;
	s15 =	sshll.u32 s16, $0x4  }
0xc: {  	s16 =	sshll.u32 s16, $0x7;
	s19 =	ssub.s32 s30, s9;
	s7 =	sadd.s32 s8, s2  }
0xd: {  	s13 =	sshrl.u32 s13, $0x5;
	s14 =	sadd.s32 s5, s15;
	s15 =	sadd.s32 s6, s15  }
0xe: {  	s17 =	sadd.s32 s17, s20;
	s31 =	sshrl.u32 s21, $0x3;
	s20 =	simm.s32 $0x100  }
0xf: {  	s21 =	simm.s32 $0x3;
	s8 =	sadd.s32 $0x4000, s7;
	s9 =	sadd.s32 $0x8000, s7  }
0x10: {  	s10 =	sadd.s32 $0xC000, s7;
	s17 =	sadd.s32 s18, s17;
	s18 =	sadd.s32 s18, s31  }
0x11: {  	v0 =	vimm.f32 $0.0e+00;
	s11 =	sadd.s32 $0x10000, s7;
	s19 =	smax.u32 s19, $0x1;
	s18 =	sadd.s32 $0x25080, s18  }
.LBB2_1:
0x12: {  	s23 =	simm.s32 $0x0;
	s24 =	simm.s32 $0x200  }
.LBB2_2:
0x13: {  	p1 =	sne.s32 s24, $0xFE00;
	[tilespmem:s23+$0x170] =	vst v0  }
0x14: {  	[tilespmem:s23+$0x100] =	vst v0  }
0x15: {  	[tilespmem:s23+$0x110] =	vst v0  }
.Ltmp0:
0x16: {  	[tilespmem:s23+$0x120] =	vst v0;
	(pc) =	sbr.rel @p1 .LBB2_2-.Ltmp0, $4  }
0x17: {  	[tilespmem:s23+$0x130] =	vst v0  }
0x18: {  	[tilespmem:s23+$0x140] =	vst v0  }
0x19: {  	[tilespmem:s23+$0x150] =	vst v0  }
0x1a: {  	[tilespmem:s23+$0x160] =	vst v0;
	s23 =	sshra.s32 s24, $0x2;
	s24 =	sadd.s32 $0x200, s24  }
0x1b: {  	[tilespmem:s23+$0x170] =	vst v0  }
0x1c: {  	[tilespmem:s23+$0x100] =	vst v0  }
0x1d: {  	[tilespmem:s23+$0x110] =	vst v0  }
0x1e: {  	[tilespmem:s23+$0x120] =	vst v0  }
0x1f: {  	[tilespmem:s23+$0x130] =	vst v0  }
0x20: {  	[tilespmem:s23+$0x140] =	vst v0  }
0x21: {  	[tilespmem:s23+$0x150] =	vst v0  }
0x22: {  	[tilespmem:s23+$0x160] =	vst v0  }
0x23: {  	[spmem:s7] =	stream.linear.scatter [tilespmem:s20], [sflag:$0x3], $0x4000, $0x38;
	[tilespmem:$0x1BA80] =	vst v63  }
0x24: {  	_ =	swait.ge [sflag:s21], $0x4000  }
0x25: {  	[sflag:s21] =	ssyncset.done $0x0  }
0x26: {  	[sflag:s21] =	ssyncadd.s32 $0xFFFFC000  }
0x27: {  	[spmem:s8] =	stream.linear.scatter [tilespmem:s20], [sflag:$0x3], $0x4000, $0x38;
	[tilespmem:$0x1BA80] =	vst v63  }
0x28: {  	_ =	swait.ge [sflag:s21], $0x4000  }
0x29: {  	[sflag:s21] =	ssyncset.done $0x0  }
0x2a: {  	[sflag:s21] =	ssyncadd.s32 $0xFFFFC000  }
0x2b: {  	[spmem:s9] =	stream.linear.scatter [tilespmem:s20], [sflag:$0x3], $0x4000, $0x38;
	[tilespmem:$0x1BA80] =	vst v63  }
0x2c: {  	_ =	swait.ge [sflag:s21], $0x4000  }
0x2d: {  	[sflag:s21] =	ssyncset.done $0x0  }
0x2e: {  	[sflag:s21] =	ssyncadd.s32 $0xFFFFC000  }
0x2f: {  	[spmem:s10] =	stream.linear.scatter [tilespmem:s20], [sflag:$0x3], $0x4000, $0x38;
	[tilespmem:$0x1BA80] =	vst v63  }
0x30: {  	_ =	swait.ge [sflag:s21], $0x4000  }
0x31: {  	[sflag:s21] =	ssyncset.done $0x0  }
0x32: {  	s23 =	simm.s32 @p0 $0x100;
	[sflag:s21] =	ssyncadd.s32 $0xFFFFC000  }
0x33: {  	[spmem:s12] =	stream.linear.scatter @p0 [tilespmem:s23], [sflag:$0x3], $0x400, $0x38;
	[tilespmem:$0x1BA80] =	vst v63  }
0x34: {  	s23 =	simm.s32 @p0 $0x3  }
0x35: {  	_ =	swait.ge @p0 [sflag:s23], $0x400  }
0x36: {  	[sflag:s23] =	ssyncset.done @p0 $0x0  }
0x37: {  	[sflag:s23] =	ssyncadd.s32 @p0 $0xFFFFFC00;
	s23 =	simm.s32 @!p0 $0x100  }
0x38: {  	[spmem:s11] =	stream.linear.scatter @!p0 [tilespmem:s23], [sflag:$0x3], $0x3C00, $0x38;
	[tilespmem:$0x1BA80] =	vst v63  }
0x39: {  	s23 =	simm.s32 @!p0 $0x3  }
0x3a: {  	_ =	swait.ge @!p0 [sflag:s23], $0x3C00  }
0x3b: {  	[sflag:s23] =	ssyncset.done @!p0 $0x0  }
0x3c: {  	[sflag:s23] =	ssyncadd.s32 @!p0 $0xFFFFC400  }
0x3d: {  	s23 =	simm.s32 $0x0;
	[bflag:$0x0] =	sbarrier.arrive $0xFFFF  }
0x3e: {  	[tilespmem:s23], [sflag:$0x3] =	stream.linear.gather [hbm4b:s14+s23], $0x80, $0x38;
	[tilespmem:$0x1BA80] =	vst v63  }
0x3f: {  	_ =	swait.ge [sflag:s21], $0x80  }
0x40: {  	[sflag:s21] =	ssyncset.done $0x0  }
0x41: {  	[sflag:s21] =	ssyncadd.s32 $0xFFFFFF80  }
0x42: {  	[tilespmem:s22], [sflag:$0x3] =	stream.linear.gather [hbm4b:s15+s23], $0x80, $0x38;
	[tilespmem:$0x1BA80] =	vst v63  }
0x43: {  	_ =	swait.ge [sflag:s21], $0x80  }
0x44: {  	[sflag:s21] =	ssyncset.done $0x0  }
0x45: {  	[sflag:s21] =	ssyncadd.s32 $0xFFFFFF80  }
0x46: {  	[tilespmem:s20], [sflag:$0x1] =	stream.indirect.gather [hbm4b:s1+s22], $0x80, s23, s22, $0xb8;
	[tilespmem:$0x1BA80] =	vst v63  }
.LBB2_4:
0x47: {  	s24 =	sand.u32 $0x1, s23  }
0x48: {  	p1 =	seq.s32 s24, $0x1  }
0x49: {  	s24 =	sadd.s32 @p1 $0x1, s23  }
0x4a: {  	p2 =	sge.u32 @p1 s24, s13  }
0x4b: {  	p2 =	por p2, !p1  }
0x4c: {  	s25 =	sshll.u32 @!p2 s24, $0xC  }
0x4d: {  	s25 =	sor.u32 @!p2 s16, s25  }
0x4e: {  	s25 =	sshrl.u32 @!p2 s25, $0x3  }
0x4f: {  	s28 =	simm.s32 @!p2 $0x0;
	s26 =	sadd.s32 @!p2 s5, s25  }
0x50: {  	[tilespmem:s28], [sflag:$0x4] =	stream.linear.gather @!p2 [hbm4b:s26+s28], $0x80, $0x38;
	[tilespmem:$0x1BA80] =	vst v63  }
0x51: {  	s26 =	simm.s32 @!p2 $0x4  }
0x52: {  	_ =	swait.ge @!p2 [sflag:s26], $0x80  }
0x53: {  	[sflag:s26] =	ssyncset.done @!p2 $0x0  }
0x54: {  	s29 =	simm.s32 @!p2 $0x80;
	s25 =	sadd.s32 @!p2 s6, s25;
	[sflag:s26] =	ssyncadd.s32 @!p2 $0xFFFFFF80  }
0x55: {  	[tilespmem:s29], [sflag:$0x4] =	stream.linear.gather @!p2 [hbm4b:s25+s28], $0x80, $0x38;
	[tilespmem:$0x1BA80] =	vst v63  }
0x56: {  	_ =	swait.ge @!p2 [sflag:s26], $0x80  }
0x57: {  	[sflag:s26] =	ssyncset.done @!p2 $0x0  }
0x58: {  	s25 =	simm.s32 @!p2 $0x100;
	[sflag:s26] =	ssyncadd.s32 @!p2 $0xFFFFFF80  }
0x59: {  	[tilespmem:s25], [sflag:$0x1] =	stream.indirect.gather @!p2 [hbm4b:s1+s29], $0x80, s28, s29, $0xb8;
	[tilespmem:$0x1BA80] =	vst v63  }
0x5a: {  	s25 =	simm.s32 @p1 $0x2  }
0x5b: {  	s23 =	sor.u32 @!p1 $0x1, s23;
	_ =	swait.ge @p1 [sflag:s25], $0x4000  }
0x5c: {  	s26 =	simm.s32 @p1 $0x4180;
	s28 =	simm.s32 @p1 $0x4200;
	[sflag:s25] =	ssyncset.done @p1 $0x0  }
0x5d: {  	p2 =	sge.u32 @!p1 s23, s13;
	[sflag:s25] =	ssyncadd.s32 @p1 $0xFFFFC000;
	s25 =	simm.s32 @p1 $0x80  }
0x5e: {  	[spmem:s2] =	stream.indirect.scatter.add.f32 @p1 [tilespmem:s28], [sflag:$0x3], $0x80, s26, s25, $0xb8;
	[tilespmem:$0x1BA80] =	vst v63  }
0x5f: {  	p2 =	por p2, p1;
	s25 =	simm.s32 @p1 $0x3  }
0x60: {  	s26 =	sshll.u32 @!p2 s23, $0xC;
	_ =	swait.ge @p1 [sflag:s25], $0x4000  }
0x61: {  	s26 =	sor.u32 @!p2 s16, s26;
	[sflag:s25] =	ssyncset.done @p1 $0x0  }
0x62: {  	[sflag:s25] =	ssyncadd.s32 @p1 $0xFFFFC000;
	s25 =	sshrl.u32 @!p2 s26, $0x3  }
0x63: {  	s29 =	simm.s32 @!p2 $0x4100;
	s28 =	simm.s32 @!p2 $0x0;
	s26 =	sadd.s32 @!p2 s5, s25  }
0x64: {  	[tilespmem:s29], [sflag:$0x4] =	stream.linear.gather @!p2 [hbm4b:s26+s28], $0x80, $0x38;
	[tilespmem:$0x1BA80] =	vst v63  }
0x65: {  	s26 =	simm.s32 @!p2 $0x4  }
0x66: {  	_ =	swait.ge @!p2 [sflag:s26], $0x80  }
0x67: {  	[sflag:s26] =	ssyncset.done @!p2 $0x0  }
0x68: {  	s30 =	simm.s32 @!p2 $0x4180;
	s25 =	sadd.s32 @!p2 s6, s25;
	[sflag:s26] =	ssyncadd.s32 @!p2 $0xFFFFFF80  }
0x69: {  	[tilespmem:s30], [sflag:$0x4] =	stream.linear.gather @!p2 [hbm4b:s25+s28], $0x80, $0x38;
	[tilespmem:$0x1BA80] =	vst v63  }
0x6a: {  	_ =	swait.ge @!p2 [sflag:s26], $0x80  }
0x6b: {  	[sflag:s26] =	ssyncset.done @!p2 $0x0  }
0x6c: {  	s25 =	simm.s32 @!p2 $0x80;
	[sflag:s26] =	ssyncadd.s32 @!p2 $0xFFFFFF80;
	s26 =	simm.s32 @!p2 $0x4200  }
0x6d: {  	[tilespmem:s26], [sflag:$0x2] =	stream.indirect.gather @!p2 [hbm4b:s1+s25], $0x80, s29, s25, $0xb8;
	[tilespmem:$0x1BA80] =	vst v63  }
0x6e: {  	s25 =	simm.s32 @!p1 $0x1  }
0x6f: {  	_ =	swait.ge @!p1 [sflag:s25], $0x4000  }
0x70: {  	s23 =	smov.u32 @p1 s24;
	s26 =	simm.s32 @!p1 $0x100;
	[sflag:s25] =	ssyncset.done @!p1 $0x0  }
0x71: {  	p2 =	sne.s32 s23, s13;
	[sflag:s25] =	ssyncadd.s32 @!p1 $0xFFFFC000;
	s25 =	simm.s32 @!p1 $0x80  }
0x72: {  	[spmem:s2] =	stream.indirect.scatter.add.f32 @!p1 [tilespmem:s26], [sflag:$0x4], $0x80, s25, s25, $0xb8;
	[tilespmem:$0x1BA80] =	vst v63  }
.Ltmp1:
0x73: {  	_ = 	snop;
	(pc) =	sbr.rel @p2 .LBB2_4-.Ltmp1, $4  }
0x74: {  	s25 =	simm.s32 @!p1 $0x4  }
0x75: {  	_ =	swait.ge @!p1 [sflag:s25], $0x4000  }
0x76: {  	[sflag:s25] =	ssyncset.done @!p1 $0x0  }
0x77: {  	[sflag:s25] =	ssyncadd.s32 @!p1 $0xFFFFC000  }
0x78: {  	[bflag:$0x0] =	sbarrier.arrive $0xFFFF;
	s23 =	sshrl.u32 @p0 s7, $0x3;
	s24 =	simm.s32 @p0 $0x1FC3  }
0x79: {  	[hbm:s18], [sflag:s24] =	dma.local @p0 [spmem:s23], $0x2080  }
0x7a: {  	s23 =	simm.s32 @p0 $0x3  }
0x7b: {  	s4 =	sadd.s32 $0x1, s4;
	_ =	swait.ge @p0 [sflag:s23], $0x2080  }
0x7c: {  	s24 =	sshll.u32 @!p0 s3, $0x6;
	p1 =	sne.s32 s4, s19;
	[sflag:s23] =	ssyncset.done @p0 $0x0  }
0x7d: {  	[sflag:s23] =	ssyncadd.s32 @p0 $0xFFFFDF80;
	s23 =	sor.u32 @!p0 $0x1C03, s24;
	s24 =	sshrl.u32 @!p0 s7, $0x3  }
0x7e: {  	[hbm:s17], [sflag:s23] =	dma.local @!p0 [spmem:s24], $0x2780  }
.Ltmp2:
0x7f: {  	_ = 	snop;
	(pc) =	sbr.rel @p1 .LBB2_1-.Ltmp2, $4  }
0x80: {  	s23 =	simm.s32 @!p0 $0x3  }
0x81: {  	_ =	swait.ge @!p0 [sflag:s23], $0x2780  }
0x82: {  	[sflag:s23] =	ssyncset.done @!p0 $0x0  }
0x83: {  	[sflag:s23] =	ssyncadd.s32 @!p0 $0xFFFFD880  }
0x84: {  	_ =	sfence.sel $0x180000  }
0x85: {  	[bflag:$0x0] =	sbarrier.arrive $0xFFFF  }
0x86: {  	p0 =	sne.s32 s3, $0x0;
	_ =	strace $0x9000004D  }
0x87: {  	s0 =	sadd.s32 @!p0 $0x100000, s0;
	[bflag:$0x2] =	sbarrier.arrive $0xFFFF  }
0x88: {  	[sflag:s0] =	ssyncadd.tile.s32 @!p0 $0x1;
	_ =	shalt  }
.Lfunc_end2:
_tile_overlayer_lowered:
.L_overlay_start_2:
0x89: {  	(tag) =	ssettag $0x2  }
0x8a: {  	s0 =	rddreg [dreg:$0x0];
	s2 =	stileid.u32  }
0x8b: {  	s1 =	rddreg [dreg:$0x1];
	p0 =	sne.s32 s2, $0x0  }
0x8c: {  	s3 =	rddreg [dreg:$0x2];
	[bflag:$0x3] =	sbarrier.arrive $0xFFFF;
	s2 =	simm.s32 @!p0 $0x1C03  }
0x8d: {  	[timem:s3], [sflag:s2] =	dma.local @!p0 [hbm:s0], s1  }
0x8e: {  	s0 =	simm.s32 @!p0 $0x3  }
0x8f: {  	_ =	swait.ge @!p0 [sflag:s0], s1  }
0x90: {  	s1 =	ssub.s32 @!p0 $0x0, s1;
	[sflag:s0] =	ssyncset.done @!p0 $0x0  }
0x91: {  	[sflag:s0] =	ssyncadd.s32 @!p0 s1  }
0x92: {  	[bflag:$0x3] =	sbarrier.arrive $0xFFFF  }
0x93: {  	_ =	shalt  }

// kernel: kernel.18.cloned.1.call-start
scs
__scs_entry_jumppad:
0x0: {  	(pc) =	sbr.rel $0x88, $3  }
0x1: {  	(tag) =	ssettag $0x0;
	lr =	simm.s32 $0x1  }
0x2: {  	[smem:$0x3F92] =	sst lr;
	_ =	strace $0xD0000000  }
0x3: {  	_ = 	snop  }
0x4: {  	_ = 	snop  }
0x5: {  	_ = 	snop  }
0x6: {  	_ = 	snop  }
0x7: {  	_ = 	snop  }
__scs_overlays_trampoline_lowered:
0x8: {  	[smem:$0x3FA1] =	sst s0  }
0x9: {  	[smem:$0x3FA2] =	sst s1  }
0xa: {  	[smem:$0x3FA3] =	sst s2  }
0xb: {  	[smem:$0x3FA4] =	sst s3  }
0xc: {  	[smem:$0x3FA5] =	sst s4  }
0xd: {  	[smem:$0x3FA6] =	sst s5  }
0xe: {  	[smem:$0x3FA7] =	sst s6  }
0xf: {  	[smem:$0x3FA8] =	sst s7  }
0x10: {  	[smem:$0x3FA9] =	sst s8  }
0x11: {  	[smem:$0x3FAA] =	sst s9;
	s0 =	simm.s32 @!p0 $0x0  }
0x12: {  	s1 =	sld [smem:$0x3F90];
	s0 =	simm.s32 @p0 $0x1  }
0x13: {  	[smem:$0x3FAB] =	sst s0;
	s0 =	simm.s32 @!p1 $0x0  }
0x14: {  	s2 =	sld [smem:$0x3F8F];
	s0 =	simm.s32 @p1 $0x1  }
0x15: {  	[smem:$0x3FAC] =	sst s0;
	s0 =	simm.s32 @!p2 $0x0  }
0x16: {  	s3 =	sld [smem:$0x3FDB];
	s0 =	simm.s32 @p2 $0x1  }
0x17: {  	s4 =	simm.s32 $0x1BF5;
	[smem:$0x3FAE] =	sst s0  }
0x18: {  	s0 =	sld [smem:$0x3F91];
	_ =	swait.ge [sflag:s4], $0x0  }
0x19: {  	s7 =	sld [smem:$0x3F92]  }
0x1a: {  	s8 =	sadd.s32 $0xFFFFE003, lr  }
0x1b: {  	s9 =	sadd.s32 $0xFFFFFEF7, lr;
	s5 =	simm.s32 $0xFFFFFFFF;
	p2 =	slt.u32 s8, $0xFFFFF086  }
0x1c: {  	p1 =	slt.u32 s9, $0xF7A;
	s5 =	simm.s32 @!p2 $0x0  }
0x1d: {  	s5 =	simm.s32 @p1 $0x1;
	p0 =	seq.s32 s7, s2  }
0x1e: {  	s7 =	smul.u32 @!p0 $0xF7A, s2;
	p2 =	seq.s32 @!p0 s5, $0x0  }
0x1f: {  	s9 =	smul.u32 $0xF7A, s1;
	s8 =	simm.s32 @!p0 $0x1BF5;
	p2 =	por !p2, p0  }
0x20: {  	[sflag:s8] =	ssyncset.s32 @!p0 $0xFFFFF086;
	s6 =	sadd.s32 @!p0 s3, s7;
	s7 =	simm.s32 @!p0 $0x108  }
0x21: {  	s3 =	sadd.s32 s3, s9;
	s6 =	sadd.s32 @!p0 $0x88, s6;
	s7 =	simm.s32 @p2 $0x1082  }
0x22: {  	[simem:s7], [sflag:s8] =	dma.local @!p0 [hbm:s6], $0xF7A  }
0x23: {  	s9 =	sor.u32 $0xD0000000, s2;
	s6 =	simm.s32 $0x108;
	_ =	swait.ge @!p0 [sflag:s8], $0x0  }
0x24: {  	s3 =	sadd.s32 $0x88, s3;
	s6 =	simm.s32 @!p1 $0x1082;
	[sflag:s4] =	ssyncset.s32 $0xFFFFF086  }
0x25: {  	[simem:s6], [sflag:s4] =	dma.local [hbm:s3], $0xF7A  }
0x26: {  	[smem:$0x3F92] =	sst s1;
	(tag) =	ssettag s2;
	_ =	strace s9  }
0x27: {  	s1 =	sld [smem:$0x3FA2]  }
0x28: {  	s2 =	sld [smem:$0x3FA3]  }
0x29: {  	s4 =	sld [smem:$0x3FA5]  }
0x2a: {  	p0 =	seq.s32 s5, $0x0;
	s5 =	sld [smem:$0x3FA6]  }
0x2b: {  	s6 =	sld [smem:$0x3FA7]  }
0x2c: {  	s7 =	sld [smem:$0x3FA8]  }
0x2d: {  	s3 =	simm.s32 $0x108;
	s8 =	sld [smem:$0x3FA9]  }
0x2e: {  	s3 =	simm.s32 @!p0 $0x1082;
	s9 =	sld [smem:$0x3FAA]  }
0x2f: {  	lr =	sadd.s32 s0, s3;
	s0 =	sld [smem:$0x3FA1]  }
0x30: {  	s3 =	sld [smem:$0x3FA4]  }
0x31: {  	[smem:$0x3FAD] =	sst s10  }
0x32: {  	s10 =	sld [smem:$0x3FAB];
	_ =	sdelay $0x3  }
0x33: {  	p0 =	seq.s32 s10, $0x1;
	s10 =	sld [smem:$0x3FAD];
	_ =	sdelay $0x3  }
0x34: {  	[smem:$0x3FAD] =	sst s10  }
0x35: {  	s10 =	sld [smem:$0x3FAC];
	_ =	sdelay $0x3  }
0x36: {  	p1 =	seq.s32 s10, $0x1;
	s10 =	sld [smem:$0x3FAD];
	_ =	sdelay $0x3  }
0x37: {  	[smem:$0x3FAD] =	sst s10  }
0x38: {  	s10 =	sld [smem:$0x3FAE]  }
0x39: {  	_ = 	snop;
	(pc) =	sbr.ind lr, $3  }
0x3a: {  	_ = 	snop  }
0x3b: {  	_ = 	snop  }
0x3c: {  	p2 =	seq.s32 s10, $0x1;
	s10 =	sld [smem:$0x3FAD]  }
0x3d: {  	_ =	shalt  }
0x3e: {  	_ =	shalt  }
0x3f: {  	_ =	shalt  }
0x40: {  	_ =	shalt  }
0x41: {  	_ =	shalt  }
0x42: {  	_ =	shalt  }
0x43: {  	_ =	shalt  }
0x44: {  	_ =	shalt  }
0x45: {  	_ =	shalt  }
0x46: {  	_ =	shalt  }
0x47: {  	_ =	shalt  }
0x48: {  	_ =	shalt  }
0x49: {  	_ =	shalt  }
0x4a: {  	_ =	shalt  }
0x4b: {  	_ =	shalt  }
0x4c: {  	_ =	shalt  }
0x4d: {  	_ =	shalt  }
0x4e: {  	_ =	shalt  }
0x4f: {  	_ =	shalt  }
0x50: {  	_ =	shalt  }
0x51: {  	_ =	shalt  }
0x52: {  	_ =	shalt  }
0x53: {  	_ =	shalt  }
0x54: {  	_ =	shalt  }
0x55: {  	_ =	shalt  }
0x56: {  	_ =	shalt  }
0x57: {  	_ =	shalt  }
0x58: {  	_ =	shalt  }
0x59: {  	_ =	shalt  }
0x5a: {  	_ =	shalt  }
0x5b: {  	_ =	shalt  }
0x5c: {  	_ =	shalt  }
0x5d: {  	_ =	shalt  }
0x5e: {  	_ =	shalt  }
0x5f: {  	_ =	shalt  }
0x60: {  	_ =	shalt  }
0x61: {  	_ =	shalt  }
0x62: {  	_ =	shalt  }
0x63: {  	_ =	shalt  }
0x64: {  	_ =	shalt  }
0x65: {  	_ =	shalt  }
0x66: {  	_ =	shalt  }
0x67: {  	_ =	shalt  }
0x68: {  	_ =	shalt  }
0x69: {  	_ =	shalt  }
0x6a: {  	_ =	shalt  }
0x6b: {  	_ =	shalt  }
0x6c: {  	_ =	shalt  }
0x6d: {  	_ =	shalt  }
0x6e: {  	_ =	shalt  }
0x6f: {  	_ =	shalt  }
0x70: {  	_ =	shalt  }
0x71: {  	_ =	shalt  }
0x72: {  	_ =	shalt  }
0x73: {  	_ =	shalt  }
0x74: {  	_ =	shalt  }
0x75: {  	_ =	shalt  }
0x76: {  	_ =	shalt  }
0x77: {  	_ =	shalt  }
0x78: {  	_ =	shalt  }
0x79: {  	_ =	shalt  }
0x7a: {  	_ =	shalt  }
0x7b: {  	_ =	shalt  }
0x7c: {  	_ =	shalt  }
0x7d: {  	_ =	shalt  }
0x7e: {  	_ =	shalt  }
0x7f: {  	_ =	shalt  }
0x80: {  	_ =	shalt  }
0x81: {  	_ =	shalt  }
0x82: {  	_ =	shalt  }
0x83: {  	_ =	shalt  }
0x84: {  	_ =	shalt  }
0x85: {  	_ =	shalt  }
0x86: {  	_ =	shalt  }
0x87: {  	_ =	shalt  }
.Lfunc_end0:
.L_simem_size_0:
called_computation.3_lowered:
.L_overlay_start_0:
0x88: {  	s2 =	sld [smem:$0x3FD9]  }
0x89: {  	s3 =	sld [smem:$0x3FFE];
	_ =	sdelay $0x1  }
0x8a: {  	s1 =	srdreg.scid  }
0x8b: {  	s0 =	sand.u32 $0x1, s1  }
0x8c: {  	s17 =	sshll.u32 s0, $0xA;
	s2 =	sadd.s32 s3, s2  }
0x8d: {  	s2 =	sadd.s32 s2, s17  }
0x8e: {  	[smem:$0x3FB9] =	sst s2  }
0x8f: {  	_ = 	snop  }
0x90: {  	s2 =	sld [smem:$0x3FD0];
	(tm) =	ssettm $0x1  }
0x91: {  	s18 =	sld [smem:$0x3FFB];
	_ =	sdelay $0x3  }
0x92: {  	_ =	strace s18  }
0x93: {  	s3 =	sld [smem:$0x3FFC];
	_ =	sdelay $0x3  }
0x94: {  	_ =	strace s3  }
0x95: {  	s3 =	sld [smem:$0x3FFD];
	_ =	sdelay $0x3  }
0x96: {  	_ =	strace s3  }
0x97: {  	_ =	strace $0x8FFFFFFF  }
0x98: {  	s19 =	sld [smem:$0x3FDB];
	_ =	sdelay $0x1  }
0x99: {  	s4 =	simm.s32 $_scs_section_size  }
0x9a: {  	s5 =	simm.s32 $_size__tile_overlayer_lowered;
	s6 =	simm.s32 $_tile_overlayer_lowered  }
0x9b: {  	s22 =	simm.s32 $0x1BFF;
	s21 =	sshll.u32 s6, $0x1;
	s3 =	sadd.s32 s4, s19  }
0x9c: {  	s7 =	simm.s32 $0x0;
	s20 =	sshll.u32 s5, $0x1;
	s5 =	sadd.s32 s21, s3  }
0x9d: {  	[timem:s7], [sflag:s22] =	dma.local [hbm:s5], s20  }
0x9e: {  	_ =	swait.ge [sflag:s22], s20  }
0x9f: {  	s4 =	ssub.s32 $0x0, s20;
	[sflag:s22] =	ssyncset.done $0x0  }
0xa0: {  	[sflag:s22] =	ssyncadd.s32 s4;
	_ =	sdelay $0x1  }
0xa1: {  	s23 =	simm.s32 $0x1B8B  }
0xa2: {  	_ =	swait.ge [sflag:s23], $0x1  }
0xa3: {  	[sflag:s23] =	ssyncset.done $0x0  }
0xa4: {  	s25 =	simm.s32 $0x1B8E;
	s24 =	sld [smem:$0x3FFE];
	[sflag:s23] =	ssyncadd.s32 $0xFFFFFFFF  }
0xa5: {  	s26 =	simm.s32 $execute0_lowered;
	[smem:$0x3FD2] =	sst s25  }
0xa6: {  	s5 =	sshll.u32 s26, $0x1;
	_ =	strace $0x8000004F;
	[dreg:$0x1] =	wrdreg $0xFFFFFFFF  }
0xa7: {  	s28 =	simm.s32 $_size_execute0_lowered;
	s3 =	sadd.s32 s3, s5;
	[dreg:$0x0] =	wrdreg $0x0  }
0xa8: {  	s5 =	sshll.u32 s28, $0x1;
	[dreg:$0x2] =	wrdreg s3  }
0xa9: {  	[dreg:$0x3] =	wrdreg s5  }
0xaa: {  	[dreg:$0x4] =	wrdreg $0xC0  }
0xab: {  	_ =	task [dreg:s7], $0x5FFFF  }
0xac: {  	[dreg:$0x1] =	wrdreg $0xFFFFFFFF  }
0xad: {  	[dreg:$0x0] =	wrdreg $0x60  }
0xae: {  	[dreg:$0x2] =	wrdreg s2  }
0xaf: {  	[dreg:$0x3] =	wrdreg s24  }
0xb0: {  	[dreg:$0x4] =	wrdreg $0x82000  }
0xb1: {  	[dreg:$0x5] =	wrdreg $0x9  }
0xb2: {  	_ =	task.clear_ibuf [dreg:s7], $0x6FFFF;
	_ =	strace $0x9000004F  }
0xb3: {  	s29 =	simm.s32 $0x9;
	_ =	strace $0x80000051  }
0xb4: {  	_ =	swait.ge [sflag:s29], $0x1  }
0xb5: {  	[sflag:s29] =	ssyncadd.s32 $0xFFFFFFFF  }
0xb6: {  	_ =	strace $0x90000051  }
0xb7: {  	_ =	sfence  }
0xb8: {  	s30 =	sld [smem:$0x0];
	_ =	sdelay $0x2  }
0xb9: {  	s31 =	sshll.u32 s1, $0xD;
	s1 =	sshrl.u32 s1, $0x2  }
0xba: {  	s3 =	sand.u32 $0x4000, s31;
	s1 =	sadd.s32 s1, s30  }
0xbb: {  	s0 =	sor.u32 s3, s0;
	s1 =	sshll.u32 s1, $0x11  }
0xbc: {  	s0 =	sor.u32 s1, s0  }
0xbd: {  	s0 =	sadd.s32 $0x8F2B, s0  }
0xbe: {  	[sflag:s0] =	ssyncadd.remote.s32 $0x1  }
0xbf: {  	_ =	sfence.sel $0xFFFF  }
0xc0: {  	[dreg:$0x0] =	wrdreg $0xFFFFFFFF;
	(pc) =	sbr.abs _section_cstart, $3  }
0xc1: {  	[dreg:$0x1] =	wrdreg $0xFFFFFFFF  }
0xc2: {  	_ =	task.clear_ibuf [dreg:s7], $0x2FFFF;
	_ =	strace $0x9FFFFFFF  }
0xc3: {  	(tm) =	ssettm $0x7FFFFFFF  }
tec
execute0_lowered:
.L_overlay_start_1:
0x0: {  	(tag) =	ssettag $0x1  }
0x1: {  	s1 =	rddreg [dreg:$0x0]  }
0x2: {  	s7 =	rddreg [dreg:$0x1]  }
0x3: {  	s2 =	rddreg [dreg:$0x2]  }
0x4: {  	s0 =	rddreg [dreg:$0x3];
	s4 =	simm.s32 $0x0;
	s6 =	srdreg.scid  }
0x5: {  	s3 =	stileid.u32;
	s22 =	simm.s32 $0x80;
	[smem:$0x7FF] =	sst s4  }
0x6: {  	s5 =	sadd.s32 $0xD600, s7;
	s12 =	sand.u32 $0x1, s6;
	s8 =	smul.u32 $0x4F000, s3  }
0x7: {  	s6 =	sadd.s32 $0x3800, s7;
	s18 =	sadd.s32 $0x17400, s7;
	s10 =	sshll.u32 s3, $0x1  }
0x8: {  	s17 =	smul.u32 $0x2780, s3;
	p0 =	seq.s32 s3, $0xF;
	_ =	strace $0x80000050  }
0x9: {  	s30 =	ssub.s32 $0x2, s12;
	s16 =	sor.u32 s12, s10;
	s20 =	smul.u32 $0x27100, s12  }
0xa: {  	s21 =	smul.u32 $0x138800, s12;
	s12 =	sadd.s32 $0x138400, s2;
	s9 =	sshrl.u32 s30, $0x1  }
0xb: {  	s8 =	sshrl.u32 s8, $0x2;
	s13 =	ssub.s32 $0x9E3, s16;
	s15 =	sshll.u32 s16, $0x4  }
0xc: {  	s16 =	sshll.u32 s16, $0x7;
	s19 =	ssub.s32 s30, s9;
	s7 =	sadd.s32 s8, s2  }
0xd: {  	s13 =	sshrl.u32 s13, $0x5;
	s14 =	sadd.s32 s5, s15;
	s15 =	sadd.s32 s6, s15  }
0xe: {  	s17 =	sadd.s32 s17, s20;
	s31 =	sshrl.u32 s21, $0x3;
	s20 =	simm.s32 $0x100  }
0xf: {  	s21 =	simm.s32 $0x3;
	s8 =	sadd.s32 $0x4000, s7;
	s9 =	sadd.s32 $0x8000, s7  }
0x10: {  	s10 =	sadd.s32 $0xC000, s7;
	s17 =	sadd.s32 s18, s17;
	s18 =	sadd.s32 s18, s31  }
0x11: {  	v0 =	vimm.f32 $0.0e+00;
	s11 =	sadd.s32 $0x10000, s7;
	s19 =	smax.u32 s19, $0x1;
	s18 =	sadd.s32 $0x25080, s18  }
.LBB2_1:
0x12: {  	s23 =	simm.s32 $0x0;
	s24 =	simm.s32 $0x200  }
.LBB2_2:
0x13: {  	p1 =	sne.s32 s24, $0xFE00;
	[tilespmem:s23+$0x170] =	vst v0  }
0x14: {  	[tilespmem:s23+$0x100] =	vst v0  }
0x15: {  	[tilespmem:s23+$0x110] =	vst v0  }
.Ltmp0:
0x16: {  	[tilespmem:s23+$0x120] =	vst v0;
	(pc) =	sbr.rel @p1 .LBB2_2-.Ltmp0, $4  }
0x17: {  	[tilespmem:s23+$0x130] =	vst v0  }
0x18: {  	[tilespmem:s23+$0x140] =	vst v0  }
0x19: {  	[tilespmem:s23+$0x150] =	vst v0  }
0x1a: {  	[tilespmem:s23+$0x160] =	vst v0;
	s23 =	sshra.s32 s24, $0x2;
	s24 =	sadd.s32 $0x200, s24  }
0x1b: {  	[tilespmem:s23+$0x170] =	vst v0  }
0x1c: {  	[tilespmem:s23+$0x100] =	vst v0  }
0x1d: {  	[tilespmem:s23+$0x110] =	vst v0  }
0x1e: {  	[tilespmem:s23+$0x120] =	vst v0  }
0x1f: {  	[tilespmem:s23+$0x130] =	vst v0  }
0x20: {  	[tilespmem:s23+$0x140] =	vst v0  }
0x21: {  	[tilespmem:s23+$0x150] =	vst v0  }
0x22: {  	[tilespmem:s23+$0x160] =	vst v0  }
0x23: {  	[spmem:s7] =	stream.linear.scatter [tilespmem:s20], [sflag:$0x3], $0x4000, $0x38;
	[tilespmem:$0x1BA80] =	vst v63  }
0x24: {  	_ =	swait.ge [sflag:s21], $0x4000  }
0x25: {  	[sflag:s21] =	ssyncset.done $0x0  }
0x26: {  	[sflag:s21] =	ssyncadd.s32 $0xFFFFC000  }
0x27: {  	[spmem:s8] =	stream.linear.scatter [tilespmem:s20], [sflag:$0x3], $0x4000, $0x38;
	[tilespmem:$0x1BA80] =	vst v63  }
0x28: {  	_ =	swait.ge [sflag:s21], $0x4000  }
0x29: {  	[sflag:s21] =	ssyncset.done $0x0  }
0x2a: {  	[sflag:s21] =	ssyncadd.s32 $0xFFFFC000  }
0x2b: {  	[spmem:s9] =	stream.linear.scatter [tilespmem:s20], [sflag:$0x3], $0x4000, $0x38;
	[tilespmem:$0x1BA80] =	vst v63  }
0x2c: {  	_ =	swait.ge [sflag:s21], $0x4000  }
0x2d: {  	[sflag:s21] =	ssyncset.done $0x0  }
0x2e: {  	[sflag:s21] =	ssyncadd.s32 $0xFFFFC000  }
0x2f: {  	[spmem:s10] =	stream.linear.scatter [tilespmem:s20], [sflag:$0x3], $0x4000, $0x38;
	[tilespmem:$0x1BA80] =	vst v63  }
0x30: {  	_ =	swait.ge [sflag:s21], $0x4000  }
0x31: {  	[sflag:s21] =	ssyncset.done $0x0  }
0x32: {  	s23 =	simm.s32 @p0 $0x100;
	[sflag:s21] =	ssyncadd.s32 $0xFFFFC000  }
0x33: {  	[spmem:s12] =	stream.linear.scatter @p0 [tilespmem:s23], [sflag:$0x3], $0x400, $0x38;
	[tilespmem:$0x1BA80] =	vst v63  }
0x34: {  	s23 =	simm.s32 @p0 $0x3  }
0x35: {  	_ =	swait.ge @p0 [sflag:s23], $0x400  }
0x36: {  	[sflag:s23] =	ssyncset.done @p0 $0x0  }
0x37: {  	[sflag:s23] =	ssyncadd.s32 @p0 $0xFFFFFC00;
	s23 =	simm.s32 @!p0 $0x100  }
0x38: {  	[spmem:s11] =	stream.linear.scatter @!p0 [tilespmem:s23], [sflag:$0x3], $0x3C00, $0x38;
	[tilespmem:$0x1BA80] =	vst v63  }
0x39: {  	s23 =	simm.s32 @!p0 $0x3  }
0x3a: {  	_ =	swait.ge @!p0 [sflag:s23], $0x3C00  }
0x3b: {  	[sflag:s23] =	ssyncset.done @!p0 $0x0  }
0x3c: {  	[sflag:s23] =	ssyncadd.s32 @!p0 $0xFFFFC400  }
0x3d: {  	s23 =	simm.s32 $0x0;
	[bflag:$0x0] =	sbarrier.arrive $0xFFFF  }
0x3e: {  	[tilespmem:s23], [sflag:$0x3] =	stream.linear.gather [hbm4b:s14+s23], $0x80, $0x38;
	[tilespmem:$0x1BA80] =	vst v63  }
0x3f: {  	_ =	swait.ge [sflag:s21], $0x80  }
0x40: {  	[sflag:s21] =	ssyncset.done $0x0  }
0x41: {  	[sflag:s21] =	ssyncadd.s32 $0xFFFFFF80  }
0x42: {  	[tilespmem:s22], [sflag:$0x3] =	stream.linear.gather [hbm4b:s15+s23], $0x80, $0x38;
	[tilespmem:$0x1BA80] =	vst v63  }
0x43: {  	_ =	swait.ge [sflag:s21], $0x80  }
0x44: {  	[sflag:s21] =	ssyncset.done $0x0  }
0x45: {  	[sflag:s21] =	ssyncadd.s32 $0xFFFFFF80  }
0x46: {  	[tilespmem:s20], [sflag:$0x1] =	stream.indirect.gather [hbm4b:s1+s22], $0x80, s23, s22, $0xb8;
	[tilespmem:$0x1BA80] =	vst v63  }
.LBB2_4:
0x47: {  	s24 =	sand.u32 $0x1, s23  }
0x48: {  	p1 =	seq.s32 s24, $0x1  }
0x49: {  	s24 =	sadd.s32 @p1 $0x1, s23  }
0x4a: {  	p2 =	sge.u32 @p1 s24, s13  }
0x4b: {  	p2 =	por p2, !p1  }
0x4c: {  	s25 =	sshll.u32 @!p2 s24, $0xC  }
0x4d: {  	s25 =	sor.u32 @!p2 s16, s25  }
0x4e: {  	s25 =	sshrl.u32 @!p2 s25, $0x3  }
0x4f: {  	s28 =	simm.s32 @!p2 $0x0;
	s26 =	sadd.s32 @!p2 s5, s25  }
0x50: {  	[tilespmem:s28], [sflag:$0x4] =	stream.linear.gather @!p2 [hbm4b:s26+s28], $0x80, $0x38;
	[tilespmem:$0x1BA80] =	vst v63  }
0x51: {  	s26 =	simm.s32 @!p2 $0x4  }
0x52: {  	_ =	swait.ge @!p2 [sflag:s26], $0x80  }
0x53: {  	[sflag:s26] =	ssyncset.done @!p2 $0x0  }
0x54: {  	s29 =	simm.s32 @!p2 $0x80;
	s25 =	sadd.s32 @!p2 s6, s25;
	[sflag:s26] =	ssyncadd.s32 @!p2 $0xFFFFFF80  }
0x55: {  	[tilespmem:s29], [sflag:$0x4] =	stream.linear.gather @!p2 [hbm4b:s25+s28], $0x80, $0x38;
	[tilespmem:$0x1BA80] =	vst v63  }
0x56: {  	_ =	swait.ge @!p2 [sflag:s26], $0x80  }
0x57: {  	[sflag:s26] =	ssyncset.done @!p2 $0x0  }
0x58: {  	s25 =	simm.s32 @!p2 $0x100;
	[sflag:s26] =	ssyncadd.s32 @!p2 $0xFFFFFF80  }
0x59: {  	[tilespmem:s25], [sflag:$0x1] =	stream.indirect.gather @!p2 [hbm4b:s1+s29], $0x80, s28, s29, $0xb8;
	[tilespmem:$0x1BA80] =	vst v63  }
0x5a: {  	s25 =	simm.s32 @p1 $0x2  }
0x5b: {  	s23 =	sor.u32 @!p1 $0x1, s23;
	_ =	swait.ge @p1 [sflag:s25], $0x4000  }
0x5c: {  	s26 =	simm.s32 @p1 $0x4180;
	s28 =	simm.s32 @p1 $0x4200;
	[sflag:s25] =	ssyncset.done @p1 $0x0  }
0x5d: {  	p2 =	sge.u32 @!p1 s23, s13;
	[sflag:s25] =	ssyncadd.s32 @p1 $0xFFFFC000;
	s25 =	simm.s32 @p1 $0x80  }
0x5e: {  	[spmem:s2] =	stream.indirect.scatter.add.f32 @p1 [tilespmem:s28], [sflag:$0x3], $0x80, s26, s25, $0xb8;
	[tilespmem:$0x1BA80] =	vst v63  }
0x5f: {  	p2 =	por p2, p1;
	s25 =	simm.s32 @p1 $0x3  }
0x60: {  	s26 =	sshll.u32 @!p2 s23, $0xC;
	_ =	swait.ge @p1 [sflag:s25], $0x4000  }
0x61: {  	s26 =	sor.u32 @!p2 s16, s26;
	[sflag:s25] =	ssyncset.done @p1 $0x0  }
0x62: {  	[sflag:s25] =	ssyncadd.s32 @p1 $0xFFFFC000;
	s25 =	sshrl.u32 @!p2 s26, $0x3  }
0x63: {  	s29 =	simm.s32 @!p2 $0x4100;
	s28 =	simm.s32 @!p2 $0x0;
	s26 =	sadd.s32 @!p2 s5, s25  }
0x64: {  	[tilespmem:s29], [sflag:$0x4] =	stream.linear.gather @!p2 [hbm4b:s26+s28], $0x80, $0x38;
	[tilespmem:$0x1BA80] =	vst v63  }
0x65: {  	s26 =	simm.s32 @!p2 $0x4  }
0x66: {  	_ =	swait.ge @!p2 [sflag:s26], $0x80  }
0x67: {  	[sflag:s26] =	ssyncset.done @!p2 $0x0  }
0x68: {  	s30 =	simm.s32 @!p2 $0x4180;
	s25 =	sadd.s32 @!p2 s6, s25;
	[sflag:s26] =	ssyncadd.s32 @!p2 $0xFFFFFF80  }
0x69: {  	[tilespmem:s30], [sflag:$0x4] =	stream.linear.gather @!p2 [hbm4b:s25+s28], $0x80, $0x38;
	[tilespmem:$0x1BA80] =	vst v63  }
0x6a: {  	_ =	swait.ge @!p2 [sflag:s26], $0x80  }
0x6b: {  	[sflag:s26] =	ssyncset.done @!p2 $0x0  }
0x6c: {  	s25 =	simm.s32 @!p2 $0x80;
	[sflag:s26] =	ssyncadd.s32 @!p2 $0xFFFFFF80;
	s26 =	simm.s32 @!p2 $0x4200  }
0x6d: {  	[tilespmem:s26], [sflag:$0x2] =	stream.indirect.gather @!p2 [hbm4b:s1+s25], $0x80, s29, s25, $0xb8;
	[tilespmem:$0x1BA80] =	vst v63  }
0x6e: {  	s25 =	simm.s32 @!p1 $0x1  }
0x6f: {  	_ =	swait.ge @!p1 [sflag:s25], $0x4000  }
0x70: {  	s23 =	smov.u32 @p1 s24;
	s26 =	simm.s32 @!p1 $0x100;
	[sflag:s25] =	ssyncset.done @!p1 $0x0  }
0x71: {  	p2 =	sne.s32 s23, s13;
	[sflag:s25] =	ssyncadd.s32 @!p1 $0xFFFFC000;
	s25 =	simm.s32 @!p1 $0x80  }
0x72: {  	[spmem:s2] =	stream.indirect.scatter.add.f32 @!p1 [tilespmem:s26], [sflag:$0x4], $0x80, s25, s25, $0xb8;
	[tilespmem:$0x1BA80] =	vst v63  }
.Ltmp1:
0x73: {  	_ = 	snop;
	(pc) =	sbr.rel @p2 .LBB2_4-.Ltmp1, $4  }
0x74: {  	s25 =	simm.s32 @!p1 $0x4  }
0x75: {  	_ =	swait.ge @!p1 [sflag:s25], $0x4000  }
0x76: {  	[sflag:s25] =	ssyncset.done @!p1 $0x0  }
0x77: {  	[sflag:s25] =	ssyncadd.s32 @!p1 $0xFFFFC000  }
0x78: {  	[bflag:$0x0] =	sbarrier.arrive $0xFFFF;
	s23 =	sshrl.u32 @p0 s7, $0x3;
	s24 =	simm.s32 @p0 $0x1FC3  }
0x79: {  	[hbm:s18], [sflag:s24] =	dma.local @p0 [spmem:s23], $0x2080  }
0x7a: {  	s23 =	simm.s32 @p0 $0x3  }
0x7b: {  	s4 =	sadd.s32 $0x1, s4;
	_ =	swait.ge @p0 [sflag:s23], $0x2080  }
0x7c: {  	s24 =	sshll.u32 @!p0 s3, $0x6;
	p1 =	sne.s32 s4, s19;
	[sflag:s23] =	ssyncset.done @p0 $0x0  }
0x7d: {  	[sflag:s23] =	ssyncadd.s32 @p0 $0xFFFFDF80;
	s23 =	sor.u32 @!p0 $0x1C03, s24;
	s24 =	sshrl.u32 @!p0 s7, $0x3  }
0x7e: {  	[hbm:s17], [sflag:s23] =	dma.local @!p0 [spmem:s24], $0x2780  }
.Ltmp2:
0x7f: {  	_ = 	snop;
	(pc) =	sbr.rel @p1 .LBB2_1-.Ltmp2, $4  }
0x80: {  	s23 =	simm.s32 @!p0 $0x3  }
0x81: {  	_ =	swait.ge @!p0 [sflag:s23], $0x2780  }
0x82: {  	[sflag:s23] =	ssyncset.done @!p0 $0x0  }
0x83: {  	[sflag:s23] =	ssyncadd.s32 @!p0 $0xFFFFD880  }
0x84: {  	_ =	sfence.sel $0x180000  }
0x85: {  	[bflag:$0x0] =	sbarrier.arrive $0xFFFF  }
0x86: {  	p0 =	sne.s32 s3, $0x0;
	_ =	strace $0x90000050  }
0x87: {  	s0 =	sadd.s32 @!p0 $0x100000, s0;
	[bflag:$0x2] =	sbarrier.arrive $0xFFFF  }
0x88: {  	[sflag:s0] =	ssyncadd.tile.s32 @!p0 $0x1;
	_ =	shalt  }
.Lfunc_end2:
_tile_overlayer_lowered:
.L_overlay_start_2:
0x89: {  	(tag) =	ssettag $0x2  }
0x8a: {  	s0 =	rddreg [dreg:$0x0];
	s2 =	stileid.u32  }
0x8b: {  	s1 =	rddreg [dreg:$0x1];
	p0 =	sne.s32 s2, $0x0  }
0x8c: {  	s3 =	rddreg [dreg:$0x2];
	[bflag:$0x3] =	sbarrier.arrive $0xFFFF;
	s2 =	simm.s32 @!p0 $0x1C03  }
0x8d: {  	[timem:s3], [sflag:s2] =	dma.local @!p0 [hbm:s0], s1  }
0x8e: {  	s0 =	simm.s32 @!p0 $0x3  }
0x8f: {  	_ =	swait.ge @!p0 [sflag:s0], s1  }
0x90: {  	s1 =	ssub.s32 @!p0 $0x0, s1;
	[sflag:s0] =	ssyncset.done @!p0 $0x0  }
0x91: {  	[sflag:s0] =	ssyncadd.s32 @!p0 s1  }
0x92: {  	[bflag:$0x3] =	sbarrier.arrive $0xFFFF  }
0x93: {  	_ =	shalt  }

// kernel: kernel.9.cloned.1.call-start
scs
__scs_entry_jumppad:
0x0: {  	(pc) =	sbr.rel $0x88, $3  }
0x1: {  	(tag) =	ssettag $0x0;
	lr =	simm.s32 $0x1  }
0x2: {  	[smem:$0x3F92] =	sst lr;
	_ =	strace $0xD0000000  }
0x3: {  	_ = 	snop  }
0x4: {  	_ = 	snop  }
0x5: {  	_ = 	snop  }
0x6: {  	_ = 	snop  }
0x7: {  	_ = 	snop  }
__scs_overlays_trampoline_lowered:
0x8: {  	[smem:$0x3FA1] =	sst s0  }
0x9: {  	[smem:$0x3FA2] =	sst s1  }
0xa: {  	[smem:$0x3FA3] =	sst s2  }
0xb: {  	[smem:$0x3FA4] =	sst s3  }
0xc: {  	[smem:$0x3FA5] =	sst s4  }
0xd: {  	[smem:$0x3FA6] =	sst s5  }
0xe: {  	[smem:$0x3FA7] =	sst s6  }
0xf: {  	[smem:$0x3FA8] =	sst s7  }
0x10: {  	[smem:$0x3FA9] =	sst s8  }
0x11: {  	[smem:$0x3FAA] =	sst s9;
	s0 =	simm.s32 @!p0 $0x0  }
0x12: {  	s1 =	sld [smem:$0x3F90];
	s0 =	simm.s32 @p0 $0x1  }
0x13: {  	[smem:$0x3FAB] =	sst s0;
	s0 =	simm.s32 @!p1 $0x0  }
0x14: {  	s2 =	sld [smem:$0x3F8F];
	s0 =	simm.s32 @p1 $0x1  }
0x15: {  	[smem:$0x3FAC] =	sst s0;
	s0 =	simm.s32 @!p2 $0x0  }
0x16: {  	s3 =	sld [smem:$0x3FDB];
	s0 =	simm.s32 @p2 $0x1  }
0x17: {  	s4 =	simm.s32 $0x1BF5;
	[smem:$0x3FAE] =	sst s0  }
0x18: {  	s0 =	sld [smem:$0x3F91];
	_ =	swait.ge [sflag:s4], $0x0  }
0x19: {  	s7 =	sld [smem:$0x3F92]  }
0x1a: {  	s8 =	sadd.s32 $0xFFFFE003, lr  }
0x1b: {  	s9 =	sadd.s32 $0xFFFFFEF7, lr;
	s5 =	simm.s32 $0xFFFFFFFF;
	p2 =	slt.u32 s8, $0xFFFFF086  }
0x1c: {  	p1 =	slt.u32 s9, $0xF7A;
	s5 =	simm.s32 @!p2 $0x0  }
0x1d: {  	s5 =	simm.s32 @p1 $0x1;
	p0 =	seq.s32 s7, s2  }
0x1e: {  	s7 =	smul.u32 @!p0 $0xF7A, s2;
	p2 =	seq.s32 @!p0 s5, $0x0  }
0x1f: {  	s9 =	smul.u32 $0xF7A, s1;
	s8 =	simm.s32 @!p0 $0x1BF5;
	p2 =	por !p2, p0  }
0x20: {  	[sflag:s8] =	ssyncset.s32 @!p0 $0xFFFFF086;
	s6 =	sadd.s32 @!p0 s3, s7;
	s7 =	simm.s32 @!p0 $0x108  }
0x21: {  	s3 =	sadd.s32 s3, s9;
	s6 =	sadd.s32 @!p0 $0x88, s6;
	s7 =	simm.s32 @p2 $0x1082  }
0x22: {  	[simem:s7], [sflag:s8] =	dma.local @!p0 [hbm:s6], $0xF7A  }
0x23: {  	s9 =	sor.u32 $0xD0000000, s2;
	s6 =	simm.s32 $0x108;
	_ =	swait.ge @!p0 [sflag:s8], $0x0  }
0x24: {  	s3 =	sadd.s32 $0x88, s3;
	s6 =	simm.s32 @!p1 $0x1082;
	[sflag:s4] =	ssyncset.s32 $0xFFFFF086  }
0x25: {  	[simem:s6], [sflag:s4] =	dma.local [hbm:s3], $0xF7A  }
0x26: {  	[smem:$0x3F92] =	sst s1;
	(tag) =	ssettag s2;
	_ =	strace s9  }
0x27: {  	s1 =	sld [smem:$0x3FA2]  }
0x28: {  	s2 =	sld [smem:$0x3FA3]  }
0x29: {  	s4 =	sld [smem:$0x3FA5]  }
0x2a: {  	p0 =	seq.s32 s5, $0x0;
	s5 =	sld [smem:$0x3FA6]  }
0x2b: {  	s6 =	sld [smem:$0x3FA7]  }
0x2c: {  	s7 =	sld [smem:$0x3FA8]  }
0x2d: {  	s3 =	simm.s32 $0x108;
	s8 =	sld [smem:$0x3FA9]  }
0x2e: {  	s3 =	simm.s32 @!p0 $0x1082;
	s9 =	sld [smem:$0x3FAA]  }
0x2f: {  	lr =	sadd.s32 s0, s3;
	s0 =	sld [smem:$0x3FA1]  }
0x30: {  	s3 =	sld [smem:$0x3FA4]  }
0x31: {  	[smem:$0x3FAD] =	sst s10  }
0x32: {  	s10 =	sld [smem:$0x3FAB];
	_ =	sdelay $0x3  }
0x33: {  	p0 =	seq.s32 s10, $0x1;
	s10 =	sld [smem:$0x3FAD];
	_ =	sdelay $0x3  }
0x34: {  	[smem:$0x3FAD] =	sst s10  }
0x35: {  	s10 =	sld [smem:$0x3FAC];
	_ =	sdelay $0x3  }
0x36: {  	p1 =	seq.s32 s10, $0x1;
	s10 =	sld [smem:$0x3FAD];
	_ =	sdelay $0x3  }
0x37: {  	[smem:$0x3FAD] =	sst s10  }
0x38: {  	s10 =	sld [smem:$0x3FAE]  }
0x39: {  	_ = 	snop;
	(pc) =	sbr.ind lr, $3  }
0x3a: {  	_ = 	snop  }
0x3b: {  	_ = 	snop  }
0x3c: {  	p2 =	seq.s32 s10, $0x1;
	s10 =	sld [smem:$0x3FAD]  }
0x3d: {  	_ =	shalt  }
0x3e: {  	_ =	shalt  }
0x3f: {  	_ =	shalt  }
0x40: {  	_ =	shalt  }
0x41: {  	_ =	shalt  }
0x42: {  	_ =	shalt  }
0x43: {  	_ =	shalt  }
0x44: {  	_ =	shalt  }
0x45: {  	_ =	shalt  }
0x46: {  	_ =	shalt  }
0x47: {  	_ =	shalt  }
0x48: {  	_ =	shalt  }
0x49: {  	_ =	shalt  }
0x4a: {  	_ =	shalt  }
0x4b: {  	_ =	shalt  }
0x4c: {  	_ =	shalt  }
0x4d: {  	_ =	shalt  }
0x4e: {  	_ =	shalt  }
0x4f: {  	_ =	shalt  }
0x50: {  	_ =	shalt  }
0x51: {  	_ =	shalt  }
0x52: {  	_ =	shalt  }
0x53: {  	_ =	shalt  }
0x54: {  	_ =	shalt  }
0x55: {  	_ =	shalt  }
0x56: {  	_ =	shalt  }
0x57: {  	_ =	shalt  }
0x58: {  	_ =	shalt  }
0x59: {  	_ =	shalt  }
0x5a: {  	_ =	shalt  }
0x5b: {  	_ =	shalt  }
0x5c: {  	_ =	shalt  }
0x5d: {  	_ =	shalt  }
0x5e: {  	_ =	shalt  }
0x5f: {  	_ =	shalt  }
0x60: {  	_ =	shalt  }
0x61: {  	_ =	shalt  }
0x62: {  	_ =	shalt  }
0x63: {  	_ =	shalt  }
0x64: {  	_ =	shalt  }
0x65: {  	_ =	shalt  }
0x66: {  	_ =	shalt  }
0x67: {  	_ =	shalt  }
0x68: {  	_ =	shalt  }
0x69: {  	_ =	shalt  }
0x6a: {  	_ =	shalt  }
0x6b: {  	_ =	shalt  }
0x6c: {  	_ =	shalt  }
0x6d: {  	_ =	shalt  }
0x6e: {  	_ =	shalt  }
0x6f: {  	_ =	shalt  }
0x70: {  	_ =	shalt  }
0x71: {  	_ =	shalt  }
0x72: {  	_ =	shalt  }
0x73: {  	_ =	shalt  }
0x74: {  	_ =	shalt  }
0x75: {  	_ =	shalt  }
0x76: {  	_ =	shalt  }
0x77: {  	_ =	shalt  }
0x78: {  	_ =	shalt  }
0x79: {  	_ =	shalt  }
0x7a: {  	_ =	shalt  }
0x7b: {  	_ =	shalt  }
0x7c: {  	_ =	shalt  }
0x7d: {  	_ =	shalt  }
0x7e: {  	_ =	shalt  }
0x7f: {  	_ =	shalt  }
0x80: {  	_ =	shalt  }
0x81: {  	_ =	shalt  }
0x82: {  	_ =	shalt  }
0x83: {  	_ =	shalt  }
0x84: {  	_ =	shalt  }
0x85: {  	_ =	shalt  }
0x86: {  	_ =	shalt  }
0x87: {  	_ =	shalt  }
.Lfunc_end0:
.L_simem_size_0:
called_computation_lowered:
.L_overlay_start_0:
0x88: {  	s2 =	sld [smem:$0x3FD9]  }
0x89: {  	s3 =	sld [smem:$0x3FFE];
	_ =	sdelay $0x1  }
0x8a: {  	s1 =	srdreg.scid  }
0x8b: {  	s0 =	sand.u32 $0x1, s1  }
0x8c: {  	s17 =	sshll.u32 s0, $0xA;
	s2 =	sadd.s32 s3, s2  }
0x8d: {  	s2 =	sadd.s32 s2, s17  }
0x8e: {  	[smem:$0x3FB9] =	sst s2  }
0x8f: {  	_ = 	snop  }
0x90: {  	(tm) =	ssettm $0x1  }
0x91: {  	s18 =	sld [smem:$0x3FFB];
	_ =	sdelay $0x3  }
0x92: {  	_ =	strace s18  }
0x93: {  	s2 =	sld [smem:$0x3FFC];
	_ =	sdelay $0x3  }
0x94: {  	_ =	strace s2  }
0x95: {  	s2 =	sld [smem:$0x3FFD];
	_ =	sdelay $0x3  }
0x96: {  	_ =	strace s2  }
0x97: {  	_ =	strace $0x8FFFFFFF  }
0x98: {  	s19 =	sld [smem:$0x3FDB];
	_ =	sdelay $0x1  }
0x99: {  	s20 =	simm.s32 $_scs_section_size  }
0x9a: {  	s4 =	simm.s32 $_size__tile_overlayer_lowered;
	s5 =	simm.s32 $_tile_overlayer_lowered  }
0x9b: {  	s6 =	simm.s32 $0x1BFF;
	s21 =	sshll.u32 s5, $0x1;
	s3 =	sadd.s32 s20, s19  }
0x9c: {  	s22 =	simm.s32 $0x0;
	s4 =	sshll.u32 s4, $0x1;
	s5 =	sadd.s32 s21, s3  }
0x9d: {  	[timem:s22], [sflag:s6] =	dma.local [hbm:s5], s4  }
0x9e: {  	_ =	swait.ge [sflag:s6], s4  }
0x9f: {  	s4 =	ssub.s32 $0x0, s4;
	[sflag:s6] =	ssyncset.done $0x0  }
0xa0: {  	[sflag:s6] =	ssyncadd.s32 s4;
	_ =	sdelay $0x1  }
0xa1: {  	s23 =	simm.s32 $0x1B8B  }
0xa2: {  	_ =	swait.ge [sflag:s23], $0x1  }
0xa3: {  	[sflag:s23] =	ssyncset.done $0x0  }
0xa4: {  	[sflag:s23] =	ssyncadd.s32 $0xFFFFFFFF  }
0xa5: {  	s4 =	sld [smem:$0x0]  }
0xa6: {  	s5 =	sand.u32 $0xFFFFFFFE, s1  }
0xa7: {  	p0 =	sne.s32 s1, s5  }
0xa8: {  	s5 =	sshll.u32 @p0 s5, $0xE  }
0xa9: {  	s5 =	sadd.s32 @p0 $0x11B8D, s5;
	s6 =	sshll.u32 @p0 s4, $0x11  }
0xaa: {  	s5 =	sor.u32 @p0 s6, s5  }
0xab: {  	[sflag:s5] =	ssyncadd.remote.s32 @p0 $0x1;
	_ =	sdelay $0x1  }
0xac: {  	s5 =	simm.s32 @p0 $0x1B8D  }
0xad: {  	_ =	swait.eq @p0 [sflag:s5], $0x1  }
0xae: {  	[sflag:s5] =	ssyncadd.s32 @p0 $0xFFFFFFFF  }
0xaf: {  	s6 =	sshll.u32 @!p0 s1, $0xE  }
0xb0: {  	s6 =	sor.u32 @!p0 $0x4000, s6;
	s5 =	simm.s32 @!p0 $0x1B8D  }
0xb1: {  	s4 =	sshll.u32 @!p0 s4, $0x11;
	s6 =	sadd.s32 @!p0 $0x11B8D, s6;
	_ =	swait.eq @!p0 [sflag:s5], $0x1  }
0xb2: {  	s4 =	sor.u32 @!p0 s4, s6;
	[sflag:s5] =	ssyncadd.s32 @!p0 $0xFFFFFFFF  }
0xb3: {  	s25 =	simm.s32 $0x1B8E;
	s24 =	sld [smem:$0x3FFE];
	[sflag:s4] =	ssyncadd.remote.s32 @!p0 $0x1  }
0xb4: {  	s26 =	simm.s32 $execute0_lowered;
	[smem:$0x3FD2] =	sst s25  }
0xb5: {  	s5 =	sshll.u32 s26, $0x1;
	_ =	strace $0x80000049;
	[dreg:$0x1] =	wrdreg $0xFFFFFFFF  }
0xb6: {  	s28 =	simm.s32 $_size_execute0_lowered;
	s3 =	sadd.s32 s3, s5;
	[dreg:$0x0] =	wrdreg $0x0  }
0xb7: {  	s5 =	sshll.u32 s28, $0x1;
	[dreg:$0x2] =	wrdreg s3  }
0xb8: {  	[dreg:$0x3] =	wrdreg s5  }
0xb9: {  	[dreg:$0x4] =	wrdreg $0xC0  }
0xba: {  	_ =	task [dreg:s22], $0x5FFFF  }
0xbb: {  	[dreg:$0x1] =	wrdreg $0xFFFFFFFF  }
0xbc: {  	[dreg:$0x0] =	wrdreg $0x60  }
0xbd: {  	[dreg:$0x2] =	wrdreg s24  }
0xbe: {  	[dreg:$0x3] =	wrdreg $0x41000  }
0xbf: {  	[dreg:$0x4] =	wrdreg $0x9  }
0xc0: {  	_ =	task.clear_ibuf [dreg:s22], $0x5FFFF;
	_ =	strace $0x90000049  }
0xc1: {  	s29 =	simm.s32 $0x9;
	_ =	strace $0x8000004B  }
0xc2: {  	_ =	swait.ge [sflag:s29], $0x1  }
0xc3: {  	[sflag:s29] =	ssyncadd.s32 $0xFFFFFFFF  }
0xc4: {  	_ =	strace $0x9000004B  }
0xc5: {  	_ =	sfence  }
0xc6: {  	s30 =	sld [smem:$0x0];
	_ =	sdelay $0x2  }
0xc7: {  	s31 =	sshll.u32 s1, $0xD;
	s1 =	sshrl.u32 s1, $0x2  }
0xc8: {  	s4 =	sand.u32 $0x4000, s31;
	s1 =	sadd.s32 s1, s30  }
0xc9: {  	s0 =	sor.u32 s4, s0;
	s1 =	sshll.u32 s1, $0x11  }
0xca: {  	s0 =	sor.u32 s1, s0  }
0xcb: {  	s0 =	sadd.s32 $0x8F2B, s0  }
0xcc: {  	[sflag:s0] =	ssyncadd.remote.s32 $0x1  }
0xcd: {  	_ =	sfence.sel $0xFFFF  }
0xce: {  	[dreg:$0x0] =	wrdreg $0xFFFFFFFF;
	(pc) =	sbr.abs _section_cstart, $3  }
0xcf: {  	[dreg:$0x1] =	wrdreg $0xFFFFFFFF  }
0xd0: {  	_ =	task.clear_ibuf [dreg:s22], $0x2FFFF;
	_ =	strace $0x9FFFFFFF  }
0xd1: {  	(tm) =	ssettm $0x7FFFFFFF  }
tec
execute0_lowered:
.L_overlay_start_1:
0x0: {  	(tag) =	ssettag $0x1  }
0x1: {  	s5 =	rddreg [dreg:$0x0]  }
0x2: {  	s2 =	rddreg [dreg:$0x1]  }
0x3: {  	s0 =	rddreg [dreg:$0x2];
	s3 =	simm.s32 $0x0;
	s4 =	srdreg.scid  }
0x4: {  	s1 =	stileid.u32;
	[smem:$0x7FF] =	sst s3;
	s11 =	sand.u32 $0x1, s4  }
0x5: {  	s6 =	smul.u32 $0x4F000, s1;
	s4 =	sadd.s32 $0x3800, s5;
	s14 =	sadd.s32 $0x65600, s5  }
0x6: {  	s10 =	sshll.u32 s1, $0x1;
	s15 =	smul.u32 $0x2780, s1;
	p0 =	seq.s32 s1, $0xF  }
0x7: {  	_ =	strace $0x8000004A;
	s7 =	ssub.s32 $0x2, s11;
	s17 =	smul.u32 $0x138800, s11  }
0x8: {  	s13 =	sor.u32 s11, s10;
	s10 =	sadd.s32 $0x138400, s2;
	s19 =	smul.u32 $0x27100, s11  }
0x9: {  	s8 =	sshrl.u32 s7, $0x1;
	s6 =	sshrl.u32 s6, $0x2;
	s12 =	ssub.s32 $0x9E3, s13  }
0xa: {  	s18 =	sshll.u32 s13, $0x4;
	s13 =	sshll.u32 s13, $0x7;
	s16 =	ssub.s32 s7, s8  }
0xb: {  	s5 =	sadd.s32 s6, s2;
	s11 =	sshrl.u32 s12, $0x5;
	s12 =	sadd.s32 s4, s18  }
0xc: {  	s17 =	sshrl.u32 s17, $0x3;
	s15 =	sadd.s32 s15, s19;
	s18 =	simm.s32 $0x3  }
0xd: {  	s6 =	sadd.s32 $0x4000, s5;
	s7 =	sadd.s32 $0x8000, s5;
	s8 =	sadd.s32 $0xC000, s5  }
0xe: {  	s9 =	sadd.s32 $0x10000, s5;
	s17 =	sadd.s32 s14, s17;
	s14 =	sadd.s32 s14, s15  }
0xf: {  	v0 =	vimm.f32 $0.0e+00;
	v1 =	vimm.f32 $1.000000000e+00;
	s16 =	smax.u32 s16, $0x1;
	s15 =	sadd.s32 $0x25080, s17;
	s17 =	simm.s32 $0x100  }
.LBB2_1:
0x10: {  	s19 =	simm.s32 $0x0;
	s20 =	simm.s32 $0x200  }
.LBB2_2:
0x11: {  	p1 =	sne.s32 s20, $0xFE00;
	[tilespmem:s19+$0x170] =	vst v0  }
0x12: {  	[tilespmem:s19+$0x100] =	vst v0  }
0x13: {  	[tilespmem:s19+$0x110] =	vst v0  }
.Ltmp0:
0x14: {  	[tilespmem:s19+$0x120] =	vst v0;
	(pc) =	sbr.rel @p1 .LBB2_2-.Ltmp0, $4  }
0x15: {  	[tilespmem:s19+$0x130] =	vst v0  }
0x16: {  	[tilespmem:s19+$0x140] =	vst v0  }
0x17: {  	[tilespmem:s19+$0x150] =	vst v0  }
0x18: {  	[tilespmem:s19+$0x160] =	vst v0;
	s19 =	sshra.s32 s20, $0x2;
	s20 =	sadd.s32 $0x200, s20  }
0x19: {  	[tilespmem:s19+$0x170] =	vst v0  }
0x1a: {  	[tilespmem:s19+$0x100] =	vst v0  }
0x1b: {  	[tilespmem:s19+$0x110] =	vst v0  }
0x1c: {  	[tilespmem:s19+$0x120] =	vst v0  }
0x1d: {  	[tilespmem:s19+$0x130] =	vst v0  }
0x1e: {  	[tilespmem:s19+$0x140] =	vst v0  }
0x1f: {  	[tilespmem:s19+$0x150] =	vst v0  }
0x20: {  	[tilespmem:s19+$0x160] =	vst v0  }
0x21: {  	[spmem:s5] =	stream.linear.scatter [tilespmem:s17], [sflag:$0x3], $0x4000, $0x38;
	[tilespmem:$0x17980] =	vst v63  }
0x22: {  	_ =	swait.ge [sflag:s18], $0x4000  }
0x23: {  	[sflag:s18] =	ssyncset.done $0x0  }
0x24: {  	[sflag:s18] =	ssyncadd.s32 $0xFFFFC000  }
0x25: {  	[spmem:s6] =	stream.linear.scatter [tilespmem:s17], [sflag:$0x3], $0x4000, $0x38;
	[tilespmem:$0x17980] =	vst v63  }
0x26: {  	_ =	swait.ge [sflag:s18], $0x4000  }
0x27: {  	[sflag:s18] =	ssyncset.done $0x0  }
0x28: {  	[sflag:s18] =	ssyncadd.s32 $0xFFFFC000  }
0x29: {  	[spmem:s7] =	stream.linear.scatter [tilespmem:s17], [sflag:$0x3], $0x4000, $0x38;
	[tilespmem:$0x17980] =	vst v63  }
0x2a: {  	_ =	swait.ge [sflag:s18], $0x4000  }
0x2b: {  	[sflag:s18] =	ssyncset.done $0x0  }
0x2c: {  	[sflag:s18] =	ssyncadd.s32 $0xFFFFC000  }
0x2d: {  	[spmem:s8] =	stream.linear.scatter [tilespmem:s17], [sflag:$0x3], $0x4000, $0x38;
	[tilespmem:$0x17980] =	vst v63  }
0x2e: {  	_ =	swait.ge [sflag:s18], $0x4000  }
0x2f: {  	[sflag:s18] =	ssyncset.done $0x0  }
0x30: {  	s19 =	simm.s32 @p0 $0x100;
	[sflag:s18] =	ssyncadd.s32 $0xFFFFC000  }
0x31: {  	[spmem:s10] =	stream.linear.scatter @p0 [tilespmem:s19], [sflag:$0x3], $0x400, $0x38;
	[tilespmem:$0x17980] =	vst v63  }
0x32: {  	s19 =	simm.s32 @p0 $0x3  }
0x33: {  	_ =	swait.ge @p0 [sflag:s19], $0x400  }
0x34: {  	[sflag:s19] =	ssyncset.done @p0 $0x0  }
0x35: {  	[sflag:s19] =	ssyncadd.s32 @p0 $0xFFFFFC00;
	s19 =	simm.s32 @!p0 $0x100  }
0x36: {  	[spmem:s9] =	stream.linear.scatter @!p0 [tilespmem:s19], [sflag:$0x3], $0x3C00, $0x38;
	[tilespmem:$0x17980] =	vst v63  }
0x37: {  	s19 =	simm.s32 @!p0 $0x3  }
0x38: {  	_ =	swait.ge @!p0 [sflag:s19], $0x3C00  }
0x39: {  	[sflag:s19] =	ssyncset.done @!p0 $0x0  }
0x3a: {  	s20 =	simm.s32 $0x200;
	[sflag:s19] =	ssyncadd.s32 @!p0 $0xFFFFC400;
	s19 =	simm.s32 $0x0  }
.LBB2_4:
0x3b: {  	p1 =	sne.s32 s20, $0xFE00;
	[tilespmem:s19+$0x170] =	vst v1  }
0x3c: {  	[tilespmem:s19+$0x100] =	vst v1  }
0x3d: {  	[tilespmem:s19+$0x110] =	vst v1  }
.Ltmp1:
0x3e: {  	[tilespmem:s19+$0x120] =	vst v1;
	(pc) =	sbr.rel @p1 .LBB2_4-.Ltmp1, $4  }
0x3f: {  	[tilespmem:s19+$0x130] =	vst v1  }
0x40: {  	[tilespmem:s19+$0x140] =	vst v1  }
0x41: {  	[tilespmem:s19+$0x150] =	vst v1  }
0x42: {  	[tilespmem:s19+$0x160] =	vst v1;
	s19 =	sshra.s32 s20, $0x2;
	s20 =	sadd.s32 $0x200, s20  }
0x43: {  	[tilespmem:s19+$0x170] =	vst v1  }
0x44: {  	[tilespmem:s19+$0x100] =	vst v1  }
0x45: {  	[tilespmem:s19+$0x110] =	vst v1  }
0x46: {  	[tilespmem:s19+$0x120] =	vst v1  }
0x47: {  	[tilespmem:s19+$0x130] =	vst v1  }
0x48: {  	[tilespmem:s19+$0x140] =	vst v1  }
0x49: {  	[tilespmem:s19+$0x150] =	vst v1  }
0x4a: {  	[tilespmem:s19+$0x160] =	vst v1  }
0x4b: {  	s19 =	simm.s32 $0x0;
	[bflag:$0x0] =	sbarrier.arrive $0xFFFF  }
0x4c: {  	[tilespmem:s19], [sflag:$0x1] =	stream.linear.gather [hbm4b:s12+s19], $0x80, $0x38;
	[tilespmem:$0x17980] =	vst v63  }
.LBB2_6:
0x4d: {  	s20 =	sand.u32 $0x1, s19  }
0x4e: {  	p1 =	seq.s32 s20, $0x1  }
0x4f: {  	s20 =	sadd.s32 @p1 $0x1, s19  }
0x50: {  	p2 =	sge.u32 @p1 s20, s11  }
0x51: {  	p2 =	por p2, !p1  }
0x52: {  	s21 =	sshll.u32 @!p2 s20, $0xC  }
0x53: {  	s21 =	sor.u32 @!p2 s13, s21  }
0x54: {  	s21 =	sshrl.u32 @!p2 s21, $0x3  }
0x55: {  	s22 =	simm.s32 @!p2 $0x0;
	s21 =	sadd.s32 @!p2 s4, s21  }
0x56: {  	[tilespmem:s22], [sflag:$0x1] =	stream.linear.gather @!p2 [hbm4b:s21+s22], $0x80, $0x38;
	[tilespmem:$0x17980] =	vst v63  }
0x57: {  	s21 =	simm.s32 @p1 $0x2  }
0x58: {  	_ =	swait.ge @p1 [sflag:s21], $0x80  }
0x59: {  	s19 =	sor.u32 @!p1 $0x1, s19;
	s22 =	simm.s32 @p1 $0x100;
	[sflag:s21] =	ssyncset.done @p1 $0x0  }
0x5a: {  	p2 =	sge.u32 @!p1 s19, s11;
	[sflag:s21] =	ssyncadd.s32 @p1 $0xFFFFFF80;
	s21 =	simm.s32 @p1 $0x80  }
0x5b: {  	[spmem:s2] =	stream.indirect.scatter.add.f32 @p1 [tilespmem:s22], [sflag:$0x3], $0x80, s21, s21, $0xb8;
	[tilespmem:$0x17980] =	vst v63  }
0x5c: {  	p2 =	por p2, p1;
	s21 =	simm.s32 @p1 $0x3  }
0x5d: {  	s22 =	sshll.u32 @!p2 s19, $0xC;
	_ =	swait.ge @p1 [sflag:s21], $0x4000  }
0x5e: {  	s22 =	sor.u32 @!p2 s13, s22;
	[sflag:s21] =	ssyncset.done @p1 $0x0  }
0x5f: {  	[sflag:s21] =	ssyncadd.s32 @p1 $0xFFFFC000;
	s21 =	sshrl.u32 @!p2 s22, $0x3  }
0x60: {  	s23 =	simm.s32 @!p2 $0x80;
	s22 =	simm.s32 @!p2 $0x0;
	s21 =	sadd.s32 @!p2 s4, s21  }
0x61: {  	[tilespmem:s23], [sflag:$0x2] =	stream.linear.gather @!p2 [hbm4b:s21+s22], $0x80, $0x38;
	[tilespmem:$0x17980] =	vst v63  }
0x62: {  	s21 =	simm.s32 @!p1 $0x1  }
0x63: {  	s19 =	smov.u32 @p1 s20;
	_ =	swait.ge @!p1 [sflag:s21], $0x80  }
0x64: {  	s22 =	simm.s32 @!p1 $0x0;
	s23 =	simm.s32 @!p1 $0x100;
	[sflag:s21] =	ssyncset.done @!p1 $0x0  }
0x65: {  	p2 =	sne.s32 s19, s11;
	[sflag:s21] =	ssyncadd.s32 @!p1 $0xFFFFFF80;
	s21 =	simm.s32 @!p1 $0x80  }
0x66: {  	[spmem:s2] =	stream.indirect.scatter.add.f32 @!p1 [tilespmem:s23], [sflag:$0x4], $0x80, s22, s21, $0xb8;
	[tilespmem:$0x17980] =	vst v63  }
.Ltmp2:
0x67: {  	_ = 	snop;
	(pc) =	sbr.rel @p2 .LBB2_6-.Ltmp2, $4  }
0x68: {  	s21 =	simm.s32 @!p1 $0x4  }
0x69: {  	_ =	swait.ge @!p1 [sflag:s21], $0x4000  }
0x6a: {  	[sflag:s21] =	ssyncset.done @!p1 $0x0  }
0x6b: {  	[sflag:s21] =	ssyncadd.s32 @!p1 $0xFFFFC000  }
0x6c: {  	[bflag:$0x0] =	sbarrier.arrive $0xFFFF;
	s19 =	sshrl.u32 @p0 s5, $0x3;
	s20 =	simm.s32 @p0 $0x1FC3  }
0x6d: {  	[hbm:s15], [sflag:s20] =	dma.local @p0 [spmem:s19], $0x2080  }
0x6e: {  	s19 =	simm.s32 @p0 $0x3  }
0x6f: {  	s3 =	sadd.s32 $0x1, s3;
	_ =	swait.ge @p0 [sflag:s19], $0x2080  }
0x70: {  	s20 =	sshll.u32 @!p0 s1, $0x6;
	p1 =	sne.s32 s3, s16;
	[sflag:s19] =	ssyncset.done @p0 $0x0  }
0x71: {  	[sflag:s19] =	ssyncadd.s32 @p0 $0xFFFFDF80;
	s19 =	sor.u32 @!p0 $0x1C03, s20;
	s20 =	sshrl.u32 @!p0 s5, $0x3  }
0x72: {  	[hbm:s14], [sflag:s19] =	dma.local @!p0 [spmem:s20], $0x2780  }
.Ltmp3:
0x73: {  	_ = 	snop;
	(pc) =	sbr.rel @p1 .LBB2_1-.Ltmp3, $4  }
0x74: {  	s19 =	simm.s32 @!p0 $0x3  }
0x75: {  	_ =	swait.ge @!p0 [sflag:s19], $0x2780  }
0x76: {  	[sflag:s19] =	ssyncset.done @!p0 $0x0  }
0x77: {  	[sflag:s19] =	ssyncadd.s32 @!p0 $0xFFFFD880  }
0x78: {  	_ =	sfence.sel $0x180000  }
0x79: {  	[bflag:$0x0] =	sbarrier.arrive $0xFFFF  }
0x7a: {  	p0 =	sne.s32 s1, $0x0;
	_ =	strace $0x9000004A  }
0x7b: {  	s0 =	sadd.s32 @!p0 $0x100000, s0;
	[bflag:$0x2] =	sbarrier.arrive $0xFFFF  }
0x7c: {  	[sflag:s0] =	ssyncadd.tile.s32 @!p0 $0x1;
	_ =	shalt  }
.Lfunc_end2:
_tile_overlayer_lowered:
.L_overlay_start_2:
0x7d: {  	(tag) =	ssettag $0x2  }
0x7e: {  	s0 =	rddreg [dreg:$0x0];
	s2 =	stileid.u32  }
0x7f: {  	s1 =	rddreg [dreg:$0x1];
	p0 =	sne.s32 s2, $0x0  }
0x80: {  	s3 =	rddreg [dreg:$0x2];
	[bflag:$0x3] =	sbarrier.arrive $0xFFFF;
	s2 =	simm.s32 @!p0 $0x1C03  }
0x81: {  	[timem:s3], [sflag:s2] =	dma.local @!p0 [hbm:s0], s1  }
0x82: {  	s0 =	simm.s32 @!p0 $0x3  }
0x83: {  	_ =	swait.ge @!p0 [sflag:s0], s1  }
0x84: {  	s1 =	ssub.s32 @!p0 $0x0, s1;
	[sflag:s0] =	ssyncset.done @!p0 $0x0  }
0x85: {  	[sflag:s0] =	ssyncadd.s32 @!p0 s1  }
0x86: {  	[bflag:$0x3] =	sbarrier.arrive $0xFFFF  }
0x87: {  	_ =	shalt  }

</sc_bundles>
